<compile_context>
chip_gen: v7x
topology: tpu7x:2x2x1
jax: 0.10.2.dev20260603
libtpu: 0.0.44.dev20260713+nightly
codegen_flags: <defaults>
</compile_context>

<pallas_src>
import functools

import jax
import jax.numpy as jnp
from jax import lax
from jax.experimental import pallas as pl
from jax.experimental.pallas import tpu as pltpu
from jax.experimental.pallas import tpu_sc as plsc

NPTS = 16384
NCLOUD = 16
N1 = NPTS // 2 + NCLOUD
N2 = NPTS // 8 + NCLOUD
N1P = 8704
N2P = 2304
MAXNN = 64
SLOT = 80
E2P = N2P * MAXNN
NW = 32

_F32 = jnp.float32
_I32 = jnp.int32


def _dot(a, b):
    return jax.lax.dot_general(
        a, b, (((1,), (0,)), ((), ())),
        preferred_element_type=_F32)


def _make_search(np_, rw, ncand, r2, emit_nbr):
    mesh = plsc.VectorSubcoreMesh(core_axis_name="c", subcore_axis_name="s")
    outs = [jax.ShapeDtypeStruct((np_, SLOT), _F32) for _ in range(3)]
    if emit_nbr:
        outs.append(jax.ShapeDtypeStruct((np_, SLOT), _I32))
    outs.append(jax.ShapeDtypeStruct((np_,), _I32))
    scratch = [pltpu.VMEM((ncand + 16,), _F32) for _ in range(3)]
    scratch += [pltpu.VMEM((rw + 16,), _F32) for _ in range(3)]
    scratch += [pltpu.VMEM((rw + 16,), _I32) for _ in range(2)]
    scratch += [pltpu.VMEM((SLOT,), _F32) for _ in range(3)]
    if emit_nbr:
        scratch.append(pltpu.VMEM((SLOT,), _I32))
    scratch.append(pltpu.VMEM((rw,), _I32))

    @functools.partial(
        pl.kernel, out_type=tuple(outs), mesh=mesh,
        compiler_params=pltpu.CompilerParams(needs_layout_passes=False),
        scratch_types=tuple(scratch))
    def k(*refs):
        it = iter(refs)
        px, py, pz, cx, cy, cz, cst, cln = (next(it) for _ in range(8))
        odx, ody, odz = (next(it) for _ in range(3))
        onb = next(it) if emit_nbr else None
        ocnt = next(it)
        pxv, pyv, pzv = (next(it) for _ in range(3))
        cxv, cyv, czv = (next(it) for _ in range(3))
        cstv, clnv = (next(it) for _ in range(2))
        bdx, bdy, bdz = (next(it) for _ in range(3))
        bnb = next(it) if emit_nbr else None
        bcv = next(it)

        w = lax.axis_index("c") * 16 + lax.axis_index("s")
        base = w * rw
        pltpu.sync_copy(px, pxv.at[pl.ds(0, ncand)])
        pltpu.sync_copy(py, pyv.at[pl.ds(0, ncand)])
        pltpu.sync_copy(pz, pzv.at[pl.ds(0, ncand)])
        pltpu.sync_copy(cx.at[pl.ds(base, rw)], cxv.at[pl.ds(0, rw)])
        pltpu.sync_copy(cy.at[pl.ds(base, rw)], cyv.at[pl.ds(0, rw)])
        pltpu.sync_copy(cz.at[pl.ds(base, rw)], czv.at[pl.ds(0, rw)])
        pltpu.sync_copy(cst.at[pl.ds(base, rw)], cstv.at[pl.ds(0, rw)])
        pltpu.sync_copy(cln.at[pl.ds(base, rw)], clnv.at[pl.ds(0, rw)])

        zf = jnp.zeros((16,), _F32)
        zi = jnp.zeros((16,), _I32)
        lane = lax.iota(_I32, 16)

        def per_cent(j, carry):
            cxs = cxv[pl.ds(j, 16)][0]
            cys = cyv[pl.ds(j, 16)][0]
            czs = czv[pl.ds(j, 16)][0]
            s = cstv[pl.ds(j, 16)][0]
            n = clnv[pl.ds(j, 16)][0]
            for t in range(SLOT // 16):
                bdx[pl.ds(t * 16, 16)] = zf
                bdy[pl.ds(t * 16, 16)] = zf
                bdz[pl.ds(t * 16, 16)] = zf
                if emit_nbr:
                    bnb[pl.ds(t * 16, 16)] = zi

            nch = (n + 15) // 16

            @plsc.parallel_loop(0, nch, carry=jnp.int32(0))
            def cnt(t, c):
                o = t * 16
                off = s + o
                X = pxv[pl.ds(off, 16)]
                Y = pyv[pl.ds(off, 16)]
                Z = pzv[pl.ds(off, 16)]
                dx = X - cxs
                dy = Y - cys
                dz = Z - czs
                d2 = dx * dx + dy * dy + dz * dz
                m = jnp.logical_and(d2 <= r2, (o + lane) < n)
                pf = jnp.cumsum(m.astype(_I32))
                m2 = jnp.logical_and(m, pf <= (MAXNN - c))
                add = jnp.max(jnp.where(m2, pf, 0))
                plsc.store_compressed(bdx.at[pl.ds(c, 16)], dx, mask=m2)
                plsc.store_compressed(bdy.at[pl.ds(c, 16)], dy, mask=m2)
                plsc.store_compressed(bdz.at[pl.ds(c, 16)], dz, mask=m2)
                if emit_nbr:
                    plsc.store_compressed(bnb.at[pl.ds(c, 16)], off + lane,
                                          mask=m2)
                return c + add
            plsc.store_scatter(bcv, [jnp.full((16,), j, _I32)],
                               jnp.full((16,), cnt, _I32),
                               mask=lane == 0)
            gi = base + j
            pltpu.sync_copy(bdx, odx.at[gi])
            pltpu.sync_copy(bdy, ody.at[gi])
            pltpu.sync_copy(bdz, odz.at[gi])
            if emit_nbr:
                pltpu.sync_copy(bnb, onb.at[gi])
            return carry

        lax.fori_loop(0, rw, per_cent, 0)
        pltpu.sync_copy(bcv, ocnt.at[pl.ds(base, rw)])

    return k


def _search_l1(px, py, pz, cx, cy, cz, cst, cln):
    f = _make_search(N1P, N1P // NW, NPTS, 0.2 * 0.2, False)
    return f(px, py, pz, cx, cy, cz, cst, cln)


def _search_l2(px, py, pz, cx, cy, cz, cst, cln):
    f = _make_search(N2P, N2P // NW, N1P, 0.4 * 0.4, True)
    return f(px, py, pz, cx, cy, cz, cst, cln)


def _gather_rows(tab, idx):
    mesh = plsc.VectorSubcoreMesh(core_axis_name="c", subcore_axis_name="s")
    per_w = E2P // NW
    nchunk = per_w // 128

    @functools.partial(
        pl.kernel, mesh=mesh,
        out_type=jax.ShapeDtypeStruct((E2P, 128), _F32),
        compiler_params=pltpu.CompilerParams(needs_layout_passes=False),
        scratch_types=(pltpu.VMEM((128,), _I32),
                       pltpu.VMEM((128, 128), _F32),
                       pltpu.SemaphoreType.DMA))
    def g(tabh, idxh, outh, idxv, rowsv, sem):
        w = lax.axis_index("c") * 16 + lax.axis_index("s")

        def chunk(c, carry):
            b = w * per_w + c * 128
            pltpu.sync_copy(idxh.at[pl.ds(b, 128)], idxv)
            pltpu.async_copy(tabh.at[idxv], rowsv, sem).wait()
            pltpu.sync_copy(rowsv, outh.at[pl.ds(b, 128)])
            return carry

        lax.fori_loop(0, nchunk, chunk, 0)

    return g(tab, idx)


def _acc_stats(outr, z, vm, step):
    S = (z * vm).sum(0)
    Q = (z * z * vm).sum(0)
    n = vm.sum()
    d = z.shape[1]
    Sp = jnp.broadcast_to(jnp.pad(S, (0, 128 - d)), (8, 128))
    Qp = jnp.broadcast_to(jnp.pad(Q, (0, 128 - d)), (8, 128))
    row = lax.broadcasted_iota(_I32, (8, 128), 0)
    col = lax.broadcasted_iota(_I32, (8, 128), 1)
    acc = (jnp.where(row == 0, Sp, 0.0) + jnp.where(row == 1, Qp, 0.0)
           + jnp.where(jnp.logical_and(row == 2, col == 0), n, 0.0))

    @pl.when(step == 0)
    def _():
        outr[...] = jnp.zeros_like(outr)

    outr[...] += acc


def _e_spec(R, d):
    return pl.BlockSpec((R, d), lambda i: (i, 0))


def _w_spec(a, b):
    return pl.BlockSpec((a, b), lambda i: (0, 0))


def _stats1(msg8, w8, R, F, xg=None, wx=None):
    has_x = xg is not None

    def body(*refs):
        if has_x:
            m8r, xgr, w8r, wxr, outr = refs
            z = _dot(m8r[...], w8r[...]) + _dot(xgr[...], wxr[...])
        else:
            m8r, w8r, outr = refs
            z = _dot(m8r[...], w8r[...])
        _acc_stats(outr, z, m8r[...][:, 4:5], pl.program_id(0))

    E = msg8.shape[0]
    ins = [msg8] + ([xg] if has_x else []) + [w8] + ([wx] if has_x else [])
    specs = [_e_spec(R, 8)] + ([_e_spec(R, 128)] if has_x else [])         + [_w_spec(8, F)] + ([_w_spec(128, F)] if has_x else [])
    return pl.pallas_call(
        body, grid=(E // R,), in_specs=specs,
        out_specs=pl.BlockSpec((8, 128), lambda i: (0, 0)),
        out_shape=jax.ShapeDtypeStruct((8, 128), _F32),
    )(*ins)


def _stats2(msg8, w8, p1, w2, b2, R, F, G, xg=None, wx=None):
    has_x = xg is not None

    def body(*refs):
        if has_x:
            m8r, xgr, w8r, wxr, p1r, w2r, b2r, outr = refs
            z1 = _dot(m8r[...], w8r[...]) + _dot(xgr[...], wxr[...])
        else:
            m8r, w8r, p1r, w2r, b2r, outr = refs
            z1 = _dot(m8r[...], w8r[...])
        p1v = p1r[...]
        a1 = jax.nn.relu(z1 * p1v[0:1] + p1v[1:2])
        z2 = _dot(a1, w2r[...]) + b2r[...][0:1]
        _acc_stats(outr, z2, m8r[...][:, 4:5], pl.program_id(0))

    E = msg8.shape[0]
    ins = [msg8] + ([xg] if has_x else []) + [w8] + ([wx] if has_x else [])         + [p1, w2, b2]
    specs = [_e_spec(R, 8)] + ([_e_spec(R, 128)] if has_x else [])         + [_w_spec(8, F)] + ([_w_spec(128, F)] if has_x else [])         + [_w_spec(8, F), _w_spec(F, G), _w_spec(8, G)]
    return pl.pallas_call(
        body, grid=(E // R,), in_specs=specs,
        out_specs=pl.BlockSpec((8, 128), lambda i: (0, 0)),
        out_shape=jax.ShapeDtypeStruct((8, 128), _F32),
    )(*ins)


def _zmask(msg8, w8, p1, w2, b2, p2, w3, b3, R, F, G, H, xg=None, wx=None):
    has_x = xg is not None

    def body(*refs):
        if has_x:
            m8r, xgr, w8r, wxr, p1r, w2r, b2r, p2r, w3r, b3r, outr = refs
            z1 = _dot(m8r[...], w8r[...]) + _dot(xgr[...], wxr[...])
        else:
            m8r, w8r, p1r, w2r, b2r, p2r, w3r, b3r, outr = refs
            z1 = _dot(m8r[...], w8r[...])
        p1v = p1r[...]
        a1 = jax.nn.relu(z1 * p1v[0:1] + p1v[1:2])
        z2 = _dot(a1, w2r[...]) + b2r[...][0:1]
        p2v = p2r[...]
        a2 = jax.nn.relu(z2 * p2v[0:1] + p2v[1:2])
        z3 = _dot(a2, w3r[...]) + b3r[...][0:1]
        vm = m8r[...][:, 4:5]
        outr[...] = jnp.where(vm > 0, z3, -jnp.inf)

    E = msg8.shape[0]
    ins = [msg8] + ([xg] if has_x else []) + [w8] + ([wx] if has_x else [])         + [p1, w2, b2, p2, w3, b3]
    specs = [_e_spec(R, 8)] + ([_e_spec(R, 128)] if has_x else [])         + [_w_spec(8, F)] + ([_w_spec(128, F)] if has_x else [])         + [_w_spec(8, F), _w_spec(F, G), _w_spec(8, G),
           _w_spec(8, G), _w_spec(G, H), _w_spec(8, H)]
    return pl.pallas_call(
        body, grid=(E // R,), in_specs=specs,
        out_specs=pl.BlockSpec((R, H), lambda i: (i, 0)),
        out_shape=jax.ShapeDtypeStruct((E, H), _F32),
    )(*ins)


def _seg_max(z3, R, H):
    NP_ = z3.shape[0]

    def body(zr, outr):
        xm = zr[...].max(axis=1)
        outr[...] = jnp.where(xm > -jnp.inf, xm, 0.0)

    return pl.pallas_call(
        body, grid=(NP_ // R,),
        in_specs=[pl.BlockSpec((R, MAXNN, H), lambda i: (i, 0, 0))],
        out_specs=pl.BlockSpec((R, H), lambda i: (i, 0)),
        out_shape=jax.ShapeDtypeStruct((NP_, H), _F32),
    )(z3)


def _rowmax(a):
    w = a.shape[1]
    while w > 1:
        w //= 2
        a = jnp.maximum(a[:, :w], a[:, w:2 * w])
    return a


def _rowsum(a):
    w = a.shape[1]
    while w > 1:
        w //= 2
        a = a[:, :w] + a[:, w:2 * w]
    return a


def _global_stage(x2, aux, w31x, w31d, g31, w32, b32, g32, w33, b33,
                  h1, b1, h2, b2, h3, b3):
    def body(x2r, auxr, w31xr, w31dr, g31r, w32r, b32r, g32r, w33r, b33r,
             h1r, b1r, h2r, b2r, h3r, b3r, outr):
        x2v = x2r[...]
        aux = auxr[...]
        vm = aux[:, 3:4]
        n = jnp.maximum(vm.sum(), 1.0)

        def bn_relu(z, gb):
            m = (z * vm).sum(0) / n
            d = z - m
            v = (d * d * vm).sum(0) / n
            return jax.nn.relu(d / jnp.sqrt(v + 1e-5) * gb[0:1] + gb[1:2])

        wd = w31dr[...]
        D = wd.shape[1]
        z = _dot(x2v, w31xr[...])
        for cc in range(3):
            z = z + (jnp.broadcast_to(aux[:, cc:cc + 1], z.shape)
                     * jnp.broadcast_to(wd[cc:cc + 1], z.shape))
        z = z + wd[3:4]
        a = bn_relu(z, g31r[...])
        z = _dot(a, w32r[...]) + b32r[...][0:1]
        a = bn_relu(z, g32r[...])
        h = _dot(a, w33r[...]) + b33r[...][0:1]

        HD = h.shape[1]
        xgc = jnp.full((NCLOUD, HD), -jnp.inf)
        rowi = lax.broadcasted_iota(_I32, (NCLOUD, HD), 0)
        for c in range(NCLOUD):
            mk = aux[:, 16 + c:17 + c] > 0
            seg = jnp.where(mk, h, -jnp.inf).max(axis=0)
            xgc = jnp.where(rowi == c, jnp.broadcast_to(seg, (NCLOUD, HD)),
                            xgc)
        xgc = jnp.where(xgc > -jnp.inf, xgc, 0.0)

        a = jax.nn.relu(_dot(xgc, h1r[...]) + b1r[...][0:1])
        a = jax.nn.relu(_dot(a, h2r[...]) + b2r[...][0:1])
        o = _dot(a, h3r[...]) + b3r[...][0:1]
        col = lax.broadcasted_iota(_I32, (NCLOUD, 128), 1)
        om = jnp.where(col < 10, o, -jnp.inf)
        mx = _rowmax(om)
        ls = mx + jnp.log(_rowsum(jnp.exp(om - jnp.broadcast_to(mx, om.shape))))
        outr[...] = o - jnp.broadcast_to(ls, o.shape)

    full = lambda s_: pl.BlockSpec(s_, lambda: tuple(0 for _ in s_))
    return pl.pallas_call(
        body,
        in_specs=[full((N2P, 256)), full((N2P, 128)),
                  full((256, 256)), full((8, 256)), full((8, 256)),
                  full((256, 512)), full((8, 512)), full((8, 512)),
                  full((512, 1024)), full((8, 1024)),
                  full((1024, 512)), full((8, 512)),
                  full((512, 256)), full((8, 256)),
                  full((256, 128)), full((8, 128))],
        out_specs=full((NCLOUD, 128)),
        out_shape=jax.ShapeDtypeStruct((NCLOUD, 128), _F32),
    )(x2, aux, w31x, w31d, g31, w32, b32, g32, w33, b33,
      h1, b1, h2, b2, h3, b3)


def _pad_rows(v, d):
    out = jnp.zeros((8, d), _F32)
    return out.at[0, :v.shape[0]].set(v)


def _pack2(a, b, d):
    out = jnp.zeros((8, d), _F32)
    return out.at[0, :a.shape[0]].set(a).at[1, :b.shape[0]].set(b)


def _stats_to_scale(stats, d, g, bt):
    S = stats[0, :d]
    Q = stats[1, :d]
    n = jnp.maximum(stats[2, 0], 1.0)
    m = S / n
    v = Q / n - m * m
    s = g / jnp.sqrt(v + 1e-5)
    return _pack2(s, bt - m * s, d)


def _first_layer_pack(W, b, d):
    out = jnp.zeros((8, d), _F32)
    out = out.at[0:3, :].set(W)
    return out.at[3, :].set(b)


def kernel(pos, batch, mlp1, mlp2, mlp3, head):
    pos = pos.astype(_F32)
    batch = batch.astype(_I32)

    counts = jnp.zeros((NCLOUD,), _I32).at[batch].add(1)
    starts = jnp.concatenate([jnp.zeros((1,), _I32),
                              jnp.cumsum(counts)[:-1].astype(_I32)])
    ranks = jnp.arange(NPTS, dtype=_I32) - starts[batch]
    sel1 = (ranks % 2) == 0
    idx1, = jnp.nonzero(sel1, size=N1, fill_value=0)
    nv1 = sel1.sum()
    idx1 = jnp.pad(idx1.astype(_I32), (0, N1P - N1))
    v1 = jnp.arange(N1P) < nv1
    b1 = jnp.where(v1, batch[idx1], 0)
    pos1 = pos[idx1]
    cst1 = jnp.where(v1, starts[b1], 0)
    cln1 = jnp.where(v1, counts[b1], 0)

    counts1 = jnp.zeros((NCLOUD,), _I32).at[b1].add(v1.astype(_I32))
    starts1 = jnp.concatenate([jnp.zeros((1,), _I32),
                               jnp.cumsum(counts1)[:-1].astype(_I32)])
    ranks1 = jnp.arange(N1P, dtype=_I32) - starts1[b1]
    sel2 = jnp.logical_and((ranks1 % 4) == 0, v1)
    idx2, = jnp.nonzero(sel2, size=N2, fill_value=0)
    nv2 = sel2.sum()
    idx2 = jnp.pad(idx2.astype(_I32), (0, N2P - N2))
    v2 = jnp.arange(N2P) < nv2
    b2 = jnp.where(v2, b1[idx2], 0)
    pos2 = pos1[idx2]
    cst2 = jnp.where(v2, starts1[b2], 0)
    cln2 = jnp.where(v2, counts1[b2], 0)

    p1x = pos1[:, 0].copy()
    p1y = pos1[:, 1].copy()
    p1z = pos1[:, 2].copy()

    dx1, dy1, dz1, cnt1 = _search_l1(
        pos[:, 0].copy(), pos[:, 1].copy(), pos[:, 2].copy(),
        p1x, p1y, p1z, cst1, cln1)
    vm1 = (jnp.arange(MAXNN)[None, :] < cnt1[:, None]).astype(_F32)

    dx2, dy2, dz2, nbr2, cnt2 = _search_l2(
        p1x, p1y, p1z,
        pos2[:, 0].copy(), pos2[:, 1].copy(), pos2[:, 2].copy(), cst2, cln2)
    vm2 = (jnp.arange(MAXNN)[None, :] < cnt2[:, None]).astype(_F32)

    E1P = N1P * MAXNN
    ones1 = jnp.ones((N1P, MAXNN), _F32)
    zz1 = jnp.zeros((N1P, MAXNN), _F32)
    msg8_1 = jnp.stack([dx1[:, :MAXNN], dy1[:, :MAXNN], dz1[:, :MAXNN],
                        ones1, vm1, zz1, zz1, zz1], axis=-1).reshape(E1P, 8)
    w8 = jnp.zeros((8, 64), _F32).at[0:3, :].set(mlp1[0]["W"])
    w8 = w8.at[3, :].set(mlp1[0]["b"])
    s1 = _stats1(msg8_1, w8, 8192, 64)
    p1 = _stats_to_scale(s1, 64, mlp1[0]["g"], mlp1[0]["bt"])
    w2 = mlp1[1]["W"]
    b2w = _pad_rows(mlp1[1]["b"], 64)
    s2 = _stats2(msg8_1, w8, p1, w2, b2w, 8192, 64, 64)
    p2 = _stats_to_scale(s2, 64, mlp1[1]["g"], mlp1[1]["bt"])
    z3m1 = _zmask(msg8_1, w8, p1, w2, b2w, p2, mlp1[2]["W"],
                  _pad_rows(mlp1[2]["b"], 128), 8192, 64, 64, 128)
    x1 = _seg_max(z3m1.reshape(N1P, MAXNN, 128), 256, 128)

    eidx = nbr2[:, :MAXNN].reshape(-1)
    xg = _gather_rows(x1, eidx)

    ones2 = jnp.ones((N2P, MAXNN), _F32)
    zz2 = jnp.zeros((N2P, MAXNN), _F32)
    geo8 = jnp.stack([dx2[:, :MAXNN], dy2[:, :MAXNN], dz2[:, :MAXNN],
                      ones2, vm2, zz2, zz2, zz2], axis=-1).reshape(E2P, 8)
    W21 = mlp2[0]["W"]
    wx = W21[:128, :]
    wd8 = jnp.zeros((8, 128), _F32).at[0:3, :].set(W21[128:, :])
    wd8 = wd8.at[3, :].set(mlp2[0]["b"])
    s1b = _stats1(geo8, wd8, 4096, 128, xg=xg, wx=wx)
    q1 = _stats_to_scale(s1b, 128, mlp2[0]["g"], mlp2[0]["bt"])
    w22 = mlp2[1]["W"]
    b22 = _pad_rows(mlp2[1]["b"], 128)
    s2b = _stats2(geo8, wd8, q1, w22, b22, 4096, 128, 128, xg=xg, wx=wx)
    q2 = _stats_to_scale(s2b, 128, mlp2[1]["g"], mlp2[1]["bt"])
    z3m2 = _zmask(geo8, wd8, q1, w22, b22, q2, mlp2[2]["W"],
                  _pad_rows(mlp2[2]["b"], 256), 4096, 128, 128, 256,
                  xg=xg, wx=wx)
    x2 = _seg_max(z3m2.reshape(N2P, MAXNN, 256), 128, 256)

    aux = jnp.zeros((N2P, 128), _F32)
    aux = aux.at[:, 0:3].set(pos2)
    aux = aux.at[:, 3].set(v2.astype(_F32))
    onehot = (b2[:, None] == jnp.arange(NCLOUD)[None, :])
    onehot = jnp.logical_and(onehot, v2[:, None]).astype(_F32)
    aux = aux.at[:, 16:32].set(onehot)

    W31 = mlp3[0]["W"]
    w31x = W31[:256, :]
    w31d = jnp.zeros((8, 256), _F32).at[0:3, :].set(W31[256:, :])
    w31d = w31d.at[3, :].set(mlp3[0]["b"])
    g31 = _pack2(mlp3[0]["g"], mlp3[0]["bt"], 256)
    g32 = _pack2(mlp3[1]["g"], mlp3[1]["bt"], 512)
    h3w = jnp.zeros((256, 128), _F32).at[:, :10].set(head[2]["W"])
    h3b = _pad_rows(head[2]["b"], 128)

    out = _global_stage(
        x2, aux, w31x, w31d, g31,
        mlp3[1]["W"], _pad_rows(mlp3[1]["b"], 512), g32,
        mlp3[2]["W"], _pad_rows(mlp3[2]["b"], 1024),
        head[0]["W"], _pad_rows(head[0]["b"], 512),
        head[1]["W"], _pad_rows(head[1]["b"], 256),
        h3w, h3b)
    return out[:, :10]

# --- scband reference (transcript-rebuilt; emitter-appended) ---
"""Pipeline reference for scband-net-13726715478792 (READ-ONLY COPY).

The authoritative reference and input builder live on the scoring server;
editing this copy changes nothing except your own understanding.
"""

import jax, jax.numpy as jnp
import numpy as np

N_PTS = 16384
N_CLOUDS = 16
N1 = N_PTS // 2 + N_CLOUDS
N2 = N_PTS // 8 + N_CLOUDS
E1 = 64 * N1
E2 = 64 * N2

def _sample_idx(batch, valid, stride, size):
    counts = jnp.zeros((N_CLOUDS,), jnp.int32).at[batch].add(valid.astype(jnp.int32))
    starts = jnp.concatenate([jnp.zeros(1, jnp.int32), jnp.cumsum(counts)[:-1]])
    ranks = jnp.arange(batch.shape[0], dtype=jnp.int32) - starts[batch]
    sel = (ranks % stride == 0) & valid
    idx, = jnp.nonzero(sel, size=size, fill_value=0)
    v = jnp.arange(size) < sel.sum()
    return idx, v

def _radius(pos_c, batch_c, valid_c, pos_p, batch_p, valid_p, r, n_edges, max_nn=64):
    r2 = r * r
    d2 = ((pos_c[:, None, :] - pos_p[None, :, :]) ** 2).sum(-1)
    mask = (d2 <= r2) & (batch_c[:, None] == batch_p[None, :])
    mask = mask & valid_c[:, None] & valid_p[None, :]
    cnt = jnp.cumsum(mask.astype(jnp.int32), axis=1)
    keep = mask & (cnt <= max_nn)
    rows, cols = jnp.nonzero(keep, size=n_edges, fill_value=0)
    ve = jnp.arange(n_edges) < keep.sum()
    return rows, cols, ve

def _build_graph(pos, batch):
    all_pts = jnp.ones((N_PTS,), bool)
    idx1, v1 = _sample_idx(batch, all_pts, 2, N1)
    pos1 = pos[idx1]
    b1 = batch[idx1]
    row1, col1, ve1 = _radius(pos1, b1, v1, pos, batch, all_pts, 0.2, E1)
    idx2, v2 = _sample_idx(b1, v1, 4, N2)
    row2, col2, ve2 = _radius(pos1[idx2], b1[idx2], v2, pos1, b1, v1, 0.4, E2)
    b2 = b1[idx2]
    return idx1, v1, row1, col1, ve1, idx2, v2, row2, col2, ve2, b2

def _mk_mlp(key, dims, norm=True):
    layers = []
    for i in range(len(dims) - 1):
        key, k1 = jax.random.split(key)
        W = jax.random.normal(k1, (dims[i], dims[i + 1]), jnp.float32) * np.sqrt(2.0 / dims[i])
        layer = {"W": W, "b": jnp.zeros((dims[i + 1],), jnp.float32)}
        if norm and i < len(dims) - 2:
            layer["g"] = jnp.ones((dims[i + 1],), jnp.float32)
            layer["bt"] = jnp.zeros((dims[i + 1],), jnp.float32)
        layers.append(layer)
    return layers, key

def _mlp(layers, x, valid=None):
    n = len(layers)
    for i, l in enumerate(layers):
        x = x @ l["W"] + l["b"]
        if i < n - 1:
            if "g" in l:
                if valid is None:
                    m = x.mean(0)
                    v = x.var(0)
                else:
                    w = valid.astype(x.dtype)[:, None]
                    cnt = jnp.maximum(valid.sum().astype(x.dtype), 1.0)
                    m = (x * w).sum(0) / cnt
                    v = (((x - m) ** 2) * w).sum(0) / cnt
                x = (x - m) / jnp.sqrt(v + 1e-5) * l["g"] + l["bt"]
            x = jax.nn.relu(x)
    return x

def _sa(x, pos, idx, row, col, layers, valid_e):
    msg = pos[col] - pos[idx][row]
    if x is not None:
        msg = jnp.concatenate([x[col], msg], axis=1)
    h = _mlp(layers, msg, valid_e)
    h = jnp.where(valid_e[:, None], h, -jnp.inf)
    out = jax.ops.segment_max(h, row, num_segments=idx.shape[0])
    return jnp.where(jnp.isfinite(out), out, 0.0)

def setup_inputs(seed: int = 0):
    key = jax.random.key(seed)
    k1, k2, k3 = jax.random.split(key, 3)
    pos = jax.random.uniform(k1, (N_PTS, 3), jnp.float32)
    batch = jnp.sort(jax.random.randint(k2, (N_PTS,), 0, N_CLOUDS).astype(jnp.int64))
    mlp1, k3 = _mk_mlp(k3, [3, 64, 64, 128])
    mlp2, k3 = _mk_mlp(k3, [131, 128, 128, 256])
    mlp3, k3 = _mk_mlp(k3, [259, 256, 512, 1024])
    head, k3 = _mk_mlp(k3, [1024, 512, 256, 10], norm=False)
    return {"pos": pos, "batch": batch, "mlp1": mlp1, "mlp2": mlp2, "mlp3": mlp3, "head": head}

def reference(pos, batch, mlp1, mlp2, mlp3, head):
    idx1, v1, row1, col1, ve1, idx2, v2, row2, col2, ve2, b2 = _build_graph(pos, batch)
    x1 = _sa(None, pos, idx1, row1, col1, mlp1, ve1)
    pos1 = pos[idx1]
    x2 = _sa(x1, pos1, idx2, row2, col2, mlp2, ve2)
    pos2 = pos1[idx2]
    h = _mlp(mlp3, jnp.concatenate([x2, pos2], axis=1), v2)
    h = jnp.where(v2[:, None], h, -jnp.inf)
    xg = jax.ops.segment_max(h, jnp.where(v2, b2, 0), num_segments=N_CLOUDS)
    xg = jnp.where(jnp.isfinite(xg), xg, 0.0)
    out = _mlp(head, xg)
    return jax.nn.log_softmax(out, axis=-1)

if __name__ == "__main__":
    import jax
    _d = setup_inputs()
    print(jax.jit(kernel)(*tuple(_d.values())))

</pallas_src>

<mosaic_0001>
#map = affine_map<(d0, d1) -> (0)>
#map1 = affine_map<(d0, d1) -> (0, 0)>
module attributes {stable_mosaic.version = 14 : i64} {
  func.func @k(%arg0: i32, %arg1: i32, %arg2: memref<8704xf32, #tpu.memory_space<hbm>>, %arg3: memref<8704xf32, #tpu.memory_space<hbm>>, %arg4: memref<8704xf32, #tpu.memory_space<hbm>>, %arg5: memref<2304xf32, #tpu.memory_space<hbm>>, %arg6: memref<2304xf32, #tpu.memory_space<hbm>>, %arg7: memref<2304xf32, #tpu.memory_space<hbm>>, %arg8: memref<2304xi32, #tpu.memory_space<hbm>>, %arg9: memref<2304xi32, #tpu.memory_space<hbm>>, %arg10: memref<2304x80xf32, #tpu.memory_space<hbm>>, %arg11: memref<2304x80xf32, #tpu.memory_space<hbm>>, %arg12: memref<2304x80xf32, #tpu.memory_space<hbm>>, %arg13: memref<2304x80xi32, #tpu.memory_space<hbm>>, %arg14: memref<2304xi32, #tpu.memory_space<hbm>>, %arg15: memref<8720xf32, #tpu.memory_space<vmem>>, %arg16: memref<8720xf32, #tpu.memory_space<vmem>>, %arg17: memref<8720xf32, #tpu.memory_space<vmem>>, %arg18: memref<88xf32, #tpu.memory_space<vmem>>, %arg19: memref<88xf32, #tpu.memory_space<vmem>>, %arg20: memref<88xf32, #tpu.memory_space<vmem>>, %arg21: memref<88xi32, #tpu.memory_space<vmem>>, %arg22: memref<88xi32, #tpu.memory_space<vmem>>, %arg23: memref<80xf32, #tpu.memory_space<vmem>>, %arg24: memref<80xf32, #tpu.memory_space<vmem>>, %arg25: memref<80xf32, #tpu.memory_space<vmem>>, %arg26: memref<80xi32, #tpu.memory_space<vmem>>, %arg27: memref<72xi32, #tpu.memory_space<vmem>>) attributes {dimension_semantics = [#tpu.dimension_semantics<core_parallel>, #tpu.dimension_semantics<subcore_parallel>], iteration_bounds = array<i64: 2, 16>, scalar_prefetch = 0 : i64, scratch_operands = 13 : i64, tpu.core_type = #tpu.core_type<sc_vector_subcore>, window_params = [{transform_indices = #map}, {transform_indices = #map}, {transform_indices = #map}, {transform_indices = #map}, {transform_indices = #map}, {transform_indices = #map}, {transform_indices = #map}, {transform_indices = #map}, {transform_indices = #map1}, {transform_indices = #map1}, {transform_indices = #map1}, {transform_indices = #map1}, {transform_indices = #map}]} {
    %mul3A = arith.constant 16 : i32
    %mul3A_0 = arith.muli %arg0, %mul3A : i32
    %add3A = arith.addi %mul3A_0, %arg1 : i32
    %mul3A_1 = arith.constant 72 : i32
    %mul3A_2 = arith.muli %add3A, %mul3A_1 : i32
    "tpu.region"() ({
      %run_scoped3A = tpu.sem_alloc : memref<!tpu.dma_semaphore, #tpu.memory_space<semaphore_mem>>
      %dma_start3A = arith.constant 0 : i32
      %dma_start3A_11 = tpu.memref_slice %arg15[%dma_start3A] : memref<8720xf32, #tpu.memory_space<vmem>> -> memref<8704xf32, #tpu.memory_space<vmem>>
      %dma_start3A_12 = arith.constant 0 : i32
      %dma_start3A_13 = tpu.memref_slice %arg15[%dma_start3A_12] : memref<8720xf32, #tpu.memory_space<vmem>> -> memref<8704xf32, #tpu.memory_space<vmem>>
      tpu.enqueue_dma source(%arg2 : memref<8704xf32, #tpu.memory_space<hbm>>) target(%dma_start3A_13 : memref<8704xf32, #tpu.memory_space<vmem>>) target_semaphore(%run_scoped3A : memref<!tpu.dma_semaphore, #tpu.memory_space<semaphore_mem>>)
      %dma_wait3A = arith.constant 0 : i32
      %dma_wait3A_14 = tpu.memref_slice %arg15[%dma_wait3A] : memref<8720xf32, #tpu.memory_space<vmem>> -> memref<8704xf32, #tpu.memory_space<vmem>>
      %dma_wait3A_15 = arith.constant 0 : i32
      %dma_wait3A_16 = tpu.memref_slice %arg15[%dma_wait3A_15] : memref<8720xf32, #tpu.memory_space<vmem>> -> memref<8704xf32, #tpu.memory_space<vmem>>
      tpu.wait_dma2 semaphore(%run_scoped3A : memref<!tpu.dma_semaphore, #tpu.memory_space<semaphore_mem>>) src(%arg2 : memref<8704xf32, #tpu.memory_space<hbm>>) dst(%dma_wait3A_16 : memref<8704xf32, #tpu.memory_space<vmem>>)
      tpu.yield
    }) : () -> ()
    "tpu.region"() ({
      %run_scoped3A = tpu.sem_alloc : memref<!tpu.dma_semaphore, #tpu.memory_space<semaphore_mem>>
      %dma_start3A = arith.constant 0 : i32
      %dma_start3A_11 = tpu.memref_slice %arg16[%dma_start3A] : memref<8720xf32, #tpu.memory_space<vmem>> -> memref<8704xf32, #tpu.memory_space<vmem>>
      %dma_start3A_12 = arith.constant 0 : i32
      %dma_start3A_13 = tpu.memref_slice %arg16[%dma_start3A_12] : memref<8720xf32, #tpu.memory_space<vmem>> -> memref<8704xf32, #tpu.memory_space<vmem>>
      tpu.enqueue_dma source(%arg3 : memref<8704xf32, #tpu.memory_space<hbm>>) target(%dma_start3A_13 : memref<8704xf32, #tpu.memory_space<vmem>>) target_semaphore(%run_scoped3A : memref<!tpu.dma_semaphore, #tpu.memory_space<semaphore_mem>>)
      %dma_wait3A = arith.constant 0 : i32
      %dma_wait3A_14 = tpu.memref_slice %arg16[%dma_wait3A] : memref<8720xf32, #tpu.memory_space<vmem>> -> memref<8704xf32, #tpu.memory_space<vmem>>
      %dma_wait3A_15 = arith.constant 0 : i32
      %dma_wait3A_16 = tpu.memref_slice %arg16[%dma_wait3A_15] : memref<8720xf32, #tpu.memory_space<vmem>> -> memref<8704xf32, #tpu.memory_space<vmem>>
      tpu.wait_dma2 semaphore(%run_scoped3A : memref<!tpu.dma_semaphore, #tpu.memory_space<semaphore_mem>>) src(%arg3 : memref<8704xf32, #tpu.memory_space<hbm>>) dst(%dma_wait3A_16 : memref<8704xf32, #tpu.memory_space<vmem>>)
      tpu.yield
    }) : () -> ()
    "tpu.region"() ({
      %run_scoped3A = tpu.sem_alloc : memref<!tpu.dma_semaphore, #tpu.memory_space<semaphore_mem>>
      %dma_start3A = arith.constant 0 : i32
      %dma_start3A_11 = tpu.memref_slice %arg17[%dma_start3A] : memref<8720xf32, #tpu.memory_space<vmem>> -> memref<8704xf32, #tpu.memory_space<vmem>>
      %dma_start3A_12 = arith.constant 0 : i32
      %dma_start3A_13 = tpu.memref_slice %arg17[%dma_start3A_12] : memref<8720xf32, #tpu.memory_space<vmem>> -> memref<8704xf32, #tpu.memory_space<vmem>>
      tpu.enqueue_dma source(%arg4 : memref<8704xf32, #tpu.memory_space<hbm>>) target(%dma_start3A_13 : memref<8704xf32, #tpu.memory_space<vmem>>) target_semaphore(%run_scoped3A : memref<!tpu.dma_semaphore, #tpu.memory_space<semaphore_mem>>)
      %dma_wait3A = arith.constant 0 : i32
      %dma_wait3A_14 = tpu.memref_slice %arg17[%dma_wait3A] : memref<8720xf32, #tpu.memory_space<vmem>> -> memref<8704xf32, #tpu.memory_space<vmem>>
      %dma_wait3A_15 = arith.constant 0 : i32
      %dma_wait3A_16 = tpu.memref_slice %arg17[%dma_wait3A_15] : memref<8720xf32, #tpu.memory_space<vmem>> -> memref<8704xf32, #tpu.memory_space<vmem>>
      tpu.wait_dma2 semaphore(%run_scoped3A : memref<!tpu.dma_semaphore, #tpu.memory_space<semaphore_mem>>) src(%arg4 : memref<8704xf32, #tpu.memory_space<hbm>>) dst(%dma_wait3A_16 : memref<8704xf32, #tpu.memory_space<vmem>>)
      tpu.yield
    }) : () -> ()
    "tpu.region"() ({
      %run_scoped3A = tpu.sem_alloc : memref<!tpu.dma_semaphore, #tpu.memory_space<semaphore_mem>>
      %dma_start3A = arith.constant 0 : i32
      %dma_start3A_11 = tpu.memref_slice %arg18[%dma_start3A] : memref<88xf32, #tpu.memory_space<vmem>> -> memref<72xf32, #tpu.memory_space<vmem>>
      %dma_start3A_12 = tpu.memref_slice %arg5[%mul3A_2] : memref<2304xf32, #tpu.memory_space<hbm>> -> memref<72xf32, #tpu.memory_space<hbm>>
      %dma_start3A_13 = arith.constant 0 : i32
      %dma_start3A_14 = tpu.memref_slice %arg18[%dma_start3A_13] : memref<88xf32, #tpu.memory_space<vmem>> -> memref<72xf32, #tpu.memory_space<vmem>>
      %dma_start3A_15 = tpu.memref_slice %arg5[%mul3A_2] : memref<2304xf32, #tpu.memory_space<hbm>> -> memref<72xf32, #tpu.memory_space<hbm>>
      tpu.enqueue_dma source(%dma_start3A_15 : memref<72xf32, #tpu.memory_space<hbm>>) target(%dma_start3A_14 : memref<72xf32, #tpu.memory_space<vmem>>) target_semaphore(%run_scoped3A : memref<!tpu.dma_semaphore, #tpu.memory_space<semaphore_mem>>)
      %dma_wait3A = arith.constant 0 : i32
      %dma_wait3A_16 = tpu.memref_slice %arg18[%dma_wait3A] : memref<88xf32, #tpu.memory_space<vmem>> -> memref<72xf32, #tpu.memory_space<vmem>>
      %dma_wait3A_17 = tpu.memref_slice %arg5[%mul3A_2] : memref<2304xf32, #tpu.memory_space<hbm>> -> memref<72xf32, #tpu.memory_space<hbm>>
      %dma_wait3A_18 = arith.constant 0 : i32
      %dma_wait3A_19 = tpu.memref_slice %arg18[%dma_wait3A_18] : memref<88xf32, #tpu.memory_space<vmem>> -> memref<72xf32, #tpu.memory_space<vmem>>
      %dma_wait3A_20 = tpu.memref_slice %arg5[%mul3A_2] : memref<2304xf32, #tpu.memory_space<hbm>> -> memref<72xf32, #tpu.memory_space<hbm>>
      tpu.wait_dma2 semaphore(%run_scoped3A : memref<!tpu.dma_semaphore, #tpu.memory_space<semaphore_mem>>) src(%dma_wait3A_20 : memref<72xf32, #tpu.memory_space<hbm>>) dst(%dma_wait3A_19 : memref<72xf32, #tpu.memory_space<vmem>>)
      tpu.yield
    }) : () -> ()
    "tpu.region"() ({
      %run_scoped3A = tpu.sem_alloc : memref<!tpu.dma_semaphore, #tpu.memory_space<semaphore_mem>>
      %dma_start3A = arith.constant 0 : i32
      %dma_start3A_11 = tpu.memref_slice %arg19[%dma_start3A] : memref<88xf32, #tpu.memory_space<vmem>> -> memref<72xf32, #tpu.memory_space<vmem>>
      %dma_start3A_12 = tpu.memref_slice %arg6[%mul3A_2] : memref<2304xf32, #tpu.memory_space<hbm>> -> memref<72xf32, #tpu.memory_space<hbm>>
      %dma_start3A_13 = arith.constant 0 : i32
      %dma_start3A_14 = tpu.memref_slice %arg19[%dma_start3A_13] : memref<88xf32, #tpu.memory_space<vmem>> -> memref<72xf32, #tpu.memory_space<vmem>>
      %dma_start3A_15 = tpu.memref_slice %arg6[%mul3A_2] : memref<2304xf32, #tpu.memory_space<hbm>> -> memref<72xf32, #tpu.memory_space<hbm>>
      tpu.enqueue_dma source(%dma_start3A_15 : memref<72xf32, #tpu.memory_space<hbm>>) target(%dma_start3A_14 : memref<72xf32, #tpu.memory_space<vmem>>) target_semaphore(%run_scoped3A : memref<!tpu.dma_semaphore, #tpu.memory_space<semaphore_mem>>)
      %dma_wait3A = arith.constant 0 : i32
      %dma_wait3A_16 = tpu.memref_slice %arg19[%dma_wait3A] : memref<88xf32, #tpu.memory_space<vmem>> -> memref<72xf32, #tpu.memory_space<vmem>>
      %dma_wait3A_17 = tpu.memref_slice %arg6[%mul3A_2] : memref<2304xf32, #tpu.memory_space<hbm>> -> memref<72xf32, #tpu.memory_space<hbm>>
      %dma_wait3A_18 = arith.constant 0 : i32
      %dma_wait3A_19 = tpu.memref_slice %arg19[%dma_wait3A_18] : memref<88xf32, #tpu.memory_space<vmem>> -> memref<72xf32, #tpu.memory_space<vmem>>
      %dma_wait3A_20 = tpu.memref_slice %arg6[%mul3A_2] : memref<2304xf32, #tpu.memory_space<hbm>> -> memref<72xf32, #tpu.memory_space<hbm>>
      tpu.wait_dma2 semaphore(%run_scoped3A : memref<!tpu.dma_semaphore, #tpu.memory_space<semaphore_mem>>) src(%dma_wait3A_20 : memref<72xf32, #tpu.memory_space<hbm>>) dst(%dma_wait3A_19 : memref<72xf32, #tpu.memory_space<vmem>>)
      tpu.yield
    }) : () -> ()
    "tpu.region"() ({
      %run_scoped3A = tpu.sem_alloc : memref<!tpu.dma_semaphore, #tpu.memory_space<semaphore_mem>>
      %dma_start3A = arith.constant 0 : i32
      %dma_start3A_11 = tpu.memref_slice %arg20[%dma_start3A] : memref<88xf32, #tpu.memory_space<vmem>> -> memref<72xf32, #tpu.memory_space<vmem>>
      %dma_start3A_12 = tpu.memref_slice %arg7[%mul3A_2] : memref<2304xf32, #tpu.memory_space<hbm>> -> memref<72xf32, #tpu.memory_space<hbm>>
      %dma_start3A_13 = arith.constant 0 : i32
      %dma_start3A_14 = tpu.memref_slice %arg20[%dma_start3A_13] : memref<88xf32, #tpu.memory_space<vmem>> -> memref<72xf32, #tpu.memory_space<vmem>>
      %dma_start3A_15 = tpu.memref_slice %arg7[%mul3A_2] : memref<2304xf32, #tpu.memory_space<hbm>> -> memref<72xf32, #tpu.memory_space<hbm>>
      tpu.enqueue_dma source(%dma_start3A_15 : memref<72xf32, #tpu.memory_space<hbm>>) target(%dma_start3A_14 : memref<72xf32, #tpu.memory_space<vmem>>) target_semaphore(%run_scoped3A : memref<!tpu.dma_semaphore, #tpu.memory_space<semaphore_mem>>)
      %dma_wait3A = arith.constant 0 : i32
      %dma_wait3A_16 = tpu.memref_slice %arg20[%dma_wait3A] : memref<88xf32, #tpu.memory_space<vmem>> -> memref<72xf32, #tpu.memory_space<vmem>>
      %dma_wait3A_17 = tpu.memref_slice %arg7[%mul3A_2] : memref<2304xf32, #tpu.memory_space<hbm>> -> memref<72xf32, #tpu.memory_space<hbm>>
      %dma_wait3A_18 = arith.constant 0 : i32
      %dma_wait3A_19 = tpu.memref_slice %arg20[%dma_wait3A_18] : memref<88xf32, #tpu.memory_space<vmem>> -> memref<72xf32, #tpu.memory_space<vmem>>
      %dma_wait3A_20 = tpu.memref_slice %arg7[%mul3A_2] : memref<2304xf32, #tpu.memory_space<hbm>> -> memref<72xf32, #tpu.memory_space<hbm>>
      tpu.wait_dma2 semaphore(%run_scoped3A : memref<!tpu.dma_semaphore, #tpu.memory_space<semaphore_mem>>) src(%dma_wait3A_20 : memref<72xf32, #tpu.memory_space<hbm>>) dst(%dma_wait3A_19 : memref<72xf32, #tpu.memory_space<vmem>>)
      tpu.yield
    }) : () -> ()
    "tpu.region"() ({
      %run_scoped3A = tpu.sem_alloc : memref<!tpu.dma_semaphore, #tpu.memory_space<semaphore_mem>>
      %dma_start3A = arith.constant 0 : i32
      %dma_start3A_11 = tpu.memref_slice %arg21[%dma_start3A] : memref<88xi32, #tpu.memory_space<vmem>> -> memref<72xi32, #tpu.memory_space<vmem>>
      %dma_start3A_12 = tpu.memref_slice %arg8[%mul3A_2] : memref<2304xi32, #tpu.memory_space<hbm>> -> memref<72xi32, #tpu.memory_space<hbm>>
      %dma_start3A_13 = arith.constant 0 : i32
      %dma_start3A_14 = tpu.memref_slice %arg21[%dma_start3A_13] : memref<88xi32, #tpu.memory_space<vmem>> -> memref<72xi32, #tpu.memory_space<vmem>>
      %dma_start3A_15 = tpu.memref_slice %arg8[%mul3A_2] : memref<2304xi32, #tpu.memory_space<hbm>> -> memref<72xi32, #tpu.memory_space<hbm>>
      tpu.enqueue_dma source(%dma_start3A_15 : memref<72xi32, #tpu.memory_space<hbm>>) target(%dma_start3A_14 : memref<72xi32, #tpu.memory_space<vmem>>) target_semaphore(%run_scoped3A : memref<!tpu.dma_semaphore, #tpu.memory_space<semaphore_mem>>)
      %dma_wait3A = arith.constant 0 : i32
      %dma_wait3A_16 = tpu.memref_slice %arg21[%dma_wait3A] : memref<88xi32, #tpu.memory_space<vmem>> -> memref<72xi32, #tpu.memory_space<vmem>>
      %dma_wait3A_17 = tpu.memref_slice %arg8[%mul3A_2] : memref<2304xi32, #tpu.memory_space<hbm>> -> memref<72xi32, #tpu.memory_space<hbm>>
      %dma_wait3A_18 = arith.constant 0 : i32
      %dma_wait3A_19 = tpu.memref_slice %arg21[%dma_wait3A_18] : memref<88xi32, #tpu.memory_space<vmem>> -> memref<72xi32, #tpu.memory_space<vmem>>
      %dma_wait3A_20 = tpu.memref_slice %arg8[%mul3A_2] : memref<2304xi32, #tpu.memory_space<hbm>> -> memref<72xi32, #tpu.memory_space<hbm>>
      tpu.wait_dma2 semaphore(%run_scoped3A : memref<!tpu.dma_semaphore, #tpu.memory_space<semaphore_mem>>) src(%dma_wait3A_20 : memref<72xi32, #tpu.memory_space<hbm>>) dst(%dma_wait3A_19 : memref<72xi32, #tpu.memory_space<vmem>>)
      tpu.yield
    }) : () -> ()
    "tpu.region"() ({
      %run_scoped3A = tpu.sem_alloc : memref<!tpu.dma_semaphore, #tpu.memory_space<semaphore_mem>>
      %dma_start3A = arith.constant 0 : i32
      %dma_start3A_11 = tpu.memref_slice %arg22[%dma_start3A] : memref<88xi32, #tpu.memory_space<vmem>> -> memref<72xi32, #tpu.memory_space<vmem>>
      %dma_start3A_12 = tpu.memref_slice %arg9[%mul3A_2] : memref<2304xi32, #tpu.memory_space<hbm>> -> memref<72xi32, #tpu.memory_space<hbm>>
      %dma_start3A_13 = arith.constant 0 : i32
      %dma_start3A_14 = tpu.memref_slice %arg22[%dma_start3A_13] : memref<88xi32, #tpu.memory_space<vmem>> -> memref<72xi32, #tpu.memory_space<vmem>>
      %dma_start3A_15 = tpu.memref_slice %arg9[%mul3A_2] : memref<2304xi32, #tpu.memory_space<hbm>> -> memref<72xi32, #tpu.memory_space<hbm>>
      tpu.enqueue_dma source(%dma_start3A_15 : memref<72xi32, #tpu.memory_space<hbm>>) target(%dma_start3A_14 : memref<72xi32, #tpu.memory_space<vmem>>) target_semaphore(%run_scoped3A : memref<!tpu.dma_semaphore, #tpu.memory_space<semaphore_mem>>)
      %dma_wait3A = arith.constant 0 : i32
      %dma_wait3A_16 = tpu.memref_slice %arg22[%dma_wait3A] : memref<88xi32, #tpu.memory_space<vmem>> -> memref<72xi32, #tpu.memory_space<vmem>>
      %dma_wait3A_17 = tpu.memref_slice %arg9[%mul3A_2] : memref<2304xi32, #tpu.memory_space<hbm>> -> memref<72xi32, #tpu.memory_space<hbm>>
      %dma_wait3A_18 = arith.constant 0 : i32
      %dma_wait3A_19 = tpu.memref_slice %arg22[%dma_wait3A_18] : memref<88xi32, #tpu.memory_space<vmem>> -> memref<72xi32, #tpu.memory_space<vmem>>
      %dma_wait3A_20 = tpu.memref_slice %arg9[%mul3A_2] : memref<2304xi32, #tpu.memory_space<hbm>> -> memref<72xi32, #tpu.memory_space<hbm>>
      tpu.wait_dma2 semaphore(%run_scoped3A : memref<!tpu.dma_semaphore, #tpu.memory_space<semaphore_mem>>) src(%dma_wait3A_20 : memref<72xi32, #tpu.memory_space<hbm>>) dst(%dma_wait3A_19 : memref<72xi32, #tpu.memory_space<vmem>>)
      tpu.yield
    }) : () -> ()
    %broadcast_in_dim3A = arith.constant 0.000000e+00 : f32
    %broadcast_in_dim3A_3 = vector.broadcast %broadcast_in_dim3A : f32 to vector<16xf32>
    %broadcast_in_dim3A_4 = arith.constant 0 : i32
    %broadcast_in_dim3A_5 = vector.broadcast %broadcast_in_dim3A_4 : i32 to vector<16xi32>
    %iota3A = tpu.iota {dimensions = array<i32: 0>} : vector<16xi32>
    %scan3A = arith.constant 0 : i32
    %scan3A_6 = arith.constant 0 : i32
    %scan3A_7 = arith.constant 72 : i32
    %scan3A_8 = arith.addi %scan3A_6, %scan3A_7 : i32
    %scan3A_9 = arith.constant 1 : i32
    scf.for %scan3A_11 = %scan3A_6 to %scan3A_8 step %scan3A_9  : i32 {
      %get3A = arith.index_cast %scan3A_11 : i32 to index
      %get3A_12 = tpu.vector_load %arg18[%get3A] {strides = array<i32>} : memref<88xf32, #tpu.memory_space<vmem>>, vector<16xf32>,
      %slice3A = vector.extract_strided_slice %get3A_12 {offsets = [0], sizes = [1], strides = [1]} : vector<16xf32> to vector<1xf32>
      %squeeze3A = vector.extract %slice3A[0] : f32 from vector<1xf32>
      %get3A_13 = arith.index_cast %scan3A_11 : i32 to index
      %get3A_14 = tpu.vector_load %arg19[%get3A_13] {strides = array<i32>} : memref<88xf32, #tpu.memory_space<vmem>>, vector<16xf32>,
      %slice3A_15 = vector.extract_strided_slice %get3A_14 {offsets = [0], sizes = [1], strides = [1]} : vector<16xf32> to vector<1xf32>
      %squeeze3A_16 = vector.extract %slice3A_15[0] : f32 from vector<1xf32>
      %get3A_17 = arith.index_cast %scan3A_11 : i32 to index
      %get3A_18 = tpu.vector_load %arg20[%get3A_17] {strides = array<i32>} : memref<88xf32, #tpu.memory_space<vmem>>, vector<16xf32>,
      %slice3A_19 = vector.extract_strided_slice %get3A_18 {offsets = [0], sizes = [1], strides = [1]} : vector<16xf32> to vector<1xf32>
      %squeeze3A_20 = vector.extract %slice3A_19[0] : f32 from vector<1xf32>
      %get3A_21 = arith.index_cast %scan3A_11 : i32 to index
      %get3A_22 = tpu.vector_load %arg21[%get3A_21] {strides = array<i32>} : memref<88xi32, #tpu.memory_space<vmem>>, vector<16xi32>,
      %slice3A_23 = vector.extract_strided_slice %get3A_22 {offsets = [0], sizes = [1], strides = [1]} : vector<16xi32> to vector<1xi32>
      %squeeze3A_24 = vector.extract %slice3A_23[0] : i32 from vector<1xi32>
      %get3A_25 = arith.index_cast %scan3A_11 : i32 to index
      %get3A_26 = tpu.vector_load %arg22[%get3A_25] {strides = array<i32>} : memref<88xi32, #tpu.memory_space<vmem>>, vector<16xi32>,
      %slice3A_27 = vector.extract_strided_slice %get3A_26 {offsets = [0], sizes = [1], strides = [1]} : vector<16xi32> to vector<1xi32>
      %squeeze3A_28 = vector.extract %slice3A_27[0] : i32 from vector<1xi32>
      %swap3A = arith.constant 0 : index
      %swap3A_29 = tpu.vector_load %arg23[%swap3A] {strides = array<i32>} : memref<80xf32, #tpu.memory_space<vmem>>, vector<16xf32>,
      tpu.vector_store %arg23[%swap3A], %broadcast_in_dim3A_3 {strides = array<i32>} : memref<80xf32, #tpu.memory_space<vmem>>, vector<16xf32>,
      %swap3A_30 = arith.constant 0 : index
      %swap3A_31 = tpu.vector_load %arg24[%swap3A_30] {strides = array<i32>} : memref<80xf32, #tpu.memory_space<vmem>>, vector<16xf32>,
      tpu.vector_store %arg24[%swap3A_30], %broadcast_in_dim3A_3 {strides = array<i32>} : memref<80xf32, #tpu.memory_space<vmem>>, vector<16xf32>,
      %swap3A_32 = arith.constant 0 : index
      %swap3A_33 = tpu.vector_load %arg25[%swap3A_32] {strides = array<i32>} : memref<80xf32, #tpu.memory_space<vmem>>, vector<16xf32>,
      tpu.vector_store %arg25[%swap3A_32], %broadcast_in_dim3A_3 {strides = array<i32>} : memref<80xf32, #tpu.memory_space<vmem>>, vector<16xf32>,
      %swap3A_34 = arith.constant 0 : index
      %swap3A_35 = tpu.vector_load %arg26[%swap3A_34] {strides = array<i32>} : memref<80xi32, #tpu.memory_space<vmem>>, vector<16xi32>,
      tpu.vector_store %arg26[%swap3A_34], %broadcast_in_dim3A_5 {strides = array<i32>} : memref<80xi32, #tpu.memory_space<vmem>>, vector<16xi32>,
      %swap3A_36 = arith.constant 16 : index
      %swap3A_37 = tpu.vector_load %arg23[%swap3A_36] {strides = array<i32>} : memref<80xf32, #tpu.memory_space<vmem>>, vector<16xf32>,
      tpu.vector_store %arg23[%swap3A_36], %broadcast_in_dim3A_3 {strides = array<i32>} : memref<80xf32, #tpu.memory_space<vmem>>, vector<16xf32>,
      %swap3A_38 = arith.constant 16 : index
      %swap3A_39 = tpu.vector_load %arg24[%swap3A_38] {strides = array<i32>} : memref<80xf32, #tpu.memory_space<vmem>>, vector<16xf32>,
      tpu.vector_store %arg24[%swap3A_38], %broadcast_in_dim3A_3 {strides = array<i32>} : memref<80xf32, #tpu.memory_space<vmem>>, vector<16xf32>,
      %swap3A_40 = arith.constant 16 : index
      %swap3A_41 = tpu.vector_load %arg25[%swap3A_40] {strides = array<i32>} : memref<80xf32, #tpu.memory_space<vmem>>, vector<16xf32>,
      tpu.vector_store %arg25[%swap3A_40], %broadcast_in_dim3A_3 {strides = array<i32>} : memref<80xf32, #tpu.memory_space<vmem>>, vector<16xf32>,
      %swap3A_42 = arith.constant 16 : index
      %swap3A_43 = tpu.vector_load %arg26[%swap3A_42] {strides = array<i32>} : memref<80xi32, #tpu.memory_space<vmem>>, vector<16xi32>,
      tpu.vector_store %arg26[%swap3A_42], %broadcast_in_dim3A_5 {strides = array<i32>} : memref<80xi32, #tpu.memory_space<vmem>>, vector<16xi32>,
      %swap3A_44 = arith.constant 32 : index
      %swap3A_45 = tpu.vector_load %arg23[%swap3A_44] {strides = array<i32>} : memref<80xf32, #tpu.memory_space<vmem>>, vector<16xf32>,
      tpu.vector_store %arg23[%swap3A_44], %broadcast_in_dim3A_3 {strides = array<i32>} : memref<80xf32, #tpu.memory_space<vmem>>, vector<16xf32>,
      %swap3A_46 = arith.constant 32 : index
      %swap3A_47 = tpu.vector_load %arg24[%swap3A_46] {strides = array<i32>} : memref<80xf32, #tpu.memory_space<vmem>>, vector<16xf32>,
      tpu.vector_store %arg24[%swap3A_46], %broadcast_in_dim3A_3 {strides = array<i32>} : memref<80xf32, #tpu.memory_space<vmem>>, vector<16xf32>,
      %swap3A_48 = arith.constant 32 : index
      %swap3A_49 = tpu.vector_load %arg25[%swap3A_48] {strides = array<i32>} : memref<80xf32, #tpu.memory_space<vmem>>, vector<16xf32>,
      tpu.vector_store %arg25[%swap3A_48], %broadcast_in_dim3A_3 {strides = array<i32>} : memref<80xf32, #tpu.memory_space<vmem>>, vector<16xf32>,
      %swap3A_50 = arith.constant 32 : index
      %swap3A_51 = tpu.vector_load %arg26[%swap3A_50] {strides = array<i32>} : memref<80xi32, #tpu.memory_space<vmem>>, vector<16xi32>,
      tpu.vector_store %arg26[%swap3A_50], %broadcast_in_dim3A_5 {strides = array<i32>} : memref<80xi32, #tpu.memory_space<vmem>>, vector<16xi32>,
      %swap3A_52 = arith.constant 48 : index
      %swap3A_53 = tpu.vector_load %arg23[%swap3A_52] {strides = array<i32>} : memref<80xf32, #tpu.memory_space<vmem>>, vector<16xf32>,
      tpu.vector_store %arg23[%swap3A_52], %broadcast_in_dim3A_3 {strides = array<i32>} : memref<80xf32, #tpu.memory_space<vmem>>, vector<16xf32>,
      %swap3A_54 = arith.constant 48 : index
      %swap3A_55 = tpu.vector_load %arg24[%swap3A_54] {strides = array<i32>} : memref<80xf32, #tpu.memory_space<vmem>>, vector<16xf32>,
      tpu.vector_store %arg24[%swap3A_54], %broadcast_in_dim3A_3 {strides = array<i32>} : memref<80xf32, #tpu.memory_space<vmem>>, vector<16xf32>,
      %swap3A_56 = arith.constant 48 : index
      %swap3A_57 = tpu.vector_load %arg25[%swap3A_56] {strides = array<i32>} : memref<80xf32, #tpu.memory_space<vmem>>, vector<16xf32>,
      tpu.vector_store %arg25[%swap3A_56], %broadcast_in_dim3A_3 {strides = array<i32>} : memref<80xf32, #tpu.memory_space<vmem>>, vector<16xf32>,
      %swap3A_58 = arith.constant 48 : index
      %swap3A_59 = tpu.vector_load %arg26[%swap3A_58] {strides = array<i32>} : memref<80xi32, #tpu.memory_space<vmem>>, vector<16xi32>,
      tpu.vector_store %arg26[%swap3A_58], %broadcast_in_dim3A_5 {strides = array<i32>} : memref<80xi32, #tpu.memory_space<vmem>>, vector<16xi32>,
      %swap3A_60 = arith.constant 64 : index
      %swap3A_61 = tpu.vector_load %arg23[%swap3A_60] {strides = array<i32>} : memref<80xf32, #tpu.memory_space<vmem>>, vector<16xf32>,
      tpu.vector_store %arg23[%swap3A_60], %broadcast_in_dim3A_3 {strides = array<i32>} : memref<80xf32, #tpu.memory_space<vmem>>, vector<16xf32>,
      %swap3A_62 = arith.constant 64 : index
      %swap3A_63 = tpu.vector_load %arg24[%swap3A_62] {strides = array<i32>} : memref<80xf32, #tpu.memory_space<vmem>>, vector<16xf32>,
      tpu.vector_store %arg24[%swap3A_62], %broadcast_in_dim3A_3 {strides = array<i32>} : memref<80xf32, #tpu.memory_space<vmem>>, vector<16xf32>,
      %swap3A_64 = arith.constant 64 : index
      %swap3A_65 = tpu.vector_load %arg25[%swap3A_64] {strides = array<i32>} : memref<80xf32, #tpu.memory_space<vmem>>, vector<16xf32>,
      tpu.vector_store %arg25[%swap3A_64], %broadcast_in_dim3A_3 {strides = array<i32>} : memref<80xf32, #tpu.memory_space<vmem>>, vector<16xf32>,
      %swap3A_66 = arith.constant 64 : index
      %swap3A_67 = tpu.vector_load %arg26[%swap3A_66] {strides = array<i32>} : memref<80xi32, #tpu.memory_space<vmem>>, vector<16xi32>,
      tpu.vector_store %arg26[%swap3A_66], %broadcast_in_dim3A_5 {strides = array<i32>} : memref<80xi32, #tpu.memory_space<vmem>>, vector<16xi32>,
      %add3A_68 = arith.constant 15 : i32
      %add3A_69 = arith.addi %squeeze3A_28, %add3A_68 : i32
      %jit3A = arith.constant 16 : i32
      %div3A = arith.divsi %add3A_69, %jit3A : i32
      %sign3A = arith.constant 0 : i32
      %sign3A_70 = arith.cmpi sgt, %add3A_69, %sign3A : i32
      %sign3A_71 = arith.extui %sign3A_70 : i1 to i32
      %sign3A_72 = arith.constant 0 : i32
      %sign3A_73 = arith.cmpi slt, %add3A_69, %sign3A_72 : i32
      %sign3A_74 = arith.extui %sign3A_73 : i1 to i32
      %sign3A_75 = arith.subi %sign3A_71, %sign3A_74 : i32
      %sign3A_76 = arith.constant 0 : i32
      %sign3A_77 = arith.cmpi sgt, %jit3A, %sign3A_76 : i32
      %sign3A_78 = arith.extui %sign3A_77 : i1 to i32
      %sign3A_79 = arith.constant 0 : i32
      %sign3A_80 = arith.cmpi slt, %jit3A, %sign3A_79 : i32
      %sign3A_81 = arith.extui %sign3A_80 : i1 to i32
      %sign3A_82 = arith.subi %sign3A_78, %sign3A_81 : i32
      %ne3A = arith.cmpi ne, %sign3A_75, %sign3A_82 : i32
      %rem3A = arith.remsi %add3A_69, %jit3A : i32
      %ne3A_83 = arith.constant 0 : i32
      %ne3A_84 = arith.cmpi ne, %rem3A, %ne3A_83 : i32
      %and3A = arith.andi %ne3A, %ne3A_84 : i1
      %sub3A = arith.constant 1 : i32
      %sub3A_85 = arith.subi %div3A, %sub3A : i32
      %select_n3A = arith.select %and3A, %sub3A_85, %div3A : i32
      %parallel_loop3A = arith.constant 0 : i32
      %parallel_loop3A_86 = arith.constant 1 : i32
      %parallel_loop3A_87 = arith.constant 0 : i32
      %parallel_loop3A_88 = scf.for %parallel_loop3A_94 = %parallel_loop3A to %select_n3A step %parallel_loop3A_86 iter_args(%parallel_loop3A_95 = %parallel_loop3A_87) -> (i32)  : i32 {
        %parallel_loop3A_96 = arith.constant 16 : i32
        %parallel_loop3A_97 = arith.muli %parallel_loop3A_94, %parallel_loop3A_96 : i32
        %parallel_loop3A_98 = arith.addi %squeeze3A_24, %parallel_loop3A_97 : i32
        %parallel_loop3A_99 = arith.index_cast %parallel_loop3A_98 : i32 to index
        %parallel_loop3A_100 = tpu.vector_load %arg15[%parallel_loop3A_99] {strides = array<i32>} : memref<8720xf32, #tpu.memory_space<vmem>>, vector<16xf32>,
        %parallel_loop3A_101 = arith.index_cast %parallel_loop3A_98 : i32 to index
        %parallel_loop3A_102 = tpu.vector_load %arg16[%parallel_loop3A_101] {strides = array<i32>} : memref<8720xf32, #tpu.memory_space<vmem>>, vector<16xf32>,
        %parallel_loop3A_103 = arith.index_cast %parallel_loop3A_98 : i32 to index
        %parallel_loop3A_104 = tpu.vector_load %arg17[%parallel_loop3A_103] {strides = array<i32>} : memref<8720xf32, #tpu.memory_space<vmem>>, vector<16xf32>,
        %parallel_loop3A_105 = vector.broadcast %squeeze3A : f32 to vector<16xf32>
        %parallel_loop3A_106 = arith.subf %parallel_loop3A_100, %parallel_loop3A_105 : vector<16xf32>
        %parallel_loop3A_107 = vector.broadcast %squeeze3A_16 : f32 to vector<16xf32>
        %parallel_loop3A_108 = arith.subf %parallel_loop3A_102, %parallel_loop3A_107 : vector<16xf32>
        %parallel_loop3A_109 = vector.broadcast %squeeze3A_20 : f32 to vector<16xf32>
        %parallel_loop3A_110 = arith.subf %parallel_loop3A_104, %parallel_loop3A_109 : vector<16xf32>
        %parallel_loop3A_111 = arith.mulf %parallel_loop3A_106, %parallel_loop3A_106 : vector<16xf32>
        %parallel_loop3A_112 = arith.mulf %parallel_loop3A_108, %parallel_loop3A_108 : vector<16xf32>
        %parallel_loop3A_113 = arith.addf %parallel_loop3A_111, %parallel_loop3A_112 : vector<16xf32>
        %parallel_loop3A_114 = arith.mulf %parallel_loop3A_110, %parallel_loop3A_110 : vector<16xf32>
        %parallel_loop3A_115 = arith.addf %parallel_loop3A_113, %parallel_loop3A_114 : vector<16xf32>
        %parallel_loop3A_116 = arith.constant 1.600000e-01 : f32
        %parallel_loop3A_117 = vector.broadcast %parallel_loop3A_116 : f32 to vector<16xf32>
        %parallel_loop3A_118 = arith.cmpf ole, %parallel_loop3A_115, %parallel_loop3A_117 : vector<16xf32>
        %parallel_loop3A_119 = vector.broadcast %parallel_loop3A_97 : i32 to vector<16xi32>
        %parallel_loop3A_120 = arith.addi %parallel_loop3A_119, %iota3A : vector<16xi32>
        %parallel_loop3A_121 = vector.broadcast %squeeze3A_28 : i32 to vector<16xi32>
        %parallel_loop3A_122 = arith.cmpi slt, %parallel_loop3A_120, %parallel_loop3A_121 : vector<16xi32>
        %parallel_loop3A_123 = arith.andi %parallel_loop3A_118, %parallel_loop3A_122 : vector<16xi1>
        %parallel_loop3A_124 = arith.extui %parallel_loop3A_123 : vector<16xi1> to vector<16xi32>
        %parallel_loop3A_125 = arith.constant true
        %parallel_loop3A_126 = vector.broadcast %parallel_loop3A_125 : i1 to vector<16xi1>
        %parallel_loop3A_127 = tpu.scan <sum>, %parallel_loop3A_124 masked %parallel_loop3A_126 : vector<16xi32>, vector<16xi1> -> vector<16xi32>
        %parallel_loop3A_128 = arith.constant 64 : i32
        %parallel_loop3A_129 = arith.subi %parallel_loop3A_128, %parallel_loop3A_95 : i32
        %parallel_loop3A_130 = vector.broadcast %parallel_loop3A_129 : i32 to vector<16xi32>
        %parallel_loop3A_131 = arith.cmpi sle, %parallel_loop3A_127, %parallel_loop3A_130 : vector<16xi32>
        %parallel_loop3A_132 = arith.andi %parallel_loop3A_123, %parallel_loop3A_131 : vector<16xi1>
        %parallel_loop3A_133 = arith.constant 0 : i32
        %parallel_loop3A_134 = vector.broadcast %parallel_loop3A_133 : i32 to vector<16xi32>
        %parallel_loop3A_135 = arith.select %parallel_loop3A_132, %parallel_loop3A_127, %parallel_loop3A_134 : vector<16xi1>, vector<16xi32>
        %parallel_loop3A_136 = arith.constant true
        %parallel_loop3A_137 = vector.broadcast %parallel_loop3A_136 : i1 to vector<16xi1>
        %parallel_loop3A_138 = arith.constant -2147483648 : i32
        %parallel_loop3A_139 = vector.broadcast %parallel_loop3A_138 : i32 to vector<16xi32>
        %parallel_loop3A_140 = arith.xori %parallel_loop3A_135, %parallel_loop3A_139 : vector<16xi32>
        %parallel_loop3A_141 = tpu.scan <max>, %parallel_loop3A_140 masked %parallel_loop3A_137 : vector<16xi32>, vector<16xi1> -> vector<16xi32>
        %parallel_loop3A_142 = arith.xori %parallel_loop3A_141, %parallel_loop3A_139 : vector<16xi32>
        %parallel_loop3A_143 = vector.extract %parallel_loop3A_142[15] : i32 from vector<16xi32>
        %parallel_loop3A_144 = arith.index_cast %parallel_loop3A_95 : i32 to index
        %parallel_loop3A_145 = tpu.vector_load %arg23[%parallel_loop3A_144] masked %parallel_loop3A_132 {strides = array<i32>} : memref<80xf32, #tpu.memory_space<vmem>>, vector<16xf32>, vector<16xi1>
        tpu.vector_store %arg23[%parallel_loop3A_144], %parallel_loop3A_106 masked %parallel_loop3A_132 {strides = array<i32>} : memref<80xf32, #tpu.memory_space<vmem>>, vector<16xf32>, vector<16xi1>
        %parallel_loop3A_146 = arith.index_cast %parallel_loop3A_95 : i32 to index
        %parallel_loop3A_147 = tpu.vector_load %arg24[%parallel_loop3A_146] masked %parallel_loop3A_132 {strides = array<i32>} : memref<80xf32, #tpu.memory_space<vmem>>, vector<16xf32>, vector<16xi1>
        tpu.vector_store %arg24[%parallel_loop3A_146], %parallel_loop3A_108 masked %parallel_loop3A_132 {strides = array<i32>} : memref<80xf32, #tpu.memory_space<vmem>>, vector<16xf32>, vector<16xi1>
        %parallel_loop3A_148 = arith.index_cast %parallel_loop3A_95 : i32 to index
        %parallel_loop3A_149 = tpu.vector_load %arg25[%parallel_loop3A_148] masked %parallel_loop3A_132 {strides = array<i32>} : memref<80xf32, #tpu.memory_space<vmem>>, vector<16xf32>, vector<16xi1>
        tpu.vector_store %arg25[%parallel_loop3A_148], %parallel_loop3A_110 masked %parallel_loop3A_132 {strides = array<i32>} : memref<80xf32, #tpu.memory_space<vmem>>, vector<16xf32>, vector<16xi1>
        %parallel_loop3A_150 = vector.broadcast %parallel_loop3A_98 : i32 to vector<16xi32>
        %parallel_loop3A_151 = arith.addi %parallel_loop3A_150, %iota3A : vector<16xi32>
        %parallel_loop3A_152 = arith.index_cast %parallel_loop3A_95 : i32 to index
        %parallel_loop3A_153 = tpu.vector_load %arg26[%parallel_loop3A_152] masked %parallel_loop3A_132 {strides = array<i32>} : memref<80xi32, #tpu.memory_space<vmem>>, vector<16xi32>, vector<16xi1>
        tpu.vector_store %arg26[%parallel_loop3A_152], %parallel_loop3A_151 masked %parallel_loop3A_132 {strides = array<i32>} : memref<80xi32, #tpu.memory_space<vmem>>, vector<16xi32>, vector<16xi1>
        %parallel_loop3A_154 = arith.addi %parallel_loop3A_95, %parallel_loop3A_143 : i32
        scf.yield %parallel_loop3A_154 : i32
      } {sc.loop_unroll_factor = 1 : i64, sc.parallel_access}
      %broadcast_in_dim3A_89 = vector.broadcast %scan3A_11 : i32 to vector<16xi32>
      %broadcast_in_dim3A_90 = vector.broadcast %parallel_loop3A_88 : i32 to vector<16xi32>
      %eq3A = arith.constant 0 : i32
      %eq3A_91 = vector.broadcast %eq3A : i32 to vector<16xi32>
      %eq3A_92 = arith.cmpi eq, %iota3A, %eq3A_91 : vector<16xi32>
      tpu.vector_store_idx %arg27[%broadcast_in_dim3A_89], %broadcast_in_dim3A_90 masked %eq3A_92 : memref<72xi32, #tpu.memory_space<vmem>>[vector<16xi32>], vector<16xi32>, vector<16xi1>
      %add3A_93 = arith.addi %mul3A_2, %scan3A_11 : i32
      "tpu.region"() ({
        %run_scoped3A = tpu.sem_alloc : memref<!tpu.dma_semaphore, #tpu.memory_space<semaphore_mem>>
        %dma_start3A = arith.constant 0 : i32
        %dma_start3A_94 = tpu.memref_slice %arg10[%add3A_93, %dma_start3A] : memref<2304x80xf32, #tpu.memory_space<hbm>> -> memref<1x80xf32, #tpu.memory_space<hbm>>
        %dma_start3A_95 = tpu.memref_squeeze %dma_start3A_94 : memref<1x80xf32, #tpu.memory_space<hbm>> -> memref<80xf32, #tpu.memory_space<hbm>>
        %dma_start3A_96 = arith.constant 0 : i32
        %dma_start3A_97 = tpu.memref_slice %arg10[%add3A_93, %dma_start3A_96] : memref<2304x80xf32, #tpu.memory_space<hbm>> -> memref<1x80xf32, #tpu.memory_space<hbm>>
        %dma_start3A_98 = tpu.memref_squeeze %dma_start3A_97 : memref<1x80xf32, #tpu.memory_space<hbm>> -> memref<80xf32, #tpu.memory_space<hbm>>
        tpu.enqueue_dma source(%arg23 : memref<80xf32, #tpu.memory_space<vmem>>) target(%dma_start3A_98 : memref<80xf32, #tpu.memory_space<hbm>>) target_semaphore(%run_scoped3A : memref<!tpu.dma_semaphore, #tpu.memory_space<semaphore_mem>>)
        %dma_wait3A = arith.constant 0 : i32
        %dma_wait3A_99 = tpu.memref_slice %arg10[%add3A_93, %dma_wait3A] : memref<2304x80xf32, #tpu.memory_space<hbm>> -> memref<1x80xf32, #tpu.memory_space<hbm>>
        %dma_wait3A_100 = tpu.memref_squeeze %dma_wait3A_99 : memref<1x80xf32, #tpu.memory_space<hbm>> -> memref<80xf32, #tpu.memory_space<hbm>>
        %dma_wait3A_101 = arith.constant 0 : i32
        %dma_wait3A_102 = tpu.memref_slice %arg10[%add3A_93, %dma_wait3A_101] : memref<2304x80xf32, #tpu.memory_space<hbm>> -> memref<1x80xf32, #tpu.memory_space<hbm>>
        %dma_wait3A_103 = tpu.memref_squeeze %dma_wait3A_102 : memref<1x80xf32, #tpu.memory_space<hbm>> -> memref<80xf32, #tpu.memory_space<hbm>>
        tpu.wait_dma2 semaphore(%run_scoped3A : memref<!tpu.dma_semaphore, #tpu.memory_space<semaphore_mem>>) src(%arg23 : memref<80xf32, #tpu.memory_space<vmem>>) dst(%dma_wait3A_103 : memref<80xf32, #tpu.memory_space<hbm>>)
        tpu.yield
      }) : () -> ()
      "tpu.region"() ({
        %run_scoped3A = tpu.sem_alloc : memref<!tpu.dma_semaphore, #tpu.memory_space<semaphore_mem>>
        %dma_start3A = arith.constant 0 : i32
        %dma_start3A_94 = tpu.memref_slice %arg11[%add3A_93, %dma_start3A] : memref<2304x80xf32, #tpu.memory_space<hbm>> -> memref<1x80xf32, #tpu.memory_space<hbm>>
        %dma_start3A_95 = tpu.memref_squeeze %dma_start3A_94 : memref<1x80xf32, #tpu.memory_space<hbm>> -> memref<80xf32, #tpu.memory_space<hbm>>
        %dma_start3A_96 = arith.constant 0 : i32
        %dma_start3A_97 = tpu.memref_slice %arg11[%add3A_93, %dma_start3A_96] : memref<2304x80xf32, #tpu.memory_space<hbm>> -> memref<1x80xf32, #tpu.memory_space<hbm>>
        %dma_start3A_98 = tpu.memref_squeeze %dma_start3A_97 : memref<1x80xf32, #tpu.memory_space<hbm>> -> memref<80xf32, #tpu.memory_space<hbm>>
        tpu.enqueue_dma source(%arg24 : memref<80xf32, #tpu.memory_space<vmem>>) target(%dma_start3A_98 : memref<80xf32, #tpu.memory_space<hbm>>) target_semaphore(%run_scoped3A : memref<!tpu.dma_semaphore, #tpu.memory_space<semaphore_mem>>)
        %dma_wait3A = arith.constant 0 : i32
        %dma_wait3A_99 = tpu.memref_slice %arg11[%add3A_93, %dma_wait3A] : memref<2304x80xf32, #tpu.memory_space<hbm>> -> memref<1x80xf32, #tpu.memory_space<hbm>>
        %dma_wait3A_100 = tpu.memref_squeeze %dma_wait3A_99 : memref<1x80xf32, #tpu.memory_space<hbm>> -> memref<80xf32, #tpu.memory_space<hbm>>
        %dma_wait3A_101 = arith.constant 0 : i32
        %dma_wait3A_102 = tpu.memref_slice %arg11[%add3A_93, %dma_wait3A_101] : memref<2304x80xf32, #tpu.memory_space<hbm>> -> memref<1x80xf32, #tpu.memory_space<hbm>>
        %dma_wait3A_103 = tpu.memref_squeeze %dma_wait3A_102 : memref<1x80xf32, #tpu.memory_space<hbm>> -> memref<80xf32, #tpu.memory_space<hbm>>
        tpu.wait_dma2 semaphore(%run_scoped3A : memref<!tpu.dma_semaphore, #tpu.memory_space<semaphore_mem>>) src(%arg24 : memref<80xf32, #tpu.memory_space<vmem>>) dst(%dma_wait3A_103 : memref<80xf32, #tpu.memory_space<hbm>>)
        tpu.yield
      }) : () -> ()
      "tpu.region"() ({
        %run_scoped3A = tpu.sem_alloc : memref<!tpu.dma_semaphore, #tpu.memory_space<semaphore_mem>>
        %dma_start3A = arith.constant 0 : i32
        %dma_start3A_94 = tpu.memref_slice %arg12[%add3A_93, %dma_start3A] : memref<2304x80xf32, #tpu.memory_space<hbm>> -> memref<1x80xf32, #tpu.memory_space<hbm>>
        %dma_start3A_95 = tpu.memref_squeeze %dma_start3A_94 : memref<1x80xf32, #tpu.memory_space<hbm>> -> memref<80xf32, #tpu.memory_space<hbm>>
        %dma_start3A_96 = arith.constant 0 : i32
        %dma_start3A_97 = tpu.memref_slice %arg12[%add3A_93, %dma_start3A_96] : memref<2304x80xf32, #tpu.memory_space<hbm>> -> memref<1x80xf32, #tpu.memory_space<hbm>>
        %dma_start3A_98 = tpu.memref_squeeze %dma_start3A_97 : memref<1x80xf32, #tpu.memory_space<hbm>> -> memref<80xf32, #tpu.memory_space<hbm>>
        tpu.enqueue_dma source(%arg25 : memref<80xf32, #tpu.memory_space<vmem>>) target(%dma_start3A_98 : memref<80xf32, #tpu.memory_space<hbm>>) target_semaphore(%run_scoped3A : memref<!tpu.dma_semaphore, #tpu.memory_space<semaphore_mem>>)
        %dma_wait3A = arith.constant 0 : i32
        %dma_wait3A_99 = tpu.memref_slice %arg12[%add3A_93, %dma_wait3A] : memref<2304x80xf32, #tpu.memory_space<hbm>> -> memref<1x80xf32, #tpu.memory_space<hbm>>
        %dma_wait3A_100 = tpu.memref_squeeze %dma_wait3A_99 : memref<1x80xf32, #tpu.memory_space<hbm>> -> memref<80xf32, #tpu.memory_space<hbm>>
        %dma_wait3A_101 = arith.constant 0 : i32
        %dma_wait3A_102 = tpu.memref_slice %arg12[%add3A_93, %dma_wait3A_101] : memref<2304x80xf32, #tpu.memory_space<hbm>> -> memref<1x80xf32, #tpu.memory_space<hbm>>
        %dma_wait3A_103 = tpu.memref_squeeze %dma_wait3A_102 : memref<1x80xf32, #tpu.memory_space<hbm>> -> memref<80xf32, #tpu.memory_space<hbm>>
        tpu.wait_dma2 semaphore(%run_scoped3A : memref<!tpu.dma_semaphore, #tpu.memory_space<semaphore_mem>>) src(%arg25 : memref<80xf32, #tpu.memory_space<vmem>>) dst(%dma_wait3A_103 : memref<80xf32, #tpu.memory_space<hbm>>)
        tpu.yield
      }) : () -> ()
      "tpu.region"() ({
        %run_scoped3A = tpu.sem_alloc : memref<!tpu.dma_semaphore, #tpu.memory_space<semaphore_mem>>
        %dma_start3A = arith.constant 0 : i32
        %dma_start3A_94 = tpu.memref_slice %arg13[%add3A_93, %dma_start3A] : memref<2304x80xi32, #tpu.memory_space<hbm>> -> memref<1x80xi32, #tpu.memory_space<hbm>>
        %dma_start3A_95 = tpu.memref_squeeze %dma_start3A_94 : memref<1x80xi32, #tpu.memory_space<hbm>> -> memref<80xi32, #tpu.memory_space<hbm>>
        %dma_start3A_96 = arith.constant 0 : i32
        %dma_start3A_97 = tpu.memref_slice %arg13[%add3A_93, %dma_start3A_96] : memref<2304x80xi32, #tpu.memory_space<hbm>> -> memref<1x80xi32, #tpu.memory_space<hbm>>
        %dma_start3A_98 = tpu.memref_squeeze %dma_start3A_97 : memref<1x80xi32, #tpu.memory_space<hbm>> -> memref<80xi32, #tpu.memory_space<hbm>>
        tpu.enqueue_dma source(%arg26 : memref<80xi32, #tpu.memory_space<vmem>>) target(%dma_start3A_98 : memref<80xi32, #tpu.memory_space<hbm>>) target_semaphore(%run_scoped3A : memref<!tpu.dma_semaphore, #tpu.memory_space<semaphore_mem>>)
        %dma_wait3A = arith.constant 0 : i32
        %dma_wait3A_99 = tpu.memref_slice %arg13[%add3A_93, %dma_wait3A] : memref<2304x80xi32, #tpu.memory_space<hbm>> -> memref<1x80xi32, #tpu.memory_space<hbm>>
        %dma_wait3A_100 = tpu.memref_squeeze %dma_wait3A_99 : memref<1x80xi32, #tpu.memory_space<hbm>> -> memref<80xi32, #tpu.memory_space<hbm>>
        %dma_wait3A_101 = arith.constant 0 : i32
        %dma_wait3A_102 = tpu.memref_slice %arg13[%add3A_93, %dma_wait3A_101] : memref<2304x80xi32, #tpu.memory_space<hbm>> -> memref<1x80xi32, #tpu.memory_space<hbm>>
        %dma_wait3A_103 = tpu.memref_squeeze %dma_wait3A_102 : memref<1x80xi32, #tpu.memory_space<hbm>> -> memref<80xi32, #tpu.memory_space<hbm>>
        tpu.wait_dma2 semaphore(%run_scoped3A : memref<!tpu.dma_semaphore, #tpu.memory_space<semaphore_mem>>) src(%arg26 : memref<80xi32, #tpu.memory_space<vmem>>) dst(%dma_wait3A_103 : memref<80xi32, #tpu.memory_space<hbm>>)
        tpu.yield
      }) : () -> ()
    }
    %scan3A_10 = arith.constant 72 : i32
    "tpu.region"() ({
      %run_scoped3A = tpu.sem_alloc : memref<!tpu.dma_semaphore, #tpu.memory_space<semaphore_mem>>
      %dma_start3A = tpu.memref_slice %arg14[%mul3A_2] : memref<2304xi32, #tpu.memory_space<hbm>> -> memref<72xi32, #tpu.memory_space<hbm>>
      %dma_start3A_11 = tpu.memref_slice %arg14[%mul3A_2] : memref<2304xi32, #tpu.memory_space<hbm>> -> memref<72xi32, #tpu.memory_space<hbm>>
      tpu.enqueue_dma source(%arg27 : memref<72xi32, #tpu.memory_space<vmem>>) target(%dma_start3A_11 : memref<72xi32, #tpu.memory_space<hbm>>) target_semaphore(%run_scoped3A : memref<!tpu.dma_semaphore, #tpu.memory_space<semaphore_mem>>)
      %dma_wait3A = tpu.memref_slice %arg14[%mul3A_2] : memref<2304xi32, #tpu.memory_space<hbm>> -> memref<72xi32, #tpu.memory_space<hbm>>
      %dma_wait3A_12 = tpu.memref_slice %arg14[%mul3A_2] : memref<2304xi32, #tpu.memory_space<hbm>> -> memref<72xi32, #tpu.memory_space<hbm>>
      tpu.wait_dma2 semaphore(%run_scoped3A : memref<!tpu.dma_semaphore, #tpu.memory_space<semaphore_mem>>) src(%arg27 : memref<72xi32, #tpu.memory_space<vmem>>) dst(%dma_wait3A_12 : memref<72xi32, #tpu.memory_space<hbm>>)
      tpu.yield
    }) : () -> ()
    return
  }
}

#map = affine_map<(d0, d1) -> (0)>
#map1 = affine_map<(d0, d1) -> (0, 0)>
module attributes {stable_mosaic.version = 14 : i64} {
  func.func @k(%arg0: i32, %arg1: i32, %arg2: memref<16384xf32, #tpu.memory_space<hbm>>, %arg3: memref<16384xf32, #tpu.memory_space<hbm>>, %arg4: memref<16384xf32, #tpu.memory_space<hbm>>, %arg5: memref<8704xf32, #tpu.memory_space<hbm>>, %arg6: memref<8704xf32, #tpu.memory_space<hbm>>, %arg7: memref<8704xf32, #tpu.memory_space<hbm>>, %arg8: memref<8704xi32, #tpu.memory_space<hbm>>, %arg9: memref<8704xi32, #tpu.memory_space<hbm>>, %arg10: memref<8704x80xf32, #tpu.memory_space<hbm>>, %arg11: memref<8704x80xf32, #tpu.memory_space<hbm>>, %arg12: memref<8704x80xf32, #tpu.memory_space<hbm>>, %arg13: memref<8704xi32, #tpu.memory_space<hbm>>, %arg14: memref<16400xf32, #tpu.memory_space<vmem>>, %arg15: memref<16400xf32, #tpu.memory_space<vmem>>, %arg16: memref<16400xf32, #tpu.memory_space<vmem>>, %arg17: memref<288xf32, #tpu.memory_space<vmem>>, %arg18: memref<288xf32, #tpu.memory_space<vmem>>, %arg19: memref<288xf32, #tpu.memory_space<vmem>>, %arg20: memref<288xi32, #tpu.memory_space<vmem>>, %arg21: memref<288xi32, #tpu.memory_space<vmem>>, %arg22: memref<80xf32, #tpu.memory_space<vmem>>, %arg23: memref<80xf32, #tpu.memory_space<vmem>>, %arg24: memref<80xf32, #tpu.memory_space<vmem>>, %arg25: memref<272xi32, #tpu.memory_space<vmem>>) attributes {dimension_semantics = [#tpu.dimension_semantics<core_parallel>, #tpu.dimension_semantics<subcore_parallel>], iteration_bounds = array<i64: 2, 16>, scalar_prefetch = 0 : i64, scratch_operands = 12 : i64, tpu.core_type = #tpu.core_type<sc_vector_subcore>, window_params = [{transform_indices = #map}, {transform_indices = #map}, {transform_indices = #map}, {transform_indices = #map}, {transform_indices = #map}, {transform_indices = #map}, {transform_indices = #map}, {transform_indices = #map}, {transform_indices = #map1}, {transform_indices = #map1}, {transform_indices = #map1}, {transform_indices = #map}]} {
    %mul3A = arith.constant 16 : i32
    %mul3A_0 = arith.muli %arg0, %mul3A : i32
    %add3A = arith.addi %mul3A_0, %arg1 : i32
    %mul3A_1 = arith.constant 272 : i32
    %mul3A_2 = arith.muli %add3A, %mul3A_1 : i32
    "tpu.region"() ({
      %run_scoped3A = tpu.sem_alloc : memref<!tpu.dma_semaphore, #tpu.memory_space<semaphore_mem>>
      %dma_start3A = arith.constant 0 : i32
      %dma_start3A_11 = tpu.memref_slice %arg14[%dma_start3A] : memref<16400xf32, #tpu.memory_space<vmem>> -> memref<16384xf32, #tpu.memory_space<vmem>>
      %dma_start3A_12 = arith.constant 0 : i32
      %dma_start3A_13 = tpu.memref_slice %arg14[%dma_start3A_12] : memref<16400xf32, #tpu.memory_space<vmem>> -> memref<16384xf32, #tpu.memory_space<vmem>>
      tpu.enqueue_dma source(%arg2 : memref<16384xf32, #tpu.memory_space<hbm>>) target(%dma_start3A_13 : memref<16384xf32, #tpu.memory_space<vmem>>) target_semaphore(%run_scoped3A : memref<!tpu.dma_semaphore, #tpu.memory_space<semaphore_mem>>)
      %dma_wait3A = arith.constant 0 : i32
      %dma_wait3A_14 = tpu.memref_slice %arg14[%dma_wait3A] : memref<16400xf32, #tpu.memory_space<vmem>> -> memref<16384xf32, #tpu.memory_space<vmem>>
      %dma_wait3A_15 = arith.constant 0 : i32
      %dma_wait3A_16 = tpu.memref_slice %arg14[%dma_wait3A_15] : memref<16400xf32, #tpu.memory_space<vmem>> -> memref<16384xf32, #tpu.memory_space<vmem>>
      tpu.wait_dma2 semaphore(%run_scoped3A : memref<!tpu.dma_semaphore, #tpu.memory_space<semaphore_mem>>) src(%arg2 : memref<16384xf32, #tpu.memory_space<hbm>>) dst(%dma_wait3A_16 : memref<16384xf32, #tpu.memory_space<vmem>>)
      tpu.yield
    }) : () -> ()
    "tpu.region"() ({
      %run_scoped3A = tpu.sem_alloc : memref<!tpu.dma_semaphore, #tpu.memory_space<semaphore_mem>>
      %dma_start3A = arith.constant 0 : i32
      %dma_start3A_11 = tpu.memref_slice %arg15[%dma_start3A] : memref<16400xf32, #tpu.memory_space<vmem>> -> memref<16384xf32, #tpu.memory_space<vmem>>
      %dma_start3A_12 = arith.constant 0 : i32
      %dma_start3A_13 = tpu.memref_slice %arg15[%dma_start3A_12] : memref<16400xf32, #tpu.memory_space<vmem>> -> memref<16384xf32, #tpu.memory_space<vmem>>
      tpu.enqueue_dma source(%arg3 : memref<16384xf32, #tpu.memory_space<hbm>>) target(%dma_start3A_13 : memref<16384xf32, #tpu.memory_space<vmem>>) target_semaphore(%run_scoped3A : memref<!tpu.dma_semaphore, #tpu.memory_space<semaphore_mem>>)
      %dma_wait3A = arith.constant 0 : i32
      %dma_wait3A_14 = tpu.memref_slice %arg15[%dma_wait3A] : memref<16400xf32, #tpu.memory_space<vmem>> -> memref<16384xf32, #tpu.memory_space<vmem>>
      %dma_wait3A_15 = arith.constant 0 : i32
      %dma_wait3A_16 = tpu.memref_slice %arg15[%dma_wait3A_15] : memref<16400xf32, #tpu.memory_space<vmem>> -> memref<16384xf32, #tpu.memory_space<vmem>>
      tpu.wait_dma2 semaphore(%run_scoped3A : memref<!tpu.dma_semaphore, #tpu.memory_space<semaphore_mem>>) src(%arg3 : memref<16384xf32, #tpu.memory_space<hbm>>) dst(%dma_wait3A_16 : memref<16384xf32, #tpu.memory_space<vmem>>)
      tpu.yield
    }) : () -> ()
    "tpu.region"() ({
      %run_scoped3A = tpu.sem_alloc : memref<!tpu.dma_semaphore, #tpu.memory_space<semaphore_mem>>
      %dma_start3A = arith.constant 0 : i32
      %dma_start3A_11 = tpu.memref_slice %arg16[%dma_start3A] : memref<16400xf32, #tpu.memory_space<vmem>> -> memref<16384xf32, #tpu.memory_space<vmem>>
      %dma_start3A_12 = arith.constant 0 : i32
      %dma_start3A_13 = tpu.memref_slice %arg16[%dma_start3A_12] : memref<16400xf32, #tpu.memory_space<vmem>> -> memref<16384xf32, #tpu.memory_space<vmem>>
      tpu.enqueue_dma source(%arg4 : memref<16384xf32, #tpu.memory_space<hbm>>) target(%dma_start3A_13 : memref<16384xf32, #tpu.memory_space<vmem>>) target_semaphore(%run_scoped3A : memref<!tpu.dma_semaphore, #tpu.memory_space<semaphore_mem>>)
      %dma_wait3A = arith.constant 0 : i32
      %dma_wait3A_14 = tpu.memref_slice %arg16[%dma_wait3A] : memref<16400xf32, #tpu.memory_space<vmem>> -> memref<16384xf32, #tpu.memory_space<vmem>>
      %dma_wait3A_15 = arith.constant 0 : i32
      %dma_wait3A_16 = tpu.memref_slice %arg16[%dma_wait3A_15] : memref<16400xf32, #tpu.memory_space<vmem>> -> memref<16384xf32, #tpu.memory_space<vmem>>
      tpu.wait_dma2 semaphore(%run_scoped3A : memref<!tpu.dma_semaphore, #tpu.memory_space<semaphore_mem>>) src(%arg4 : memref<16384xf32, #tpu.memory_space<hbm>>) dst(%dma_wait3A_16 : memref<16384xf32, #tpu.memory_space<vmem>>)
      tpu.yield
    }) : () -> ()
    "tpu.region"() ({
      %run_scoped3A = tpu.sem_alloc : memref<!tpu.dma_semaphore, #tpu.memory_space<semaphore_mem>>
      %dma_start3A = arith.constant 0 : i32
      %dma_start3A_11 = tpu.memref_slice %arg17[%dma_start3A] : memref<288xf32, #tpu.memory_space<vmem>> -> memref<272xf32, #tpu.memory_space<vmem>>
      %dma_start3A_12 = tpu.memref_slice %arg5[%mul3A_2] : memref<8704xf32, #tpu.memory_space<hbm>> -> memref<272xf32, #tpu.memory_space<hbm>>
      %dma_start3A_13 = arith.constant 0 : i32
      %dma_start3A_14 = tpu.memref_slice %arg17[%dma_start3A_13] : memref<288xf32, #tpu.memory_space<vmem>> -> memref<272xf32, #tpu.memory_space<vmem>>
      %dma_start3A_15 = tpu.memref_slice %arg5[%mul3A_2] : memref<8704xf32, #tpu.memory_space<hbm>> -> memref<272xf32, #tpu.memory_space<hbm>>
      tpu.enqueue_dma source(%dma_start3A_15 : memref<272xf32, #tpu.memory_space<hbm>>) target(%dma_start3A_14 : memref<272xf32, #tpu.memory_space<vmem>>) target_semaphore(%run_scoped3A : memref<!tpu.dma_semaphore, #tpu.memory_space<semaphore_mem>>)
      %dma_wait3A = arith.constant 0 : i32
      %dma_wait3A_16 = tpu.memref_slice %arg17[%dma_wait3A] : memref<288xf32, #tpu.memory_space<vmem>> -> memref<272xf32, #tpu.memory_space<vmem>>
      %dma_wait3A_17 = tpu.memref_slice %arg5[%mul3A_2] : memref<8704xf32, #tpu.memory_space<hbm>> -> memref<272xf32, #tpu.memory_space<hbm>>
      %dma_wait3A_18 = arith.constant 0 : i32
      %dma_wait3A_19 = tpu.memref_slice %arg17[%dma_wait3A_18] : memref<288xf32, #tpu.memory_space<vmem>> -> memref<272xf32, #tpu.memory_space<vmem>>
      %dma_wait3A_20 = tpu.memref_slice %arg5[%mul3A_2] : memref<8704xf32, #tpu.memory_space<hbm>> -> memref<272xf32, #tpu.memory_space<hbm>>
      tpu.wait_dma2 semaphore(%run_scoped3A : memref<!tpu.dma_semaphore, #tpu.memory_space<semaphore_mem>>) src(%dma_wait3A_20 : memref<272xf32, #tpu.memory_space<hbm>>) dst(%dma_wait3A_19 : memref<272xf32, #tpu.memory_space<vmem>>)
      tpu.yield
    }) : () -> ()
    "tpu.region"() ({
      %run_scoped3A = tpu.sem_alloc : memref<!tpu.dma_semaphore, #tpu.memory_space<semaphore_mem>>
      %dma_start3A = arith.constant 0 : i32
      %dma_start3A_11 = tpu.memref_slice %arg18[%dma_start3A] : memref<288xf32, #tpu.memory_space<vmem>> -> memref<272xf32, #tpu.memory_space<vmem>>
      %dma_start3A_12 = tpu.memref_slice %arg6[%mul3A_2] : memref<8704xf32, #tpu.memory_space<hbm>> -> memref<272xf32, #tpu.memory_space<hbm>>
      %dma_start3A_13 = arith.constant 0 : i32
      %dma_start3A_14 = tpu.memref_slice %arg18[%dma_start3A_13] : memref<288xf32, #tpu.memory_space<vmem>> -> memref<272xf32, #tpu.memory_space<vmem>>
      %dma_start3A_15 = tpu.memref_slice %arg6[%mul3A_2] : memref<8704xf32, #tpu.memory_space<hbm>> -> memref<272xf32, #tpu.memory_space<hbm>>
      tpu.enqueue_dma source(%dma_start3A_15 : memref<272xf32, #tpu.memory_space<hbm>>) target(%dma_start3A_14 : memref<272xf32, #tpu.memory_space<vmem>>) target_semaphore(%run_scoped3A : memref<!tpu.dma_semaphore, #tpu.memory_space<semaphore_mem>>)
      %dma_wait3A = arith.constant 0 : i32
      %dma_wait3A_16 = tpu.memref_slice %arg18[%dma_wait3A] : memref<288xf32, #tpu.memory_space<vmem>> -> memref<272xf32, #tpu.memory_space<vmem>>
      %dma_wait3A_17 = tpu.memref_slice %arg6[%mul3A_2] : memref<8704xf32, #tpu.memory_space<hbm>> -> memref<272xf32, #tpu.memory_space<hbm>>
      %dma_wait3A_18 = arith.constant 0 : i32
      %dma_wait3A_19 = tpu.memref_slice %arg18[%dma_wait3A_18] : memref<288xf32, #tpu.memory_space<vmem>> -> memref<272xf32, #tpu.memory_space<vmem>>
      %dma_wait3A_20 = tpu.memref_slice %arg6[%mul3A_2] : memref<8704xf32, #tpu.memory_space<hbm>> -> memref<272xf32, #tpu.memory_space<hbm>>
      tpu.wait_dma2 semaphore(%run_scoped3A : memref<!tpu.dma_semaphore, #tpu.memory_space<semaphore_mem>>) src(%dma_wait3A_20 : memref<272xf32, #tpu.memory_space<hbm>>) dst(%dma_wait3A_19 : memref<272xf32, #tpu.memory_space<vmem>>)
      tpu.yield
    }) : () -> ()
    "tpu.region"() ({
      %run_scoped3A = tpu.sem_alloc : memref<!tpu.dma_semaphore, #tpu.memory_space<semaphore_mem>>
      %dma_start3A = arith.constant 0 : i32
      %dma_start3A_11 = tpu.memref_slice %arg19[%dma_start3A] : memref<288xf32, #tpu.memory_space<vmem>> -> memref<272xf32, #tpu.memory_space<vmem>>
      %dma_start3A_12 = tpu.memref_slice %arg7[%mul3A_2] : memref<8704xf32, #tpu.memory_space<hbm>> -> memref<272xf32, #tpu.memory_space<hbm>>
      %dma_start3A_13 = arith.constant 0 : i32
      %dma_start3A_14 = tpu.memref_slice %arg19[%dma_start3A_13] : memref<288xf32, #tpu.memory_space<vmem>> -> memref<272xf32, #tpu.memory_space<vmem>>
      %dma_start3A_15 = tpu.memref_slice %arg7[%mul3A_2] : memref<8704xf32, #tpu.memory_space<hbm>> -> memref<272xf32, #tpu.memory_space<hbm>>
      tpu.enqueue_dma source(%dma_start3A_15 : memref<272xf32, #tpu.memory_space<hbm>>) target(%dma_start3A_14 : memref<272xf32, #tpu.memory_space<vmem>>) target_semaphore(%run_scoped3A : memref<!tpu.dma_semaphore, #tpu.memory_space<semaphore_mem>>)
      %dma_wait3A = arith.constant 0 : i32
      %dma_wait3A_16 = tpu.memref_slice %arg19[%dma_wait3A] : memref<288xf32, #tpu.memory_space<vmem>> -> memref<272xf32, #tpu.memory_space<vmem>>
      %dma_wait3A_17 = tpu.memref_slice %arg7[%mul3A_2] : memref<8704xf32, #tpu.memory_space<hbm>> -> memref<272xf32, #tpu.memory_space<hbm>>
      %dma_wait3A_18 = arith.constant 0 : i32
      %dma_wait3A_19 = tpu.memref_slice %arg19[%dma_wait3A_18] : memref<288xf32, #tpu.memory_space<vmem>> -> memref<272xf32, #tpu.memory_space<vmem>>
      %dma_wait3A_20 = tpu.memref_slice %arg7[%mul3A_2] : memref<8704xf32, #tpu.memory_space<hbm>> -> memref<272xf32, #tpu.memory_space<hbm>>
      tpu.wait_dma2 semaphore(%run_scoped3A : memref<!tpu.dma_semaphore, #tpu.memory_space<semaphore_mem>>) src(%dma_wait3A_20 : memref<272xf32, #tpu.memory_space<hbm>>) dst(%dma_wait3A_19 : memref<272xf32, #tpu.memory_space<vmem>>)
      tpu.yield
    }) : () -> ()
    "tpu.region"() ({
      %run_scoped3A = tpu.sem_alloc : memref<!tpu.dma_semaphore, #tpu.memory_space<semaphore_mem>>
      %dma_start3A = arith.constant 0 : i32
      %dma_start3A_11 = tpu.memref_slice %arg20[%dma_start3A] : memref<288xi32, #tpu.memory_space<vmem>> -> memref<272xi32, #tpu.memory_space<vmem>>
      %dma_start3A_12 = tpu.memref_slice %arg8[%mul3A_2] : memref<8704xi32, #tpu.memory_space<hbm>> -> memref<272xi32, #tpu.memory_space<hbm>>
      %dma_start3A_13 = arith.constant 0 : i32
      %dma_start3A_14 = tpu.memref_slice %arg20[%dma_start3A_13] : memref<288xi32, #tpu.memory_space<vmem>> -> memref<272xi32, #tpu.memory_space<vmem>>
      %dma_start3A_15 = tpu.memref_slice %arg8[%mul3A_2] : memref<8704xi32, #tpu.memory_space<hbm>> -> memref<272xi32, #tpu.memory_space<hbm>>
      tpu.enqueue_dma source(%dma_start3A_15 : memref<272xi32, #tpu.memory_space<hbm>>) target(%dma_start3A_14 : memref<272xi32, #tpu.memory_space<vmem>>) target_semaphore(%run_scoped3A : memref<!tpu.dma_semaphore, #tpu.memory_space<semaphore_mem>>)
      %dma_wait3A = arith.constant 0 : i32
      %dma_wait3A_16 = tpu.memref_slice %arg20[%dma_wait3A] : memref<288xi32, #tpu.memory_space<vmem>> -> memref<272xi32, #tpu.memory_space<vmem>>
      %dma_wait3A_17 = tpu.memref_slice %arg8[%mul3A_2] : memref<8704xi32, #tpu.memory_space<hbm>> -> memref<272xi32, #tpu.memory_space<hbm>>
      %dma_wait3A_18 = arith.constant 0 : i32
      %dma_wait3A_19 = tpu.memref_slice %arg20[%dma_wait3A_18] : memref<288xi32, #tpu.memory_space<vmem>> -> memref<272xi32, #tpu.memory_space<vmem>>
      %dma_wait3A_20 = tpu.memref_slice %arg8[%mul3A_2] : memref<8704xi32, #tpu.memory_space<hbm>> -> memref<272xi32, #tpu.memory_space<hbm>>
      tpu.wait_dma2 semaphore(%run_scoped3A : memref<!tpu.dma_semaphore, #tpu.memory_space<semaphore_mem>>) src(%dma_wait3A_20 : memref<272xi32, #tpu.memory_space<hbm>>) dst(%dma_wait3A_19 : memref<272xi32, #tpu.memory_space<vmem>>)
      tpu.yield
    }) : () -> ()
    "tpu.region"() ({
      %run_scoped3A = tpu.sem_alloc : memref<!tpu.dma_semaphore, #tpu.memory_space<semaphore_mem>>
      %dma_start3A = arith.constant 0 : i32
      %dma_start3A_11 = tpu.memref_slice %arg21[%dma_start3A] : memref<288xi32, #tpu.memory_space<vmem>> -> memref<272xi32, #tpu.memory_space<vmem>>
      %dma_start3A_12 = tpu.memref_slice %arg9[%mul3A_2] : memref<8704xi32, #tpu.memory_space<hbm>> -> memref<272xi32, #tpu.memory_space<hbm>>
      %dma_start3A_13 = arith.constant 0 : i32
      %dma_start3A_14 = tpu.memref_slice %arg21[%dma_start3A_13] : memref<288xi32, #tpu.memory_space<vmem>> -> memref<272xi32, #tpu.memory_space<vmem>>
      %dma_start3A_15 = tpu.memref_slice %arg9[%mul3A_2] : memref<8704xi32, #tpu.memory_space<hbm>> -> memref<272xi32, #tpu.memory_space<hbm>>
      tpu.enqueue_dma source(%dma_start3A_15 : memref<272xi32, #tpu.memory_space<hbm>>) target(%dma_start3A_14 : memref<272xi32, #tpu.memory_space<vmem>>) target_semaphore(%run_scoped3A : memref<!tpu.dma_semaphore, #tpu.memory_space<semaphore_mem>>)
      %dma_wait3A = arith.constant 0 : i32
      %dma_wait3A_16 = tpu.memref_slice %arg21[%dma_wait3A] : memref<288xi32, #tpu.memory_space<vmem>> -> memref<272xi32, #tpu.memory_space<vmem>>
      %dma_wait3A_17 = tpu.memref_slice %arg9[%mul3A_2] : memref<8704xi32, #tpu.memory_space<hbm>> -> memref<272xi32, #tpu.memory_space<hbm>>
      %dma_wait3A_18 = arith.constant 0 : i32
      %dma_wait3A_19 = tpu.memref_slice %arg21[%dma_wait3A_18] : memref<288xi32, #tpu.memory_space<vmem>> -> memref<272xi32, #tpu.memory_space<vmem>>
      %dma_wait3A_20 = tpu.memref_slice %arg9[%mul3A_2] : memref<8704xi32, #tpu.memory_space<hbm>> -> memref<272xi32, #tpu.memory_space<hbm>>
      tpu.wait_dma2 semaphore(%run_scoped3A : memref<!tpu.dma_semaphore, #tpu.memory_space<semaphore_mem>>) src(%dma_wait3A_20 : memref<272xi32, #tpu.memory_space<hbm>>) dst(%dma_wait3A_19 : memref<272xi32, #tpu.memory_space<vmem>>)
      tpu.yield
    }) : () -> ()
    %broadcast_in_dim3A = arith.constant 0.000000e+00 : f32
    %broadcast_in_dim3A_3 = vector.broadcast %broadcast_in_dim3A : f32 to vector<16xf32>
    %broadcast_in_dim3A_4 = arith.constant 0 : i32
    %broadcast_in_dim3A_5 = vector.broadcast %broadcast_in_dim3A_4 : i32 to vector<16xi32>
    %iota3A = tpu.iota {dimensions = array<i32: 0>} : vector<16xi32>
    %scan3A = arith.constant 0 : i32
    %scan3A_6 = arith.constant 0 : i32
    %scan3A_7 = arith.constant 272 : i32
    %scan3A_8 = arith.addi %scan3A_6, %scan3A_7 : i32
    %scan3A_9 = arith.constant 1 : i32
    scf.for %scan3A_11 = %scan3A_6 to %scan3A_8 step %scan3A_9  : i32 {
      %get3A = arith.index_cast %scan3A_11 : i32 to index
      %get3A_12 = tpu.vector_load %arg17[%get3A] {strides = array<i32>} : memref<288xf32, #tpu.memory_space<vmem>>, vector<16xf32>,
      %slice3A = vector.extract_strided_slice %get3A_12 {offsets = [0], sizes = [1], strides = [1]} : vector<16xf32> to vector<1xf32>
      %squeeze3A = vector.extract %slice3A[0] : f32 from vector<1xf32>
      %get3A_13 = arith.index_cast %scan3A_11 : i32 to index
      %get3A_14 = tpu.vector_load %arg18[%get3A_13] {strides = array<i32>} : memref<288xf32, #tpu.memory_space<vmem>>, vector<16xf32>,
      %slice3A_15 = vector.extract_strided_slice %get3A_14 {offsets = [0], sizes = [1], strides = [1]} : vector<16xf32> to vector<1xf32>
      %squeeze3A_16 = vector.extract %slice3A_15[0] : f32 from vector<1xf32>
      %get3A_17 = arith.index_cast %scan3A_11 : i32 to index
      %get3A_18 = tpu.vector_load %arg19[%get3A_17] {strides = array<i32>} : memref<288xf32, #tpu.memory_space<vmem>>, vector<16xf32>,
      %slice3A_19 = vector.extract_strided_slice %get3A_18 {offsets = [0], sizes = [1], strides = [1]} : vector<16xf32> to vector<1xf32>
      %squeeze3A_20 = vector.extract %slice3A_19[0] : f32 from vector<1xf32>
      %get3A_21 = arith.index_cast %scan3A_11 : i32 to index
      %get3A_22 = tpu.vector_load %arg20[%get3A_21] {strides = array<i32>} : memref<288xi32, #tpu.memory_space<vmem>>, vector<16xi32>,
      %slice3A_23 = vector.extract_strided_slice %get3A_22 {offsets = [0], sizes = [1], strides = [1]} : vector<16xi32> to vector<1xi32>
      %squeeze3A_24 = vector.extract %slice3A_23[0] : i32 from vector<1xi32>
      %get3A_25 = arith.index_cast %scan3A_11 : i32 to index
      %get3A_26 = tpu.vector_load %arg21[%get3A_25] {strides = array<i32>} : memref<288xi32, #tpu.memory_space<vmem>>, vector<16xi32>,
      %slice3A_27 = vector.extract_strided_slice %get3A_26 {offsets = [0], sizes = [1], strides = [1]} : vector<16xi32> to vector<1xi32>
      %squeeze3A_28 = vector.extract %slice3A_27[0] : i32 from vector<1xi32>
      %swap3A = arith.constant 0 : index
      %swap3A_29 = tpu.vector_load %arg22[%swap3A] {strides = array<i32>} : memref<80xf32, #tpu.memory_space<vmem>>, vector<16xf32>,
      tpu.vector_store %arg22[%swap3A], %broadcast_in_dim3A_3 {strides = array<i32>} : memref<80xf32, #tpu.memory_space<vmem>>, vector<16xf32>,
      %swap3A_30 = arith.constant 0 : index
      %swap3A_31 = tpu.vector_load %arg23[%swap3A_30] {strides = array<i32>} : memref<80xf32, #tpu.memory_space<vmem>>, vector<16xf32>,
      tpu.vector_store %arg23[%swap3A_30], %broadcast_in_dim3A_3 {strides = array<i32>} : memref<80xf32, #tpu.memory_space<vmem>>, vector<16xf32>,
      %swap3A_32 = arith.constant 0 : index
      %swap3A_33 = tpu.vector_load %arg24[%swap3A_32] {strides = array<i32>} : memref<80xf32, #tpu.memory_space<vmem>>, vector<16xf32>,
      tpu.vector_store %arg24[%swap3A_32], %broadcast_in_dim3A_3 {strides = array<i32>} : memref<80xf32, #tpu.memory_space<vmem>>, vector<16xf32>,
      %swap3A_34 = arith.constant 16 : index
      %swap3A_35 = tpu.vector_load %arg22[%swap3A_34] {strides = array<i32>} : memref<80xf32, #tpu.memory_space<vmem>>, vector<16xf32>,
      tpu.vector_store %arg22[%swap3A_34], %broadcast_in_dim3A_3 {strides = array<i32>} : memref<80xf32, #tpu.memory_space<vmem>>, vector<16xf32>,
      %swap3A_36 = arith.constant 16 : index
      %swap3A_37 = tpu.vector_load %arg23[%swap3A_36] {strides = array<i32>} : memref<80xf32, #tpu.memory_space<vmem>>, vector<16xf32>,
      tpu.vector_store %arg23[%swap3A_36], %broadcast_in_dim3A_3 {strides = array<i32>} : memref<80xf32, #tpu.memory_space<vmem>>, vector<16xf32>,
      %swap3A_38 = arith.constant 16 : index
      %swap3A_39 = tpu.vector_load %arg24[%swap3A_38] {strides = array<i32>} : memref<80xf32, #tpu.memory_space<vmem>>, vector<16xf32>,
      tpu.vector_store %arg24[%swap3A_38], %broadcast_in_dim3A_3 {strides = array<i32>} : memref<80xf32, #tpu.memory_space<vmem>>, vector<16xf32>,
      %swap3A_40 = arith.constant 32 : index
      %swap3A_41 = tpu.vector_load %arg22[%swap3A_40] {strides = array<i32>} : memref<80xf32, #tpu.memory_space<vmem>>, vector<16xf32>,
      tpu.vector_store %arg22[%swap3A_40], %broadcast_in_dim3A_3 {strides = array<i32>} : memref<80xf32, #tpu.memory_space<vmem>>, vector<16xf32>,
      %swap3A_42 = arith.constant 32 : index
      %swap3A_43 = tpu.vector_load %arg23[%swap3A_42] {strides = array<i32>} : memref<80xf32, #tpu.memory_space<vmem>>, vector<16xf32>,
      tpu.vector_store %arg23[%swap3A_42], %broadcast_in_dim3A_3 {strides = array<i32>} : memref<80xf32, #tpu.memory_space<vmem>>, vector<16xf32>,
      %swap3A_44 = arith.constant 32 : index
      %swap3A_45 = tpu.vector_load %arg24[%swap3A_44] {strides = array<i32>} : memref<80xf32, #tpu.memory_space<vmem>>, vector<16xf32>,
      tpu.vector_store %arg24[%swap3A_44], %broadcast_in_dim3A_3 {strides = array<i32>} : memref<80xf32, #tpu.memory_space<vmem>>, vector<16xf32>,
      %swap3A_46 = arith.constant 48 : index
      %swap3A_47 = tpu.vector_load %arg22[%swap3A_46] {strides = array<i32>} : memref<80xf32, #tpu.memory_space<vmem>>, vector<16xf32>,
      tpu.vector_store %arg22[%swap3A_46], %broadcast_in_dim3A_3 {strides = array<i32>} : memref<80xf32, #tpu.memory_space<vmem>>, vector<16xf32>,
      %swap3A_48 = arith.constant 48 : index
      %swap3A_49 = tpu.vector_load %arg23[%swap3A_48] {strides = array<i32>} : memref<80xf32, #tpu.memory_space<vmem>>, vector<16xf32>,
      tpu.vector_store %arg23[%swap3A_48], %broadcast_in_dim3A_3 {strides = array<i32>} : memref<80xf32, #tpu.memory_space<vmem>>, vector<16xf32>,
      %swap3A_50 = arith.constant 48 : index
      %swap3A_51 = tpu.vector_load %arg24[%swap3A_50] {strides = array<i32>} : memref<80xf32, #tpu.memory_space<vmem>>, vector<16xf32>,
      tpu.vector_store %arg24[%swap3A_50], %broadcast_in_dim3A_3 {strides = array<i32>} : memref<80xf32, #tpu.memory_space<vmem>>, vector<16xf32>,
      %swap3A_52 = arith.constant 64 : index
      %swap3A_53 = tpu.vector_load %arg22[%swap3A_52] {strides = array<i32>} : memref<80xf32, #tpu.memory_space<vmem>>, vector<16xf32>,
      tpu.vector_store %arg22[%swap3A_52], %broadcast_in_dim3A_3 {strides = array<i32>} : memref<80xf32, #tpu.memory_space<vmem>>, vector<16xf32>,
      %swap3A_54 = arith.constant 64 : index
      %swap3A_55 = tpu.vector_load %arg23[%swap3A_54] {strides = array<i32>} : memref<80xf32, #tpu.memory_space<vmem>>, vector<16xf32>,
      tpu.vector_store %arg23[%swap3A_54], %broadcast_in_dim3A_3 {strides = array<i32>} : memref<80xf32, #tpu.memory_space<vmem>>, vector<16xf32>,
      %swap3A_56 = arith.constant 64 : index
      %swap3A_57 = tpu.vector_load %arg24[%swap3A_56] {strides = array<i32>} : memref<80xf32, #tpu.memory_space<vmem>>, vector<16xf32>,
      tpu.vector_store %arg24[%swap3A_56], %broadcast_in_dim3A_3 {strides = array<i32>} : memref<80xf32, #tpu.memory_space<vmem>>, vector<16xf32>,
      %add3A_58 = arith.constant 15 : i32
      %add3A_59 = arith.addi %squeeze3A_28, %add3A_58 : i32
      %jit3A = arith.constant 16 : i32
      %div3A = arith.divsi %add3A_59, %jit3A : i32
      %sign3A = arith.constant 0 : i32
      %sign3A_60 = arith.cmpi sgt, %add3A_59, %sign3A : i32
      %sign3A_61 = arith.extui %sign3A_60 : i1 to i32
      %sign3A_62 = arith.constant 0 : i32
      %sign3A_63 = arith.cmpi slt, %add3A_59, %sign3A_62 : i32
      %sign3A_64 = arith.extui %sign3A_63 : i1 to i32
      %sign3A_65 = arith.subi %sign3A_61, %sign3A_64 : i32
      %sign3A_66 = arith.constant 0 : i32
      %sign3A_67 = arith.cmpi sgt, %jit3A, %sign3A_66 : i32
      %sign3A_68 = arith.extui %sign3A_67 : i1 to i32
      %sign3A_69 = arith.constant 0 : i32
      %sign3A_70 = arith.cmpi slt, %jit3A, %sign3A_69 : i32
      %sign3A_71 = arith.extui %sign3A_70 : i1 to i32
      %sign3A_72 = arith.subi %sign3A_68, %sign3A_71 : i32
      %ne3A = arith.cmpi ne, %sign3A_65, %sign3A_72 : i32
      %rem3A = arith.remsi %add3A_59, %jit3A : i32
      %ne3A_73 = arith.constant 0 : i32
      %ne3A_74 = arith.cmpi ne, %rem3A, %ne3A_73 : i32
      %and3A = arith.andi %ne3A, %ne3A_74 : i1
      %sub3A = arith.constant 1 : i32
      %sub3A_75 = arith.subi %div3A, %sub3A : i32
      %select_n3A = arith.select %and3A, %sub3A_75, %div3A : i32
      %parallel_loop3A = arith.constant 0 : i32
      %parallel_loop3A_76 = arith.constant 1 : i32
      %parallel_loop3A_77 = arith.constant 0 : i32
      %parallel_loop3A_78 = scf.for %parallel_loop3A_84 = %parallel_loop3A to %select_n3A step %parallel_loop3A_76 iter_args(%parallel_loop3A_85 = %parallel_loop3A_77) -> (i32)  : i32 {
        %parallel_loop3A_86 = arith.constant 16 : i32
        %parallel_loop3A_87 = arith.muli %parallel_loop3A_84, %parallel_loop3A_86 : i32
        %parallel_loop3A_88 = arith.addi %squeeze3A_24, %parallel_loop3A_87 : i32
        %parallel_loop3A_89 = arith.index_cast %parallel_loop3A_88 : i32 to index
        %parallel_loop3A_90 = tpu.vector_load %arg14[%parallel_loop3A_89] {strides = array<i32>} : memref<16400xf32, #tpu.memory_space<vmem>>, vector<16xf32>,
        %parallel_loop3A_91 = arith.index_cast %parallel_loop3A_88 : i32 to index
        %parallel_loop3A_92 = tpu.vector_load %arg15[%parallel_loop3A_91] {strides = array<i32>} : memref<16400xf32, #tpu.memory_space<vmem>>, vector<16xf32>,
        %parallel_loop3A_93 = arith.index_cast %parallel_loop3A_88 : i32 to index
        %parallel_loop3A_94 = tpu.vector_load %arg16[%parallel_loop3A_93] {strides = array<i32>} : memref<16400xf32, #tpu.memory_space<vmem>>, vector<16xf32>,
        %parallel_loop3A_95 = vector.broadcast %squeeze3A : f32 to vector<16xf32>
        %parallel_loop3A_96 = arith.subf %parallel_loop3A_90, %parallel_loop3A_95 : vector<16xf32>
        %parallel_loop3A_97 = vector.broadcast %squeeze3A_16 : f32 to vector<16xf32>
        %parallel_loop3A_98 = arith.subf %parallel_loop3A_92, %parallel_loop3A_97 : vector<16xf32>
        %parallel_loop3A_99 = vector.broadcast %squeeze3A_20 : f32 to vector<16xf32>
        %parallel_loop3A_100 = arith.subf %parallel_loop3A_94, %parallel_loop3A_99 : vector<16xf32>
        %parallel_loop3A_101 = arith.mulf %parallel_loop3A_96, %parallel_loop3A_96 : vector<16xf32>
        %parallel_loop3A_102 = arith.mulf %parallel_loop3A_98, %parallel_loop3A_98 : vector<16xf32>
        %parallel_loop3A_103 = arith.addf %parallel_loop3A_101, %parallel_loop3A_102 : vector<16xf32>
        %parallel_loop3A_104 = arith.mulf %parallel_loop3A_100, %parallel_loop3A_100 : vector<16xf32>
        %parallel_loop3A_105 = arith.addf %parallel_loop3A_103, %parallel_loop3A_104 : vector<16xf32>
        %parallel_loop3A_106 = arith.constant 4.000000e-02 : f32
        %parallel_loop3A_107 = vector.broadcast %parallel_loop3A_106 : f32 to vector<16xf32>
        %parallel_loop3A_108 = arith.cmpf ole, %parallel_loop3A_105, %parallel_loop3A_107 : vector<16xf32>
        %parallel_loop3A_109 = vector.broadcast %parallel_loop3A_87 : i32 to vector<16xi32>
        %parallel_loop3A_110 = arith.addi %parallel_loop3A_109, %iota3A : vector<16xi32>
        %parallel_loop3A_111 = vector.broadcast %squeeze3A_28 : i32 to vector<16xi32>
        %parallel_loop3A_112 = arith.cmpi slt, %parallel_loop3A_110, %parallel_loop3A_111 : vector<16xi32>
        %parallel_loop3A_113 = arith.andi %parallel_loop3A_108, %parallel_loop3A_112 : vector<16xi1>
        %parallel_loop3A_114 = arith.extui %parallel_loop3A_113 : vector<16xi1> to vector<16xi32>
        %parallel_loop3A_115 = arith.constant true
        %parallel_loop3A_116 = vector.broadcast %parallel_loop3A_115 : i1 to vector<16xi1>
        %parallel_loop3A_117 = tpu.scan <sum>, %parallel_loop3A_114 masked %parallel_loop3A_116 : vector<16xi32>, vector<16xi1> -> vector<16xi32>
        %parallel_loop3A_118 = arith.constant 64 : i32
        %parallel_loop3A_119 = arith.subi %parallel_loop3A_118, %parallel_loop3A_85 : i32
        %parallel_loop3A_120 = vector.broadcast %parallel_loop3A_119 : i32 to vector<16xi32>
        %parallel_loop3A_121 = arith.cmpi sle, %parallel_loop3A_117, %parallel_loop3A_120 : vector<16xi32>
        %parallel_loop3A_122 = arith.andi %parallel_loop3A_113, %parallel_loop3A_121 : vector<16xi1>
        %parallel_loop3A_123 = arith.constant 0 : i32
        %parallel_loop3A_124 = vector.broadcast %parallel_loop3A_123 : i32 to vector<16xi32>
        %parallel_loop3A_125 = arith.select %parallel_loop3A_122, %parallel_loop3A_117, %parallel_loop3A_124 : vector<16xi1>, vector<16xi32>
        %parallel_loop3A_126 = arith.constant true
        %parallel_loop3A_127 = vector.broadcast %parallel_loop3A_126 : i1 to vector<16xi1>
        %parallel_loop3A_128 = arith.constant -2147483648 : i32
        %parallel_loop3A_129 = vector.broadcast %parallel_loop3A_128 : i32 to vector<16xi32>
        %parallel_loop3A_130 = arith.xori %parallel_loop3A_125, %parallel_loop3A_129 : vector<16xi32>
        %parallel_loop3A_131 = tpu.scan <max>, %parallel_loop3A_130 masked %parallel_loop3A_127 : vector<16xi32>, vector<16xi1> -> vector<16xi32>
        %parallel_loop3A_132 = arith.xori %parallel_loop3A_131, %parallel_loop3A_129 : vector<16xi32>
        %parallel_loop3A_133 = vector.extract %parallel_loop3A_132[15] : i32 from vector<16xi32>
        %parallel_loop3A_134 = arith.index_cast %parallel_loop3A_85 : i32 to index
        %parallel_loop3A_135 = tpu.vector_load %arg22[%parallel_loop3A_134] masked %parallel_loop3A_122 {strides = array<i32>} : memref<80xf32, #tpu.memory_space<vmem>>, vector<16xf32>, vector<16xi1>
        tpu.vector_store %arg22[%parallel_loop3A_134], %parallel_loop3A_96 masked %parallel_loop3A_122 {strides = array<i32>} : memref<80xf32, #tpu.memory_space<vmem>>, vector<16xf32>, vector<16xi1>
        %parallel_loop3A_136 = arith.index_cast %parallel_loop3A_85 : i32 to index
        %parallel_loop3A_137 = tpu.vector_load %arg23[%parallel_loop3A_136] masked %parallel_loop3A_122 {strides = array<i32>} : memref<80xf32, #tpu.memory_space<vmem>>, vector<16xf32>, vector<16xi1>
        tpu.vector_store %arg23[%parallel_loop3A_136], %parallel_loop3A_98 masked %parallel_loop3A_122 {strides = array<i32>} : memref<80xf32, #tpu.memory_space<vmem>>, vector<16xf32>, vector<16xi1>
        %parallel_loop3A_138 = arith.index_cast %parallel_loop3A_85 : i32 to index
        %parallel_loop3A_139 = tpu.vector_load %arg24[%parallel_loop3A_138] masked %parallel_loop3A_122 {strides = array<i32>} : memref<80xf32, #tpu.memory_space<vmem>>, vector<16xf32>, vector<16xi1>
        tpu.vector_store %arg24[%parallel_loop3A_138], %parallel_loop3A_100 masked %parallel_loop3A_122 {strides = array<i32>} : memref<80xf32, #tpu.memory_space<vmem>>, vector<16xf32>, vector<16xi1>
        %parallel_loop3A_140 = arith.addi %parallel_loop3A_85, %parallel_loop3A_133 : i32
        scf.yield %parallel_loop3A_140 : i32
      } {sc.loop_unroll_factor = 1 : i64, sc.parallel_access}
      %broadcast_in_dim3A_79 = vector.broadcast %scan3A_11 : i32 to vector<16xi32>
      %broadcast_in_dim3A_80 = vector.broadcast %parallel_loop3A_78 : i32 to vector<16xi32>
      %eq3A = arith.constant 0 : i32
      %eq3A_81 = vector.broadcast %eq3A : i32 to vector<16xi32>
      %eq3A_82 = arith.cmpi eq, %iota3A, %eq3A_81 : vector<16xi32>
      tpu.vector_store_idx %arg25[%broadcast_in_dim3A_79], %broadcast_in_dim3A_80 masked %eq3A_82 : memref<272xi32, #tpu.memory_space<vmem>>[vector<16xi32>], vector<16xi32>, vector<16xi1>
      %add3A_83 = arith.addi %mul3A_2, %scan3A_11 : i32
      "tpu.region"() ({
        %run_scoped3A = tpu.sem_alloc : memref<!tpu.dma_semaphore, #tpu.memory_space<semaphore_mem>>
        %dma_start3A = arith.constant 0 : i32
        %dma_start3A_84 = tpu.memref_slice %arg10[%add3A_83, %dma_start3A] : memref<8704x80xf32, #tpu.memory_space<hbm>> -> memref<1x80xf32, #tpu.memory_space<hbm>>
        %dma_start3A_85 = tpu.memref_squeeze %dma_start3A_84 : memref<1x80xf32, #tpu.memory_space<hbm>> -> memref<80xf32, #tpu.memory_space<hbm>>
        %dma_start3A_86 = arith.constant 0 : i32
        %dma_start3A_87 = tpu.memref_slice %arg10[%add3A_83, %dma_start3A_86] : memref<8704x80xf32, #tpu.memory_space<hbm>> -> memref<1x80xf32, #tpu.memory_space<hbm>>
        %dma_start3A_88 = tpu.memref_squeeze %dma_start3A_87 : memref<1x80xf32, #tpu.memory_space<hbm>> -> memref<80xf32, #tpu.memory_space<hbm>>
        tpu.enqueue_dma source(%arg22 : memref<80xf32, #tpu.memory_space<vmem>>) target(%dma_start3A_88 : memref<80xf32, #tpu.memory_space<hbm>>) target_semaphore(%run_scoped3A : memref<!tpu.dma_semaphore, #tpu.memory_space<semaphore_mem>>)
        %dma_wait3A = arith.constant 0 : i32
        %dma_wait3A_89 = tpu.memref_slice %arg10[%add3A_83, %dma_wait3A] : memref<8704x80xf32, #tpu.memory_space<hbm>> -> memref<1x80xf32, #tpu.memory_space<hbm>>
        %dma_wait3A_90 = tpu.memref_squeeze %dma_wait3A_89 : memref<1x80xf32, #tpu.memory_space<hbm>> -> memref<80xf32, #tpu.memory_space<hbm>>
        %dma_wait3A_91 = arith.constant 0 : i32
        %dma_wait3A_92 = tpu.memref_slice %arg10[%add3A_83, %dma_wait3A_91] : memref<8704x80xf32, #tpu.memory_space<hbm>> -> memref<1x80xf32, #tpu.memory_space<hbm>>
        %dma_wait3A_93 = tpu.memref_squeeze %dma_wait3A_92 : memref<1x80xf32, #tpu.memory_space<hbm>> -> memref<80xf32, #tpu.memory_space<hbm>>
        tpu.wait_dma2 semaphore(%run_scoped3A : memref<!tpu.dma_semaphore, #tpu.memory_space<semaphore_mem>>) src(%arg22 : memref<80xf32, #tpu.memory_space<vmem>>) dst(%dma_wait3A_93 : memref<80xf32, #tpu.memory_space<hbm>>)
        tpu.yield
      }) : () -> ()
      "tpu.region"() ({
        %run_scoped3A = tpu.sem_alloc : memref<!tpu.dma_semaphore, #tpu.memory_space<semaphore_mem>>
        %dma_start3A = arith.constant 0 : i32
        %dma_start3A_84 = tpu.memref_slice %arg11[%add3A_83, %dma_start3A] : memref<8704x80xf32, #tpu.memory_space<hbm>> -> memref<1x80xf32, #tpu.memory_space<hbm>>
        %dma_start3A_85 = tpu.memref_squeeze %dma_start3A_84 : memref<1x80xf32, #tpu.memory_space<hbm>> -> memref<80xf32, #tpu.memory_space<hbm>>
        %dma_start3A_86 = arith.constant 0 : i32
        %dma_start3A_87 = tpu.memref_slice %arg11[%add3A_83, %dma_start3A_86] : memref<8704x80xf32, #tpu.memory_space<hbm>> -> memref<1x80xf32, #tpu.memory_space<hbm>>
        %dma_start3A_88 = tpu.memref_squeeze %dma_start3A_87 : memref<1x80xf32, #tpu.memory_space<hbm>> -> memref<80xf32, #tpu.memory_space<hbm>>
        tpu.enqueue_dma source(%arg23 : memref<80xf32, #tpu.memory_space<vmem>>) target(%dma_start3A_88 : memref<80xf32, #tpu.memory_space<hbm>>) target_semaphore(%run_scoped3A : memref<!tpu.dma_semaphore, #tpu.memory_space<semaphore_mem>>)
        %dma_wait3A = arith.constant 0 : i32
        %dma_wait3A_89 = tpu.memref_slice %arg11[%add3A_83, %dma_wait3A] : memref<8704x80xf32, #tpu.memory_space<hbm>> -> memref<1x80xf32, #tpu.memory_space<hbm>>
        %dma_wait3A_90 = tpu.memref_squeeze %dma_wait3A_89 : memref<1x80xf32, #tpu.memory_space<hbm>> -> memref<80xf32, #tpu.memory_space<hbm>>
        %dma_wait3A_91 = arith.constant 0 : i32
        %dma_wait3A_92 = tpu.memref_slice %arg11[%add3A_83, %dma_wait3A_91] : memref<8704x80xf32, #tpu.memory_space<hbm>> -> memref<1x80xf32, #tpu.memory_space<hbm>>
        %dma_wait3A_93 = tpu.memref_squeeze %dma_wait3A_92 : memref<1x80xf32, #tpu.memory_space<hbm>> -> memref<80xf32, #tpu.memory_space<hbm>>
        tpu.wait_dma2 semaphore(%run_scoped3A : memref<!tpu.dma_semaphore, #tpu.memory_space<semaphore_mem>>) src(%arg23 : memref<80xf32, #tpu.memory_space<vmem>>) dst(%dma_wait3A_93 : memref<80xf32, #tpu.memory_space<hbm>>)
        tpu.yield
      }) : () -> ()
      "tpu.region"() ({
        %run_scoped3A = tpu.sem_alloc : memref<!tpu.dma_semaphore, #tpu.memory_space<semaphore_mem>>
        %dma_start3A = arith.constant 0 : i32
        %dma_start3A_84 = tpu.memref_slice %arg12[%add3A_83, %dma_start3A] : memref<8704x80xf32, #tpu.memory_space<hbm>> -> memref<1x80xf32, #tpu.memory_space<hbm>>
        %dma_start3A_85 = tpu.memref_squeeze %dma_start3A_84 : memref<1x80xf32, #tpu.memory_space<hbm>> -> memref<80xf32, #tpu.memory_space<hbm>>
        %dma_start3A_86 = arith.constant 0 : i32
        %dma_start3A_87 = tpu.memref_slice %arg12[%add3A_83, %dma_start3A_86] : memref<8704x80xf32, #tpu.memory_space<hbm>> -> memref<1x80xf32, #tpu.memory_space<hbm>>
        %dma_start3A_88 = tpu.memref_squeeze %dma_start3A_87 : memref<1x80xf32, #tpu.memory_space<hbm>> -> memref<80xf32, #tpu.memory_space<hbm>>
        tpu.enqueue_dma source(%arg24 : memref<80xf32, #tpu.memory_space<vmem>>) target(%dma_start3A_88 : memref<80xf32, #tpu.memory_space<hbm>>) target_semaphore(%run_scoped3A : memref<!tpu.dma_semaphore, #tpu.memory_space<semaphore_mem>>)
        %dma_wait3A = arith.constant 0 : i32
        %dma_wait3A_89 = tpu.memref_slice %arg12[%add3A_83, %dma_wait3A] : memref<8704x80xf32, #tpu.memory_space<hbm>> -> memref<1x80xf32, #tpu.memory_space<hbm>>
        %dma_wait3A_90 = tpu.memref_squeeze %dma_wait3A_89 : memref<1x80xf32, #tpu.memory_space<hbm>> -> memref<80xf32, #tpu.memory_space<hbm>>
        %dma_wait3A_91 = arith.constant 0 : i32
        %dma_wait3A_92 = tpu.memref_slice %arg12[%add3A_83, %dma_wait3A_91] : memref<8704x80xf32, #tpu.memory_space<hbm>> -> memref<1x80xf32, #tpu.memory_space<hbm>>
        %dma_wait3A_93 = tpu.memref_squeeze %dma_wait3A_92 : memref<1x80xf32, #tpu.memory_space<hbm>> -> memref<80xf32, #tpu.memory_space<hbm>>
        tpu.wait_dma2 semaphore(%run_scoped3A : memref<!tpu.dma_semaphore, #tpu.memory_space<semaphore_mem>>) src(%arg24 : memref<80xf32, #tpu.memory_space<vmem>>) dst(%dma_wait3A_93 : memref<80xf32, #tpu.memory_space<hbm>>)
        tpu.yield
      }) : () -> ()
    }
    %scan3A_10 = arith.constant 272 : i32
    "tpu.region"() ({
      %run_scoped3A = tpu.sem_alloc : memref<!tpu.dma_semaphore, #tpu.memory_space<semaphore_mem>>
      %dma_start3A = tpu.memref_slice %arg13[%mul3A_2] : memref<8704xi32, #tpu.memory_space<hbm>> -> memref<272xi32, #tpu.memory_space<hbm>>
      %dma_start3A_11 = tpu.memref_slice %arg13[%mul3A_2] : memref<8704xi32, #tpu.memory_space<hbm>> -> memref<272xi32, #tpu.memory_space<hbm>>
      tpu.enqueue_dma source(%arg25 : memref<272xi32, #tpu.memory_space<vmem>>) target(%dma_start3A_11 : memref<272xi32, #tpu.memory_space<hbm>>) target_semaphore(%run_scoped3A : memref<!tpu.dma_semaphore, #tpu.memory_space<semaphore_mem>>)
      %dma_wait3A = tpu.memref_slice %arg13[%mul3A_2] : memref<8704xi32, #tpu.memory_space<hbm>> -> memref<272xi32, #tpu.memory_space<hbm>>
      %dma_wait3A_12 = tpu.memref_slice %arg13[%mul3A_2] : memref<8704xi32, #tpu.memory_space<hbm>> -> memref<272xi32, #tpu.memory_space<hbm>>
      tpu.wait_dma2 semaphore(%run_scoped3A : memref<!tpu.dma_semaphore, #tpu.memory_space<semaphore_mem>>) src(%arg25 : memref<272xi32, #tpu.memory_space<vmem>>) dst(%dma_wait3A_12 : memref<272xi32, #tpu.memory_space<hbm>>)
      tpu.yield
    }) : () -> ()
    return
  }
}

#map = affine_map<(d0, d1) -> (0, 0)>
#map1 = affine_map<(d0, d1) -> (0)>
module attributes {stable_mosaic.version = 14 : i64} {
  func.func @g(%arg0: i32, %arg1: i32, %arg2: memref<8704x128xf32, #tpu.memory_space<hbm>>, %arg3: memref<147456xi32, #tpu.memory_space<hbm>>, %arg4: memref<147456x128xf32, #tpu.memory_space<hbm>>, %arg5: memref<128xi32, #tpu.memory_space<vmem>>, %arg6: memref<128x128xf32, #tpu.memory_space<vmem>>, %arg7: memref<!tpu.dma_semaphore, #tpu.memory_space<semaphore_mem>>) attributes {dimension_semantics = [#tpu.dimension_semantics<core_parallel>, #tpu.dimension_semantics<subcore_parallel>], iteration_bounds = array<i64: 2, 16>, scalar_prefetch = 0 : i64, scratch_operands = 3 : i64, tpu.core_type = #tpu.core_type<sc_vector_subcore>, window_params = [{transform_indices = #map}, {transform_indices = #map1}, {transform_indices = #map}]} {
    %mul3A = arith.constant 16 : i32
    %mul3A_0 = arith.muli %arg0, %mul3A : i32
    %add3A = arith.addi %mul3A_0, %arg1 : i32
    %scan3A = arith.constant 0 : i32
    %scan3A_1 = arith.constant 0 : i32
    %scan3A_2 = arith.constant 36 : i32
    %scan3A_3 = arith.addi %scan3A_1, %scan3A_2 : i32
    %scan3A_4 = arith.constant 1 : i32
    scf.for %scan3A_6 = %scan3A_1 to %scan3A_3 step %scan3A_4  : i32 {
      %mul3A_7 = arith.constant 4608 : i32
      %mul3A_8 = arith.muli %add3A, %mul3A_7 : i32
      %mul3A_9 = arith.constant 128 : i32
      %mul3A_10 = arith.muli %scan3A_6, %mul3A_9 : i32
      %add3A_11 = arith.addi %mul3A_8, %mul3A_10 : i32
      "tpu.region"() ({
        %run_scoped3A = tpu.sem_alloc : memref<!tpu.dma_semaphore, #tpu.memory_space<semaphore_mem>>
        %dma_start3A_16 = tpu.memref_slice %arg3[%add3A_11] : memref<147456xi32, #tpu.memory_space<hbm>> -> memref<128xi32, #tpu.memory_space<hbm>>
        %dma_start3A_17 = tpu.memref_slice %arg3[%add3A_11] : memref<147456xi32, #tpu.memory_space<hbm>> -> memref<128xi32, #tpu.memory_space<hbm>>
        tpu.enqueue_dma source(%dma_start3A_17 : memref<128xi32, #tpu.memory_space<hbm>>) target(%arg5 : memref<128xi32, #tpu.memory_space<vmem>>) target_semaphore(%run_scoped3A : memref<!tpu.dma_semaphore, #tpu.memory_space<semaphore_mem>>)
        %dma_wait3A_18 = tpu.memref_slice %arg3[%add3A_11] : memref<147456xi32, #tpu.memory_space<hbm>> -> memref<128xi32, #tpu.memory_space<hbm>>
        %dma_wait3A_19 = tpu.memref_slice %arg3[%add3A_11] : memref<147456xi32, #tpu.memory_space<hbm>> -> memref<128xi32, #tpu.memory_space<hbm>>
        tpu.wait_dma2 semaphore(%run_scoped3A : memref<!tpu.dma_semaphore, #tpu.memory_space<semaphore_mem>>) src(%dma_wait3A_19 : memref<128xi32, #tpu.memory_space<hbm>>) dst(%arg5 : memref<128xi32, #tpu.memory_space<vmem>>)
        tpu.yield
      }) : () -> ()
      %dma_start3A = arith.constant 0 : i32
      %dma_start3A_12 = arith.constant 0 : i32
      %dma_start3A_13 = tpu.memref_slice %arg2[%dma_start3A, %dma_start3A_12] : memref<8704x128xf32, #tpu.memory_space<hbm>> -> memref<8704x128xf32, #tpu.memory_space<hbm>>
      tpu.enqueue_indirect_dma source(%dma_start3A_13 : memref<8704x128xf32, #tpu.memory_space<hbm>>) target(%arg6 : memref<128x128xf32, #tpu.memory_space<vmem>>) offsets(%arg5 : memref<128xi32, #tpu.memory_space<vmem>>) semaphore(%arg7 : memref<!tpu.dma_semaphore, #tpu.memory_space<semaphore_mem>>)
      %dma_wait3A = arith.constant 0 : i32
      %dma_wait3A_14 = arith.constant 0 : i32
      %dma_wait3A_15 = tpu.memref_slice %arg2[%dma_wait3A, %dma_wait3A_14] : memref<8704x128xf32, #tpu.memory_space<hbm>> -> memref<8704x128xf32, #tpu.memory_space<hbm>>
      tpu.wait_indirect_dma semaphore(%arg7 : memref<!tpu.dma_semaphore, #tpu.memory_space<semaphore_mem>>) src(%dma_wait3A_15 : memref<8704x128xf32, #tpu.memory_space<hbm>>) dst(%arg6 : memref<128x128xf32, #tpu.memory_space<vmem>>)
      "tpu.region"() ({
        %run_scoped3A = tpu.sem_alloc : memref<!tpu.dma_semaphore, #tpu.memory_space<semaphore_mem>>
        %dma_start3A_16 = arith.constant 0 : i32
        %dma_start3A_17 = tpu.memref_slice %arg4[%add3A_11, %dma_start3A_16] : memref<147456x128xf32, #tpu.memory_space<hbm>> -> memref<128x128xf32, #tpu.memory_space<hbm>>
        %dma_start3A_18 = arith.constant 0 : i32
        %dma_start3A_19 = tpu.memref_slice %arg4[%add3A_11, %dma_start3A_18] : memref<147456x128xf32, #tpu.memory_space<hbm>> -> memref<128x128xf32, #tpu.memory_space<hbm>>
        tpu.enqueue_dma source(%arg6 : memref<128x128xf32, #tpu.memory_space<vmem>>) target(%dma_start3A_19 : memref<128x128xf32, #tpu.memory_space<hbm>>) target_semaphore(%run_scoped3A : memref<!tpu.dma_semaphore, #tpu.memory_space<semaphore_mem>>)
        %dma_wait3A_20 = arith.constant 0 : i32
        %dma_wait3A_21 = tpu.memref_slice %arg4[%add3A_11, %dma_wait3A_20] : memref<147456x128xf32, #tpu.memory_space<hbm>> -> memref<128x128xf32, #tpu.memory_space<hbm>>
        %dma_wait3A_22 = arith.constant 0 : i32
        %dma_wait3A_23 = tpu.memref_slice %arg4[%add3A_11, %dma_wait3A_22] : memref<147456x128xf32, #tpu.memory_space<hbm>> -> memref<128x128xf32, #tpu.memory_space<hbm>>
        tpu.wait_dma2 semaphore(%run_scoped3A : memref<!tpu.dma_semaphore, #tpu.memory_space<semaphore_mem>>) src(%arg6 : memref<128x128xf32, #tpu.memory_space<vmem>>) dst(%dma_wait3A_23 : memref<128x128xf32, #tpu.memory_space<hbm>>)
        tpu.yield
      }) : () -> ()
    }
    %scan3A_5 = arith.constant 36 : i32
    return
  }
}

module attributes {stable_mosaic.version = 14 : i64} {
  func.func @body(%arg0: i32, %arg1: memref<8192x8xf32, #tpu.memory_space<vmem>>, %arg2: memref<8x64xf32, #tpu.memory_space<vmem>>, %arg3: memref<8x128xf32, #tpu.memory_space<vmem>>) attributes {dimension_semantics = [#tpu.dimension_semantics<arbitrary>], iteration_bounds = array<i64: 68>, scalar_prefetch = 0 : i64, scratch_operands = 0 : i64, tpu.core_type = #tpu.core_type<tc>, window_params = [{transform_indices = @transform_0, window_bounds = array<i64: 8192, 8>}, {pipeline_mode = #tpu.pipeline_mode<synchronous>, transform_indices = @transform_1, window_bounds = array<i64: 8, 64>}, {pipeline_mode = #tpu.pipeline_mode<synchronous>, transform_indices = @transform_2, window_bounds = array<i64: 8, 128>}]} {
    %get3A = arith.constant 0 : index
    %get3A_0 = arith.constant 0 : index
    %get3A_1 = vector.load %arg1[%get3A, %get3A_0] : memref<8192x8xf32, #tpu.memory_space<vmem>>, vector<8192x8xf32>
    %get3A_2 = arith.constant 0 : index
    %get3A_3 = arith.constant 0 : index
    %get3A_4 = vector.load %arg2[%get3A_2, %get3A_3] : memref<8x64xf32, #tpu.memory_space<vmem>>, vector<8x64xf32>
    %dot_general3A = arith.constant dense<0.000000e+00> : vector<8192x64xf32>
    %dot_general3A_5 = tpu.matmul %get3A_1, %get3A_4, %dot_general3A {dimension_numbers = #tpu.dot_dimension_numbers<[1], [0], [0], [1], [0, 0, 1, 1], [], []>, transpose_lhs_hint = false} : vector<8192x8xf32>, vector<8x64xf32>, vector<8192x64xf32> -> vector<8192x64xf32>
    %get3A_6 = arith.constant 0 : index
    %get3A_7 = arith.constant 0 : index
    %get3A_8 = vector.load %arg1[%get3A_6, %get3A_7] : memref<8192x8xf32, #tpu.memory_space<vmem>>, vector<8192x8xf32>
    %slice3A = vector.extract_strided_slice %get3A_8 {offsets = [0, 4], sizes = [8192, 1], strides = [1, 1]} : vector<8192x8xf32> to vector<8192x1xf32>
    %mul3A = vector.broadcast %slice3A : vector<8192x1xf32> to vector<8192x64xf32>
    %mul3A_9 = arith.mulf %dot_general3A_5, %mul3A : vector<8192x64xf32>
    %reduce_sum3A = arith.constant dense<0.000000e+00> : vector<64xf32>
    %reduce_sum3A_10 = vector.multi_reduction <add>, %mul3A_9, %reduce_sum3A [0] : vector<8192x64xf32> to vector<64xf32>
    %mul3A_11 = arith.mulf %dot_general3A_5, %dot_general3A_5 : vector<8192x64xf32>
    %mul3A_12 = vector.broadcast %slice3A : vector<8192x1xf32> to vector<8192x64xf32>
    %mul3A_13 = arith.mulf %mul3A_11, %mul3A_12 : vector<8192x64xf32>
    %reduce_sum3A_14 = arith.constant dense<0.000000e+00> : vector<64xf32>
    %reduce_sum3A_15 = vector.multi_reduction <add>, %mul3A_13, %reduce_sum3A_14 [0] : vector<8192x64xf32> to vector<64xf32>
    %reduce_sum3A_16 = vector.shape_cast %slice3A : vector<8192x1xf32> to vector<1x8192x1xf32>
    %reduce_sum3A_17 = arith.constant dense<0.000000e+00> : vector<1xf32>
    %reduce_sum3A_18 = vector.multi_reduction <add>, %reduce_sum3A_16, %reduce_sum3A_17 [1, 2] : vector<1x8192x1xf32> to vector<1xf32>
    %reduce_sum3A_19 = vector.shape_cast %reduce_sum3A_18 : vector<1xf32> to vector<1x1x1xf32>
    %reduce_sum3A_20 = vector.extract %reduce_sum3A_19[0, 0, 0] : f32 from vector<1x1x1xf32>
    %jit3A = arith.constant 0 : i32
    %convert_element_type3A = arith.sitofp %jit3A : i32 to f32
    %pad3A = vector.broadcast %convert_element_type3A : f32 to vector<64xf32>
    %pad3A_21 = tpu.concatenate %reduce_sum3A_10, %pad3A in 0 : vector<64xf32>, vector<64xf32> -> vector<128xf32>
    %broadcast_in_dim3A = vector.shape_cast %pad3A_21 : vector<128xf32> to vector<1x128xf32>
    %broadcast_in_dim3A_22 = vector.broadcast %broadcast_in_dim3A : vector<1x128xf32> to vector<8x128xf32>
    %jit3A_23 = arith.constant 0 : i32
    %convert_element_type3A_24 = arith.sitofp %jit3A_23 : i32 to f32
    %pad3A_25 = vector.broadcast %convert_element_type3A_24 : f32 to vector<64xf32>
    %pad3A_26 = tpu.concatenate %reduce_sum3A_15, %pad3A_25 in 0 : vector<64xf32>, vector<64xf32> -> vector<128xf32>
    %broadcast_in_dim3A_27 = vector.shape_cast %pad3A_26 : vector<128xf32> to vector<1x128xf32>
    %broadcast_in_dim3A_28 = vector.broadcast %broadcast_in_dim3A_27 : vector<1x128xf32> to vector<8x128xf32>
    %iota3A = tpu.iota {dimensions = array<i32: 0>} : vector<8x128xi32>
    %iota3A_29 = tpu.iota {dimensions = array<i32: 1>} : vector<8x128xi32>
    %eq3A = arith.constant 0 : i32
    %eq3A_30 = vector.broadcast %eq3A : i32 to vector<8x128xi32>
    %eq3A_31 = arith.cmpi eq, %iota3A, %eq3A_30 : vector<8x128xi32>
    %jit3A_32 = arith.constant 0.000000e+00 : f32
    %broadcast_in_dim3A_33 = vector.broadcast %jit3A_32 : f32 to vector<8x128xf32>
    %select_n3A = arith.select %eq3A_31, %broadcast_in_dim3A_22, %broadcast_in_dim3A_33 : vector<8x128xi1>, vector<8x128xf32>
    %eq3A_34 = arith.constant 1 : i32
    %eq3A_35 = vector.broadcast %eq3A_34 : i32 to vector<8x128xi32>
    %eq3A_36 = arith.cmpi eq, %iota3A, %eq3A_35 : vector<8x128xi32>
    %jit3A_37 = arith.constant 0.000000e+00 : f32
    %broadcast_in_dim3A_38 = vector.broadcast %jit3A_37 : f32 to vector<8x128xf32>
    %select_n3A_39 = arith.select %eq3A_36, %broadcast_in_dim3A_28, %broadcast_in_dim3A_38 : vector<8x128xi1>, vector<8x128xf32>
    %add3A = arith.addf %select_n3A, %select_n3A_39 : vector<8x128xf32>
    %eq3A_40 = arith.constant 2 : i32
    %eq3A_41 = vector.broadcast %eq3A_40 : i32 to vector<8x128xi32>
    %eq3A_42 = arith.cmpi eq, %iota3A, %eq3A_41 : vector<8x128xi32>
    %eq3A_43 = arith.constant 0 : i32
    %eq3A_44 = vector.broadcast %eq3A_43 : i32 to vector<8x128xi32>
    %eq3A_45 = arith.cmpi eq, %iota3A_29, %eq3A_44 : vector<8x128xi32>
    %and3A = arith.andi %eq3A_42, %eq3A_45 : vector<8x128xi1>
    %jit3A_46 = arith.constant 0.000000e+00 : f32
    %broadcast_in_dim3A_47 = vector.broadcast %reduce_sum3A_20 : f32 to vector<8x128xf32>
    %broadcast_in_dim3A_48 = vector.broadcast %jit3A_46 : f32 to vector<8x128xf32>
    %select_n3A_49 = arith.select %and3A, %broadcast_in_dim3A_47, %broadcast_in_dim3A_48 : vector<8x128xi1>, vector<8x128xf32>
    %add3A_50 = arith.addf %add3A, %select_n3A_49 : vector<8x128xf32>
    %eq3A_51 = arith.constant 0 : i32
    %eq3A_52 = arith.cmpi eq, %arg0, %eq3A_51 : i32
    %convert_element_type3A_53 = arith.extui %eq3A_52 : i1 to i32
    %cond3A = arith.constant 0 : i32
    %cond3A_54 = arith.cmpi ne, %convert_element_type3A_53, %cond3A : i32
    scf.if %cond3A_54 {
      %broadcast_in_dim3A_61 = arith.constant 0.000000e+00 : f32
      %broadcast_in_dim3A_62 = vector.broadcast %broadcast_in_dim3A_61 : f32 to vector<8x128xf32>
      %swap3A_63 = arith.constant 0 : index
      %swap3A_64 = arith.constant 0 : index
      %swap3A_65 = vector.load %arg3[%swap3A_63, %swap3A_64] : memref<8x128xf32, #tpu.memory_space<vmem>>, vector<8x128xf32>
      tpu.vector_store %arg3[%swap3A_63, %swap3A_64], %broadcast_in_dim3A_62 {strides = array<i32>} : memref<8x128xf32, #tpu.memory_space<vmem>>, vector<8x128xf32>,
    } else {
    }
    %get3A_55 = arith.constant 0 : index
    %get3A_56 = arith.constant 0 : index
    %get3A_57 = vector.load %arg3[%get3A_55, %get3A_56] : memref<8x128xf32, #tpu.memory_space<vmem>>, vector<8x128xf32>
    %add3A_58 = arith.addf %get3A_57, %add3A_50 : vector<8x128xf32>
    %swap3A = arith.constant 0 : index
    %swap3A_59 = arith.constant 0 : index
    %swap3A_60 = vector.load %arg3[%swap3A, %swap3A_59] : memref<8x128xf32, #tpu.memory_space<vmem>>, vector<8x128xf32>
    tpu.vector_store %arg3[%swap3A, %swap3A_59], %add3A_58 {strides = array<i32>} : memref<8x128xf32, #tpu.memory_space<vmem>>, vector<8x128xf32>,
    return
  }
  func.func @transform_0(%arg0: i32) -> (i32, i32) {
    %c0_i32 = arith.constant 0 : i32
    %c0_i32_0 = arith.constant 0 : i32
    return %arg0, %c0_i32 : i32, i32
  }
  func.func @transform_1(%arg0: i32) -> (i32, i32) {
    %c0_i32 = arith.constant 0 : i32
    %c0_i32_0 = arith.constant 0 : i32
    %c0_i32_1 = arith.constant 0 : i32
    return %c0_i32, %c0_i32_0 : i32, i32
  }
  func.func @transform_2(%arg0: i32) -> (i32, i32) {
    %c0_i32 = arith.constant 0 : i32
    %c0_i32_0 = arith.constant 0 : i32
    %c0_i32_1 = arith.constant 0 : i32
    return %c0_i32, %c0_i32_0 : i32, i32
  }
}

module attributes {stable_mosaic.version = 14 : i64} {
  func.func @body(%arg0: i32, %arg1: memref<8192x8xf32, #tpu.memory_space<vmem>>, %arg2: memref<8x64xf32, #tpu.memory_space<vmem>>, %arg3: memref<8x64xf32, #tpu.memory_space<vmem>>, %arg4: memref<64x64xf32, #tpu.memory_space<vmem>>, %arg5: memref<8x64xf32, #tpu.memory_space<vmem>>, %arg6: memref<8x128xf32, #tpu.memory_space<vmem>>) attributes {dimension_semantics = [#tpu.dimension_semantics<arbitrary>], iteration_bounds = array<i64: 68>, scalar_prefetch = 0 : i64, scratch_operands = 0 : i64, tpu.core_type = #tpu.core_type<tc>, window_params = [{transform_indices = @transform_0, window_bounds = array<i64: 8192, 8>}, {pipeline_mode = #tpu.pipeline_mode<synchronous>, transform_indices = @transform_1, window_bounds = array<i64: 8, 64>}, {pipeline_mode = #tpu.pipeline_mode<synchronous>, transform_indices = @transform_2, window_bounds = array<i64: 8, 64>}, {pipeline_mode = #tpu.pipeline_mode<synchronous>, transform_indices = @transform_3, window_bounds = array<i64: 64, 64>}, {pipeline_mode = #tpu.pipeline_mode<synchronous>, transform_indices = @transform_4, window_bounds = array<i64: 8, 64>}, {pipeline_mode = #tpu.pipeline_mode<synchronous>, transform_indices = @transform_5, window_bounds = array<i64: 8, 128>}]} {
    %get3A = arith.constant 0 : index
    %get3A_0 = arith.constant 0 : index
    %get3A_1 = vector.load %arg1[%get3A, %get3A_0] : memref<8192x8xf32, #tpu.memory_space<vmem>>, vector<8192x8xf32>
    %get3A_2 = arith.constant 0 : index
    %get3A_3 = arith.constant 0 : index
    %get3A_4 = vector.load %arg2[%get3A_2, %get3A_3] : memref<8x64xf32, #tpu.memory_space<vmem>>, vector<8x64xf32>
    %dot_general3A = arith.constant dense<0.000000e+00> : vector<8192x64xf32>
    %dot_general3A_5 = tpu.matmul %get3A_1, %get3A_4, %dot_general3A {dimension_numbers = #tpu.dot_dimension_numbers<[1], [0], [0], [1], [0, 0, 1, 1], [], []>, transpose_lhs_hint = false} : vector<8192x8xf32>, vector<8x64xf32>, vector<8192x64xf32> -> vector<8192x64xf32>
    %get3A_6 = arith.constant 0 : index
    %get3A_7 = arith.constant 0 : index
    %get3A_8 = vector.load %arg3[%get3A_6, %get3A_7] : memref<8x64xf32, #tpu.memory_space<vmem>>, vector<8x64xf32>
    %slice3A = vector.extract_strided_slice %get3A_8 {offsets = [0, 0], sizes = [1, 64], strides = [1, 1]} : vector<8x64xf32> to vector<1x64xf32>
    %mul3A = vector.broadcast %slice3A : vector<1x64xf32> to vector<8192x64xf32>
    %mul3A_9 = arith.mulf %dot_general3A_5, %mul3A : vector<8192x64xf32>
    %slice3A_10 = vector.extract_strided_slice %get3A_8 {offsets = [1, 0], sizes = [1, 64], strides = [1, 1]} : vector<8x64xf32> to vector<1x64xf32>
    %add3A = vector.broadcast %slice3A_10 : vector<1x64xf32> to vector<8192x64xf32>
    %add3A_11 = arith.addf %mul3A_9, %add3A : vector<8192x64xf32>
    %max3A = arith.constant 0.000000e+00 : f32
    %max3A_12 = vector.broadcast %max3A : f32 to vector<8192x64xf32>
    %max3A_13 = arith.maximumf %add3A_11, %max3A_12 : vector<8192x64xf32>
    %get3A_14 = arith.constant 0 : index
    %get3A_15 = arith.constant 0 : index
    %get3A_16 = vector.load %arg4[%get3A_14, %get3A_15] : memref<64x64xf32, #tpu.memory_space<vmem>>, vector<64x64xf32>
    %dot_general3A_17 = arith.constant dense<0.000000e+00> : vector<8192x64xf32>
    %dot_general3A_18 = tpu.matmul %max3A_13, %get3A_16, %dot_general3A_17 {dimension_numbers = #tpu.dot_dimension_numbers<[1], [0], [0], [1], [0, 0, 1, 1], [], []>, transpose_lhs_hint = false} : vector<8192x64xf32>, vector<64x64xf32>, vector<8192x64xf32> -> vector<8192x64xf32>
    %get3A_19 = arith.constant 0 : index
    %get3A_20 = arith.constant 0 : index
    %get3A_21 = vector.load %arg5[%get3A_19, %get3A_20] : memref<8x64xf32, #tpu.memory_space<vmem>>, vector<8x64xf32>
    %slice3A_22 = vector.extract_strided_slice %get3A_21 {offsets = [0, 0], sizes = [1, 64], strides = [1, 1]} : vector<8x64xf32> to vector<1x64xf32>
    %add3A_23 = vector.broadcast %slice3A_22 : vector<1x64xf32> to vector<8192x64xf32>
    %add3A_24 = arith.addf %dot_general3A_18, %add3A_23 : vector<8192x64xf32>
    %get3A_25 = arith.constant 0 : index
    %get3A_26 = arith.constant 0 : index
    %get3A_27 = vector.load %arg1[%get3A_25, %get3A_26] : memref<8192x8xf32, #tpu.memory_space<vmem>>, vector<8192x8xf32>
    %slice3A_28 = vector.extract_strided_slice %get3A_27 {offsets = [0, 4], sizes = [8192, 1], strides = [1, 1]} : vector<8192x8xf32> to vector<8192x1xf32>
    %mul3A_29 = vector.broadcast %slice3A_28 : vector<8192x1xf32> to vector<8192x64xf32>
    %mul3A_30 = arith.mulf %add3A_24, %mul3A_29 : vector<8192x64xf32>
    %reduce_sum3A = arith.constant dense<0.000000e+00> : vector<64xf32>
    %reduce_sum3A_31 = vector.multi_reduction <add>, %mul3A_30, %reduce_sum3A [0] : vector<8192x64xf32> to vector<64xf32>
    %mul3A_32 = arith.mulf %add3A_24, %add3A_24 : vector<8192x64xf32>
    %mul3A_33 = vector.broadcast %slice3A_28 : vector<8192x1xf32> to vector<8192x64xf32>
    %mul3A_34 = arith.mulf %mul3A_32, %mul3A_33 : vector<8192x64xf32>
    %reduce_sum3A_35 = arith.constant dense<0.000000e+00> : vector<64xf32>
    %reduce_sum3A_36 = vector.multi_reduction <add>, %mul3A_34, %reduce_sum3A_35 [0] : vector<8192x64xf32> to vector<64xf32>
    %reduce_sum3A_37 = vector.shape_cast %slice3A_28 : vector<8192x1xf32> to vector<1x8192x1xf32>
    %reduce_sum3A_38 = arith.constant dense<0.000000e+00> : vector<1xf32>
    %reduce_sum3A_39 = vector.multi_reduction <add>, %reduce_sum3A_37, %reduce_sum3A_38 [1, 2] : vector<1x8192x1xf32> to vector<1xf32>
    %reduce_sum3A_40 = vector.shape_cast %reduce_sum3A_39 : vector<1xf32> to vector<1x1x1xf32>
    %reduce_sum3A_41 = vector.extract %reduce_sum3A_40[0, 0, 0] : f32 from vector<1x1x1xf32>
    %jit3A = arith.constant 0 : i32
    %convert_element_type3A = arith.sitofp %jit3A : i32 to f32
    %pad3A = vector.broadcast %convert_element_type3A : f32 to vector<64xf32>
    %pad3A_42 = tpu.concatenate %reduce_sum3A_31, %pad3A in 0 : vector<64xf32>, vector<64xf32> -> vector<128xf32>
    %broadcast_in_dim3A = vector.shape_cast %pad3A_42 : vector<128xf32> to vector<1x128xf32>
    %broadcast_in_dim3A_43 = vector.broadcast %broadcast_in_dim3A : vector<1x128xf32> to vector<8x128xf32>
    %jit3A_44 = arith.constant 0 : i32
    %convert_element_type3A_45 = arith.sitofp %jit3A_44 : i32 to f32
    %pad3A_46 = vector.broadcast %convert_element_type3A_45 : f32 to vector<64xf32>
    %pad3A_47 = tpu.concatenate %reduce_sum3A_36, %pad3A_46 in 0 : vector<64xf32>, vector<64xf32> -> vector<128xf32>
    %broadcast_in_dim3A_48 = vector.shape_cast %pad3A_47 : vector<128xf32> to vector<1x128xf32>
    %broadcast_in_dim3A_49 = vector.broadcast %broadcast_in_dim3A_48 : vector<1x128xf32> to vector<8x128xf32>
    %iota3A = tpu.iota {dimensions = array<i32: 0>} : vector<8x128xi32>
    %iota3A_50 = tpu.iota {dimensions = array<i32: 1>} : vector<8x128xi32>
    %eq3A = arith.constant 0 : i32
    %eq3A_51 = vector.broadcast %eq3A : i32 to vector<8x128xi32>
    %eq3A_52 = arith.cmpi eq, %iota3A, %eq3A_51 : vector<8x128xi32>
    %jit3A_53 = arith.constant 0.000000e+00 : f32
    %broadcast_in_dim3A_54 = vector.broadcast %jit3A_53 : f32 to vector<8x128xf32>
    %select_n3A = arith.select %eq3A_52, %broadcast_in_dim3A_43, %broadcast_in_dim3A_54 : vector<8x128xi1>, vector<8x128xf32>
    %eq3A_55 = arith.constant 1 : i32
    %eq3A_56 = vector.broadcast %eq3A_55 : i32 to vector<8x128xi32>
    %eq3A_57 = arith.cmpi eq, %iota3A, %eq3A_56 : vector<8x128xi32>
    %jit3A_58 = arith.constant 0.000000e+00 : f32
    %broadcast_in_dim3A_59 = vector.broadcast %jit3A_58 : f32 to vector<8x128xf32>
    %select_n3A_60 = arith.select %eq3A_57, %broadcast_in_dim3A_49, %broadcast_in_dim3A_59 : vector<8x128xi1>, vector<8x128xf32>
    %add3A_61 = arith.addf %select_n3A, %select_n3A_60 : vector<8x128xf32>
    %eq3A_62 = arith.constant 2 : i32
    %eq3A_63 = vector.broadcast %eq3A_62 : i32 to vector<8x128xi32>
    %eq3A_64 = arith.cmpi eq, %iota3A, %eq3A_63 : vector<8x128xi32>
    %eq3A_65 = arith.constant 0 : i32
    %eq3A_66 = vector.broadcast %eq3A_65 : i32 to vector<8x128xi32>
    %eq3A_67 = arith.cmpi eq, %iota3A_50, %eq3A_66 : vector<8x128xi32>
    %and3A = arith.andi %eq3A_64, %eq3A_67 : vector<8x128xi1>
    %jit3A_68 = arith.constant 0.000000e+00 : f32
    %broadcast_in_dim3A_69 = vector.broadcast %reduce_sum3A_41 : f32 to vector<8x128xf32>
    %broadcast_in_dim3A_70 = vector.broadcast %jit3A_68 : f32 to vector<8x128xf32>
    %select_n3A_71 = arith.select %and3A, %broadcast_in_dim3A_69, %broadcast_in_dim3A_70 : vector<8x128xi1>, vector<8x128xf32>
    %add3A_72 = arith.addf %add3A_61, %select_n3A_71 : vector<8x128xf32>
    %eq3A_73 = arith.constant 0 : i32
    %eq3A_74 = arith.cmpi eq, %arg0, %eq3A_73 : i32
    %convert_element_type3A_75 = arith.extui %eq3A_74 : i1 to i32
    %cond3A = arith.constant 0 : i32
    %cond3A_76 = arith.cmpi ne, %convert_element_type3A_75, %cond3A : i32
    scf.if %cond3A_76 {
      %broadcast_in_dim3A_83 = arith.constant 0.000000e+00 : f32
      %broadcast_in_dim3A_84 = vector.broadcast %broadcast_in_dim3A_83 : f32 to vector<8x128xf32>
      %swap3A_85 = arith.constant 0 : index
      %swap3A_86 = arith.constant 0 : index
      %swap3A_87 = vector.load %arg6[%swap3A_85, %swap3A_86] : memref<8x128xf32, #tpu.memory_space<vmem>>, vector<8x128xf32>
      tpu.vector_store %arg6[%swap3A_85, %swap3A_86], %broadcast_in_dim3A_84 {strides = array<i32>} : memref<8x128xf32, #tpu.memory_space<vmem>>, vector<8x128xf32>,
    } else {
    }
    %get3A_77 = arith.constant 0 : index
    %get3A_78 = arith.constant 0 : index
    %get3A_79 = vector.load %arg6[%get3A_77, %get3A_78] : memref<8x128xf32, #tpu.memory_space<vmem>>, vector<8x128xf32>
    %add3A_80 = arith.addf %get3A_79, %add3A_72 : vector<8x128xf32>
    %swap3A = arith.constant 0 : index
    %swap3A_81 = arith.constant 0 : index
    %swap3A_82 = vector.load %arg6[%swap3A, %swap3A_81] : memref<8x128xf32, #tpu.memory_space<vmem>>, vector<8x128xf32>
    tpu.vector_store %arg6[%swap3A, %swap3A_81], %add3A_80 {strides = array<i32>} : memref<8x128xf32, #tpu.memory_space<vmem>>, vector<8x128xf32>,
    return
  }
  func.func @transform_0(%arg0: i32) -> (i32, i32) {
    %c0_i32 = arith.constant 0 : i32
    %c0_i32_0 = arith.constant 0 : i32
    return %arg0, %c0_i32 : i32, i32
  }
  func.func @transform_1(%arg0: i32) -> (i32, i32) {
    %c0_i32 = arith.constant 0 : i32
    %c0_i32_0 = arith.constant 0 : i32
    %c0_i32_1 = arith.constant 0 : i32
    return %c0_i32, %c0_i32_0 : i32, i32
  }
  func.func @transform_2(%arg0: i32) -> (i32, i32) {
    %c0_i32 = arith.constant 0 : i32
    %c0_i32_0 = arith.constant 0 : i32
    %c0_i32_1 = arith.constant 0 : i32
    return %c0_i32, %c0_i32_0 : i32, i32
  }
  func.func @transform_3(%arg0: i32) -> (i32, i32) {
    %c0_i32 = arith.constant 0 : i32
    %c0_i32_0 = arith.constant 0 : i32
    %c0_i32_1 = arith.constant 0 : i32
    return %c0_i32, %c0_i32_0 : i32, i32
  }
  func.func @transform_4(%arg0: i32) -> (i32, i32) {
    %c0_i32 = arith.constant 0 : i32
    %c0_i32_0 = arith.constant 0 : i32
    %c0_i32_1 = arith.constant 0 : i32
    return %c0_i32, %c0_i32_0 : i32, i32
  }
  func.func @transform_5(%arg0: i32) -> (i32, i32) {
    %c0_i32 = arith.constant 0 : i32
    %c0_i32_0 = arith.constant 0 : i32
    %c0_i32_1 = arith.constant 0 : i32
    return %c0_i32, %c0_i32_0 : i32, i32
  }
}

module attributes {stable_mosaic.version = 14 : i64} {
  func.func @body(%arg0: i32, %arg1: memref<8192x8xf32, #tpu.memory_space<vmem>>, %arg2: memref<8x64xf32, #tpu.memory_space<vmem>>, %arg3: memref<8x64xf32, #tpu.memory_space<vmem>>, %arg4: memref<64x64xf32, #tpu.memory_space<vmem>>, %arg5: memref<8x64xf32, #tpu.memory_space<vmem>>, %arg6: memref<8x64xf32, #tpu.memory_space<vmem>>, %arg7: memref<64x128xf32, #tpu.memory_space<vmem>>, %arg8: memref<8x128xf32, #tpu.memory_space<vmem>>, %arg9: memref<8192x128xf32, #tpu.memory_space<vmem>>) attributes {dimension_semantics = [#tpu.dimension_semantics<arbitrary>], iteration_bounds = array<i64: 68>, scalar_prefetch = 0 : i64, scratch_operands = 0 : i64, tpu.core_type = #tpu.core_type<tc>, window_params = [{transform_indices = @transform_0, window_bounds = array<i64: 8192, 8>}, {pipeline_mode = #tpu.pipeline_mode<synchronous>, transform_indices = @transform_1, window_bounds = array<i64: 8, 64>}, {pipeline_mode = #tpu.pipeline_mode<synchronous>, transform_indices = @transform_2, window_bounds = array<i64: 8, 64>}, {pipeline_mode = #tpu.pipeline_mode<synchronous>, transform_indices = @transform_3, window_bounds = array<i64: 64, 64>}, {pipeline_mode = #tpu.pipeline_mode<synchronous>, transform_indices = @transform_4, window_bounds = array<i64: 8, 64>}, {pipeline_mode = #tpu.pipeline_mode<synchronous>, transform_indices = @transform_5, window_bounds = array<i64: 8, 64>}, {pipeline_mode = #tpu.pipeline_mode<synchronous>, transform_indices = @transform_6, window_bounds = array<i64: 64, 128>}, {pipeline_mode = #tpu.pipeline_mode<synchronous>, transform_indices = @transform_7, window_bounds = array<i64: 8, 128>}, {transform_indices = @transform_8, window_bounds = array<i64: 8192, 128>}]} {
    %get3A = arith.constant 0 : index
    %get3A_0 = arith.constant 0 : index
    %get3A_1 = vector.load %arg1[%get3A, %get3A_0] : memref<8192x8xf32, #tpu.memory_space<vmem>>, vector<8192x8xf32>
    %get3A_2 = arith.constant 0 : index
    %get3A_3 = arith.constant 0 : index
    %get3A_4 = vector.load %arg2[%get3A_2, %get3A_3] : memref<8x64xf32, #tpu.memory_space<vmem>>, vector<8x64xf32>
    %dot_general3A = arith.constant dense<0.000000e+00> : vector<8192x64xf32>
    %dot_general3A_5 = tpu.matmul %get3A_1, %get3A_4, %dot_general3A {dimension_numbers = #tpu.dot_dimension_numbers<[1], [0], [0], [1], [0, 0, 1, 1], [], []>, transpose_lhs_hint = false} : vector<8192x8xf32>, vector<8x64xf32>, vector<8192x64xf32> -> vector<8192x64xf32>
    %get3A_6 = arith.constant 0 : index
    %get3A_7 = arith.constant 0 : index
    %get3A_8 = vector.load %arg3[%get3A_6, %get3A_7] : memref<8x64xf32, #tpu.memory_space<vmem>>, vector<8x64xf32>
    %slice3A = vector.extract_strided_slice %get3A_8 {offsets = [0, 0], sizes = [1, 64], strides = [1, 1]} : vector<8x64xf32> to vector<1x64xf32>
    %mul3A = vector.broadcast %slice3A : vector<1x64xf32> to vector<8192x64xf32>
    %mul3A_9 = arith.mulf %dot_general3A_5, %mul3A : vector<8192x64xf32>
    %slice3A_10 = vector.extract_strided_slice %get3A_8 {offsets = [1, 0], sizes = [1, 64], strides = [1, 1]} : vector<8x64xf32> to vector<1x64xf32>
    %add3A = vector.broadcast %slice3A_10 : vector<1x64xf32> to vector<8192x64xf32>
    %add3A_11 = arith.addf %mul3A_9, %add3A : vector<8192x64xf32>
    %max3A = arith.constant 0.000000e+00 : f32
    %max3A_12 = vector.broadcast %max3A : f32 to vector<8192x64xf32>
    %max3A_13 = arith.maximumf %add3A_11, %max3A_12 : vector<8192x64xf32>
    %get3A_14 = arith.constant 0 : index
    %get3A_15 = arith.constant 0 : index
    %get3A_16 = vector.load %arg4[%get3A_14, %get3A_15] : memref<64x64xf32, #tpu.memory_space<vmem>>, vector<64x64xf32>
    %dot_general3A_17 = arith.constant dense<0.000000e+00> : vector<8192x64xf32>
    %dot_general3A_18 = tpu.matmul %max3A_13, %get3A_16, %dot_general3A_17 {dimension_numbers = #tpu.dot_dimension_numbers<[1], [0], [0], [1], [0, 0, 1, 1], [], []>, transpose_lhs_hint = false} : vector<8192x64xf32>, vector<64x64xf32>, vector<8192x64xf32> -> vector<8192x64xf32>
    %get3A_19 = arith.constant 0 : index
    %get3A_20 = arith.constant 0 : index
    %get3A_21 = vector.load %arg5[%get3A_19, %get3A_20] : memref<8x64xf32, #tpu.memory_space<vmem>>, vector<8x64xf32>
    %slice3A_22 = vector.extract_strided_slice %get3A_21 {offsets = [0, 0], sizes = [1, 64], strides = [1, 1]} : vector<8x64xf32> to vector<1x64xf32>
    %add3A_23 = vector.broadcast %slice3A_22 : vector<1x64xf32> to vector<8192x64xf32>
    %add3A_24 = arith.addf %dot_general3A_18, %add3A_23 : vector<8192x64xf32>
    %get3A_25 = arith.constant 0 : index
    %get3A_26 = arith.constant 0 : index
    %get3A_27 = vector.load %arg6[%get3A_25, %get3A_26] : memref<8x64xf32, #tpu.memory_space<vmem>>, vector<8x64xf32>
    %slice3A_28 = vector.extract_strided_slice %get3A_27 {offsets = [0, 0], sizes = [1, 64], strides = [1, 1]} : vector<8x64xf32> to vector<1x64xf32>
    %mul3A_29 = vector.broadcast %slice3A_28 : vector<1x64xf32> to vector<8192x64xf32>
    %mul3A_30 = arith.mulf %add3A_24, %mul3A_29 : vector<8192x64xf32>
    %slice3A_31 = vector.extract_strided_slice %get3A_27 {offsets = [1, 0], sizes = [1, 64], strides = [1, 1]} : vector<8x64xf32> to vector<1x64xf32>
    %add3A_32 = vector.broadcast %slice3A_31 : vector<1x64xf32> to vector<8192x64xf32>
    %add3A_33 = arith.addf %mul3A_30, %add3A_32 : vector<8192x64xf32>
    %max3A_34 = arith.constant 0.000000e+00 : f32
    %max3A_35 = vector.broadcast %max3A_34 : f32 to vector<8192x64xf32>
    %max3A_36 = arith.maximumf %add3A_33, %max3A_35 : vector<8192x64xf32>
    %get3A_37 = arith.constant 0 : index
    %get3A_38 = arith.constant 0 : index
    %get3A_39 = vector.load %arg7[%get3A_37, %get3A_38] : memref<64x128xf32, #tpu.memory_space<vmem>>, vector<64x128xf32>
    %dot_general3A_40 = arith.constant dense<0.000000e+00> : vector<8192x128xf32>
    %dot_general3A_41 = tpu.matmul %max3A_36, %get3A_39, %dot_general3A_40 {dimension_numbers = #tpu.dot_dimension_numbers<[1], [0], [0], [1], [0, 0, 1, 1], [], []>, transpose_lhs_hint = false} : vector<8192x64xf32>, vector<64x128xf32>, vector<8192x128xf32> -> vector<8192x128xf32>
    %get3A_42 = arith.constant 0 : index
    %get3A_43 = arith.constant 0 : index
    %get3A_44 = vector.load %arg8[%get3A_42, %get3A_43] : memref<8x128xf32, #tpu.memory_space<vmem>>, vector<8x128xf32>
    %slice3A_45 = vector.extract_strided_slice %get3A_44 {offsets = [0, 0], sizes = [1, 128], strides = [1, 1]} : vector<8x128xf32> to vector<1x128xf32>
    %add3A_46 = vector.broadcast %slice3A_45 : vector<1x128xf32> to vector<8192x128xf32>
    %add3A_47 = arith.addf %dot_general3A_41, %add3A_46 : vector<8192x128xf32>
    %get3A_48 = arith.constant 0 : index
    %get3A_49 = arith.constant 0 : index
    %get3A_50 = vector.load %arg1[%get3A_48, %get3A_49] : memref<8192x8xf32, #tpu.memory_space<vmem>>, vector<8192x8xf32>
    %slice3A_51 = vector.extract_strided_slice %get3A_50 {offsets = [0, 4], sizes = [8192, 1], strides = [1, 1]} : vector<8192x8xf32> to vector<8192x1xf32>
    %gt3A = arith.constant 0.000000e+00 : f32
    %gt3A_52 = vector.broadcast %gt3A : f32 to vector<8192x1xf32>
    %gt3A_53 = arith.cmpf ogt, %slice3A_51, %gt3A_52 : vector<8192x1xf32>
    %jit3A = arith.constant 0xFF800000 : f32
    %broadcast_in_dim3A = vector.shape_cast %gt3A_53 : vector<8192x1xi1> to vector<8192x1xi1>
    %broadcast_in_dim3A_54 = vector.broadcast %broadcast_in_dim3A : vector<8192x1xi1> to vector<8192x128xi1>
    %broadcast_in_dim3A_55 = vector.broadcast %jit3A : f32 to vector<8192x128xf32>
    %select_n3A = arith.select %broadcast_in_dim3A_54, %add3A_47, %broadcast_in_dim3A_55 : vector<8192x128xi1>, vector<8192x128xf32>
    %swap3A = arith.constant 0 : index
    %swap3A_56 = arith.constant 0 : index
    %swap3A_57 = vector.load %arg9[%swap3A, %swap3A_56] : memref<8192x128xf32, #tpu.memory_space<vmem>>, vector<8192x128xf32>
    tpu.vector_store %arg9[%swap3A, %swap3A_56], %select_n3A {strides = array<i32>} : memref<8192x128xf32, #tpu.memory_space<vmem>>, vector<8192x128xf32>,
    return
  }
  func.func @transform_0(%arg0: i32) -> (i32, i32) {
    %c0_i32 = arith.constant 0 : i32
    %c0_i32_0 = arith.constant 0 : i32
    return %arg0, %c0_i32 : i32, i32
  }
  func.func @transform_1(%arg0: i32) -> (i32, i32) {
    %c0_i32 = arith.constant 0 : i32
    %c0_i32_0 = arith.constant 0 : i32
    %c0_i32_1 = arith.constant 0 : i32
    return %c0_i32, %c0_i32_0 : i32, i32
  }
  func.func @transform_2(%arg0: i32) -> (i32, i32) {
    %c0_i32 = arith.constant 0 : i32
    %c0_i32_0 = arith.constant 0 : i32
    %c0_i32_1 = arith.constant 0 : i32
    return %c0_i32, %c0_i32_0 : i32, i32
  }
  func.func @transform_3(%arg0: i32) -> (i32, i32) {
    %c0_i32 = arith.constant 0 : i32
    %c0_i32_0 = arith.constant 0 : i32
    %c0_i32_1 = arith.constant 0 : i32
    return %c0_i32, %c0_i32_0 : i32, i32
  }
  func.func @transform_4(%arg0: i32) -> (i32, i32) {
    %c0_i32 = arith.constant 0 : i32
    %c0_i32_0 = arith.constant 0 : i32
    %c0_i32_1 = arith.constant 0 : i32
    return %c0_i32, %c0_i32_0 : i32, i32
  }
  func.func @transform_5(%arg0: i32) -> (i32, i32) {
    %c0_i32 = arith.constant 0 : i32
    %c0_i32_0 = arith.constant 0 : i32
    %c0_i32_1 = arith.constant 0 : i32
    return %c0_i32, %c0_i32_0 : i32, i32
  }
  func.func @transform_6(%arg0: i32) -> (i32, i32) {
    %c0_i32 = arith.constant 0 : i32
    %c0_i32_0 = arith.constant 0 : i32
    %c0_i32_1 = arith.constant 0 : i32
    return %c0_i32, %c0_i32_0 : i32, i32
  }
  func.func @transform_7(%arg0: i32) -> (i32, i32) {
    %c0_i32 = arith.constant 0 : i32
    %c0_i32_0 = arith.constant 0 : i32
    %c0_i32_1 = arith.constant 0 : i32
    return %c0_i32, %c0_i32_0 : i32, i32
  }
  func.func @transform_8(%arg0: i32) -> (i32, i32) {
    %c0_i32 = arith.constant 0 : i32
    %c0_i32_0 = arith.constant 0 : i32
    return %arg0, %c0_i32 : i32, i32
  }
}

module attributes {stable_mosaic.version = 14 : i64} {
  func.func @body(%arg0: i32, %arg1: memref<256x64x128xf32, #tpu.memory_space<vmem>>, %arg2: memref<256x128xf32, #tpu.memory_space<vmem>>) attributes {dimension_semantics = [#tpu.dimension_semantics<arbitrary>], iteration_bounds = array<i64: 34>, scalar_prefetch = 0 : i64, scratch_operands = 0 : i64, tpu.core_type = #tpu.core_type<tc>, window_params = [{transform_indices = @transform_0, window_bounds = array<i64: 256, 64, 128>}, {transform_indices = @transform_1, window_bounds = array<i64: 256, 128>}]} {
    %get3A = arith.constant 0 : index
    %get3A_0 = arith.constant 0 : index
    %get3A_1 = arith.constant 0 : index
    %get3A_2 = vector.load %arg1[%get3A, %get3A_0, %get3A_1] : memref<256x64x128xf32, #tpu.memory_space<vmem>>, vector<256x64x128xf32>
    %reduce_max3A = arith.constant dense<0xFF800000> : vector<256x128xf32>
    %reduce_max3A_3 = vector.multi_reduction <maximumf>, %get3A_2, %reduce_max3A [1] : vector<256x64x128xf32> to vector<256x128xf32>
    %gt3A = arith.constant 0xFF800000 : f32
    %gt3A_4 = vector.broadcast %gt3A : f32 to vector<256x128xf32>
    %gt3A_5 = arith.cmpf ogt, %reduce_max3A_3, %gt3A_4 : vector<256x128xf32>
    %jit3A = arith.constant 0.000000e+00 : f32
    %broadcast_in_dim3A = vector.broadcast %jit3A : f32 to vector<256x128xf32>
    %select_n3A = arith.select %gt3A_5, %reduce_max3A_3, %broadcast_in_dim3A : vector<256x128xi1>, vector<256x128xf32>
    %swap3A = arith.constant 0 : index
    %swap3A_6 = arith.constant 0 : index
    %swap3A_7 = vector.load %arg2[%swap3A, %swap3A_6] : memref<256x128xf32, #tpu.memory_space<vmem>>, vector<256x128xf32>
    tpu.vector_store %arg2[%swap3A, %swap3A_6], %select_n3A {strides = array<i32>} : memref<256x128xf32, #tpu.memory_space<vmem>>, vector<256x128xf32>,
    return
  }
  func.func @transform_0(%arg0: i32) -> (i32, i32, i32) {
    %c0_i32 = arith.constant 0 : i32
    %c0_i32_0 = arith.constant 0 : i32
    %c0_i32_1 = arith.constant 0 : i32
    return %arg0, %c0_i32, %c0_i32_0 : i32, i32, i32
  }
  func.func @transform_1(%arg0: i32) -> (i32, i32) {
    %c0_i32 = arith.constant 0 : i32
    %c0_i32_0 = arith.constant 0 : i32
    return %arg0, %c0_i32 : i32, i32
  }
}

module attributes {stable_mosaic.version = 14 : i64} {
  func.func @body(%arg0: i32, %arg1: memref<4096x8xf32, #tpu.memory_space<vmem>>, %arg2: memref<4096x128xf32, #tpu.memory_space<vmem>>, %arg3: memref<8x128xf32, #tpu.memory_space<vmem>>, %arg4: memref<128x128xf32, #tpu.memory_space<vmem>>, %arg5: memref<8x128xf32, #tpu.memory_space<vmem>>) attributes {dimension_semantics = [#tpu.dimension_semantics<arbitrary>], iteration_bounds = array<i64: 36>, scalar_prefetch = 0 : i64, scratch_operands = 0 : i64, tpu.core_type = #tpu.core_type<tc>, window_params = [{transform_indices = @transform_0, window_bounds = array<i64: 4096, 8>}, {transform_indices = @transform_1, window_bounds = array<i64: 4096, 128>}, {pipeline_mode = #tpu.pipeline_mode<synchronous>, transform_indices = @transform_2, window_bounds = array<i64: 8, 128>}, {pipeline_mode = #tpu.pipeline_mode<synchronous>, transform_indices = @transform_3, window_bounds = array<i64: 128, 128>}, {pipeline_mode = #tpu.pipeline_mode<synchronous>, transform_indices = @transform_4, window_bounds = array<i64: 8, 128>}]} {
    %get3A = arith.constant 0 : index
    %get3A_0 = arith.constant 0 : index
    %get3A_1 = vector.load %arg1[%get3A, %get3A_0] : memref<4096x8xf32, #tpu.memory_space<vmem>>, vector<4096x8xf32>
    %get3A_2 = arith.constant 0 : index
    %get3A_3 = arith.constant 0 : index
    %get3A_4 = vector.load %arg3[%get3A_2, %get3A_3] : memref<8x128xf32, #tpu.memory_space<vmem>>, vector<8x128xf32>
    %dot_general3A = arith.constant dense<0.000000e+00> : vector<4096x128xf32>
    %dot_general3A_5 = tpu.matmul %get3A_1, %get3A_4, %dot_general3A {dimension_numbers = #tpu.dot_dimension_numbers<[1], [0], [0], [1], [0, 0, 1, 1], [], []>, transpose_lhs_hint = false} : vector<4096x8xf32>, vector<8x128xf32>, vector<4096x128xf32> -> vector<4096x128xf32>
    %get3A_6 = arith.constant 0 : index
    %get3A_7 = arith.constant 0 : index
    %get3A_8 = vector.load %arg2[%get3A_6, %get3A_7] : memref<4096x128xf32, #tpu.memory_space<vmem>>, vector<4096x128xf32>
    %get3A_9 = arith.constant 0 : index
    %get3A_10 = arith.constant 0 : index
    %get3A_11 = vector.load %arg4[%get3A_9, %get3A_10] : memref<128x128xf32, #tpu.memory_space<vmem>>, vector<128x128xf32>
    %dot_general3A_12 = arith.constant dense<0.000000e+00> : vector<4096x128xf32>
    %dot_general3A_13 = tpu.matmul %get3A_8, %get3A_11, %dot_general3A_12 {dimension_numbers = #tpu.dot_dimension_numbers<[1], [0], [0], [1], [0, 0, 1, 1], [], []>, transpose_lhs_hint = false} : vector<4096x128xf32>, vector<128x128xf32>, vector<4096x128xf32> -> vector<4096x128xf32>
    %add3A = arith.addf %dot_general3A_5, %dot_general3A_13 : vector<4096x128xf32>
    %get3A_14 = arith.constant 0 : index
    %get3A_15 = arith.constant 0 : index
    %get3A_16 = vector.load %arg1[%get3A_14, %get3A_15] : memref<4096x8xf32, #tpu.memory_space<vmem>>, vector<4096x8xf32>
    %slice3A = vector.extract_strided_slice %get3A_16 {offsets = [0, 4], sizes = [4096, 1], strides = [1, 1]} : vector<4096x8xf32> to vector<4096x1xf32>
    %mul3A = vector.broadcast %slice3A : vector<4096x1xf32> to vector<4096x128xf32>
    %mul3A_17 = arith.mulf %add3A, %mul3A : vector<4096x128xf32>
    %reduce_sum3A = arith.constant dense<0.000000e+00> : vector<128xf32>
    %reduce_sum3A_18 = vector.multi_reduction <add>, %mul3A_17, %reduce_sum3A [0] : vector<4096x128xf32> to vector<128xf32>
    %mul3A_19 = arith.mulf %add3A, %add3A : vector<4096x128xf32>
    %mul3A_20 = vector.broadcast %slice3A : vector<4096x1xf32> to vector<4096x128xf32>
    %mul3A_21 = arith.mulf %mul3A_19, %mul3A_20 : vector<4096x128xf32>
    %reduce_sum3A_22 = arith.constant dense<0.000000e+00> : vector<128xf32>
    %reduce_sum3A_23 = vector.multi_reduction <add>, %mul3A_21, %reduce_sum3A_22 [0] : vector<4096x128xf32> to vector<128xf32>
    %reduce_sum3A_24 = vector.shape_cast %slice3A : vector<4096x1xf32> to vector<1x4096x1xf32>
    %reduce_sum3A_25 = arith.constant dense<0.000000e+00> : vector<1xf32>
    %reduce_sum3A_26 = vector.multi_reduction <add>, %reduce_sum3A_24, %reduce_sum3A_25 [1, 2] : vector<1x4096x1xf32> to vector<1xf32>
    %reduce_sum3A_27 = vector.shape_cast %reduce_sum3A_26 : vector<1xf32> to vector<1x1x1xf32>
    %reduce_sum3A_28 = vector.extract %reduce_sum3A_27[0, 0, 0] : f32 from vector<1x1x1xf32>
    %jit3A = arith.constant 0 : i32
    %convert_element_type3A = arith.sitofp %jit3A : i32 to f32
    %broadcast_in_dim3A = vector.shape_cast %reduce_sum3A_18 : vector<128xf32> to vector<1x128xf32>
    %broadcast_in_dim3A_29 = vector.broadcast %broadcast_in_dim3A : vector<1x128xf32> to vector<8x128xf32>
    %jit3A_30 = arith.constant 0 : i32
    %convert_element_type3A_31 = arith.sitofp %jit3A_30 : i32 to f32
    %broadcast_in_dim3A_32 = vector.shape_cast %reduce_sum3A_23 : vector<128xf32> to vector<1x128xf32>
    %broadcast_in_dim3A_33 = vector.broadcast %broadcast_in_dim3A_32 : vector<1x128xf32> to vector<8x128xf32>
    %iota3A = tpu.iota {dimensions = array<i32: 0>} : vector<8x128xi32>
    %iota3A_34 = tpu.iota {dimensions = array<i32: 1>} : vector<8x128xi32>
    %eq3A = arith.constant 0 : i32
    %eq3A_35 = vector.broadcast %eq3A : i32 to vector<8x128xi32>
    %eq3A_36 = arith.cmpi eq, %iota3A, %eq3A_35 : vector<8x128xi32>
    %jit3A_37 = arith.constant 0.000000e+00 : f32
    %broadcast_in_dim3A_38 = vector.broadcast %jit3A_37 : f32 to vector<8x128xf32>
    %select_n3A = arith.select %eq3A_36, %broadcast_in_dim3A_29, %broadcast_in_dim3A_38 : vector<8x128xi1>, vector<8x128xf32>
    %eq3A_39 = arith.constant 1 : i32
    %eq3A_40 = vector.broadcast %eq3A_39 : i32 to vector<8x128xi32>
    %eq3A_41 = arith.cmpi eq, %iota3A, %eq3A_40 : vector<8x128xi32>
    %jit3A_42 = arith.constant 0.000000e+00 : f32
    %broadcast_in_dim3A_43 = vector.broadcast %jit3A_42 : f32 to vector<8x128xf32>
    %select_n3A_44 = arith.select %eq3A_41, %broadcast_in_dim3A_33, %broadcast_in_dim3A_43 : vector<8x128xi1>, vector<8x128xf32>
    %add3A_45 = arith.addf %select_n3A, %select_n3A_44 : vector<8x128xf32>
    %eq3A_46 = arith.constant 2 : i32
    %eq3A_47 = vector.broadcast %eq3A_46 : i32 to vector<8x128xi32>
    %eq3A_48 = arith.cmpi eq, %iota3A, %eq3A_47 : vector<8x128xi32>
    %eq3A_49 = arith.constant 0 : i32
    %eq3A_50 = vector.broadcast %eq3A_49 : i32 to vector<8x128xi32>
    %eq3A_51 = arith.cmpi eq, %iota3A_34, %eq3A_50 : vector<8x128xi32>
    %and3A = arith.andi %eq3A_48, %eq3A_51 : vector<8x128xi1>
    %jit3A_52 = arith.constant 0.000000e+00 : f32
    %broadcast_in_dim3A_53 = vector.broadcast %reduce_sum3A_28 : f32 to vector<8x128xf32>
    %broadcast_in_dim3A_54 = vector.broadcast %jit3A_52 : f32 to vector<8x128xf32>
    %select_n3A_55 = arith.select %and3A, %broadcast_in_dim3A_53, %broadcast_in_dim3A_54 : vector<8x128xi1>, vector<8x128xf32>
    %add3A_56 = arith.addf %add3A_45, %select_n3A_55 : vector<8x128xf32>
    %eq3A_57 = arith.constant 0 : i32
    %eq3A_58 = arith.cmpi eq, %arg0, %eq3A_57 : i32
    %convert_element_type3A_59 = arith.extui %eq3A_58 : i1 to i32
    %cond3A = arith.constant 0 : i32
    %cond3A_60 = arith.cmpi ne, %convert_element_type3A_59, %cond3A : i32
    scf.if %cond3A_60 {
      %broadcast_in_dim3A_67 = arith.constant 0.000000e+00 : f32
      %broadcast_in_dim3A_68 = vector.broadcast %broadcast_in_dim3A_67 : f32 to vector<8x128xf32>
      %swap3A_69 = arith.constant 0 : index
      %swap3A_70 = arith.constant 0 : index
      %swap3A_71 = vector.load %arg5[%swap3A_69, %swap3A_70] : memref<8x128xf32, #tpu.memory_space<vmem>>, vector<8x128xf32>
      tpu.vector_store %arg5[%swap3A_69, %swap3A_70], %broadcast_in_dim3A_68 {strides = array<i32>} : memref<8x128xf32, #tpu.memory_space<vmem>>, vector<8x128xf32>,
    } else {
    }
    %get3A_61 = arith.constant 0 : index
    %get3A_62 = arith.constant 0 : index
    %get3A_63 = vector.load %arg5[%get3A_61, %get3A_62] : memref<8x128xf32, #tpu.memory_space<vmem>>, vector<8x128xf32>
    %add3A_64 = arith.addf %get3A_63, %add3A_56 : vector<8x128xf32>
    %swap3A = arith.constant 0 : index
    %swap3A_65 = arith.constant 0 : index
    %swap3A_66 = vector.load %arg5[%swap3A, %swap3A_65] : memref<8x128xf32, #tpu.memory_space<vmem>>, vector<8x128xf32>
    tpu.vector_store %arg5[%swap3A, %swap3A_65], %add3A_64 {strides = array<i32>} : memref<8x128xf32, #tpu.memory_space<vmem>>, vector<8x128xf32>,
    return
  }
  func.func @transform_0(%arg0: i32) -> (i32, i32) {
    %c0_i32 = arith.constant 0 : i32
    %c0_i32_0 = arith.constant 0 : i32
    return %arg0, %c0_i32 : i32, i32
  }
  func.func @transform_1(%arg0: i32) -> (i32, i32) {
    %c0_i32 = arith.constant 0 : i32
    %c0_i32_0 = arith.constant 0 : i32
    return %arg0, %c0_i32 : i32, i32
  }
  func.func @transform_2(%arg0: i32) -> (i32, i32) {
    %c0_i32 = arith.constant 0 : i32
    %c0_i32_0 = arith.constant 0 : i32
    %c0_i32_1 = arith.constant 0 : i32
    return %c0_i32, %c0_i32_0 : i32, i32
  }
  func.func @transform_3(%arg0: i32) -> (i32, i32) {
    %c0_i32 = arith.constant 0 : i32
    %c0_i32_0 = arith.constant 0 : i32
    %c0_i32_1 = arith.constant 0 : i32
    return %c0_i32, %c0_i32_0 : i32, i32
  }
  func.func @transform_4(%arg0: i32) -> (i32, i32) {
    %c0_i32 = arith.constant 0 : i32
    %c0_i32_0 = arith.constant 0 : i32
    %c0_i32_1 = arith.constant 0 : i32
    return %c0_i32, %c0_i32_0 : i32, i32
  }
}

module attributes {stable_mosaic.version = 14 : i64} {
  func.func @body(%arg0: i32, %arg1: memref<4096x8xf32, #tpu.memory_space<vmem>>, %arg2: memref<4096x128xf32, #tpu.memory_space<vmem>>, %arg3: memref<8x128xf32, #tpu.memory_space<vmem>>, %arg4: memref<128x128xf32, #tpu.memory_space<vmem>>, %arg5: memref<8x128xf32, #tpu.memory_space<vmem>>, %arg6: memref<128x128xf32, #tpu.memory_space<vmem>>, %arg7: memref<8x128xf32, #tpu.memory_space<vmem>>, %arg8: memref<8x128xf32, #tpu.memory_space<vmem>>) attributes {dimension_semantics = [#tpu.dimension_semantics<arbitrary>], iteration_bounds = array<i64: 36>, scalar_prefetch = 0 : i64, scratch_operands = 0 : i64, tpu.core_type = #tpu.core_type<tc>, window_params = [{transform_indices = @transform_0, window_bounds = array<i64: 4096, 8>}, {transform_indices = @transform_1, window_bounds = array<i64: 4096, 128>}, {pipeline_mode = #tpu.pipeline_mode<synchronous>, transform_indices = @transform_2, window_bounds = array<i64: 8, 128>}, {pipeline_mode = #tpu.pipeline_mode<synchronous>, transform_indices = @transform_3, window_bounds = array<i64: 128, 128>}, {pipeline_mode = #tpu.pipeline_mode<synchronous>, transform_indices = @transform_4, window_bounds = array<i64: 8, 128>}, {pipeline_mode = #tpu.pipeline_mode<synchronous>, transform_indices = @transform_5, window_bounds = array<i64: 128, 128>}, {pipeline_mode = #tpu.pipeline_mode<synchronous>, transform_indices = @transform_6, window_bounds = array<i64: 8, 128>}, {pipeline_mode = #tpu.pipeline_mode<synchronous>, transform_indices = @transform_7, window_bounds = array<i64: 8, 128>}]} {
    %get3A = arith.constant 0 : index
    %get3A_0 = arith.constant 0 : index
    %get3A_1 = vector.load %arg1[%get3A, %get3A_0] : memref<4096x8xf32, #tpu.memory_space<vmem>>, vector<4096x8xf32>
    %get3A_2 = arith.constant 0 : index
    %get3A_3 = arith.constant 0 : index
    %get3A_4 = vector.load %arg3[%get3A_2, %get3A_3] : memref<8x128xf32, #tpu.memory_space<vmem>>, vector<8x128xf32>
    %dot_general3A = arith.constant dense<0.000000e+00> : vector<4096x128xf32>
    %dot_general3A_5 = tpu.matmul %get3A_1, %get3A_4, %dot_general3A {dimension_numbers = #tpu.dot_dimension_numbers<[1], [0], [0], [1], [0, 0, 1, 1], [], []>, transpose_lhs_hint = false} : vector<4096x8xf32>, vector<8x128xf32>, vector<4096x128xf32> -> vector<4096x128xf32>
    %get3A_6 = arith.constant 0 : index
    %get3A_7 = arith.constant 0 : index
    %get3A_8 = vector.load %arg2[%get3A_6, %get3A_7] : memref<4096x128xf32, #tpu.memory_space<vmem>>, vector<4096x128xf32>
    %get3A_9 = arith.constant 0 : index
    %get3A_10 = arith.constant 0 : index
    %get3A_11 = vector.load %arg4[%get3A_9, %get3A_10] : memref<128x128xf32, #tpu.memory_space<vmem>>, vector<128x128xf32>
    %dot_general3A_12 = arith.constant dense<0.000000e+00> : vector<4096x128xf32>
    %dot_general3A_13 = tpu.matmul %get3A_8, %get3A_11, %dot_general3A_12 {dimension_numbers = #tpu.dot_dimension_numbers<[1], [0], [0], [1], [0, 0, 1, 1], [], []>, transpose_lhs_hint = false} : vector<4096x128xf32>, vector<128x128xf32>, vector<4096x128xf32> -> vector<4096x128xf32>
    %add3A = arith.addf %dot_general3A_5, %dot_general3A_13 : vector<4096x128xf32>
    %get3A_14 = arith.constant 0 : index
    %get3A_15 = arith.constant 0 : index
    %get3A_16 = vector.load %arg5[%get3A_14, %get3A_15] : memref<8x128xf32, #tpu.memory_space<vmem>>, vector<8x128xf32>
    %slice3A = vector.extract_strided_slice %get3A_16 {offsets = [0, 0], sizes = [1, 128], strides = [1, 1]} : vector<8x128xf32> to vector<1x128xf32>
    %mul3A = vector.broadcast %slice3A : vector<1x128xf32> to vector<4096x128xf32>
    %mul3A_17 = arith.mulf %add3A, %mul3A : vector<4096x128xf32>
    %slice3A_18 = vector.extract_strided_slice %get3A_16 {offsets = [1, 0], sizes = [1, 128], strides = [1, 1]} : vector<8x128xf32> to vector<1x128xf32>
    %add3A_19 = vector.broadcast %slice3A_18 : vector<1x128xf32> to vector<4096x128xf32>
    %add3A_20 = arith.addf %mul3A_17, %add3A_19 : vector<4096x128xf32>
    %max3A = arith.constant 0.000000e+00 : f32
    %max3A_21 = vector.broadcast %max3A : f32 to vector<4096x128xf32>
    %max3A_22 = arith.maximumf %add3A_20, %max3A_21 : vector<4096x128xf32>
    %get3A_23 = arith.constant 0 : index
    %get3A_24 = arith.constant 0 : index
    %get3A_25 = vector.load %arg6[%get3A_23, %get3A_24] : memref<128x128xf32, #tpu.memory_space<vmem>>, vector<128x128xf32>
    %dot_general3A_26 = arith.constant dense<0.000000e+00> : vector<4096x128xf32>
    %dot_general3A_27 = tpu.matmul %max3A_22, %get3A_25, %dot_general3A_26 {dimension_numbers = #tpu.dot_dimension_numbers<[1], [0], [0], [1], [0, 0, 1, 1], [], []>, transpose_lhs_hint = false} : vector<4096x128xf32>, vector<128x128xf32>, vector<4096x128xf32> -> vector<4096x128xf32>
    %get3A_28 = arith.constant 0 : index
    %get3A_29 = arith.constant 0 : index
    %get3A_30 = vector.load %arg7[%get3A_28, %get3A_29] : memref<8x128xf32, #tpu.memory_space<vmem>>, vector<8x128xf32>
    %slice3A_31 = vector.extract_strided_slice %get3A_30 {offsets = [0, 0], sizes = [1, 128], strides = [1, 1]} : vector<8x128xf32> to vector<1x128xf32>
    %add3A_32 = vector.broadcast %slice3A_31 : vector<1x128xf32> to vector<4096x128xf32>
    %add3A_33 = arith.addf %dot_general3A_27, %add3A_32 : vector<4096x128xf32>
    %get3A_34 = arith.constant 0 : index
    %get3A_35 = arith.constant 0 : index
    %get3A_36 = vector.load %arg1[%get3A_34, %get3A_35] : memref<4096x8xf32, #tpu.memory_space<vmem>>, vector<4096x8xf32>
    %slice3A_37 = vector.extract_strided_slice %get3A_36 {offsets = [0, 4], sizes = [4096, 1], strides = [1, 1]} : vector<4096x8xf32> to vector<4096x1xf32>
    %mul3A_38 = vector.broadcast %slice3A_37 : vector<4096x1xf32> to vector<4096x128xf32>
    %mul3A_39 = arith.mulf %add3A_33, %mul3A_38 : vector<4096x128xf32>
    %reduce_sum3A = arith.constant dense<0.000000e+00> : vector<128xf32>
    %reduce_sum3A_40 = vector.multi_reduction <add>, %mul3A_39, %reduce_sum3A [0] : vector<4096x128xf32> to vector<128xf32>
    %mul3A_41 = arith.mulf %add3A_33, %add3A_33 : vector<4096x128xf32>
    %mul3A_42 = vector.broadcast %slice3A_37 : vector<4096x1xf32> to vector<4096x128xf32>
    %mul3A_43 = arith.mulf %mul3A_41, %mul3A_42 : vector<4096x128xf32>
    %reduce_sum3A_44 = arith.constant dense<0.000000e+00> : vector<128xf32>
    %reduce_sum3A_45 = vector.multi_reduction <add>, %mul3A_43, %reduce_sum3A_44 [0] : vector<4096x128xf32> to vector<128xf32>
    %reduce_sum3A_46 = vector.shape_cast %slice3A_37 : vector<4096x1xf32> to vector<1x4096x1xf32>
    %reduce_sum3A_47 = arith.constant dense<0.000000e+00> : vector<1xf32>
    %reduce_sum3A_48 = vector.multi_reduction <add>, %reduce_sum3A_46, %reduce_sum3A_47 [1, 2] : vector<1x4096x1xf32> to vector<1xf32>
    %reduce_sum3A_49 = vector.shape_cast %reduce_sum3A_48 : vector<1xf32> to vector<1x1x1xf32>
    %reduce_sum3A_50 = vector.extract %reduce_sum3A_49[0, 0, 0] : f32 from vector<1x1x1xf32>
    %jit3A = arith.constant 0 : i32
    %convert_element_type3A = arith.sitofp %jit3A : i32 to f32
    %broadcast_in_dim3A = vector.shape_cast %reduce_sum3A_40 : vector<128xf32> to vector<1x128xf32>
    %broadcast_in_dim3A_51 = vector.broadcast %broadcast_in_dim3A : vector<1x128xf32> to vector<8x128xf32>
    %jit3A_52 = arith.constant 0 : i32
    %convert_element_type3A_53 = arith.sitofp %jit3A_52 : i32 to f32
    %broadcast_in_dim3A_54 = vector.shape_cast %reduce_sum3A_45 : vector<128xf32> to vector<1x128xf32>
    %broadcast_in_dim3A_55 = vector.broadcast %broadcast_in_dim3A_54 : vector<1x128xf32> to vector<8x128xf32>
    %iota3A = tpu.iota {dimensions = array<i32: 0>} : vector<8x128xi32>
    %iota3A_56 = tpu.iota {dimensions = array<i32: 1>} : vector<8x128xi32>
    %eq3A = arith.constant 0 : i32
    %eq3A_57 = vector.broadcast %eq3A : i32 to vector<8x128xi32>
    %eq3A_58 = arith.cmpi eq, %iota3A, %eq3A_57 : vector<8x128xi32>
    %jit3A_59 = arith.constant 0.000000e+00 : f32
    %broadcast_in_dim3A_60 = vector.broadcast %jit3A_59 : f32 to vector<8x128xf32>
    %select_n3A = arith.select %eq3A_58, %broadcast_in_dim3A_51, %broadcast_in_dim3A_60 : vector<8x128xi1>, vector<8x128xf32>
    %eq3A_61 = arith.constant 1 : i32
    %eq3A_62 = vector.broadcast %eq3A_61 : i32 to vector<8x128xi32>
    %eq3A_63 = arith.cmpi eq, %iota3A, %eq3A_62 : vector<8x128xi32>
    %jit3A_64 = arith.constant 0.000000e+00 : f32
    %broadcast_in_dim3A_65 = vector.broadcast %jit3A_64 : f32 to vector<8x128xf32>
    %select_n3A_66 = arith.select %eq3A_63, %broadcast_in_dim3A_55, %broadcast_in_dim3A_65 : vector<8x128xi1>, vector<8x128xf32>
    %add3A_67 = arith.addf %select_n3A, %select_n3A_66 : vector<8x128xf32>
    %eq3A_68 = arith.constant 2 : i32
    %eq3A_69 = vector.broadcast %eq3A_68 : i32 to vector<8x128xi32>
    %eq3A_70 = arith.cmpi eq, %iota3A, %eq3A_69 : vector<8x128xi32>
    %eq3A_71 = arith.constant 0 : i32
    %eq3A_72 = vector.broadcast %eq3A_71 : i32 to vector<8x128xi32>
    %eq3A_73 = arith.cmpi eq, %iota3A_56, %eq3A_72 : vector<8x128xi32>
    %and3A = arith.andi %eq3A_70, %eq3A_73 : vector<8x128xi1>
    %jit3A_74 = arith.constant 0.000000e+00 : f32
    %broadcast_in_dim3A_75 = vector.broadcast %reduce_sum3A_50 : f32 to vector<8x128xf32>
    %broadcast_in_dim3A_76 = vector.broadcast %jit3A_74 : f32 to vector<8x128xf32>
    %select_n3A_77 = arith.select %and3A, %broadcast_in_dim3A_75, %broadcast_in_dim3A_76 : vector<8x128xi1>, vector<8x128xf32>
    %add3A_78 = arith.addf %add3A_67, %select_n3A_77 : vector<8x128xf32>
    %eq3A_79 = arith.constant 0 : i32
    %eq3A_80 = arith.cmpi eq, %arg0, %eq3A_79 : i32
    %convert_element_type3A_81 = arith.extui %eq3A_80 : i1 to i32
    %cond3A = arith.constant 0 : i32
    %cond3A_82 = arith.cmpi ne, %convert_element_type3A_81, %cond3A : i32
    scf.if %cond3A_82 {
      %broadcast_in_dim3A_89 = arith.constant 0.000000e+00 : f32
      %broadcast_in_dim3A_90 = vector.broadcast %broadcast_in_dim3A_89 : f32 to vector<8x128xf32>
      %swap3A_91 = arith.constant 0 : index
      %swap3A_92 = arith.constant 0 : index
      %swap3A_93 = vector.load %arg8[%swap3A_91, %swap3A_92] : memref<8x128xf32, #tpu.memory_space<vmem>>, vector<8x128xf32>
      tpu.vector_store %arg8[%swap3A_91, %swap3A_92], %broadcast_in_dim3A_90 {strides = array<i32>} : memref<8x128xf32, #tpu.memory_space<vmem>>, vector<8x128xf32>,
    } else {
    }
    %get3A_83 = arith.constant 0 : index
    %get3A_84 = arith.constant 0 : index
    %get3A_85 = vector.load %arg8[%get3A_83, %get3A_84] : memref<8x128xf32, #tpu.memory_space<vmem>>, vector<8x128xf32>
    %add3A_86 = arith.addf %get3A_85, %add3A_78 : vector<8x128xf32>
    %swap3A = arith.constant 0 : index
    %swap3A_87 = arith.constant 0 : index
    %swap3A_88 = vector.load %arg8[%swap3A, %swap3A_87] : memref<8x128xf32, #tpu.memory_space<vmem>>, vector<8x128xf32>
    tpu.vector_store %arg8[%swap3A, %swap3A_87], %add3A_86 {strides = array<i32>} : memref<8x128xf32, #tpu.memory_space<vmem>>, vector<8x128xf32>,
    return
  }
  func.func @transform_0(%arg0: i32) -> (i32, i32) {
    %c0_i32 = arith.constant 0 : i32
    %c0_i32_0 = arith.constant 0 : i32
    return %arg0, %c0_i32 : i32, i32
  }
  func.func @transform_1(%arg0: i32) -> (i32, i32) {
    %c0_i32 = arith.constant 0 : i32
    %c0_i32_0 = arith.constant 0 : i32
    return %arg0, %c0_i32 : i32, i32
  }
  func.func @transform_2(%arg0: i32) -> (i32, i32) {
    %c0_i32 = arith.constant 0 : i32
    %c0_i32_0 = arith.constant 0 : i32
    %c0_i32_1 = arith.constant 0 : i32
    return %c0_i32, %c0_i32_0 : i32, i32
  }
  func.func @transform_3(%arg0: i32) -> (i32, i32) {
    %c0_i32 = arith.constant 0 : i32
    %c0_i32_0 = arith.constant 0 : i32
    %c0_i32_1 = arith.constant 0 : i32
    return %c0_i32, %c0_i32_0 : i32, i32
  }
  func.func @transform_4(%arg0: i32) -> (i32, i32) {
    %c0_i32 = arith.constant 0 : i32
    %c0_i32_0 = arith.constant 0 : i32
    %c0_i32_1 = arith.constant 0 : i32
    return %c0_i32, %c0_i32_0 : i32, i32
  }
  func.func @transform_5(%arg0: i32) -> (i32, i32) {
    %c0_i32 = arith.constant 0 : i32
    %c0_i32_0 = arith.constant 0 : i32
    %c0_i32_1 = arith.constant 0 : i32
    return %c0_i32, %c0_i32_0 : i32, i32
  }
  func.func @transform_6(%arg0: i32) -> (i32, i32) {
    %c0_i32 = arith.constant 0 : i32
    %c0_i32_0 = arith.constant 0 : i32
    %c0_i32_1 = arith.constant 0 : i32
    return %c0_i32, %c0_i32_0 : i32, i32
  }
  func.func @transform_7(%arg0: i32) -> (i32, i32) {
    %c0_i32 = arith.constant 0 : i32
    %c0_i32_0 = arith.constant 0 : i32
    %c0_i32_1 = arith.constant 0 : i32
    return %c0_i32, %c0_i32_0 : i32, i32
  }
}

module attributes {stable_mosaic.version = 14 : i64} {
  func.func @body(%arg0: i32, %arg1: memref<4096x8xf32, #tpu.memory_space<vmem>>, %arg2: memref<4096x128xf32, #tpu.memory_space<vmem>>, %arg3: memref<8x128xf32, #tpu.memory_space<vmem>>, %arg4: memref<128x128xf32, #tpu.memory_space<vmem>>, %arg5: memref<8x128xf32, #tpu.memory_space<vmem>>, %arg6: memref<128x128xf32, #tpu.memory_space<vmem>>, %arg7: memref<8x128xf32, #tpu.memory_space<vmem>>, %arg8: memref<8x128xf32, #tpu.memory_space<vmem>>, %arg9: memref<128x256xf32, #tpu.memory_space<vmem>>, %arg10: memref<8x256xf32, #tpu.memory_space<vmem>>, %arg11: memref<4096x256xf32, #tpu.memory_space<vmem>>) attributes {dimension_semantics = [#tpu.dimension_semantics<arbitrary>], iteration_bounds = array<i64: 36>, scalar_prefetch = 0 : i64, scratch_operands = 0 : i64, tpu.core_type = #tpu.core_type<tc>, window_params = [{transform_indices = @transform_0, window_bounds = array<i64: 4096, 8>}, {transform_indices = @transform_1, window_bounds = array<i64: 4096, 128>}, {pipeline_mode = #tpu.pipeline_mode<synchronous>, transform_indices = @transform_2, window_bounds = array<i64: 8, 128>}, {pipeline_mode = #tpu.pipeline_mode<synchronous>, transform_indices = @transform_3, window_bounds = array<i64: 128, 128>}, {pipeline_mode = #tpu.pipeline_mode<synchronous>, transform_indices = @transform_4, window_bounds = array<i64: 8, 128>}, {pipeline_mode = #tpu.pipeline_mode<synchronous>, transform_indices = @transform_5, window_bounds = array<i64: 128, 128>}, {pipeline_mode = #tpu.pipeline_mode<synchronous>, transform_indices = @transform_6, window_bounds = array<i64: 8, 128>}, {pipeline_mode = #tpu.pipeline_mode<synchronous>, transform_indices = @transform_7, window_bounds = array<i64: 8, 128>}, {pipeline_mode = #tpu.pipeline_mode<synchronous>, transform_indices = @transform_8, window_bounds = array<i64: 128, 256>}, {pipeline_mode = #tpu.pipeline_mode<synchronous>, transform_indices = @transform_9, window_bounds = array<i64: 8, 256>}, {transform_indices = @transform_10, window_bounds = array<i64: 4096, 256>}]} {
    %get3A = arith.constant 0 : index
    %get3A_0 = arith.constant 0 : index
    %get3A_1 = vector.load %arg1[%get3A, %get3A_0] : memref<4096x8xf32, #tpu.memory_space<vmem>>, vector<4096x8xf32>
    %get3A_2 = arith.constant 0 : index
    %get3A_3 = arith.constant 0 : index
    %get3A_4 = vector.load %arg3[%get3A_2, %get3A_3] : memref<8x128xf32, #tpu.memory_space<vmem>>, vector<8x128xf32>
    %dot_general3A = arith.constant dense<0.000000e+00> : vector<4096x128xf32>
    %dot_general3A_5 = tpu.matmul %get3A_1, %get3A_4, %dot_general3A {dimension_numbers = #tpu.dot_dimension_numbers<[1], [0], [0], [1], [0, 0, 1, 1], [], []>, transpose_lhs_hint = false} : vector<4096x8xf32>, vector<8x128xf32>, vector<4096x128xf32> -> vector<4096x128xf32>
    %get3A_6 = arith.constant 0 : index
    %get3A_7 = arith.constant 0 : index
    %get3A_8 = vector.load %arg2[%get3A_6, %get3A_7] : memref<4096x128xf32, #tpu.memory_space<vmem>>, vector<4096x128xf32>
    %get3A_9 = arith.constant 0 : index
    %get3A_10 = arith.constant 0 : index
    %get3A_11 = vector.load %arg4[%get3A_9, %get3A_10] : memref<128x128xf32, #tpu.memory_space<vmem>>, vector<128x128xf32>
    %dot_general3A_12 = arith.constant dense<0.000000e+00> : vector<4096x128xf32>
    %dot_general3A_13 = tpu.matmul %get3A_8, %get3A_11, %dot_general3A_12 {dimension_numbers = #tpu.dot_dimension_numbers<[1], [0], [0], [1], [0, 0, 1, 1], [], []>, transpose_lhs_hint = false} : vector<4096x128xf32>, vector<128x128xf32>, vector<4096x128xf32> -> vector<4096x128xf32>
    %add3A = arith.addf %dot_general3A_5, %dot_general3A_13 : vector<4096x128xf32>
    %get3A_14 = arith.constant 0 : index
    %get3A_15 = arith.constant 0 : index
    %get3A_16 = vector.load %arg5[%get3A_14, %get3A_15] : memref<8x128xf32, #tpu.memory_space<vmem>>, vector<8x128xf32>
    %slice3A = vector.extract_strided_slice %get3A_16 {offsets = [0, 0], sizes = [1, 128], strides = [1, 1]} : vector<8x128xf32> to vector<1x128xf32>
    %mul3A = vector.broadcast %slice3A : vector<1x128xf32> to vector<4096x128xf32>
    %mul3A_17 = arith.mulf %add3A, %mul3A : vector<4096x128xf32>
    %slice3A_18 = vector.extract_strided_slice %get3A_16 {offsets = [1, 0], sizes = [1, 128], strides = [1, 1]} : vector<8x128xf32> to vector<1x128xf32>
    %add3A_19 = vector.broadcast %slice3A_18 : vector<1x128xf32> to vector<4096x128xf32>
    %add3A_20 = arith.addf %mul3A_17, %add3A_19 : vector<4096x128xf32>
    %max3A = arith.constant 0.000000e+00 : f32
    %max3A_21 = vector.broadcast %max3A : f32 to vector<4096x128xf32>
    %max3A_22 = arith.maximumf %add3A_20, %max3A_21 : vector<4096x128xf32>
    %get3A_23 = arith.constant 0 : index
    %get3A_24 = arith.constant 0 : index
    %get3A_25 = vector.load %arg6[%get3A_23, %get3A_24] : memref<128x128xf32, #tpu.memory_space<vmem>>, vector<128x128xf32>
    %dot_general3A_26 = arith.constant dense<0.000000e+00> : vector<4096x128xf32>
    %dot_general3A_27 = tpu.matmul %max3A_22, %get3A_25, %dot_general3A_26 {dimension_numbers = #tpu.dot_dimension_numbers<[1], [0], [0], [1], [0, 0, 1, 1], [], []>, transpose_lhs_hint = false} : vector<4096x128xf32>, vector<128x128xf32>, vector<4096x128xf32> -> vector<4096x128xf32>
    %get3A_28 = arith.constant 0 : index
    %get3A_29 = arith.constant 0 : index
    %get3A_30 = vector.load %arg7[%get3A_28, %get3A_29] : memref<8x128xf32, #tpu.memory_space<vmem>>, vector<8x128xf32>
    %slice3A_31 = vector.extract_strided_slice %get3A_30 {offsets = [0, 0], sizes = [1, 128], strides = [1, 1]} : vector<8x128xf32> to vector<1x128xf32>
    %add3A_32 = vector.broadcast %slice3A_31 : vector<1x128xf32> to vector<4096x128xf32>
    %add3A_33 = arith.addf %dot_general3A_27, %add3A_32 : vector<4096x128xf32>
    %get3A_34 = arith.constant 0 : index
    %get3A_35 = arith.constant 0 : index
    %get3A_36 = vector.load %arg8[%get3A_34, %get3A_35] : memref<8x128xf32, #tpu.memory_space<vmem>>, vector<8x128xf32>
    %slice3A_37 = vector.extract_strided_slice %get3A_36 {offsets = [0, 0], sizes = [1, 128], strides = [1, 1]} : vector<8x128xf32> to vector<1x128xf32>
    %mul3A_38 = vector.broadcast %slice3A_37 : vector<1x128xf32> to vector<4096x128xf32>
    %mul3A_39 = arith.mulf %add3A_33, %mul3A_38 : vector<4096x128xf32>
    %slice3A_40 = vector.extract_strided_slice %get3A_36 {offsets = [1, 0], sizes = [1, 128], strides = [1, 1]} : vector<8x128xf32> to vector<1x128xf32>
    %add3A_41 = vector.broadcast %slice3A_40 : vector<1x128xf32> to vector<4096x128xf32>
    %add3A_42 = arith.addf %mul3A_39, %add3A_41 : vector<4096x128xf32>
    %max3A_43 = arith.constant 0.000000e+00 : f32
    %max3A_44 = vector.broadcast %max3A_43 : f32 to vector<4096x128xf32>
    %max3A_45 = arith.maximumf %add3A_42, %max3A_44 : vector<4096x128xf32>
    %get3A_46 = arith.constant 0 : index
    %get3A_47 = arith.constant 0 : index
    %get3A_48 = vector.load %arg9[%get3A_46, %get3A_47] : memref<128x256xf32, #tpu.memory_space<vmem>>, vector<128x256xf32>
    %dot_general3A_49 = arith.constant dense<0.000000e+00> : vector<4096x256xf32>
    %dot_general3A_50 = tpu.matmul %max3A_45, %get3A_48, %dot_general3A_49 {dimension_numbers = #tpu.dot_dimension_numbers<[1], [0], [0], [1], [0, 0, 1, 1], [], []>, transpose_lhs_hint = false} : vector<4096x128xf32>, vector<128x256xf32>, vector<4096x256xf32> -> vector<4096x256xf32>
    %get3A_51 = arith.constant 0 : index
    %get3A_52 = arith.constant 0 : index
    %get3A_53 = vector.load %arg10[%get3A_51, %get3A_52] : memref<8x256xf32, #tpu.memory_space<vmem>>, vector<8x256xf32>
    %slice3A_54 = vector.extract_strided_slice %get3A_53 {offsets = [0, 0], sizes = [1, 256], strides = [1, 1]} : vector<8x256xf32> to vector<1x256xf32>
    %add3A_55 = vector.broadcast %slice3A_54 : vector<1x256xf32> to vector<4096x256xf32>
    %add3A_56 = arith.addf %dot_general3A_50, %add3A_55 : vector<4096x256xf32>
    %get3A_57 = arith.constant 0 : index
    %get3A_58 = arith.constant 0 : index
    %get3A_59 = vector.load %arg1[%get3A_57, %get3A_58] : memref<4096x8xf32, #tpu.memory_space<vmem>>, vector<4096x8xf32>
    %slice3A_60 = vector.extract_strided_slice %get3A_59 {offsets = [0, 4], sizes = [4096, 1], strides = [1, 1]} : vector<4096x8xf32> to vector<4096x1xf32>
    %gt3A = arith.constant 0.000000e+00 : f32
    %gt3A_61 = vector.broadcast %gt3A : f32 to vector<4096x1xf32>
    %gt3A_62 = arith.cmpf ogt, %slice3A_60, %gt3A_61 : vector<4096x1xf32>
    %jit3A = arith.constant 0xFF800000 : f32
    %broadcast_in_dim3A = vector.shape_cast %gt3A_62 : vector<4096x1xi1> to vector<4096x1xi1>
    %broadcast_in_dim3A_63 = vector.broadcast %broadcast_in_dim3A : vector<4096x1xi1> to vector<4096x256xi1>
    %broadcast_in_dim3A_64 = vector.broadcast %jit3A : f32 to vector<4096x256xf32>
    %select_n3A = arith.select %broadcast_in_dim3A_63, %add3A_56, %broadcast_in_dim3A_64 : vector<4096x256xi1>, vector<4096x256xf32>
    %swap3A = arith.constant 0 : index
    %swap3A_65 = arith.constant 0 : index
    %swap3A_66 = vector.load %arg11[%swap3A, %swap3A_65] : memref<4096x256xf32, #tpu.memory_space<vmem>>, vector<4096x256xf32>
    tpu.vector_store %arg11[%swap3A, %swap3A_65], %select_n3A {strides = array<i32>} : memref<4096x256xf32, #tpu.memory_space<vmem>>, vector<4096x256xf32>,
    return
  }
  func.func @transform_0(%arg0: i32) -> (i32, i32) {
    %c0_i32 = arith.constant 0 : i32
    %c0_i32_0 = arith.constant 0 : i32
    return %arg0, %c0_i32 : i32, i32
  }
  func.func @transform_1(%arg0: i32) -> (i32, i32) {
    %c0_i32 = arith.constant 0 : i32
    %c0_i32_0 = arith.constant 0 : i32
    return %arg0, %c0_i32 : i32, i32
  }
  func.func @transform_2(%arg0: i32) -> (i32, i32) {
    %c0_i32 = arith.constant 0 : i32
    %c0_i32_0 = arith.constant 0 : i32
    %c0_i32_1 = arith.constant 0 : i32
    return %c0_i32, %c0_i32_0 : i32, i32
  }
  func.func @transform_3(%arg0: i32) -> (i32, i32) {
    %c0_i32 = arith.constant 0 : i32
    %c0_i32_0 = arith.constant 0 : i32
    %c0_i32_1 = arith.constant 0 : i32
    return %c0_i32, %c0_i32_0 : i32, i32
  }
  func.func @transform_4(%arg0: i32) -> (i32, i32) {
    %c0_i32 = arith.constant 0 : i32
    %c0_i32_0 = arith.constant 0 : i32
    %c0_i32_1 = arith.constant 0 : i32
    return %c0_i32, %c0_i32_0 : i32, i32
  }
  func.func @transform_5(%arg0: i32) -> (i32, i32) {
    %c0_i32 = arith.constant 0 : i32
    %c0_i32_0 = arith.constant 0 : i32
    %c0_i32_1 = arith.constant 0 : i32
    return %c0_i32, %c0_i32_0 : i32, i32
  }
  func.func @transform_6(%arg0: i32) -> (i32, i32) {
    %c0_i32 = arith.constant 0 : i32
    %c0_i32_0 = arith.constant 0 : i32
    %c0_i32_1 = arith.constant 0 : i32
    return %c0_i32, %c0_i32_0 : i32, i32
  }
  func.func @transform_7(%arg0: i32) -> (i32, i32) {
    %c0_i32 = arith.constant 0 : i32
    %c0_i32_0 = arith.constant 0 : i32
    %c0_i32_1 = arith.constant 0 : i32
    return %c0_i32, %c0_i32_0 : i32, i32
  }
  func.func @transform_8(%arg0: i32) -> (i32, i32) {
    %c0_i32 = arith.constant 0 : i32
    %c0_i32_0 = arith.constant 0 : i32
    %c0_i32_1 = arith.constant 0 : i32
    return %c0_i32, %c0_i32_0 : i32, i32
  }
  func.func @transform_9(%arg0: i32) -> (i32, i32) {
    %c0_i32 = arith.constant 0 : i32
    %c0_i32_0 = arith.constant 0 : i32
    %c0_i32_1 = arith.constant 0 : i32
    return %c0_i32, %c0_i32_0 : i32, i32
  }
  func.func @transform_10(%arg0: i32) -> (i32, i32) {
    %c0_i32 = arith.constant 0 : i32
    %c0_i32_0 = arith.constant 0 : i32
    return %arg0, %c0_i32 : i32, i32
  }
}

module attributes {stable_mosaic.version = 14 : i64} {
  func.func @body(%arg0: i32, %arg1: memref<128x64x256xf32, #tpu.memory_space<vmem>>, %arg2: memref<128x256xf32, #tpu.memory_space<vmem>>) attributes {dimension_semantics = [#tpu.dimension_semantics<arbitrary>], iteration_bounds = array<i64: 18>, scalar_prefetch = 0 : i64, scratch_operands = 0 : i64, tpu.core_type = #tpu.core_type<tc>, window_params = [{transform_indices = @transform_0, window_bounds = array<i64: 128, 64, 256>}, {transform_indices = @transform_1, window_bounds = array<i64: 128, 256>}]} {
    %get3A = arith.constant 0 : index
    %get3A_0 = arith.constant 0 : index
    %get3A_1 = arith.constant 0 : index
    %get3A_2 = vector.load %arg1[%get3A, %get3A_0, %get3A_1] : memref<128x64x256xf32, #tpu.memory_space<vmem>>, vector<128x64x256xf32>
    %reduce_max3A = arith.constant dense<0xFF800000> : vector<128x256xf32>
    %reduce_max3A_3 = vector.multi_reduction <maximumf>, %get3A_2, %reduce_max3A [1] : vector<128x64x256xf32> to vector<128x256xf32>
    %gt3A = arith.constant 0xFF800000 : f32
    %gt3A_4 = vector.broadcast %gt3A : f32 to vector<128x256xf32>
    %gt3A_5 = arith.cmpf ogt, %reduce_max3A_3, %gt3A_4 : vector<128x256xf32>
    %jit3A = arith.constant 0.000000e+00 : f32
    %broadcast_in_dim3A = vector.broadcast %jit3A : f32 to vector<128x256xf32>
    %select_n3A = arith.select %gt3A_5, %reduce_max3A_3, %broadcast_in_dim3A : vector<128x256xi1>, vector<128x256xf32>
    %swap3A = arith.constant 0 : index
    %swap3A_6 = arith.constant 0 : index
    %swap3A_7 = vector.load %arg2[%swap3A, %swap3A_6] : memref<128x256xf32, #tpu.memory_space<vmem>>, vector<128x256xf32>
    tpu.vector_store %arg2[%swap3A, %swap3A_6], %select_n3A {strides = array<i32>} : memref<128x256xf32, #tpu.memory_space<vmem>>, vector<128x256xf32>,
    return
  }
  func.func @transform_0(%arg0: i32) -> (i32, i32, i32) {
    %c0_i32 = arith.constant 0 : i32
    %c0_i32_0 = arith.constant 0 : i32
    %c0_i32_1 = arith.constant 0 : i32
    return %arg0, %c0_i32, %c0_i32_0 : i32, i32, i32
  }
  func.func @transform_1(%arg0: i32) -> (i32, i32) {
    %c0_i32 = arith.constant 0 : i32
    %c0_i32_0 = arith.constant 0 : i32
    return %arg0, %c0_i32 : i32, i32
  }
}

module attributes {stable_mosaic.version = 14 : i64} {
  func.func @body(%arg0: memref<2304x256xf32, #tpu.memory_space<vmem>>, %arg1: memref<2304x128xf32, #tpu.memory_space<vmem>>, %arg2: memref<256x256xf32, #tpu.memory_space<vmem>>, %arg3: memref<8x256xf32, #tpu.memory_space<vmem>>, %arg4: memref<8x256xf32, #tpu.memory_space<vmem>>, %arg5: memref<256x512xf32, #tpu.memory_space<vmem>>, %arg6: memref<8x512xf32, #tpu.memory_space<vmem>>, %arg7: memref<8x512xf32, #tpu.memory_space<vmem>>, %arg8: memref<512x1024xf32, #tpu.memory_space<vmem>>, %arg9: memref<8x1024xf32, #tpu.memory_space<vmem>>, %arg10: memref<1024x512xf32, #tpu.memory_space<vmem>>, %arg11: memref<8x512xf32, #tpu.memory_space<vmem>>, %arg12: memref<512x256xf32, #tpu.memory_space<vmem>>, %arg13: memref<8x256xf32, #tpu.memory_space<vmem>>, %arg14: memref<256x128xf32, #tpu.memory_space<vmem>>, %arg15: memref<8x128xf32, #tpu.memory_space<vmem>>, %arg16: memref<16x128xf32, #tpu.memory_space<vmem>>) attributes {dimension_semantics = [], scalar_prefetch = 0 : i64, scratch_operands = 0 : i64, tpu.core_type = #tpu.core_type<tc>} {
    %get3A = arith.constant 0 : index
    %get3A_0 = arith.constant 0 : index
    %get3A_1 = vector.load %arg0[%get3A, %get3A_0] : memref<2304x256xf32, #tpu.memory_space<vmem>>, vector<2304x256xf32>
    %get3A_2 = arith.constant 0 : index
    %get3A_3 = arith.constant 0 : index
    %get3A_4 = vector.load %arg1[%get3A_2, %get3A_3] : memref<2304x128xf32, #tpu.memory_space<vmem>>, vector<2304x128xf32>
    %slice3A = vector.extract_strided_slice %get3A_4 {offsets = [0, 3], sizes = [2304, 1], strides = [1, 1]} : vector<2304x128xf32> to vector<2304x1xf32>
    %reduce_sum3A = vector.shape_cast %slice3A : vector<2304x1xf32> to vector<1x2304x1xf32>
    %reduce_sum3A_5 = arith.constant dense<0.000000e+00> : vector<1xf32>
    %reduce_sum3A_6 = vector.multi_reduction <add>, %reduce_sum3A, %reduce_sum3A_5 [1, 2] : vector<1x2304x1xf32> to vector<1xf32>
    %reduce_sum3A_7 = vector.shape_cast %reduce_sum3A_6 : vector<1xf32> to vector<1x1x1xf32>
    %reduce_sum3A_8 = vector.extract %reduce_sum3A_7[0, 0, 0] : f32 from vector<1x1x1xf32>
    %max3A = arith.constant 1.000000e+00 : f32
    %max3A_9 = arith.maximumf %reduce_sum3A_8, %max3A : f32
    %get3A_10 = arith.constant 0 : index
    %get3A_11 = arith.constant 0 : index
    %get3A_12 = vector.load %arg3[%get3A_10, %get3A_11] : memref<8x256xf32, #tpu.memory_space<vmem>>, vector<8x256xf32>
    %get3A_13 = arith.constant 0 : index
    %get3A_14 = arith.constant 0 : index
    %get3A_15 = vector.load %arg2[%get3A_13, %get3A_14] : memref<256x256xf32, #tpu.memory_space<vmem>>, vector<256x256xf32>
    %dot_general3A = arith.constant dense<0.000000e+00> : vector<2304x256xf32>
    %dot_general3A_16 = tpu.matmul %get3A_1, %get3A_15, %dot_general3A {dimension_numbers = #tpu.dot_dimension_numbers<[1], [0], [0], [1], [0, 0, 1, 1], [], []>, transpose_lhs_hint = false} : vector<2304x256xf32>, vector<256x256xf32>, vector<2304x256xf32> -> vector<2304x256xf32>
    %slice3A_17 = vector.extract_strided_slice %get3A_4 {offsets = [0, 0], sizes = [2304, 1], strides = [1, 1]} : vector<2304x128xf32> to vector<2304x1xf32>
    %broadcast_in_dim3A = vector.shape_cast %slice3A_17 : vector<2304x1xf32> to vector<2304x1xf32>
    %broadcast_in_dim3A_18 = vector.broadcast %broadcast_in_dim3A : vector<2304x1xf32> to vector<2304x256xf32>
    %slice3A_19 = vector.extract_strided_slice %get3A_12 {offsets = [0, 0], sizes = [1, 256], strides = [1, 1]} : vector<8x256xf32> to vector<1x256xf32>
    %broadcast_in_dim3A_20 = vector.shape_cast %slice3A_19 : vector<1x256xf32> to vector<1x256xf32>
    %broadcast_in_dim3A_21 = vector.broadcast %broadcast_in_dim3A_20 : vector<1x256xf32> to vector<2304x256xf32>
    %mul3A = arith.mulf %broadcast_in_dim3A_18, %broadcast_in_dim3A_21 : vector<2304x256xf32>
    %add3A = arith.addf %dot_general3A_16, %mul3A : vector<2304x256xf32>
    %slice3A_22 = vector.extract_strided_slice %get3A_4 {offsets = [0, 1], sizes = [2304, 1], strides = [1, 1]} : vector<2304x128xf32> to vector<2304x1xf32>
    %broadcast_in_dim3A_23 = vector.shape_cast %slice3A_22 : vector<2304x1xf32> to vector<2304x1xf32>
    %broadcast_in_dim3A_24 = vector.broadcast %broadcast_in_dim3A_23 : vector<2304x1xf32> to vector<2304x256xf32>
    %slice3A_25 = vector.extract_strided_slice %get3A_12 {offsets = [1, 0], sizes = [1, 256], strides = [1, 1]} : vector<8x256xf32> to vector<1x256xf32>
    %broadcast_in_dim3A_26 = vector.shape_cast %slice3A_25 : vector<1x256xf32> to vector<1x256xf32>
    %broadcast_in_dim3A_27 = vector.broadcast %broadcast_in_dim3A_26 : vector<1x256xf32> to vector<2304x256xf32>
    %mul3A_28 = arith.mulf %broadcast_in_dim3A_24, %broadcast_in_dim3A_27 : vector<2304x256xf32>
    %add3A_29 = arith.addf %add3A, %mul3A_28 : vector<2304x256xf32>
    %slice3A_30 = vector.extract_strided_slice %get3A_4 {offsets = [0, 2], sizes = [2304, 1], strides = [1, 1]} : vector<2304x128xf32> to vector<2304x1xf32>
    %broadcast_in_dim3A_31 = vector.shape_cast %slice3A_30 : vector<2304x1xf32> to vector<2304x1xf32>
    %broadcast_in_dim3A_32 = vector.broadcast %broadcast_in_dim3A_31 : vector<2304x1xf32> to vector<2304x256xf32>
    %slice3A_33 = vector.extract_strided_slice %get3A_12 {offsets = [2, 0], sizes = [1, 256], strides = [1, 1]} : vector<8x256xf32> to vector<1x256xf32>
    %broadcast_in_dim3A_34 = vector.shape_cast %slice3A_33 : vector<1x256xf32> to vector<1x256xf32>
    %broadcast_in_dim3A_35 = vector.broadcast %broadcast_in_dim3A_34 : vector<1x256xf32> to vector<2304x256xf32>
    %mul3A_36 = arith.mulf %broadcast_in_dim3A_32, %broadcast_in_dim3A_35 : vector<2304x256xf32>
    %add3A_37 = arith.addf %add3A_29, %mul3A_36 : vector<2304x256xf32>
    %slice3A_38 = vector.extract_strided_slice %get3A_12 {offsets = [3, 0], sizes = [1, 256], strides = [1, 1]} : vector<8x256xf32> to vector<1x256xf32>
    %add3A_39 = vector.broadcast %slice3A_38 : vector<1x256xf32> to vector<2304x256xf32>
    %add3A_40 = arith.addf %add3A_37, %add3A_39 : vector<2304x256xf32>
    %get3A_41 = arith.constant 0 : index
    %get3A_42 = arith.constant 0 : index
    %get3A_43 = vector.load %arg4[%get3A_41, %get3A_42] : memref<8x256xf32, #tpu.memory_space<vmem>>, vector<8x256xf32>
    %mul3A_44 = vector.broadcast %slice3A : vector<2304x1xf32> to vector<2304x256xf32>
    %mul3A_45 = arith.mulf %add3A_40, %mul3A_44 : vector<2304x256xf32>
    %reduce_sum3A_46 = arith.constant dense<0.000000e+00> : vector<256xf32>
    %reduce_sum3A_47 = vector.multi_reduction <add>, %mul3A_45, %reduce_sum3A_46 [0] : vector<2304x256xf32> to vector<256xf32>
    %div3A = vector.broadcast %max3A_9 : f32 to vector<256xf32>
    %div3A_48 = arith.divf %reduce_sum3A_47, %div3A : vector<256xf32>
    %broadcast_in_dim3A_49 = vector.shape_cast %div3A_48 : vector<256xf32> to vector<1x256xf32>
    %sub3A = vector.broadcast %broadcast_in_dim3A_49 : vector<1x256xf32> to vector<2304x256xf32>
    %sub3A_50 = arith.subf %add3A_40, %sub3A : vector<2304x256xf32>
    %mul3A_51 = arith.mulf %sub3A_50, %sub3A_50 : vector<2304x256xf32>
    %mul3A_52 = vector.broadcast %slice3A : vector<2304x1xf32> to vector<2304x256xf32>
    %mul3A_53 = arith.mulf %mul3A_51, %mul3A_52 : vector<2304x256xf32>
    %reduce_sum3A_54 = arith.constant dense<0.000000e+00> : vector<256xf32>
    %reduce_sum3A_55 = vector.multi_reduction <add>, %mul3A_53, %reduce_sum3A_54 [0] : vector<2304x256xf32> to vector<256xf32>
    %div3A_56 = vector.broadcast %max3A_9 : f32 to vector<256xf32>
    %div3A_57 = arith.divf %reduce_sum3A_55, %div3A_56 : vector<256xf32>
    %add3A_58 = arith.constant 9.99999974E-6 : f32
    %add3A_59 = vector.broadcast %add3A_58 : f32 to vector<256xf32>
    %add3A_60 = arith.addf %div3A_57, %add3A_59 : vector<256xf32>
    %sqrt3A = math.sqrt %add3A_60 : vector<256xf32>
    %broadcast_in_dim3A_61 = vector.shape_cast %sqrt3A : vector<256xf32> to vector<1x256xf32>
    %div3A_62 = vector.broadcast %broadcast_in_dim3A_61 : vector<1x256xf32> to vector<2304x256xf32>
    %div3A_63 = arith.divf %sub3A_50, %div3A_62 : vector<2304x256xf32>
    %slice3A_64 = vector.extract_strided_slice %get3A_43 {offsets = [0, 0], sizes = [1, 256], strides = [1, 1]} : vector<8x256xf32> to vector<1x256xf32>
    %mul3A_65 = vector.broadcast %slice3A_64 : vector<1x256xf32> to vector<2304x256xf32>
    %mul3A_66 = arith.mulf %div3A_63, %mul3A_65 : vector<2304x256xf32>
    %slice3A_67 = vector.extract_strided_slice %get3A_43 {offsets = [1, 0], sizes = [1, 256], strides = [1, 1]} : vector<8x256xf32> to vector<1x256xf32>
    %add3A_68 = vector.broadcast %slice3A_67 : vector<1x256xf32> to vector<2304x256xf32>
    %add3A_69 = arith.addf %mul3A_66, %add3A_68 : vector<2304x256xf32>
    %max3A_70 = arith.constant 0.000000e+00 : f32
    %max3A_71 = vector.broadcast %max3A_70 : f32 to vector<2304x256xf32>
    %max3A_72 = arith.maximumf %add3A_69, %max3A_71 : vector<2304x256xf32>
    %get3A_73 = arith.constant 0 : index
    %get3A_74 = arith.constant 0 : index
    %get3A_75 = vector.load %arg5[%get3A_73, %get3A_74] : memref<256x512xf32, #tpu.memory_space<vmem>>, vector<256x512xf32>
    %dot_general3A_76 = arith.constant dense<0.000000e+00> : vector<2304x512xf32>
    %dot_general3A_77 = tpu.matmul %max3A_72, %get3A_75, %dot_general3A_76 {dimension_numbers = #tpu.dot_dimension_numbers<[1], [0], [0], [1], [0, 0, 1, 1], [], []>, transpose_lhs_hint = false} : vector<2304x256xf32>, vector<256x512xf32>, vector<2304x512xf32> -> vector<2304x512xf32>
    %get3A_78 = arith.constant 0 : index
    %get3A_79 = arith.constant 0 : index
    %get3A_80 = vector.load %arg6[%get3A_78, %get3A_79] : memref<8x512xf32, #tpu.memory_space<vmem>>, vector<8x512xf32>
    %slice3A_81 = vector.extract_strided_slice %get3A_80 {offsets = [0, 0], sizes = [1, 512], strides = [1, 1]} : vector<8x512xf32> to vector<1x512xf32>
    %add3A_82 = vector.broadcast %slice3A_81 : vector<1x512xf32> to vector<2304x512xf32>
    %add3A_83 = arith.addf %dot_general3A_77, %add3A_82 : vector<2304x512xf32>
    %get3A_84 = arith.constant 0 : index
    %get3A_85 = arith.constant 0 : index
    %get3A_86 = vector.load %arg7[%get3A_84, %get3A_85] : memref<8x512xf32, #tpu.memory_space<vmem>>, vector<8x512xf32>
    %mul3A_87 = vector.broadcast %slice3A : vector<2304x1xf32> to vector<2304x512xf32>
    %mul3A_88 = arith.mulf %add3A_83, %mul3A_87 : vector<2304x512xf32>
    %reduce_sum3A_89 = arith.constant dense<0.000000e+00> : vector<512xf32>
    %reduce_sum3A_90 = vector.multi_reduction <add>, %mul3A_88, %reduce_sum3A_89 [0] : vector<2304x512xf32> to vector<512xf32>
    %div3A_91 = vector.broadcast %max3A_9 : f32 to vector<512xf32>
    %div3A_92 = arith.divf %reduce_sum3A_90, %div3A_91 : vector<512xf32>
    %broadcast_in_dim3A_93 = vector.shape_cast %div3A_92 : vector<512xf32> to vector<1x512xf32>
    %sub3A_94 = vector.broadcast %broadcast_in_dim3A_93 : vector<1x512xf32> to vector<2304x512xf32>
    %sub3A_95 = arith.subf %add3A_83, %sub3A_94 : vector<2304x512xf32>
    %mul3A_96 = arith.mulf %sub3A_95, %sub3A_95 : vector<2304x512xf32>
    %mul3A_97 = vector.broadcast %slice3A : vector<2304x1xf32> to vector<2304x512xf32>
    %mul3A_98 = arith.mulf %mul3A_96, %mul3A_97 : vector<2304x512xf32>
    %reduce_sum3A_99 = arith.constant dense<0.000000e+00> : vector<512xf32>
    %reduce_sum3A_100 = vector.multi_reduction <add>, %mul3A_98, %reduce_sum3A_99 [0] : vector<2304x512xf32> to vector<512xf32>
    %div3A_101 = vector.broadcast %max3A_9 : f32 to vector<512xf32>
    %div3A_102 = arith.divf %reduce_sum3A_100, %div3A_101 : vector<512xf32>
    %add3A_103 = arith.constant 9.99999974E-6 : f32
    %add3A_104 = vector.broadcast %add3A_103 : f32 to vector<512xf32>
    %add3A_105 = arith.addf %div3A_102, %add3A_104 : vector<512xf32>
    %sqrt3A_106 = math.sqrt %add3A_105 : vector<512xf32>
    %broadcast_in_dim3A_107 = vector.shape_cast %sqrt3A_106 : vector<512xf32> to vector<1x512xf32>
    %div3A_108 = vector.broadcast %broadcast_in_dim3A_107 : vector<1x512xf32> to vector<2304x512xf32>
    %div3A_109 = arith.divf %sub3A_95, %div3A_108 : vector<2304x512xf32>
    %slice3A_110 = vector.extract_strided_slice %get3A_86 {offsets = [0, 0], sizes = [1, 512], strides = [1, 1]} : vector<8x512xf32> to vector<1x512xf32>
    %mul3A_111 = vector.broadcast %slice3A_110 : vector<1x512xf32> to vector<2304x512xf32>
    %mul3A_112 = arith.mulf %div3A_109, %mul3A_111 : vector<2304x512xf32>
    %slice3A_113 = vector.extract_strided_slice %get3A_86 {offsets = [1, 0], sizes = [1, 512], strides = [1, 1]} : vector<8x512xf32> to vector<1x512xf32>
    %add3A_114 = vector.broadcast %slice3A_113 : vector<1x512xf32> to vector<2304x512xf32>
    %add3A_115 = arith.addf %mul3A_112, %add3A_114 : vector<2304x512xf32>
    %max3A_116 = arith.constant 0.000000e+00 : f32
    %max3A_117 = vector.broadcast %max3A_116 : f32 to vector<2304x512xf32>
    %max3A_118 = arith.maximumf %add3A_115, %max3A_117 : vector<2304x512xf32>
    %get3A_119 = arith.constant 0 : index
    %get3A_120 = arith.constant 0 : index
    %get3A_121 = vector.load %arg8[%get3A_119, %get3A_120] : memref<512x1024xf32, #tpu.memory_space<vmem>>, vector<512x1024xf32>
    %dot_general3A_122 = arith.constant dense<0.000000e+00> : vector<2304x1024xf32>
    %dot_general3A_123 = tpu.matmul %max3A_118, %get3A_121, %dot_general3A_122 {dimension_numbers = #tpu.dot_dimension_numbers<[1], [0], [0], [1], [0, 0, 1, 1], [], []>, transpose_lhs_hint = false} : vector<2304x512xf32>, vector<512x1024xf32>, vector<2304x1024xf32> -> vector<2304x1024xf32>
    %get3A_124 = arith.constant 0 : index
    %get3A_125 = arith.constant 0 : index
    %get3A_126 = vector.load %arg9[%get3A_124, %get3A_125] : memref<8x1024xf32, #tpu.memory_space<vmem>>, vector<8x1024xf32>
    %slice3A_127 = vector.extract_strided_slice %get3A_126 {offsets = [0, 0], sizes = [1, 1024], strides = [1, 1]} : vector<8x1024xf32> to vector<1x1024xf32>
    %add3A_128 = vector.broadcast %slice3A_127 : vector<1x1024xf32> to vector<2304x1024xf32>
    %add3A_129 = arith.addf %dot_general3A_123, %add3A_128 : vector<2304x1024xf32>
    %broadcast_in_dim3A_130 = arith.constant 0xFF800000 : f32
    %broadcast_in_dim3A_131 = vector.broadcast %broadcast_in_dim3A_130 : f32 to vector<16x1024xf32>
    %iota3A = tpu.iota {dimensions = array<i32: 0>} : vector<16x1024xi32>
    %slice3A_132 = vector.extract_strided_slice %get3A_4 {offsets = [0, 16], sizes = [2304, 1], strides = [1, 1]} : vector<2304x128xf32> to vector<2304x1xf32>
    %gt3A = arith.constant 0.000000e+00 : f32
    %gt3A_133 = vector.broadcast %gt3A : f32 to vector<2304x1xf32>
    %gt3A_134 = arith.cmpf ogt, %slice3A_132, %gt3A_133 : vector<2304x1xf32>
    %jit3A = arith.constant 0xFF800000 : f32
    %broadcast_in_dim3A_135 = vector.shape_cast %gt3A_134 : vector<2304x1xi1> to vector<2304x1xi1>
    %broadcast_in_dim3A_136 = vector.broadcast %broadcast_in_dim3A_135 : vector<2304x1xi1> to vector<2304x1024xi1>
    %broadcast_in_dim3A_137 = vector.broadcast %jit3A : f32 to vector<2304x1024xf32>
    %select_n3A = arith.select %broadcast_in_dim3A_136, %add3A_129, %broadcast_in_dim3A_137 : vector<2304x1024xi1>, vector<2304x1024xf32>
    %reduce_max3A = arith.constant dense<0xFF800000> : vector<1024xf32>
    %reduce_max3A_138 = vector.multi_reduction <maximumf>, %select_n3A, %reduce_max3A [0] : vector<2304x1024xf32> to vector<1024xf32>
    %eq3A = arith.constant 0 : i32
    %eq3A_139 = vector.broadcast %eq3A : i32 to vector<16x1024xi32>
    %eq3A_140 = arith.cmpi eq, %iota3A, %eq3A_139 : vector<16x1024xi32>
    %broadcast_in_dim3A_141 = vector.shape_cast %reduce_max3A_138 : vector<1024xf32> to vector<1x1024xf32>
    %broadcast_in_dim3A_142 = vector.broadcast %broadcast_in_dim3A_141 : vector<1x1024xf32> to vector<16x1024xf32>
    %select_n3A_143 = arith.select %eq3A_140, %broadcast_in_dim3A_142, %broadcast_in_dim3A_131 : vector<16x1024xi1>, vector<16x1024xf32>
    %slice3A_144 = vector.extract_strided_slice %get3A_4 {offsets = [0, 17], sizes = [2304, 1], strides = [1, 1]} : vector<2304x128xf32> to vector<2304x1xf32>
    %gt3A_145 = arith.constant 0.000000e+00 : f32
    %gt3A_146 = vector.broadcast %gt3A_145 : f32 to vector<2304x1xf32>
    %gt3A_147 = arith.cmpf ogt, %slice3A_144, %gt3A_146 : vector<2304x1xf32>
    %jit3A_148 = arith.constant 0xFF800000 : f32
    %broadcast_in_dim3A_149 = vector.shape_cast %gt3A_147 : vector<2304x1xi1> to vector<2304x1xi1>
    %broadcast_in_dim3A_150 = vector.broadcast %broadcast_in_dim3A_149 : vector<2304x1xi1> to vector<2304x1024xi1>
    %broadcast_in_dim3A_151 = vector.broadcast %jit3A_148 : f32 to vector<2304x1024xf32>
    %select_n3A_152 = arith.select %broadcast_in_dim3A_150, %add3A_129, %broadcast_in_dim3A_151 : vector<2304x1024xi1>, vector<2304x1024xf32>
    %reduce_max3A_153 = arith.constant dense<0xFF800000> : vector<1024xf32>
    %reduce_max3A_154 = vector.multi_reduction <maximumf>, %select_n3A_152, %reduce_max3A_153 [0] : vector<2304x1024xf32> to vector<1024xf32>
    %eq3A_155 = arith.constant 1 : i32
    %eq3A_156 = vector.broadcast %eq3A_155 : i32 to vector<16x1024xi32>
    %eq3A_157 = arith.cmpi eq, %iota3A, %eq3A_156 : vector<16x1024xi32>
    %broadcast_in_dim3A_158 = vector.shape_cast %reduce_max3A_154 : vector<1024xf32> to vector<1x1024xf32>
    %broadcast_in_dim3A_159 = vector.broadcast %broadcast_in_dim3A_158 : vector<1x1024xf32> to vector<16x1024xf32>
    %select_n3A_160 = arith.select %eq3A_157, %broadcast_in_dim3A_159, %select_n3A_143 : vector<16x1024xi1>, vector<16x1024xf32>
    %slice3A_161 = vector.extract_strided_slice %get3A_4 {offsets = [0, 18], sizes = [2304, 1], strides = [1, 1]} : vector<2304x128xf32> to vector<2304x1xf32>
    %gt3A_162 = arith.constant 0.000000e+00 : f32
    %gt3A_163 = vector.broadcast %gt3A_162 : f32 to vector<2304x1xf32>
    %gt3A_164 = arith.cmpf ogt, %slice3A_161, %gt3A_163 : vector<2304x1xf32>
    %jit3A_165 = arith.constant 0xFF800000 : f32
    %broadcast_in_dim3A_166 = vector.shape_cast %gt3A_164 : vector<2304x1xi1> to vector<2304x1xi1>
    %broadcast_in_dim3A_167 = vector.broadcast %broadcast_in_dim3A_166 : vector<2304x1xi1> to vector<2304x1024xi1>
    %broadcast_in_dim3A_168 = vector.broadcast %jit3A_165 : f32 to vector<2304x1024xf32>
    %select_n3A_169 = arith.select %broadcast_in_dim3A_167, %add3A_129, %broadcast_in_dim3A_168 : vector<2304x1024xi1>, vector<2304x1024xf32>
    %reduce_max3A_170 = arith.constant dense<0xFF800000> : vector<1024xf32>
    %reduce_max3A_171 = vector.multi_reduction <maximumf>, %select_n3A_169, %reduce_max3A_170 [0] : vector<2304x1024xf32> to vector<1024xf32>
    %eq3A_172 = arith.constant 2 : i32
    %eq3A_173 = vector.broadcast %eq3A_172 : i32 to vector<16x1024xi32>
    %eq3A_174 = arith.cmpi eq, %iota3A, %eq3A_173 : vector<16x1024xi32>
    %broadcast_in_dim3A_175 = vector.shape_cast %reduce_max3A_171 : vector<1024xf32> to vector<1x1024xf32>
    %broadcast_in_dim3A_176 = vector.broadcast %broadcast_in_dim3A_175 : vector<1x1024xf32> to vector<16x1024xf32>
    %select_n3A_177 = arith.select %eq3A_174, %broadcast_in_dim3A_176, %select_n3A_160 : vector<16x1024xi1>, vector<16x1024xf32>
    %slice3A_178 = vector.extract_strided_slice %get3A_4 {offsets = [0, 19], sizes = [2304, 1], strides = [1, 1]} : vector<2304x128xf32> to vector<2304x1xf32>
    %gt3A_179 = arith.constant 0.000000e+00 : f32
    %gt3A_180 = vector.broadcast %gt3A_179 : f32 to vector<2304x1xf32>
    %gt3A_181 = arith.cmpf ogt, %slice3A_178, %gt3A_180 : vector<2304x1xf32>
    %jit3A_182 = arith.constant 0xFF800000 : f32
    %broadcast_in_dim3A_183 = vector.shape_cast %gt3A_181 : vector<2304x1xi1> to vector<2304x1xi1>
    %broadcast_in_dim3A_184 = vector.broadcast %broadcast_in_dim3A_183 : vector<2304x1xi1> to vector<2304x1024xi1>
    %broadcast_in_dim3A_185 = vector.broadcast %jit3A_182 : f32 to vector<2304x1024xf32>
    %select_n3A_186 = arith.select %broadcast_in_dim3A_184, %add3A_129, %broadcast_in_dim3A_185 : vector<2304x1024xi1>, vector<2304x1024xf32>
    %reduce_max3A_187 = arith.constant dense<0xFF800000> : vector<1024xf32>
    %reduce_max3A_188 = vector.multi_reduction <maximumf>, %select_n3A_186, %reduce_max3A_187 [0] : vector<2304x1024xf32> to vector<1024xf32>
    %eq3A_189 = arith.constant 3 : i32
    %eq3A_190 = vector.broadcast %eq3A_189 : i32 to vector<16x1024xi32>
    %eq3A_191 = arith.cmpi eq, %iota3A, %eq3A_190 : vector<16x1024xi32>
    %broadcast_in_dim3A_192 = vector.shape_cast %reduce_max3A_188 : vector<1024xf32> to vector<1x1024xf32>
    %broadcast_in_dim3A_193 = vector.broadcast %broadcast_in_dim3A_192 : vector<1x1024xf32> to vector<16x1024xf32>
    %select_n3A_194 = arith.select %eq3A_191, %broadcast_in_dim3A_193, %select_n3A_177 : vector<16x1024xi1>, vector<16x1024xf32>
    %slice3A_195 = vector.extract_strided_slice %get3A_4 {offsets = [0, 20], sizes = [2304, 1], strides = [1, 1]} : vector<2304x128xf32> to vector<2304x1xf32>
    %gt3A_196 = arith.constant 0.000000e+00 : f32
    %gt3A_197 = vector.broadcast %gt3A_196 : f32 to vector<2304x1xf32>
    %gt3A_198 = arith.cmpf ogt, %slice3A_195, %gt3A_197 : vector<2304x1xf32>
    %jit3A_199 = arith.constant 0xFF800000 : f32
    %broadcast_in_dim3A_200 = vector.shape_cast %gt3A_198 : vector<2304x1xi1> to vector<2304x1xi1>
    %broadcast_in_dim3A_201 = vector.broadcast %broadcast_in_dim3A_200 : vector<2304x1xi1> to vector<2304x1024xi1>
    %broadcast_in_dim3A_202 = vector.broadcast %jit3A_199 : f32 to vector<2304x1024xf32>
    %select_n3A_203 = arith.select %broadcast_in_dim3A_201, %add3A_129, %broadcast_in_dim3A_202 : vector<2304x1024xi1>, vector<2304x1024xf32>
    %reduce_max3A_204 = arith.constant dense<0xFF800000> : vector<1024xf32>
    %reduce_max3A_205 = vector.multi_reduction <maximumf>, %select_n3A_203, %reduce_max3A_204 [0] : vector<2304x1024xf32> to vector<1024xf32>
    %eq3A_206 = arith.constant 4 : i32
    %eq3A_207 = vector.broadcast %eq3A_206 : i32 to vector<16x1024xi32>
    %eq3A_208 = arith.cmpi eq, %iota3A, %eq3A_207 : vector<16x1024xi32>
    %broadcast_in_dim3A_209 = vector.shape_cast %reduce_max3A_205 : vector<1024xf32> to vector<1x1024xf32>
    %broadcast_in_dim3A_210 = vector.broadcast %broadcast_in_dim3A_209 : vector<1x1024xf32> to vector<16x1024xf32>
    %select_n3A_211 = arith.select %eq3A_208, %broadcast_in_dim3A_210, %select_n3A_194 : vector<16x1024xi1>, vector<16x1024xf32>
    %slice3A_212 = vector.extract_strided_slice %get3A_4 {offsets = [0, 21], sizes = [2304, 1], strides = [1, 1]} : vector<2304x128xf32> to vector<2304x1xf32>
    %gt3A_213 = arith.constant 0.000000e+00 : f32
    %gt3A_214 = vector.broadcast %gt3A_213 : f32 to vector<2304x1xf32>
    %gt3A_215 = arith.cmpf ogt, %slice3A_212, %gt3A_214 : vector<2304x1xf32>
    %jit3A_216 = arith.constant 0xFF800000 : f32
    %broadcast_in_dim3A_217 = vector.shape_cast %gt3A_215 : vector<2304x1xi1> to vector<2304x1xi1>
    %broadcast_in_dim3A_218 = vector.broadcast %broadcast_in_dim3A_217 : vector<2304x1xi1> to vector<2304x1024xi1>
    %broadcast_in_dim3A_219 = vector.broadcast %jit3A_216 : f32 to vector<2304x1024xf32>
    %select_n3A_220 = arith.select %broadcast_in_dim3A_218, %add3A_129, %broadcast_in_dim3A_219 : vector<2304x1024xi1>, vector<2304x1024xf32>
    %reduce_max3A_221 = arith.constant dense<0xFF800000> : vector<1024xf32>
    %reduce_max3A_222 = vector.multi_reduction <maximumf>, %select_n3A_220, %reduce_max3A_221 [0] : vector<2304x1024xf32> to vector<1024xf32>
    %eq3A_223 = arith.constant 5 : i32
    %eq3A_224 = vector.broadcast %eq3A_223 : i32 to vector<16x1024xi32>
    %eq3A_225 = arith.cmpi eq, %iota3A, %eq3A_224 : vector<16x1024xi32>
    %broadcast_in_dim3A_226 = vector.shape_cast %reduce_max3A_222 : vector<1024xf32> to vector<1x1024xf32>
    %broadcast_in_dim3A_227 = vector.broadcast %broadcast_in_dim3A_226 : vector<1x1024xf32> to vector<16x1024xf32>
    %select_n3A_228 = arith.select %eq3A_225, %broadcast_in_dim3A_227, %select_n3A_211 : vector<16x1024xi1>, vector<16x1024xf32>
    %slice3A_229 = vector.extract_strided_slice %get3A_4 {offsets = [0, 22], sizes = [2304, 1], strides = [1, 1]} : vector<2304x128xf32> to vector<2304x1xf32>
    %gt3A_230 = arith.constant 0.000000e+00 : f32
    %gt3A_231 = vector.broadcast %gt3A_230 : f32 to vector<2304x1xf32>
    %gt3A_232 = arith.cmpf ogt, %slice3A_229, %gt3A_231 : vector<2304x1xf32>
    %jit3A_233 = arith.constant 0xFF800000 : f32
    %broadcast_in_dim3A_234 = vector.shape_cast %gt3A_232 : vector<2304x1xi1> to vector<2304x1xi1>
    %broadcast_in_dim3A_235 = vector.broadcast %broadcast_in_dim3A_234 : vector<2304x1xi1> to vector<2304x1024xi1>
    %broadcast_in_dim3A_236 = vector.broadcast %jit3A_233 : f32 to vector<2304x1024xf32>
    %select_n3A_237 = arith.select %broadcast_in_dim3A_235, %add3A_129, %broadcast_in_dim3A_236 : vector<2304x1024xi1>, vector<2304x1024xf32>
    %reduce_max3A_238 = arith.constant dense<0xFF800000> : vector<1024xf32>
    %reduce_max3A_239 = vector.multi_reduction <maximumf>, %select_n3A_237, %reduce_max3A_238 [0] : vector<2304x1024xf32> to vector<1024xf32>
    %eq3A_240 = arith.constant 6 : i32
    %eq3A_241 = vector.broadcast %eq3A_240 : i32 to vector<16x1024xi32>
    %eq3A_242 = arith.cmpi eq, %iota3A, %eq3A_241 : vector<16x1024xi32>
    %broadcast_in_dim3A_243 = vector.shape_cast %reduce_max3A_239 : vector<1024xf32> to vector<1x1024xf32>
    %broadcast_in_dim3A_244 = vector.broadcast %broadcast_in_dim3A_243 : vector<1x1024xf32> to vector<16x1024xf32>
    %select_n3A_245 = arith.select %eq3A_242, %broadcast_in_dim3A_244, %select_n3A_228 : vector<16x1024xi1>, vector<16x1024xf32>
    %slice3A_246 = vector.extract_strided_slice %get3A_4 {offsets = [0, 23], sizes = [2304, 1], strides = [1, 1]} : vector<2304x128xf32> to vector<2304x1xf32>
    %gt3A_247 = arith.constant 0.000000e+00 : f32
    %gt3A_248 = vector.broadcast %gt3A_247 : f32 to vector<2304x1xf32>
    %gt3A_249 = arith.cmpf ogt, %slice3A_246, %gt3A_248 : vector<2304x1xf32>
    %jit3A_250 = arith.constant 0xFF800000 : f32
    %broadcast_in_dim3A_251 = vector.shape_cast %gt3A_249 : vector<2304x1xi1> to vector<2304x1xi1>
    %broadcast_in_dim3A_252 = vector.broadcast %broadcast_in_dim3A_251 : vector<2304x1xi1> to vector<2304x1024xi1>
    %broadcast_in_dim3A_253 = vector.broadcast %jit3A_250 : f32 to vector<2304x1024xf32>
    %select_n3A_254 = arith.select %broadcast_in_dim3A_252, %add3A_129, %broadcast_in_dim3A_253 : vector<2304x1024xi1>, vector<2304x1024xf32>
    %reduce_max3A_255 = arith.constant dense<0xFF800000> : vector<1024xf32>
    %reduce_max3A_256 = vector.multi_reduction <maximumf>, %select_n3A_254, %reduce_max3A_255 [0] : vector<2304x1024xf32> to vector<1024xf32>
    %eq3A_257 = arith.constant 7 : i32
    %eq3A_258 = vector.broadcast %eq3A_257 : i32 to vector<16x1024xi32>
    %eq3A_259 = arith.cmpi eq, %iota3A, %eq3A_258 : vector<16x1024xi32>
    %broadcast_in_dim3A_260 = vector.shape_cast %reduce_max3A_256 : vector<1024xf32> to vector<1x1024xf32>
    %broadcast_in_dim3A_261 = vector.broadcast %broadcast_in_dim3A_260 : vector<1x1024xf32> to vector<16x1024xf32>
    %select_n3A_262 = arith.select %eq3A_259, %broadcast_in_dim3A_261, %select_n3A_245 : vector<16x1024xi1>, vector<16x1024xf32>
    %slice3A_263 = vector.extract_strided_slice %get3A_4 {offsets = [0, 24], sizes = [2304, 1], strides = [1, 1]} : vector<2304x128xf32> to vector<2304x1xf32>
    %gt3A_264 = arith.constant 0.000000e+00 : f32
    %gt3A_265 = vector.broadcast %gt3A_264 : f32 to vector<2304x1xf32>
    %gt3A_266 = arith.cmpf ogt, %slice3A_263, %gt3A_265 : vector<2304x1xf32>
    %jit3A_267 = arith.constant 0xFF800000 : f32
    %broadcast_in_dim3A_268 = vector.shape_cast %gt3A_266 : vector<2304x1xi1> to vector<2304x1xi1>
    %broadcast_in_dim3A_269 = vector.broadcast %broadcast_in_dim3A_268 : vector<2304x1xi1> to vector<2304x1024xi1>
    %broadcast_in_dim3A_270 = vector.broadcast %jit3A_267 : f32 to vector<2304x1024xf32>
    %select_n3A_271 = arith.select %broadcast_in_dim3A_269, %add3A_129, %broadcast_in_dim3A_270 : vector<2304x1024xi1>, vector<2304x1024xf32>
    %reduce_max3A_272 = arith.constant dense<0xFF800000> : vector<1024xf32>
    %reduce_max3A_273 = vector.multi_reduction <maximumf>, %select_n3A_271, %reduce_max3A_272 [0] : vector<2304x1024xf32> to vector<1024xf32>
    %eq3A_274 = arith.constant 8 : i32
    %eq3A_275 = vector.broadcast %eq3A_274 : i32 to vector<16x1024xi32>
    %eq3A_276 = arith.cmpi eq, %iota3A, %eq3A_275 : vector<16x1024xi32>
    %broadcast_in_dim3A_277 = vector.shape_cast %reduce_max3A_273 : vector<1024xf32> to vector<1x1024xf32>
    %broadcast_in_dim3A_278 = vector.broadcast %broadcast_in_dim3A_277 : vector<1x1024xf32> to vector<16x1024xf32>
    %select_n3A_279 = arith.select %eq3A_276, %broadcast_in_dim3A_278, %select_n3A_262 : vector<16x1024xi1>, vector<16x1024xf32>
    %slice3A_280 = vector.extract_strided_slice %get3A_4 {offsets = [0, 25], sizes = [2304, 1], strides = [1, 1]} : vector<2304x128xf32> to vector<2304x1xf32>
    %gt3A_281 = arith.constant 0.000000e+00 : f32
    %gt3A_282 = vector.broadcast %gt3A_281 : f32 to vector<2304x1xf32>
    %gt3A_283 = arith.cmpf ogt, %slice3A_280, %gt3A_282 : vector<2304x1xf32>
    %jit3A_284 = arith.constant 0xFF800000 : f32
    %broadcast_in_dim3A_285 = vector.shape_cast %gt3A_283 : vector<2304x1xi1> to vector<2304x1xi1>
    %broadcast_in_dim3A_286 = vector.broadcast %broadcast_in_dim3A_285 : vector<2304x1xi1> to vector<2304x1024xi1>
    %broadcast_in_dim3A_287 = vector.broadcast %jit3A_284 : f32 to vector<2304x1024xf32>
    %select_n3A_288 = arith.select %broadcast_in_dim3A_286, %add3A_129, %broadcast_in_dim3A_287 : vector<2304x1024xi1>, vector<2304x1024xf32>
    %reduce_max3A_289 = arith.constant dense<0xFF800000> : vector<1024xf32>
    %reduce_max3A_290 = vector.multi_reduction <maximumf>, %select_n3A_288, %reduce_max3A_289 [0] : vector<2304x1024xf32> to vector<1024xf32>
    %eq3A_291 = arith.constant 9 : i32
    %eq3A_292 = vector.broadcast %eq3A_291 : i32 to vector<16x1024xi32>
    %eq3A_293 = arith.cmpi eq, %iota3A, %eq3A_292 : vector<16x1024xi32>
    %broadcast_in_dim3A_294 = vector.shape_cast %reduce_max3A_290 : vector<1024xf32> to vector<1x1024xf32>
    %broadcast_in_dim3A_295 = vector.broadcast %broadcast_in_dim3A_294 : vector<1x1024xf32> to vector<16x1024xf32>
    %select_n3A_296 = arith.select %eq3A_293, %broadcast_in_dim3A_295, %select_n3A_279 : vector<16x1024xi1>, vector<16x1024xf32>
    %slice3A_297 = vector.extract_strided_slice %get3A_4 {offsets = [0, 26], sizes = [2304, 1], strides = [1, 1]} : vector<2304x128xf32> to vector<2304x1xf32>
    %gt3A_298 = arith.constant 0.000000e+00 : f32
    %gt3A_299 = vector.broadcast %gt3A_298 : f32 to vector<2304x1xf32>
    %gt3A_300 = arith.cmpf ogt, %slice3A_297, %gt3A_299 : vector<2304x1xf32>
    %jit3A_301 = arith.constant 0xFF800000 : f32
    %broadcast_in_dim3A_302 = vector.shape_cast %gt3A_300 : vector<2304x1xi1> to vector<2304x1xi1>
    %broadcast_in_dim3A_303 = vector.broadcast %broadcast_in_dim3A_302 : vector<2304x1xi1> to vector<2304x1024xi1>
    %broadcast_in_dim3A_304 = vector.broadcast %jit3A_301 : f32 to vector<2304x1024xf32>
    %select_n3A_305 = arith.select %broadcast_in_dim3A_303, %add3A_129, %broadcast_in_dim3A_304 : vector<2304x1024xi1>, vector<2304x1024xf32>
    %reduce_max3A_306 = arith.constant dense<0xFF800000> : vector<1024xf32>
    %reduce_max3A_307 = vector.multi_reduction <maximumf>, %select_n3A_305, %reduce_max3A_306 [0] : vector<2304x1024xf32> to vector<1024xf32>
    %eq3A_308 = arith.constant 10 : i32
    %eq3A_309 = vector.broadcast %eq3A_308 : i32 to vector<16x1024xi32>
    %eq3A_310 = arith.cmpi eq, %iota3A, %eq3A_309 : vector<16x1024xi32>
    %broadcast_in_dim3A_311 = vector.shape_cast %reduce_max3A_307 : vector<1024xf32> to vector<1x1024xf32>
    %broadcast_in_dim3A_312 = vector.broadcast %broadcast_in_dim3A_311 : vector<1x1024xf32> to vector<16x1024xf32>
    %select_n3A_313 = arith.select %eq3A_310, %broadcast_in_dim3A_312, %select_n3A_296 : vector<16x1024xi1>, vector<16x1024xf32>
    %slice3A_314 = vector.extract_strided_slice %get3A_4 {offsets = [0, 27], sizes = [2304, 1], strides = [1, 1]} : vector<2304x128xf32> to vector<2304x1xf32>
    %gt3A_315 = arith.constant 0.000000e+00 : f32
    %gt3A_316 = vector.broadcast %gt3A_315 : f32 to vector<2304x1xf32>
    %gt3A_317 = arith.cmpf ogt, %slice3A_314, %gt3A_316 : vector<2304x1xf32>
    %jit3A_318 = arith.constant 0xFF800000 : f32
    %broadcast_in_dim3A_319 = vector.shape_cast %gt3A_317 : vector<2304x1xi1> to vector<2304x1xi1>
    %broadcast_in_dim3A_320 = vector.broadcast %broadcast_in_dim3A_319 : vector<2304x1xi1> to vector<2304x1024xi1>
    %broadcast_in_dim3A_321 = vector.broadcast %jit3A_318 : f32 to vector<2304x1024xf32>
    %select_n3A_322 = arith.select %broadcast_in_dim3A_320, %add3A_129, %broadcast_in_dim3A_321 : vector<2304x1024xi1>, vector<2304x1024xf32>
    %reduce_max3A_323 = arith.constant dense<0xFF800000> : vector<1024xf32>
    %reduce_max3A_324 = vector.multi_reduction <maximumf>, %select_n3A_322, %reduce_max3A_323 [0] : vector<2304x1024xf32> to vector<1024xf32>
    %eq3A_325 = arith.constant 11 : i32
    %eq3A_326 = vector.broadcast %eq3A_325 : i32 to vector<16x1024xi32>
    %eq3A_327 = arith.cmpi eq, %iota3A, %eq3A_326 : vector<16x1024xi32>
    %broadcast_in_dim3A_328 = vector.shape_cast %reduce_max3A_324 : vector<1024xf32> to vector<1x1024xf32>
    %broadcast_in_dim3A_329 = vector.broadcast %broadcast_in_dim3A_328 : vector<1x1024xf32> to vector<16x1024xf32>
    %select_n3A_330 = arith.select %eq3A_327, %broadcast_in_dim3A_329, %select_n3A_313 : vector<16x1024xi1>, vector<16x1024xf32>
    %slice3A_331 = vector.extract_strided_slice %get3A_4 {offsets = [0, 28], sizes = [2304, 1], strides = [1, 1]} : vector<2304x128xf32> to vector<2304x1xf32>
    %gt3A_332 = arith.constant 0.000000e+00 : f32
    %gt3A_333 = vector.broadcast %gt3A_332 : f32 to vector<2304x1xf32>
    %gt3A_334 = arith.cmpf ogt, %slice3A_331, %gt3A_333 : vector<2304x1xf32>
    %jit3A_335 = arith.constant 0xFF800000 : f32
    %broadcast_in_dim3A_336 = vector.shape_cast %gt3A_334 : vector<2304x1xi1> to vector<2304x1xi1>
    %broadcast_in_dim3A_337 = vector.broadcast %broadcast_in_dim3A_336 : vector<2304x1xi1> to vector<2304x1024xi1>
    %broadcast_in_dim3A_338 = vector.broadcast %jit3A_335 : f32 to vector<2304x1024xf32>
    %select_n3A_339 = arith.select %broadcast_in_dim3A_337, %add3A_129, %broadcast_in_dim3A_338 : vector<2304x1024xi1>, vector<2304x1024xf32>
    %reduce_max3A_340 = arith.constant dense<0xFF800000> : vector<1024xf32>
    %reduce_max3A_341 = vector.multi_reduction <maximumf>, %select_n3A_339, %reduce_max3A_340 [0] : vector<2304x1024xf32> to vector<1024xf32>
    %eq3A_342 = arith.constant 12 : i32
    %eq3A_343 = vector.broadcast %eq3A_342 : i32 to vector<16x1024xi32>
    %eq3A_344 = arith.cmpi eq, %iota3A, %eq3A_343 : vector<16x1024xi32>
    %broadcast_in_dim3A_345 = vector.shape_cast %reduce_max3A_341 : vector<1024xf32> to vector<1x1024xf32>
    %broadcast_in_dim3A_346 = vector.broadcast %broadcast_in_dim3A_345 : vector<1x1024xf32> to vector<16x1024xf32>
    %select_n3A_347 = arith.select %eq3A_344, %broadcast_in_dim3A_346, %select_n3A_330 : vector<16x1024xi1>, vector<16x1024xf32>
    %slice3A_348 = vector.extract_strided_slice %get3A_4 {offsets = [0, 29], sizes = [2304, 1], strides = [1, 1]} : vector<2304x128xf32> to vector<2304x1xf32>
    %gt3A_349 = arith.constant 0.000000e+00 : f32
    %gt3A_350 = vector.broadcast %gt3A_349 : f32 to vector<2304x1xf32>
    %gt3A_351 = arith.cmpf ogt, %slice3A_348, %gt3A_350 : vector<2304x1xf32>
    %jit3A_352 = arith.constant 0xFF800000 : f32
    %broadcast_in_dim3A_353 = vector.shape_cast %gt3A_351 : vector<2304x1xi1> to vector<2304x1xi1>
    %broadcast_in_dim3A_354 = vector.broadcast %broadcast_in_dim3A_353 : vector<2304x1xi1> to vector<2304x1024xi1>
    %broadcast_in_dim3A_355 = vector.broadcast %jit3A_352 : f32 to vector<2304x1024xf32>
    %select_n3A_356 = arith.select %broadcast_in_dim3A_354, %add3A_129, %broadcast_in_dim3A_355 : vector<2304x1024xi1>, vector<2304x1024xf32>
    %reduce_max3A_357 = arith.constant dense<0xFF800000> : vector<1024xf32>
    %reduce_max3A_358 = vector.multi_reduction <maximumf>, %select_n3A_356, %reduce_max3A_357 [0] : vector<2304x1024xf32> to vector<1024xf32>
    %eq3A_359 = arith.constant 13 : i32
    %eq3A_360 = vector.broadcast %eq3A_359 : i32 to vector<16x1024xi32>
    %eq3A_361 = arith.cmpi eq, %iota3A, %eq3A_360 : vector<16x1024xi32>
    %broadcast_in_dim3A_362 = vector.shape_cast %reduce_max3A_358 : vector<1024xf32> to vector<1x1024xf32>
    %broadcast_in_dim3A_363 = vector.broadcast %broadcast_in_dim3A_362 : vector<1x1024xf32> to vector<16x1024xf32>
    %select_n3A_364 = arith.select %eq3A_361, %broadcast_in_dim3A_363, %select_n3A_347 : vector<16x1024xi1>, vector<16x1024xf32>
    %slice3A_365 = vector.extract_strided_slice %get3A_4 {offsets = [0, 30], sizes = [2304, 1], strides = [1, 1]} : vector<2304x128xf32> to vector<2304x1xf32>
    %gt3A_366 = arith.constant 0.000000e+00 : f32
    %gt3A_367 = vector.broadcast %gt3A_366 : f32 to vector<2304x1xf32>
    %gt3A_368 = arith.cmpf ogt, %slice3A_365, %gt3A_367 : vector<2304x1xf32>
    %jit3A_369 = arith.constant 0xFF800000 : f32
    %broadcast_in_dim3A_370 = vector.shape_cast %gt3A_368 : vector<2304x1xi1> to vector<2304x1xi1>
    %broadcast_in_dim3A_371 = vector.broadcast %broadcast_in_dim3A_370 : vector<2304x1xi1> to vector<2304x1024xi1>
    %broadcast_in_dim3A_372 = vector.broadcast %jit3A_369 : f32 to vector<2304x1024xf32>
    %select_n3A_373 = arith.select %broadcast_in_dim3A_371, %add3A_129, %broadcast_in_dim3A_372 : vector<2304x1024xi1>, vector<2304x1024xf32>
    %reduce_max3A_374 = arith.constant dense<0xFF800000> : vector<1024xf32>
    %reduce_max3A_375 = vector.multi_reduction <maximumf>, %select_n3A_373, %reduce_max3A_374 [0] : vector<2304x1024xf32> to vector<1024xf32>
    %eq3A_376 = arith.constant 14 : i32
    %eq3A_377 = vector.broadcast %eq3A_376 : i32 to vector<16x1024xi32>
    %eq3A_378 = arith.cmpi eq, %iota3A, %eq3A_377 : vector<16x1024xi32>
    %broadcast_in_dim3A_379 = vector.shape_cast %reduce_max3A_375 : vector<1024xf32> to vector<1x1024xf32>
    %broadcast_in_dim3A_380 = vector.broadcast %broadcast_in_dim3A_379 : vector<1x1024xf32> to vector<16x1024xf32>
    %select_n3A_381 = arith.select %eq3A_378, %broadcast_in_dim3A_380, %select_n3A_364 : vector<16x1024xi1>, vector<16x1024xf32>
    %slice3A_382 = vector.extract_strided_slice %get3A_4 {offsets = [0, 31], sizes = [2304, 1], strides = [1, 1]} : vector<2304x128xf32> to vector<2304x1xf32>
    %gt3A_383 = arith.constant 0.000000e+00 : f32
    %gt3A_384 = vector.broadcast %gt3A_383 : f32 to vector<2304x1xf32>
    %gt3A_385 = arith.cmpf ogt, %slice3A_382, %gt3A_384 : vector<2304x1xf32>
    %jit3A_386 = arith.constant 0xFF800000 : f32
    %broadcast_in_dim3A_387 = vector.shape_cast %gt3A_385 : vector<2304x1xi1> to vector<2304x1xi1>
    %broadcast_in_dim3A_388 = vector.broadcast %broadcast_in_dim3A_387 : vector<2304x1xi1> to vector<2304x1024xi1>
    %broadcast_in_dim3A_389 = vector.broadcast %jit3A_386 : f32 to vector<2304x1024xf32>
    %select_n3A_390 = arith.select %broadcast_in_dim3A_388, %add3A_129, %broadcast_in_dim3A_389 : vector<2304x1024xi1>, vector<2304x1024xf32>
    %reduce_max3A_391 = arith.constant dense<0xFF800000> : vector<1024xf32>
    %reduce_max3A_392 = vector.multi_reduction <maximumf>, %select_n3A_390, %reduce_max3A_391 [0] : vector<2304x1024xf32> to vector<1024xf32>
    %eq3A_393 = arith.constant 15 : i32
    %eq3A_394 = vector.broadcast %eq3A_393 : i32 to vector<16x1024xi32>
    %eq3A_395 = arith.cmpi eq, %iota3A, %eq3A_394 : vector<16x1024xi32>
    %broadcast_in_dim3A_396 = vector.shape_cast %reduce_max3A_392 : vector<1024xf32> to vector<1x1024xf32>
    %broadcast_in_dim3A_397 = vector.broadcast %broadcast_in_dim3A_396 : vector<1x1024xf32> to vector<16x1024xf32>
    %select_n3A_398 = arith.select %eq3A_395, %broadcast_in_dim3A_397, %select_n3A_381 : vector<16x1024xi1>, vector<16x1024xf32>
    %gt3A_399 = arith.constant 0xFF800000 : f32
    %gt3A_400 = vector.broadcast %gt3A_399 : f32 to vector<16x1024xf32>
    %gt3A_401 = arith.cmpf ogt, %select_n3A_398, %gt3A_400 : vector<16x1024xf32>
    %jit3A_402 = arith.constant 0.000000e+00 : f32
    %broadcast_in_dim3A_403 = vector.broadcast %jit3A_402 : f32 to vector<16x1024xf32>
    %select_n3A_404 = arith.select %gt3A_401, %select_n3A_398, %broadcast_in_dim3A_403 : vector<16x1024xi1>, vector<16x1024xf32>
    %get3A_405 = arith.constant 0 : index
    %get3A_406 = arith.constant 0 : index
    %get3A_407 = vector.load %arg10[%get3A_405, %get3A_406] : memref<1024x512xf32, #tpu.memory_space<vmem>>, vector<1024x512xf32>
    %dot_general3A_408 = arith.constant dense<0.000000e+00> : vector<16x512xf32>
    %dot_general3A_409 = tpu.matmul %select_n3A_404, %get3A_407, %dot_general3A_408 {dimension_numbers = #tpu.dot_dimension_numbers<[1], [0], [0], [1], [0, 0, 1, 1], [], []>, transpose_lhs_hint = false} : vector<16x1024xf32>, vector<1024x512xf32>, vector<16x512xf32> -> vector<16x512xf32>
    %get3A_410 = arith.constant 0 : index
    %get3A_411 = arith.constant 0 : index
    %get3A_412 = vector.load %arg11[%get3A_410, %get3A_411] : memref<8x512xf32, #tpu.memory_space<vmem>>, vector<8x512xf32>
    %slice3A_413 = vector.extract_strided_slice %get3A_412 {offsets = [0, 0], sizes = [1, 512], strides = [1, 1]} : vector<8x512xf32> to vector<1x512xf32>
    %add3A_414 = vector.broadcast %slice3A_413 : vector<1x512xf32> to vector<16x512xf32>
    %add3A_415 = arith.addf %dot_general3A_409, %add3A_414 : vector<16x512xf32>
    %max3A_416 = arith.constant 0.000000e+00 : f32
    %max3A_417 = vector.broadcast %max3A_416 : f32 to vector<16x512xf32>
    %max3A_418 = arith.maximumf %add3A_415, %max3A_417 : vector<16x512xf32>
    %get3A_419 = arith.constant 0 : index
    %get3A_420 = arith.constant 0 : index
    %get3A_421 = vector.load %arg12[%get3A_419, %get3A_420] : memref<512x256xf32, #tpu.memory_space<vmem>>, vector<512x256xf32>
    %dot_general3A_422 = arith.constant dense<0.000000e+00> : vector<16x256xf32>
    %dot_general3A_423 = tpu.matmul %max3A_418, %get3A_421, %dot_general3A_422 {dimension_numbers = #tpu.dot_dimension_numbers<[1], [0], [0], [1], [0, 0, 1, 1], [], []>, transpose_lhs_hint = false} : vector<16x512xf32>, vector<512x256xf32>, vector<16x256xf32> -> vector<16x256xf32>
    %get3A_424 = arith.constant 0 : index
    %get3A_425 = arith.constant 0 : index
    %get3A_426 = vector.load %arg13[%get3A_424, %get3A_425] : memref<8x256xf32, #tpu.memory_space<vmem>>, vector<8x256xf32>
    %slice3A_427 = vector.extract_strided_slice %get3A_426 {offsets = [0, 0], sizes = [1, 256], strides = [1, 1]} : vector<8x256xf32> to vector<1x256xf32>
    %add3A_428 = vector.broadcast %slice3A_427 : vector<1x256xf32> to vector<16x256xf32>
    %add3A_429 = arith.addf %dot_general3A_423, %add3A_428 : vector<16x256xf32>
    %max3A_430 = arith.constant 0.000000e+00 : f32
    %max3A_431 = vector.broadcast %max3A_430 : f32 to vector<16x256xf32>
    %max3A_432 = arith.maximumf %add3A_429, %max3A_431 : vector<16x256xf32>
    %get3A_433 = arith.constant 0 : index
    %get3A_434 = arith.constant 0 : index
    %get3A_435 = vector.load %arg14[%get3A_433, %get3A_434] : memref<256x128xf32, #tpu.memory_space<vmem>>, vector<256x128xf32>
    %dot_general3A_436 = arith.constant dense<0.000000e+00> : vector<16x128xf32>
    %dot_general3A_437 = tpu.matmul %max3A_432, %get3A_435, %dot_general3A_436 {dimension_numbers = #tpu.dot_dimension_numbers<[1], [0], [0], [1], [0, 0, 1, 1], [], []>, transpose_lhs_hint = false} : vector<16x256xf32>, vector<256x128xf32>, vector<16x128xf32> -> vector<16x128xf32>
    %get3A_438 = arith.constant 0 : index
    %get3A_439 = arith.constant 0 : index
    %get3A_440 = vector.load %arg15[%get3A_438, %get3A_439] : memref<8x128xf32, #tpu.memory_space<vmem>>, vector<8x128xf32>
    %slice3A_441 = vector.extract_strided_slice %get3A_440 {offsets = [0, 0], sizes = [1, 128], strides = [1, 1]} : vector<8x128xf32> to vector<1x128xf32>
    %add3A_442 = vector.broadcast %slice3A_441 : vector<1x128xf32> to vector<16x128xf32>
    %add3A_443 = arith.addf %dot_general3A_437, %add3A_442 : vector<16x128xf32>
    %iota3A_444 = tpu.iota {dimensions = array<i32: 1>} : vector<16x128xi32>
    %lt3A = arith.constant 10 : i32
    %lt3A_445 = vector.broadcast %lt3A : i32 to vector<16x128xi32>
    %lt3A_446 = arith.cmpi slt, %iota3A_444, %lt3A_445 : vector<16x128xi32>
    %jit3A_447 = arith.constant 0xFF800000 : f32
    %broadcast_in_dim3A_448 = vector.broadcast %jit3A_447 : f32 to vector<16x128xf32>
    %select_n3A_449 = arith.select %lt3A_446, %add3A_443, %broadcast_in_dim3A_448 : vector<16x128xi1>, vector<16x128xf32>
    %slice3A_450 = vector.extract_strided_slice %select_n3A_449 {offsets = [0, 0], sizes = [16, 64], strides = [1, 1]} : vector<16x128xf32> to vector<16x64xf32>
    %slice3A_451 = vector.extract_strided_slice %select_n3A_449 {offsets = [0, 64], sizes = [16, 64], strides = [1, 1]} : vector<16x128xf32> to vector<16x64xf32>
    %max3A_452 = arith.maximumf %slice3A_450, %slice3A_451 : vector<16x64xf32>
    %slice3A_453 = vector.extract_strided_slice %max3A_452 {offsets = [0, 0], sizes = [16, 32], strides = [1, 1]} : vector<16x64xf32> to vector<16x32xf32>
    %slice3A_454 = vector.extract_strided_slice %max3A_452 {offsets = [0, 32], sizes = [16, 32], strides = [1, 1]} : vector<16x64xf32> to vector<16x32xf32>
    %max3A_455 = arith.maximumf %slice3A_453, %slice3A_454 : vector<16x32xf32>
    %slice3A_456 = vector.extract_strided_slice %max3A_455 {offsets = [0, 0], sizes = [16, 16], strides = [1, 1]} : vector<16x32xf32> to vector<16x16xf32>
    %slice3A_457 = vector.extract_strided_slice %max3A_455 {offsets = [0, 16], sizes = [16, 16], strides = [1, 1]} : vector<16x32xf32> to vector<16x16xf32>
    %max3A_458 = arith.maximumf %slice3A_456, %slice3A_457 : vector<16x16xf32>
    %slice3A_459 = vector.extract_strided_slice %max3A_458 {offsets = [0, 0], sizes = [16, 8], strides = [1, 1]} : vector<16x16xf32> to vector<16x8xf32>
    %slice3A_460 = vector.extract_strided_slice %max3A_458 {offsets = [0, 8], sizes = [16, 8], strides = [1, 1]} : vector<16x16xf32> to vector<16x8xf32>
    %max3A_461 = arith.maximumf %slice3A_459, %slice3A_460 : vector<16x8xf32>
    %slice3A_462 = vector.extract_strided_slice %max3A_461 {offsets = [0, 0], sizes = [16, 4], strides = [1, 1]} : vector<16x8xf32> to vector<16x4xf32>
    %slice3A_463 = vector.extract_strided_slice %max3A_461 {offsets = [0, 4], sizes = [16, 4], strides = [1, 1]} : vector<16x8xf32> to vector<16x4xf32>
    %max3A_464 = arith.maximumf %slice3A_462, %slice3A_463 : vector<16x4xf32>
    %slice3A_465 = vector.extract_strided_slice %max3A_464 {offsets = [0, 0], sizes = [16, 2], strides = [1, 1]} : vector<16x4xf32> to vector<16x2xf32>
    %slice3A_466 = vector.extract_strided_slice %max3A_464 {offsets = [0, 2], sizes = [16, 2], strides = [1, 1]} : vector<16x4xf32> to vector<16x2xf32>
    %max3A_467 = arith.maximumf %slice3A_465, %slice3A_466 : vector<16x2xf32>
    %slice3A_468 = vector.extract_strided_slice %max3A_467 {offsets = [0, 0], sizes = [16, 1], strides = [1, 1]} : vector<16x2xf32> to vector<16x1xf32>
    %slice3A_469 = vector.extract_strided_slice %max3A_467 {offsets = [0, 1], sizes = [16, 1], strides = [1, 1]} : vector<16x2xf32> to vector<16x1xf32>
    %max3A_470 = arith.maximumf %slice3A_468, %slice3A_469 : vector<16x1xf32>
    %broadcast_in_dim3A_471 = vector.shape_cast %max3A_470 : vector<16x1xf32> to vector<16x1xf32>
    %broadcast_in_dim3A_472 = vector.broadcast %broadcast_in_dim3A_471 : vector<16x1xf32> to vector<16x128xf32>
    %sub3A_473 = arith.subf %select_n3A_449, %broadcast_in_dim3A_472 : vector<16x128xf32>
    %exp3A = math.exp %sub3A_473 : vector<16x128xf32>
    %slice3A_474 = vector.extract_strided_slice %exp3A {offsets = [0, 0], sizes = [16, 64], strides = [1, 1]} : vector<16x128xf32> to vector<16x64xf32>
    %slice3A_475 = vector.extract_strided_slice %exp3A {offsets = [0, 64], sizes = [16, 64], strides = [1, 1]} : vector<16x128xf32> to vector<16x64xf32>
    %add3A_476 = arith.addf %slice3A_474, %slice3A_475 : vector<16x64xf32>
    %slice3A_477 = vector.extract_strided_slice %add3A_476 {offsets = [0, 0], sizes = [16, 32], strides = [1, 1]} : vector<16x64xf32> to vector<16x32xf32>
    %slice3A_478 = vector.extract_strided_slice %add3A_476 {offsets = [0, 32], sizes = [16, 32], strides = [1, 1]} : vector<16x64xf32> to vector<16x32xf32>
    %add3A_479 = arith.addf %slice3A_477, %slice3A_478 : vector<16x32xf32>
    %slice3A_480 = vector.extract_strided_slice %add3A_479 {offsets = [0, 0], sizes = [16, 16], strides = [1, 1]} : vector<16x32xf32> to vector<16x16xf32>
    %slice3A_481 = vector.extract_strided_slice %add3A_479 {offsets = [0, 16], sizes = [16, 16], strides = [1, 1]} : vector<16x32xf32> to vector<16x16xf32>
    %add3A_482 = arith.addf %slice3A_480, %slice3A_481 : vector<16x16xf32>
    %slice3A_483 = vector.extract_strided_slice %add3A_482 {offsets = [0, 0], sizes = [16, 8], strides = [1, 1]} : vector<16x16xf32> to vector<16x8xf32>
    %slice3A_484 = vector.extract_strided_slice %add3A_482 {offsets = [0, 8], sizes = [16, 8], strides = [1, 1]} : vector<16x16xf32> to vector<16x8xf32>
    %add3A_485 = arith.addf %slice3A_483, %slice3A_484 : vector<16x8xf32>
    %slice3A_486 = vector.extract_strided_slice %add3A_485 {offsets = [0, 0], sizes = [16, 4], strides = [1, 1]} : vector<16x8xf32> to vector<16x4xf32>
    %slice3A_487 = vector.extract_strided_slice %add3A_485 {offsets = [0, 4], sizes = [16, 4], strides = [1, 1]} : vector<16x8xf32> to vector<16x4xf32>
    %add3A_488 = arith.addf %slice3A_486, %slice3A_487 : vector<16x4xf32>
    %slice3A_489 = vector.extract_strided_slice %add3A_488 {offsets = [0, 0], sizes = [16, 2], strides = [1, 1]} : vector<16x4xf32> to vector<16x2xf32>
    %slice3A_490 = vector.extract_strided_slice %add3A_488 {offsets = [0, 2], sizes = [16, 2], strides = [1, 1]} : vector<16x4xf32> to vector<16x2xf32>
    %add3A_491 = arith.addf %slice3A_489, %slice3A_490 : vector<16x2xf32>
    %slice3A_492 = vector.extract_strided_slice %add3A_491 {offsets = [0, 0], sizes = [16, 1], strides = [1, 1]} : vector<16x2xf32> to vector<16x1xf32>
    %slice3A_493 = vector.extract_strided_slice %add3A_491 {offsets = [0, 1], sizes = [16, 1], strides = [1, 1]} : vector<16x2xf32> to vector<16x1xf32>
    %add3A_494 = arith.addf %slice3A_492, %slice3A_493 : vector<16x1xf32>
    %log3A = math.log %add3A_494 : vector<16x1xf32>
    %add3A_495 = arith.addf %max3A_470, %log3A : vector<16x1xf32>
    %broadcast_in_dim3A_496 = vector.shape_cast %add3A_495 : vector<16x1xf32> to vector<16x1xf32>
    %broadcast_in_dim3A_497 = vector.broadcast %broadcast_in_dim3A_496 : vector<16x1xf32> to vector<16x128xf32>
    %sub3A_498 = arith.subf %add3A_443, %broadcast_in_dim3A_497 : vector<16x128xf32>
    %swap3A = arith.constant 0 : index
    %swap3A_499 = arith.constant 0 : index
    %swap3A_500 = vector.load %arg16[%swap3A, %swap3A_499] : memref<16x128xf32, #tpu.memory_space<vmem>>, vector<16x128xf32>
    tpu.vector_store %arg16[%swap3A, %swap3A_499], %sub3A_498 {strides = array<i32>} : memref<16x128xf32, #tpu.memory_space<vmem>>, vector<16x128xf32>,
    return
  }
}

</mosaic_0001>

<sc_bundles>
// kernel: gather_offload_async_start.1
scs
__scs_entry_jumppad:
0x0: {  	(pc) =	sbr.rel $0x88, $3  }
0x1: {  	(tag) =	ssettag $0x0;
	lr =	simm.s32 $0x1  }
0x2: {  	[smem:$0x3F7B] =	sst lr;
	_ =	strace $0xD0000000  }
0x3: {  	_ = 	snop  }
0x4: {  	_ = 	snop  }
0x5: {  	_ = 	snop  }
0x6: {  	_ = 	snop  }
0x7: {  	_ = 	snop  }
__scs_overlays_trampoline_lowered:
0x8: {  	[smem:$0x3F8A] =	sst s0  }
0x9: {  	[smem:$0x3F8B] =	sst s1  }
0xa: {  	[smem:$0x3F8C] =	sst s2  }
0xb: {  	[smem:$0x3F8D] =	sst s3  }
0xc: {  	[smem:$0x3F8E] =	sst s4  }
0xd: {  	[smem:$0x3F8F] =	sst s5  }
0xe: {  	[smem:$0x3F90] =	sst s6  }
0xf: {  	[smem:$0x3F91] =	sst s7  }
0x10: {  	[smem:$0x3F92] =	sst s8  }
0x11: {  	[smem:$0x3F93] =	sst s9;
	s0 =	simm.s32 @!p0 $0x0  }
0x12: {  	s1 =	sld [smem:$0x3F79];
	s0 =	simm.s32 @p0 $0x1  }
0x13: {  	[smem:$0x3F94] =	sst s0;
	s0 =	simm.s32 @!p1 $0x0  }
0x14: {  	s2 =	sld [smem:$0x3F78];
	s0 =	simm.s32 @p1 $0x1  }
0x15: {  	[smem:$0x3F95] =	sst s0;
	s0 =	simm.s32 @!p2 $0x0  }
0x16: {  	s3 =	sld [smem:$0x3FDB];
	s0 =	simm.s32 @p2 $0x1  }
0x17: {  	s4 =	simm.s32 $0x1BF5;
	[smem:$0x3F97] =	sst s0  }
0x18: {  	s0 =	sld [smem:$0x3F7A];
	_ =	swait.ge [sflag:s4], $0x0  }
0x19: {  	s7 =	sld [smem:$0x3F7B]  }
0x1a: {  	s8 =	sadd.s32 $0xFFFFE003, lr  }
0x1b: {  	s9 =	sadd.s32 $0xFFFFFEF7, lr;
	s5 =	simm.s32 $0xFFFFFFFF;
	p2 =	slt.u32 s8, $0xFFFFF086  }
0x1c: {  	p1 =	slt.u32 s9, $0xF7A;
	s5 =	simm.s32 @!p2 $0x0  }
0x1d: {  	s5 =	simm.s32 @p1 $0x1;
	p0 =	seq.s32 s7, s2  }
0x1e: {  	s7 =	smul.u32 @!p0 $0xF7A, s2;
	p2 =	seq.s32 @!p0 s5, $0x0  }
0x1f: {  	s9 =	smul.u32 $0xF7A, s1;
	s8 =	simm.s32 @!p0 $0x1BF5;
	p2 =	por !p2, p0  }
0x20: {  	[sflag:s8] =	ssyncset.s32 @!p0 $0xFFFFF086;
	s6 =	sadd.s32 @!p0 s3, s7;
	s7 =	simm.s32 @!p0 $0x108  }
0x21: {  	s3 =	sadd.s32 s3, s9;
	s6 =	sadd.s32 @!p0 $0x88, s6;
	s7 =	simm.s32 @p2 $0x1082  }
0x22: {  	[simem:s7], [sflag:s8] =	dma.local @!p0 [hbm:s6], $0xF7A  }
0x23: {  	s9 =	sor.u32 $0xD0000000, s2;
	s6 =	simm.s32 $0x108;
	_ =	swait.ge @!p0 [sflag:s8], $0x0  }
0x24: {  	s3 =	sadd.s32 $0x88, s3;
	s6 =	simm.s32 @!p1 $0x1082;
	[sflag:s4] =	ssyncset.s32 $0xFFFFF086  }
0x25: {  	[simem:s6], [sflag:s4] =	dma.local [hbm:s3], $0xF7A  }
0x26: {  	[smem:$0x3F7B] =	sst s1;
	(tag) =	ssettag s2;
	_ =	strace s9  }
0x27: {  	s1 =	sld [smem:$0x3F8B]  }
0x28: {  	s2 =	sld [smem:$0x3F8C]  }
0x29: {  	s4 =	sld [smem:$0x3F8E]  }
0x2a: {  	p0 =	seq.s32 s5, $0x0;
	s5 =	sld [smem:$0x3F8F]  }
0x2b: {  	s6 =	sld [smem:$0x3F90]  }
0x2c: {  	s7 =	sld [smem:$0x3F91]  }
0x2d: {  	s3 =	simm.s32 $0x108;
	s8 =	sld [smem:$0x3F92]  }
0x2e: {  	s3 =	simm.s32 @!p0 $0x1082;
	s9 =	sld [smem:$0x3F93]  }
0x2f: {  	lr =	sadd.s32 s0, s3;
	s0 =	sld [smem:$0x3F8A]  }
0x30: {  	s3 =	sld [smem:$0x3F8D]  }
0x31: {  	[smem:$0x3F96] =	sst s10  }
0x32: {  	s10 =	sld [smem:$0x3F94];
	_ =	sdelay $0x3  }
0x33: {  	p0 =	seq.s32 s10, $0x1;
	s10 =	sld [smem:$0x3F96];
	_ =	sdelay $0x3  }
0x34: {  	[smem:$0x3F96] =	sst s10  }
0x35: {  	s10 =	sld [smem:$0x3F95];
	_ =	sdelay $0x3  }
0x36: {  	p1 =	seq.s32 s10, $0x1;
	s10 =	sld [smem:$0x3F96];
	_ =	sdelay $0x3  }
0x37: {  	[smem:$0x3F96] =	sst s10  }
0x38: {  	s10 =	sld [smem:$0x3F97]  }
0x39: {  	_ = 	snop;
	(pc) =	sbr.ind lr, $3  }
0x3a: {  	_ = 	snop  }
0x3b: {  	_ = 	snop  }
0x3c: {  	p2 =	seq.s32 s10, $0x1;
	s10 =	sld [smem:$0x3F96]  }
0x3d: {  	_ =	shalt  }
0x3e: {  	_ =	shalt  }
0x3f: {  	_ =	shalt  }
0x40: {  	_ =	shalt  }
0x41: {  	_ =	shalt  }
0x42: {  	_ =	shalt  }
0x43: {  	_ =	shalt  }
0x44: {  	_ =	shalt  }
0x45: {  	_ =	shalt  }
0x46: {  	_ =	shalt  }
0x47: {  	_ =	shalt  }
0x48: {  	_ =	shalt  }
0x49: {  	_ =	shalt  }
0x4a: {  	_ =	shalt  }
0x4b: {  	_ =	shalt  }
0x4c: {  	_ =	shalt  }
0x4d: {  	_ =	shalt  }
0x4e: {  	_ =	shalt  }
0x4f: {  	_ =	shalt  }
0x50: {  	_ =	shalt  }
0x51: {  	_ =	shalt  }
0x52: {  	_ =	shalt  }
0x53: {  	_ =	shalt  }
0x54: {  	_ =	shalt  }
0x55: {  	_ =	shalt  }
0x56: {  	_ =	shalt  }
0x57: {  	_ =	shalt  }
0x58: {  	_ =	shalt  }
0x59: {  	_ =	shalt  }
0x5a: {  	_ =	shalt  }
0x5b: {  	_ =	shalt  }
0x5c: {  	_ =	shalt  }
0x5d: {  	_ =	shalt  }
0x5e: {  	_ =	shalt  }
0x5f: {  	_ =	shalt  }
0x60: {  	_ =	shalt  }
0x61: {  	_ =	shalt  }
0x62: {  	_ =	shalt  }
0x63: {  	_ =	shalt  }
0x64: {  	_ =	shalt  }
0x65: {  	_ =	shalt  }
0x66: {  	_ =	shalt  }
0x67: {  	_ =	shalt  }
0x68: {  	_ =	shalt  }
0x69: {  	_ =	shalt  }
0x6a: {  	_ =	shalt  }
0x6b: {  	_ =	shalt  }
0x6c: {  	_ =	shalt  }
0x6d: {  	_ =	shalt  }
0x6e: {  	_ =	shalt  }
0x6f: {  	_ =	shalt  }
0x70: {  	_ =	shalt  }
0x71: {  	_ =	shalt  }
0x72: {  	_ =	shalt  }
0x73: {  	_ =	shalt  }
0x74: {  	_ =	shalt  }
0x75: {  	_ =	shalt  }
0x76: {  	_ =	shalt  }
0x77: {  	_ =	shalt  }
0x78: {  	_ =	shalt  }
0x79: {  	_ =	shalt  }
0x7a: {  	_ =	shalt  }
0x7b: {  	_ =	shalt  }
0x7c: {  	_ =	shalt  }
0x7d: {  	_ =	shalt  }
0x7e: {  	_ =	shalt  }
0x7f: {  	_ =	shalt  }
0x80: {  	_ =	shalt  }
0x81: {  	_ =	shalt  }
0x82: {  	_ =	shalt  }
0x83: {  	_ =	shalt  }
0x84: {  	_ =	shalt  }
0x85: {  	_ =	shalt  }
0x86: {  	_ =	shalt  }
0x87: {  	_ =	shalt  }
.Lfunc_end0:
.L_simem_size_0:
called_computation.5_lowered:
.L_overlay_start_0:
0x88: {  	s2 =	sld [smem:$0x3FD9]  }
0x89: {  	s3 =	sld [smem:$0x3FFE];
	_ =	sdelay $0x1  }
0x8a: {  	s1 =	srdreg.scid  }
0x8b: {  	s0 =	sand.u32 $0x1, s1  }
0x8c: {  	s16 =	sshll.u32 s0, $0xA;
	s2 =	sadd.s32 s3, s2  }
0x8d: {  	s2 =	sadd.s32 s2, s16  }
0x8e: {  	[smem:$0x3FA2] =	sst s2  }
0x8f: {  	_ = 	snop  }
0x90: {  	(tm) =	ssettm $0x1  }
0x91: {  	s17 =	sld [smem:$0x3FFB];
	_ =	sdelay $0x3  }
0x92: {  	_ =	strace s17  }
0x93: {  	s2 =	sld [smem:$0x3FFC];
	_ =	sdelay $0x3  }
0x94: {  	_ =	strace s2  }
0x95: {  	s2 =	sld [smem:$0x3FFD];
	_ =	sdelay $0x3  }
0x96: {  	_ =	strace s2  }
0x97: {  	_ =	strace $0x8FFFFFFF  }
0x98: {  	s18 =	sld [smem:$0x3FDB];
	_ =	sdelay $0x1  }
0x99: {  	s19 =	simm.s32 $_scs_section_size  }
0x9a: {  	s4 =	simm.s32 $_size__tile_overlayer_lowered;
	s5 =	simm.s32 $_tile_overlayer_lowered  }
0x9b: {  	s22 =	simm.s32 $0x1BFF;
	s21 =	sshll.u32 s5, $0x1;
	s2 =	sadd.s32 s19, s18  }
0x9c: {  	s6 =	simm.s32 $0x0;
	s20 =	sshll.u32 s4, $0x1;
	s4 =	sadd.s32 s21, s2  }
0x9d: {  	[timem:s6], [sflag:s22] =	dma.local [hbm:s4], s20  }
0x9e: {  	_ =	swait.ge [sflag:s22], s20  }
0x9f: {  	s3 =	ssub.s32 $0x0, s20;
	[sflag:s22] =	ssyncset.done $0x0  }
0xa0: {  	[sflag:s22] =	ssyncadd.s32 s3;
	_ =	sdelay $0x1  }
0xa1: {  	s23 =	simm.s32 $0x1B8B  }
0xa2: {  	_ =	swait.ge [sflag:s23], $0x1  }
0xa3: {  	[sflag:s23] =	ssyncset.done $0x0  }
0xa4: {  	s25 =	simm.s32 $0x1B8E;
	s24 =	sld [smem:$0x3FFE];
	[sflag:s23] =	ssyncadd.s32 $0xFFFFFFFF  }
0xa5: {  	s26 =	simm.s32 $execute0_lowered;
	[smem:$0x3FD2] =	sst s25  }
0xa6: {  	s4 =	sshll.u32 s26, $0x1;
	_ =	strace $0x80000058;
	[dreg:$0x1] =	wrdreg $0xFFFFFFFF  }
0xa7: {  	s28 =	simm.s32 $_size_execute0_lowered;
	s2 =	sadd.s32 s2, s4;
	[dreg:$0x0] =	wrdreg $0x0  }
0xa8: {  	s4 =	sshll.u32 s28, $0x1;
	[dreg:$0x2] =	wrdreg s2  }
0xa9: {  	[dreg:$0x3] =	wrdreg s4  }
0xaa: {  	[dreg:$0x4] =	wrdreg $0xC0  }
0xab: {  	_ =	task [dreg:s6], $0x5FFFF  }
0xac: {  	[dreg:$0x1] =	wrdreg $0xFFFFFFFF  }
0xad: {  	[dreg:$0x0] =	wrdreg $0x60  }
0xae: {  	[dreg:$0x2] =	wrdreg s24  }
0xaf: {  	[dreg:$0x3] =	wrdreg $0xA  }
0xb0: {  	_ =	task.clear_ibuf [dreg:s6], $0x4FFFF;
	_ =	strace $0x90000058  }
0xb1: {  	s29 =	simm.s32 $0xA;
	_ =	strace $0x8000005A  }
0xb2: {  	_ =	swait.ge [sflag:s29], $0x1  }
0xb3: {  	[sflag:s29] =	ssyncadd.s32 $0xFFFFFFFF  }
0xb4: {  	_ =	strace $0x9000005A  }
0xb5: {  	_ =	sfence  }
0xb6: {  	s30 =	sld [smem:$0x0];
	_ =	sdelay $0x2  }
0xb7: {  	s31 =	sshll.u32 s1, $0xD;
	s1 =	sshrl.u32 s1, $0x2  }
0xb8: {  	s3 =	sand.u32 $0x4000, s31;
	s1 =	sadd.s32 s1, s30  }
0xb9: {  	s0 =	sor.u32 s3, s0;
	s1 =	sshll.u32 s1, $0x11  }
0xba: {  	s0 =	sor.u32 s1, s0  }
0xbb: {  	s0 =	sadd.s32 $0x8F2B, s0  }
0xbc: {  	[sflag:s0] =	ssyncadd.remote.s32 $0x1  }
0xbd: {  	_ =	sfence.sel $0xFFFF  }
0xbe: {  	[dreg:$0x0] =	wrdreg $0xFFFFFFFF;
	(pc) =	sbr.abs _section_cstart, $3  }
0xbf: {  	[dreg:$0x1] =	wrdreg $0xFFFFFFFF  }
0xc0: {  	_ =	task.clear_ibuf [dreg:s6], $0x2FFFF;
	_ =	strace $0x9FFFFFFF  }
0xc1: {  	(tm) =	ssettm $0x7FFFFFFF  }
tec
execute0_lowered:
.L_overlay_start_1:
0x0: {  	(tag) =	ssettag $0x1  }
0x1: {  	s0 =	srdreg.scid  }
0x2: {  	s1 =	sshll.u32 s0, $0x4  }
0x3: {  	s0 =	stileid.u32;
	s1 =	sand.u32 $0x10, s1  }
0x4: {  	s1 =	sor.u32 s0, s1  }
0x5: {  	s9 =	rddreg [dreg:$0x0];
	s6 =	simm.s32 $0x1;
	s2 =	smin.u32 s1, $0x2  }
0x6: {  	p0 =	slt.u32 s1, $0x2;
	s2 =	sadd.s32 s1, s2;
	s1 =	simm.s32 $0x200  }
0x7: {  	s7 =	simm.s32 $0x2;
	s2 =	sshll.u32 s2, $0x8;
	s1 =	simm.s32 @!p0 $0x100  }
0x8: {  	s10 =	simm.s32 $0x3;
	s13 =	simm.s32 $0x0;
	s3 =	sadd.s32 s1, s2  }
0x9: {  	s12 =	simm.s32 $0x0;
	s4 =	sadd.s32 $0x2A00, s9;
	s3 =	smin.u32 s3, $0x2200  }
.Ltmp0:
0xa: {  	s5 =	sadd.s32 $0x45000, s9;
	s8 =	ssub.s32 s3, s2;
	(pc) =	sbr.rel .LBB2_1-.Ltmp0, $4  }
0xb: {  	s1 =	rddreg [dreg:$0x1];
	_ =	strace $0x80000059;
	p0 =	sgt.s32 s8, $0x0  }
0xc: {  	s9 =	sadd.s32 $0x48000, s9;
	[sflag:s6] =	ssyncpa.u1 $0x0;
	s8 =	simm.s32 @!p0 $0x0  }
0xd: {  	s11 =	smov.u32 s2;
	[sflag:s7] =	ssyncpa.u1 $0x0;
	s8 =	sshrl.u32 s8, $0x8  }
0xe: {  	vm0 =	vmmov $0xff;
	vm1 =	vcmask $0x3F20;
	[sflag:s10] =	ssyncpa.u1 $0x0;
	p0 =	por $0x0, $0x0;
	s10 =	sadd.s32 $0x1, s8  }
.LBB2_6:
0xf: {  	[hbm:s17] =	stream.linear.scatter [tilespmem:s14], [sflag:$0x3], $0x400, $0x38;
	[tilespmem:$0x10200] =	vst v63  }
.LBB2_7:
0x10: {  	s13 =	sadd.s32 $0x100, s11  }
0x11: {  	s15 =	smov.u32 s2;
	p2 =	slt.s32 s13, s3  }
0x12: {  	s15 =	smov.u32 @p2 s13;
	p2 =	sne.s32 s12, s10  }
.Ltmp1:
0x13: {  	p1 =	slt.u32 s12, $0x2;
	(pc) =	sbr.rel @!p2 .LBB2_8-.Ltmp1, $4  }
0x14: {  	s14 =	simm.s32 @!p1 $0x3  }
0x15: {  	s16 =	sadd.s32 $0x1, s12;
	_ =	swait.ge @!p1 [sflag:s14], $0x8000  }
0x16: {  	p0 =	por !p0, !p0;
	s13 =	smov.u32 s11;
	[sflag:s14] =	ssyncset.done @!p1 $0x0  }
0x17: {  	s12 =	smov.u32 s16;
	s11 =	smov.u32 s15;
	[sflag:s14] =	ssyncadd.s32 @!p1 $0xFFFF8000  }
.LBB2_1:
0x18: {  	p1 =	sge.u32 s12, s8  }
0x19: {  	s14 =	sxor.u32 @!p1 $0xFFFFFFFF, s12  }
0x1a: {  	s31 =	sadd.s32 $0xFFFFFFFF, s12;
	s15 =	sshrl.u32 @!p1 s11, $0x3;
	s14 =	sshll.u32 @!p1 s14, $0x8  }
0x1b: {  	s16 =	sand.u32 @!p1 $0x7, s11;
	s15 =	sadd.s32 @!p1 s5, s15;
	s14 =	sand.u32 @!p1 $0x100, s14  }
0x1c: {  	[tilespmem:s14], [sflag:$0x2] =	stream.linear.gather @!p1 [hbm4b:s15+s16], $0x100, $0x38;
	[tilespmem:$0x10200] =	vst v63  }
0x1d: {  	p1 =	sge.u32 s31, s8  }
.Ltmp2:
0x1e: {  	_ = 	snop;
	(pc) =	sbr.rel @p1 .LBB2_7-.Ltmp2, $1  }
0x1f: {  	_ =	sdelay $0x3  }
0x20: {  	s14 =	simm.s32 $0x1  }
0x21: {  	_ =	swait.ge [sflag:s7], $0x100;
	s14 =	simm.s32 @!p0 $0x0  }
0x22: {  	[sflag:s7] =	ssyncset.done $0x0;
	s16 =	sshll.u32 s14, $0x8  }
0x23: {  	[sflag:s7] =	ssyncadd.s32 $0xFFFFFF00;
	s15 =	sadd.s32 $0x0, s16  }
0x24: {  	v0 =	vld.msk [tilespmem:s15+$0x0 ss:$0x1], $0xffff;
	_ =	sdelay $0x4  }
0x25: {  	vm2 =	vgt.s32 v0, $0x0  }
0x26: {  	v0 =	vnsel vm2, $0x0, v0  }
0x27: {  	v0 =	vmin.u32 v0, $0x3FFF  }
0x28: {  	v0 =	vshll.u32 v0, $0x4;
	_ =	sdelay $0x2  }
0x29: {  	s14 =	sshll.u32 s14, $0xF  }
0x2a: {  	s14 =	sor.u32 $0x200, s14  }
0x2b: {  	[tilespmem:s14], [sflag:$0x1] =	stream.indirect_vreg.gather [hbm:s4], $0x80, v0, vm0, $0x38;
	[tilespmem:$0x10200] =	vst v63  }
0x2c: {  	s17 =	sadd.s32 $0x10, s16;
	s15 =	sadd.s32 $0x400, s14  }
0x2d: {  	[tilespmem:s15], [sflag:$0x1] =	stream.indirect_vreg.gather [hbm:s4], $0x80, v0, vm1, $0x38;
	[tilespmem:$0x10200] =	vst v63  }
0x2e: {  	s18 =	simm.s32 $0x80;
	v0 =	vld.msk [tilespmem:s17+$0x0 ss:$0x1], $0xffff;
	s17 =	smov.u32 s14  }
.LBB2_3:
0x2f: {  	p1 =	sne.s32 s18, $0x3C0;
	_ =	sdelay $0x4  }
0x30: {  	vm2 =	vgt.s32 v0, $0x0  }
0x31: {  	v0 =	vnsel vm2, $0x0, v0  }
0x32: {  	v0 =	vmin.u32 v0, $0x3FFF  }
0x33: {  	v0 =	vshll.u32 v0, $0x4;
	_ =	sdelay $0x3  }
.Ltmp3:
0x34: {  	s19 =	sshra.s32 s18, $0x2;
	s17 =	sadd.s32 $0x800, s17;
	(pc) =	sbr.rel @p1 .LBB2_3-.Ltmp3, $4  }
0x35: {  	[tilespmem:s17], [sflag:$0x1] =	stream.indirect_vreg.gather [hbm:s4], $0x80, v0, vm0, $0x38;
	[tilespmem:$0x10200] =	vst v63  }
0x36: {  	s19 =	sadd.s32 s19, s16;
	s20 =	sadd.s32 $0x400, s17  }
0x37: {  	[tilespmem:s20], [sflag:$0x1] =	stream.indirect_vreg.gather [hbm:s4], $0x80, v0, vm1, $0x38;
	[tilespmem:$0x10200] =	vst v63  }
0x38: {  	s18 =	sadd.s32 $0x40, s18;
	v0 =	vld.msk [tilespmem:s19+$0x0 ss:$0x1], $0xffff  }
0x39: {  	_ =	sdelay $0x3  }
0x3a: {  	vm2 =	vgt.s32 v0, $0x0  }
0x3b: {  	v0 =	vnsel vm2, $0x0, v0  }
0x3c: {  	v0 =	vmin.u32 v0, $0x3FFF  }
0x3d: {  	v0 =	vshll.u32 v0, $0x4;
	_ =	sdelay $0x3  }
0x3e: {  	s16 =	sadd.s32 $0x800, s17  }
0x3f: {  	[tilespmem:s16], [sflag:$0x1] =	stream.indirect_vreg.gather [hbm:s4], $0x80, v0, vm0, $0x38;
	[tilespmem:$0x10200] =	vst v63  }
0x40: {  	s16 =	sadd.s32 $0x400, s16  }
0x41: {  	[tilespmem:s16], [sflag:$0x1] =	stream.indirect_vreg.gather [hbm:s4], $0x80, v0, vm1, $0x38;
	[tilespmem:$0x10200] =	vst v63  }
0x42: {  	s13 =	sshll.u32 s13, $0x4;
	_ =	swait.ge [sflag:s6], $0x8000  }
0x43: {  	s13 =	sadd.s32 s13, s9;
	[sflag:s6] =	ssyncset.done $0x0  }
0x44: {  	s17 =	sadd.s32 $0x0, s13;
	s16 =	simm.s32 $0x80;
	[sflag:s6] =	ssyncadd.s32 $0xFFFF8000  }
.LBB2_5:
0x45: {  	[hbm:s17] =	stream.linear.scatter [tilespmem:s14], [sflag:$0x3], $0x400, $0x38;
	[tilespmem:$0x10200] =	vst v63  }
0x46: {  	s17 =	smov.u32 s16;
	s14 =	smov.u32 s15;
	p1 =	sne.s32 s16, $0xF80  }
.Ltmp4:
0x47: {  	s16 =	sadd.s32 $0x80, s16;
	(pc) =	sbr.rel @p1 .LBB2_5-.Ltmp4, $2  }
0x48: {  	_ =	sdelay $0x2  }
0x49: {  	s15 =	sadd.s32 $0x400, s15;
	s17 =	sadd.s32 s17, s13  }
.Ltmp5:
0x4a: {  	_ = 	snop;
	(pc) =	sbr.rel .LBB2_6-.Ltmp5, $1  }
0x4b: {  	_ =	sdelay $0x3  }
.LBB2_8:
0x4c: {  	_ =	sfence.sel $0x180000  }
0x4d: {  	s2 =	simm.s32 $0x2;
	[bflag:$0x0] =	sbarrier.arrive $0xFFFF  }
0x4e: {  	s30 =	simm.s32 $0x3;
	[sflag:s2] =	ssyncpa.u1 $0x1  }
0x4f: {  	s31 =	simm.s32 $0x1;
	[sflag:s30] =	ssyncpa.u1 $0x1  }
0x50: {  	[sflag:s31] =	ssyncpa.u1 $0x1  }
0x51: {  	p0 =	sne.s32 s0, $0x0;
	_ =	strace $0x90000059  }
0x52: {  	s0 =	sadd.s32 @!p0 $0x100000, s1;
	[bflag:$0x2] =	sbarrier.arrive $0xFFFF  }
0x53: {  	[sflag:s0] =	ssyncadd.tile.s32 @!p0 $0x1;
	_ =	shalt  }
.Lfunc_end2:
_tile_overlayer_lowered:
.L_overlay_start_2:
0x54: {  	(tag) =	ssettag $0x2  }
0x55: {  	s0 =	rddreg [dreg:$0x0];
	s2 =	stileid.u32  }
0x56: {  	s1 =	rddreg [dreg:$0x1];
	p0 =	sne.s32 s2, $0x0  }
0x57: {  	s3 =	rddreg [dreg:$0x2];
	[bflag:$0x3] =	sbarrier.arrive $0xFFFF;
	s2 =	simm.s32 @!p0 $0x1C01  }
0x58: {  	[timem:s3], [sflag:s2] =	dma.local @!p0 [hbm:s0], s1  }
0x59: {  	s0 =	simm.s32 @!p0 $0x1  }
0x5a: {  	_ =	swait.ge @!p0 [sflag:s0], s1  }
0x5b: {  	s1 =	ssub.s32 @!p0 $0x0, s1;
	[sflag:s0] =	ssyncset.done @!p0 $0x0  }
0x5c: {  	[sflag:s0] =	ssyncadd.s32 @!p0 s1  }
0x5d: {  	[bflag:$0x3] =	sbarrier.arrive $0xFFFF  }
0x5e: {  	_ =	shalt  }

// kernel: gather_offload_async_start.2
scs
__scs_entry_jumppad:
0x0: {  	(pc) =	sbr.rel $0x88, $3  }
0x1: {  	(tag) =	ssettag $0x0;
	lr =	simm.s32 $0x1  }
0x2: {  	[smem:$0x3F7B] =	sst lr;
	_ =	strace $0xD0000000  }
0x3: {  	_ = 	snop  }
0x4: {  	_ = 	snop  }
0x5: {  	_ = 	snop  }
0x6: {  	_ = 	snop  }
0x7: {  	_ = 	snop  }
__scs_overlays_trampoline_lowered:
0x8: {  	[smem:$0x3F8A] =	sst s0  }
0x9: {  	[smem:$0x3F8B] =	sst s1  }
0xa: {  	[smem:$0x3F8C] =	sst s2  }
0xb: {  	[smem:$0x3F8D] =	sst s3  }
0xc: {  	[smem:$0x3F8E] =	sst s4  }
0xd: {  	[smem:$0x3F8F] =	sst s5  }
0xe: {  	[smem:$0x3F90] =	sst s6  }
0xf: {  	[smem:$0x3F91] =	sst s7  }
0x10: {  	[smem:$0x3F92] =	sst s8  }
0x11: {  	[smem:$0x3F93] =	sst s9;
	s0 =	simm.s32 @!p0 $0x0  }
0x12: {  	s1 =	sld [smem:$0x3F79];
	s0 =	simm.s32 @p0 $0x1  }
0x13: {  	[smem:$0x3F94] =	sst s0;
	s0 =	simm.s32 @!p1 $0x0  }
0x14: {  	s2 =	sld [smem:$0x3F78];
	s0 =	simm.s32 @p1 $0x1  }
0x15: {  	[smem:$0x3F95] =	sst s0;
	s0 =	simm.s32 @!p2 $0x0  }
0x16: {  	s3 =	sld [smem:$0x3FDB];
	s0 =	simm.s32 @p2 $0x1  }
0x17: {  	s4 =	simm.s32 $0x1BF5;
	[smem:$0x3F97] =	sst s0  }
0x18: {  	s0 =	sld [smem:$0x3F7A];
	_ =	swait.ge [sflag:s4], $0x0  }
0x19: {  	s7 =	sld [smem:$0x3F7B]  }
0x1a: {  	s8 =	sadd.s32 $0xFFFFE003, lr  }
0x1b: {  	s9 =	sadd.s32 $0xFFFFFEF7, lr;
	s5 =	simm.s32 $0xFFFFFFFF;
	p2 =	slt.u32 s8, $0xFFFFF086  }
0x1c: {  	p1 =	slt.u32 s9, $0xF7A;
	s5 =	simm.s32 @!p2 $0x0  }
0x1d: {  	s5 =	simm.s32 @p1 $0x1;
	p0 =	seq.s32 s7, s2  }
0x1e: {  	s7 =	smul.u32 @!p0 $0xF7A, s2;
	p2 =	seq.s32 @!p0 s5, $0x0  }
0x1f: {  	s9 =	smul.u32 $0xF7A, s1;
	s8 =	simm.s32 @!p0 $0x1BF5;
	p2 =	por !p2, p0  }
0x20: {  	[sflag:s8] =	ssyncset.s32 @!p0 $0xFFFFF086;
	s6 =	sadd.s32 @!p0 s3, s7;
	s7 =	simm.s32 @!p0 $0x108  }
0x21: {  	s3 =	sadd.s32 s3, s9;
	s6 =	sadd.s32 @!p0 $0x88, s6;
	s7 =	simm.s32 @p2 $0x1082  }
0x22: {  	[simem:s7], [sflag:s8] =	dma.local @!p0 [hbm:s6], $0xF7A  }
0x23: {  	s9 =	sor.u32 $0xD0000000, s2;
	s6 =	simm.s32 $0x108;
	_ =	swait.ge @!p0 [sflag:s8], $0x0  }
0x24: {  	s3 =	sadd.s32 $0x88, s3;
	s6 =	simm.s32 @!p1 $0x1082;
	[sflag:s4] =	ssyncset.s32 $0xFFFFF086  }
0x25: {  	[simem:s6], [sflag:s4] =	dma.local [hbm:s3], $0xF7A  }
0x26: {  	[smem:$0x3F7B] =	sst s1;
	(tag) =	ssettag s2;
	_ =	strace s9  }
0x27: {  	s1 =	sld [smem:$0x3F8B]  }
0x28: {  	s2 =	sld [smem:$0x3F8C]  }
0x29: {  	s4 =	sld [smem:$0x3F8E]  }
0x2a: {  	p0 =	seq.s32 s5, $0x0;
	s5 =	sld [smem:$0x3F8F]  }
0x2b: {  	s6 =	sld [smem:$0x3F90]  }
0x2c: {  	s7 =	sld [smem:$0x3F91]  }
0x2d: {  	s3 =	simm.s32 $0x108;
	s8 =	sld [smem:$0x3F92]  }
0x2e: {  	s3 =	simm.s32 @!p0 $0x1082;
	s9 =	sld [smem:$0x3F93]  }
0x2f: {  	lr =	sadd.s32 s0, s3;
	s0 =	sld [smem:$0x3F8A]  }
0x30: {  	s3 =	sld [smem:$0x3F8D]  }
0x31: {  	[smem:$0x3F96] =	sst s10  }
0x32: {  	s10 =	sld [smem:$0x3F94];
	_ =	sdelay $0x3  }
0x33: {  	p0 =	seq.s32 s10, $0x1;
	s10 =	sld [smem:$0x3F96];
	_ =	sdelay $0x3  }
0x34: {  	[smem:$0x3F96] =	sst s10  }
0x35: {  	s10 =	sld [smem:$0x3F95];
	_ =	sdelay $0x3  }
0x36: {  	p1 =	seq.s32 s10, $0x1;
	s10 =	sld [smem:$0x3F96];
	_ =	sdelay $0x3  }
0x37: {  	[smem:$0x3F96] =	sst s10  }
0x38: {  	s10 =	sld [smem:$0x3F97]  }
0x39: {  	_ = 	snop;
	(pc) =	sbr.ind lr, $3  }
0x3a: {  	_ = 	snop  }
0x3b: {  	_ = 	snop  }
0x3c: {  	p2 =	seq.s32 s10, $0x1;
	s10 =	sld [smem:$0x3F96]  }
0x3d: {  	_ =	shalt  }
0x3e: {  	_ =	shalt  }
0x3f: {  	_ =	shalt  }
0x40: {  	_ =	shalt  }
0x41: {  	_ =	shalt  }
0x42: {  	_ =	shalt  }
0x43: {  	_ =	shalt  }
0x44: {  	_ =	shalt  }
0x45: {  	_ =	shalt  }
0x46: {  	_ =	shalt  }
0x47: {  	_ =	shalt  }
0x48: {  	_ =	shalt  }
0x49: {  	_ =	shalt  }
0x4a: {  	_ =	shalt  }
0x4b: {  	_ =	shalt  }
0x4c: {  	_ =	shalt  }
0x4d: {  	_ =	shalt  }
0x4e: {  	_ =	shalt  }
0x4f: {  	_ =	shalt  }
0x50: {  	_ =	shalt  }
0x51: {  	_ =	shalt  }
0x52: {  	_ =	shalt  }
0x53: {  	_ =	shalt  }
0x54: {  	_ =	shalt  }
0x55: {  	_ =	shalt  }
0x56: {  	_ =	shalt  }
0x57: {  	_ =	shalt  }
0x58: {  	_ =	shalt  }
0x59: {  	_ =	shalt  }
0x5a: {  	_ =	shalt  }
0x5b: {  	_ =	shalt  }
0x5c: {  	_ =	shalt  }
0x5d: {  	_ =	shalt  }
0x5e: {  	_ =	shalt  }
0x5f: {  	_ =	shalt  }
0x60: {  	_ =	shalt  }
0x61: {  	_ =	shalt  }
0x62: {  	_ =	shalt  }
0x63: {  	_ =	shalt  }
0x64: {  	_ =	shalt  }
0x65: {  	_ =	shalt  }
0x66: {  	_ =	shalt  }
0x67: {  	_ =	shalt  }
0x68: {  	_ =	shalt  }
0x69: {  	_ =	shalt  }
0x6a: {  	_ =	shalt  }
0x6b: {  	_ =	shalt  }
0x6c: {  	_ =	shalt  }
0x6d: {  	_ =	shalt  }
0x6e: {  	_ =	shalt  }
0x6f: {  	_ =	shalt  }
0x70: {  	_ =	shalt  }
0x71: {  	_ =	shalt  }
0x72: {  	_ =	shalt  }
0x73: {  	_ =	shalt  }
0x74: {  	_ =	shalt  }
0x75: {  	_ =	shalt  }
0x76: {  	_ =	shalt  }
0x77: {  	_ =	shalt  }
0x78: {  	_ =	shalt  }
0x79: {  	_ =	shalt  }
0x7a: {  	_ =	shalt  }
0x7b: {  	_ =	shalt  }
0x7c: {  	_ =	shalt  }
0x7d: {  	_ =	shalt  }
0x7e: {  	_ =	shalt  }
0x7f: {  	_ =	shalt  }
0x80: {  	_ =	shalt  }
0x81: {  	_ =	shalt  }
0x82: {  	_ =	shalt  }
0x83: {  	_ =	shalt  }
0x84: {  	_ =	shalt  }
0x85: {  	_ =	shalt  }
0x86: {  	_ =	shalt  }
0x87: {  	_ =	shalt  }
.Lfunc_end0:
.L_simem_size_0:
called_computation.6_lowered:
.L_overlay_start_0:
0x88: {  	s2 =	sld [smem:$0x3FD9]  }
0x89: {  	s3 =	sld [smem:$0x3FFE];
	_ =	sdelay $0x1  }
0x8a: {  	s1 =	srdreg.scid  }
0x8b: {  	s0 =	sand.u32 $0x1, s1  }
0x8c: {  	s17 =	sshll.u32 s0, $0xA;
	s2 =	sadd.s32 s3, s2  }
0x8d: {  	s2 =	sadd.s32 s2, s17  }
0x8e: {  	[smem:$0x3FA2] =	sst s2  }
0x8f: {  	_ = 	snop  }
0x90: {  	(tm) =	ssettm $0x1  }
0x91: {  	s18 =	sld [smem:$0x3FFB];
	_ =	sdelay $0x3  }
0x92: {  	_ =	strace s18  }
0x93: {  	s2 =	sld [smem:$0x3FFC];
	_ =	sdelay $0x3  }
0x94: {  	_ =	strace s2  }
0x95: {  	s2 =	sld [smem:$0x3FFD];
	_ =	sdelay $0x3  }
0x96: {  	_ =	strace s2  }
0x97: {  	_ =	strace $0x8FFFFFFF  }
0x98: {  	s19 =	sld [smem:$0x3FDB];
	_ =	sdelay $0x1  }
0x99: {  	s20 =	simm.s32 $_scs_section_size  }
0x9a: {  	s4 =	simm.s32 $_size__tile_overlayer_lowered;
	s5 =	simm.s32 $_tile_overlayer_lowered  }
0x9b: {  	s6 =	simm.s32 $0x1BFF;
	s21 =	sshll.u32 s5, $0x1;
	s3 =	sadd.s32 s20, s19  }
0x9c: {  	s22 =	simm.s32 $0x0;
	s4 =	sshll.u32 s4, $0x1;
	s5 =	sadd.s32 s21, s3  }
0x9d: {  	[timem:s22], [sflag:s6] =	dma.local [hbm:s5], s4  }
0x9e: {  	_ =	swait.ge [sflag:s6], s4  }
0x9f: {  	s4 =	ssub.s32 $0x0, s4;
	[sflag:s6] =	ssyncset.done $0x0  }
0xa0: {  	[sflag:s6] =	ssyncadd.s32 s4;
	_ =	sdelay $0x1  }
0xa1: {  	s23 =	simm.s32 $0x1B8B  }
0xa2: {  	_ =	swait.ge [sflag:s23], $0x1  }
0xa3: {  	[sflag:s23] =	ssyncset.done $0x0  }
0xa4: {  	[sflag:s23] =	ssyncadd.s32 $0xFFFFFFFF  }
0xa5: {  	s4 =	sld [smem:$0x0]  }
0xa6: {  	s5 =	sand.u32 $0xFFFFFFFE, s1  }
0xa7: {  	p0 =	sne.s32 s1, s5  }
0xa8: {  	s5 =	sshll.u32 @p0 s5, $0xE  }
0xa9: {  	s5 =	sadd.s32 @p0 $0x11B8D, s5;
	s6 =	sshll.u32 @p0 s4, $0x11  }
0xaa: {  	s5 =	sor.u32 @p0 s6, s5  }
0xab: {  	[sflag:s5] =	ssyncadd.remote.s32 @p0 $0x1;
	_ =	sdelay $0x1  }
0xac: {  	s5 =	simm.s32 @p0 $0x1B8D  }
0xad: {  	_ =	swait.eq @p0 [sflag:s5], $0x1  }
0xae: {  	[sflag:s5] =	ssyncadd.s32 @p0 $0xFFFFFFFF  }
0xaf: {  	s6 =	sshll.u32 @!p0 s1, $0xE  }
0xb0: {  	s6 =	sor.u32 @!p0 $0x4000, s6;
	s5 =	simm.s32 @!p0 $0x1B8D  }
0xb1: {  	s4 =	sshll.u32 @!p0 s4, $0x11;
	s6 =	sadd.s32 @!p0 $0x11B8D, s6;
	_ =	swait.eq @!p0 [sflag:s5], $0x1  }
0xb2: {  	s4 =	sor.u32 @!p0 s4, s6;
	[sflag:s5] =	ssyncadd.s32 @!p0 $0xFFFFFFFF  }
0xb3: {  	s25 =	simm.s32 $0x1B8E;
	s24 =	sld [smem:$0x3FFE];
	[sflag:s4] =	ssyncadd.remote.s32 @!p0 $0x1  }
0xb4: {  	s26 =	simm.s32 $execute0_lowered;
	[smem:$0x3FD2] =	sst s25  }
0xb5: {  	s5 =	sshll.u32 s26, $0x1;
	_ =	strace $0x8000005B;
	[dreg:$0x1] =	wrdreg $0xFFFFFFFF  }
0xb6: {  	s28 =	simm.s32 $_size_execute0_lowered;
	s3 =	sadd.s32 s3, s5;
	[dreg:$0x0] =	wrdreg $0x0  }
0xb7: {  	s5 =	sshll.u32 s28, $0x1;
	[dreg:$0x2] =	wrdreg s3  }
0xb8: {  	[dreg:$0x3] =	wrdreg s5  }
0xb9: {  	[dreg:$0x4] =	wrdreg $0xC0  }
0xba: {  	_ =	task [dreg:s22], $0x5FFFF  }
0xbb: {  	[dreg:$0x1] =	wrdreg $0xFFFFFFFF  }
0xbc: {  	[dreg:$0x0] =	wrdreg $0x60  }
0xbd: {  	[dreg:$0x2] =	wrdreg s24  }
0xbe: {  	[dreg:$0x3] =	wrdreg $0x9  }
0xbf: {  	_ =	task.clear_ibuf [dreg:s22], $0x4FFFF;
	_ =	strace $0x9000005B  }
0xc0: {  	s29 =	simm.s32 $0x9;
	_ =	strace $0x8000005D  }
0xc1: {  	_ =	swait.ge [sflag:s29], $0x1  }
0xc2: {  	[sflag:s29] =	ssyncadd.s32 $0xFFFFFFFF  }
0xc3: {  	_ =	strace $0x9000005D  }
0xc4: {  	_ =	sfence  }
0xc5: {  	s30 =	sld [smem:$0x0];
	_ =	sdelay $0x2  }
0xc6: {  	s31 =	sshll.u32 s1, $0xD;
	s1 =	sshrl.u32 s1, $0x2  }
0xc7: {  	s4 =	sand.u32 $0x4000, s31;
	s1 =	sadd.s32 s1, s30  }
0xc8: {  	s0 =	sor.u32 s4, s0;
	s1 =	sshll.u32 s1, $0x11  }
0xc9: {  	s0 =	sor.u32 s1, s0  }
0xca: {  	s0 =	sadd.s32 $0x8F2B, s0  }
0xcb: {  	[sflag:s0] =	ssyncadd.remote.s32 $0x1  }
0xcc: {  	_ =	sfence.sel $0xFFFF  }
0xcd: {  	[dreg:$0x0] =	wrdreg $0xFFFFFFFF;
	(pc) =	sbr.abs _section_cstart, $3  }
0xce: {  	[dreg:$0x1] =	wrdreg $0xFFFFFFFF  }
0xcf: {  	_ =	task.clear_ibuf [dreg:s22], $0x2FFFF;
	_ =	strace $0x9FFFFFFF  }
0xd0: {  	(tm) =	ssettm $0x7FFFFFFF  }
0xd1: {  	_ =	shalt  }
tec
execute0_lowered:
.L_overlay_start_1:
0x0: {  	(tag) =	ssettag $0x1  }
0x1: {  	s0 =	srdreg.scid;
	s5 =	rddreg [dreg:$0x0]  }
0x2: {  	s1 =	stileid.u32;
	s6 =	simm.s32 $0x1;
	s9 =	simm.s32 $0x1  }
0x3: {  	s10 =	simm.s32 $0x3;
	s13 =	simm.s32 $0x0;
	s2 =	sshll.u32 s0, $0x6  }
0x4: {  	s12 =	simm.s32 $0x0;
	s3 =	sshll.u32 s1, $0x7;
	s2 =	sand.u32 $0x40, s2  }
0x5: {  	s0 =	rddreg [dreg:$0x1];
	_ =	strace $0x8000005C;
	s2 =	sor.u32 s3, s2  }
0x6: {  	s4 =	sadd.s32 $0x43000, s5;
	[sflag:s6] =	ssyncpa.u1 $0x0;
	s8 =	ssub.s32 $0x900, s2  }
.Ltmp0:
0x7: {  	s3 =	sadd.s32 $0x47400, s5;
	s7 =	sand.u32 $0x7C0, s8;
	(pc) =	sbr.rel .LBB2_1-.Ltmp0, $4  }
0x8: {  	s5 =	sadd.s32 $0x43200, s5;
	s11 =	smov.u32 s2;
	p0 =	sne.s32 s7, $0x0  }
0x9: {  	s8 =	sshrl.u32 s8, $0xB;
	s7 =	simm.s32 $0x2;
	s9 =	simm.s32 @!p0 $0x0  }
0xa: {  	[sflag:s7] =	ssyncpa.u1 $0x0;
	p0 =	por $0x0, $0x0;
	s8 =	sadd.s32 s9, s8  }
0xb: {  	vm0 =	vmmov $0xffff;
	[sflag:s10] =	ssyncpa.u1 $0x0;
	s10 =	simm.s32 $0x0;
	s9 =	sadd.s32 $0x1, s8  }
.LBB2_4:
0xc: {  	v2 =	vnsel vm1, $0x0, v2  }
0xd: {  	vm1 =	vgt.s32 v0, $0x0;
	v2 =	vmin.u32 v2, $0x21FF  }
0xe: {  	v0 =	vnsel vm1, $0x0, v0  }
0xf: {  	v0 =	vmin.u32 v0, $0x21FF  }
0x10: {  	[tilespmem:s15], [sflag:$0x1] =	stream.indirect_vreg.gather [hbm4b:s3+s10], $0x1, v1, vm0, $0x4038;
	[tilespmem:$0x100] =	vst v63  }
0x11: {  	(ifvalue) =	ssetifvalue $0x7FFFFFFF  }
0x12: {  	[tilespmem:s16], [sflag:$0x1] =	stream.indirect_vreg.gather [hbm4b:s3+s10], $0x1, v2, vm0, $0x4038;
	[tilespmem:$0x100] =	vst v63  }
0x13: {  	s29 =	sadd.s32 $0x10, s16;
	(ifvalue) =	ssetifvalue $0x7FFFFFFF  }
0x14: {  	[tilespmem:s29], [sflag:$0x1] =	stream.indirect_vreg.gather [hbm4b:s3+s10], $0x1, v0, vm0, $0x4038;
	[tilespmem:$0x100] =	vst v63  }
0x15: {  	_ =	swait.ge [sflag:s6], $0x40  }
0x16: {  	s30 =	sshrl.u32 s13, $0x3;
	[sflag:s6] =	ssyncset.done $0x0  }
0x17: {  	s31 =	sand.u32 $0x7, s13;
	s15 =	sadd.s32 s5, s30;
	[sflag:s6] =	ssyncadd.s32 $0xFFFFFFC0  }
0x18: {  	[hbm4b:s15+s31] =	stream.linear.scatter [tilespmem:s14], [sflag:$0x3], $0x40, $0x38;
	[tilespmem:$0x100] =	vst v63  }
.LBB2_5:
0x19: {  	s15 =	sadd.s32 $0x800, s11  }
0x1a: {  	p2 =	sgt.s32 s15, $0x8FF  }
0x1b: {  	s15 =	smov.u32 @p2 s2;
	p2 =	sne.s32 s12, s9  }
.Ltmp1:
0x1c: {  	p1 =	slt.u32 s12, $0x2;
	(pc) =	sbr.rel @!p2 .LBB2_6-.Ltmp1, $4  }
0x1d: {  	s14 =	simm.s32 @!p1 $0x3  }
0x1e: {  	s16 =	sadd.s32 $0x1, s12;
	_ =	swait.ge @!p1 [sflag:s14], $0x40  }
0x1f: {  	s13 =	smov.u32 s11;
	p0 =	por !p0, !p0;
	[sflag:s14] =	ssyncset.done @!p1 $0x0  }
0x20: {  	s12 =	smov.u32 s16;
	s11 =	smov.u32 s15;
	[sflag:s14] =	ssyncadd.s32 @!p1 $0xFFFFFFC0  }
.LBB2_1:
0x21: {  	p1 =	sge.u32 s12, s8  }
0x22: {  	s14 =	sxor.u32 @!p1 $0xFFFFFFFF, s12  }
0x23: {  	s31 =	sadd.s32 $0xFFFFFFFF, s12;
	s15 =	sshrl.u32 @!p1 s11, $0x3;
	s14 =	sshll.u32 @!p1 s14, $0x6  }
0x24: {  	s16 =	sand.u32 @!p1 $0x7, s11;
	s15 =	sadd.s32 @!p1 s4, s15;
	s14 =	sand.u32 @!p1 $0x40, s14  }
0x25: {  	[tilespmem:s14], [sflag:$0x2] =	stream.linear.gather @!p1 [hbm4b:s15+s16], $0x40, $0x38;
	[tilespmem:$0x100] =	vst v63  }
0x26: {  	p1 =	sge.u32 s31, s8  }
.Ltmp2:
0x27: {  	_ = 	snop;
	(pc) =	sbr.rel @p1 .LBB2_5-.Ltmp2, $1  }
0x28: {  	_ =	sdelay $0x3  }
0x29: {  	s14 =	simm.s32 $0x1  }
0x2a: {  	_ =	swait.ge [sflag:s7], $0x40;
	s14 =	simm.s32 @!p0 $0x0  }
0x2b: {  	[sflag:s7] =	ssyncset.done $0x0;
	s14 =	sshll.u32 s14, $0x6  }
0x2c: {  	[sflag:s7] =	ssyncadd.s32 $0xFFFFFFC0;
	(ifvalue) =	ssetifvalue $0x7FFFFFFF;
	v0 =	vld.msk [tilespmem:s14+$0x0 ss:$0x1], $0xffff;
	_ =	sdelay $0x4  }
0x2d: {  	s15 =	sadd.s32 $0x10, s14;
	vm1 =	vgt.s32 v0, $0x0  }
0x2e: {  	v2 =	vld.msk [tilespmem:s15+$0x0 ss:$0x1], $0xffff;
	v1 =	vnsel vm1, $0x0, v0  }
0x2f: {  	v1 =	vmin.u32 v1, $0x21FF;
	_ =	sdelay $0x1  }
0x30: {  	s16 =	sshll.u32 s12, $0x6;
	s18 =	simm.s32 $0x20  }
0x31: {  	s16 =	sand.u32 $0x40, s16;
	s17 =	sadd.s32 $0x10, s15;
	s15 =	sor.u32 $0x80, s14  }
0x32: {  	s14 =	sor.u32 $0x80, s16;
	s16 =	sadd.s32 $0x10, s15;
	v0 =	vld.msk [tilespmem:s17+$0x0 ss:$0x1], $0xffff;
	vm1 =	vgt.s32 v2, $0x0;
	(ifvalue) =	ssetifvalue $0x7FFFFFFF  }
.LBB2_3:
0x33: {  	[tilespmem:s15], [sflag:$0x1] =	stream.indirect_vreg.gather [hbm4b:s3+s10], $0x1, v1, vm0, $0x4038;
	[tilespmem:$0x100] =	vst v63  }
0x34: {  	s18 =	sadd.s32 $0x10, s18  }
0x35: {  	v2 =	vnsel vm1, $0x0, v2;
	p1 =	slt.u32 s18, $0x30  }
.Ltmp3:
0x36: {  	s15 =	smov.u32 s16;
	v1 =	vmin.u32 v2, $0x21FF;
	(pc) =	sbr.rel @p1 .LBB2_3-.Ltmp3, $3  }
0x37: {  	_ =	sdelay $0x1  }
0x38: {  	s17 =	sadd.s32 $0x10, s17  }
0x39: {  	vm1 =	vgt.s32 v0, $0x0;
	s16 =	sadd.s32 $0x10, s16;
	v2 =	vmov v0;
	(ifvalue) =	ssetifvalue $0x7FFFFFFF;
	v0 =	vld.msk [tilespmem:s17+$0x0 ss:$0x1], $0xffff  }
.Ltmp4:
0x3a: {  	_ = 	snop;
	(pc) =	sbr.rel .LBB2_4-.Ltmp4, $1  }
0x3b: {  	_ =	sdelay $0x3  }
.LBB2_6:
0x3c: {  	_ =	sfence.sel $0x180000  }
0x3d: {  	s2 =	simm.s32 $0x2;
	[bflag:$0x0] =	sbarrier.arrive $0xFFFF  }
0x3e: {  	s30 =	simm.s32 $0x3;
	[sflag:s2] =	ssyncpa.u1 $0x1  }
0x3f: {  	s31 =	simm.s32 $0x1;
	[sflag:s30] =	ssyncpa.u1 $0x1  }
0x40: {  	[sflag:s31] =	ssyncpa.u1 $0x1  }
0x41: {  	p0 =	sne.s32 s1, $0x0;
	_ =	strace $0x9000005C  }
0x42: {  	s0 =	sadd.s32 @!p0 $0x100000, s0;
	[bflag:$0x2] =	sbarrier.arrive $0xFFFF  }
0x43: {  	[sflag:s0] =	ssyncadd.tile.s32 @!p0 $0x1;
	_ =	shalt  }
.Lfunc_end2:
_tile_overlayer_lowered:
.L_overlay_start_2:
0x44: {  	(tag) =	ssettag $0x2  }
0x45: {  	s0 =	rddreg [dreg:$0x0];
	s2 =	stileid.u32  }
0x46: {  	s1 =	rddreg [dreg:$0x1];
	p0 =	sne.s32 s2, $0x0  }
0x47: {  	s3 =	rddreg [dreg:$0x2];
	[bflag:$0x3] =	sbarrier.arrive $0xFFFF;
	s2 =	simm.s32 @!p0 $0x1C01  }
0x48: {  	[timem:s3], [sflag:s2] =	dma.local @!p0 [hbm:s0], s1  }
0x49: {  	s0 =	simm.s32 @!p0 $0x1  }
0x4a: {  	_ =	swait.ge @!p0 [sflag:s0], s1  }
0x4b: {  	s1 =	ssub.s32 @!p0 $0x0, s1;
	[sflag:s0] =	ssyncset.done @!p0 $0x0  }
0x4c: {  	[sflag:s0] =	ssyncadd.s32 @!p0 s1  }
0x4d: {  	[bflag:$0x3] =	sbarrier.arrive $0xFFFF  }
0x4e: {  	_ =	shalt  }

// kernel: gather_offload_async_start.3
scs
__scs_entry_jumppad:
0x0: {  	(pc) =	sbr.rel $0x88, $3  }
0x1: {  	(tag) =	ssettag $0x0;
	lr =	simm.s32 $0x1  }
0x2: {  	[smem:$0x3F7B] =	sst lr;
	_ =	strace $0xD0000000  }
0x3: {  	_ = 	snop  }
0x4: {  	_ = 	snop  }
0x5: {  	_ = 	snop  }
0x6: {  	_ = 	snop  }
0x7: {  	_ = 	snop  }
__scs_overlays_trampoline_lowered:
0x8: {  	[smem:$0x3F8A] =	sst s0  }
0x9: {  	[smem:$0x3F8B] =	sst s1  }
0xa: {  	[smem:$0x3F8C] =	sst s2  }
0xb: {  	[smem:$0x3F8D] =	sst s3  }
0xc: {  	[smem:$0x3F8E] =	sst s4  }
0xd: {  	[smem:$0x3F8F] =	sst s5  }
0xe: {  	[smem:$0x3F90] =	sst s6  }
0xf: {  	[smem:$0x3F91] =	sst s7  }
0x10: {  	[smem:$0x3F92] =	sst s8  }
0x11: {  	[smem:$0x3F93] =	sst s9;
	s0 =	simm.s32 @!p0 $0x0  }
0x12: {  	s1 =	sld [smem:$0x3F79];
	s0 =	simm.s32 @p0 $0x1  }
0x13: {  	[smem:$0x3F94] =	sst s0;
	s0 =	simm.s32 @!p1 $0x0  }
0x14: {  	s2 =	sld [smem:$0x3F78];
	s0 =	simm.s32 @p1 $0x1  }
0x15: {  	[smem:$0x3F95] =	sst s0;
	s0 =	simm.s32 @!p2 $0x0  }
0x16: {  	s3 =	sld [smem:$0x3FDB];
	s0 =	simm.s32 @p2 $0x1  }
0x17: {  	s4 =	simm.s32 $0x1BF5;
	[smem:$0x3F97] =	sst s0  }
0x18: {  	s0 =	sld [smem:$0x3F7A];
	_ =	swait.ge [sflag:s4], $0x0  }
0x19: {  	s7 =	sld [smem:$0x3F7B]  }
0x1a: {  	s8 =	sadd.s32 $0xFFFFE003, lr  }
0x1b: {  	s9 =	sadd.s32 $0xFFFFFEF7, lr;
	s5 =	simm.s32 $0xFFFFFFFF;
	p2 =	slt.u32 s8, $0xFFFFF086  }
0x1c: {  	p1 =	slt.u32 s9, $0xF7A;
	s5 =	simm.s32 @!p2 $0x0  }
0x1d: {  	s5 =	simm.s32 @p1 $0x1;
	p0 =	seq.s32 s7, s2  }
0x1e: {  	s7 =	smul.u32 @!p0 $0xF7A, s2;
	p2 =	seq.s32 @!p0 s5, $0x0  }
0x1f: {  	s9 =	smul.u32 $0xF7A, s1;
	s8 =	simm.s32 @!p0 $0x1BF5;
	p2 =	por !p2, p0  }
0x20: {  	[sflag:s8] =	ssyncset.s32 @!p0 $0xFFFFF086;
	s6 =	sadd.s32 @!p0 s3, s7;
	s7 =	simm.s32 @!p0 $0x108  }
0x21: {  	s3 =	sadd.s32 s3, s9;
	s6 =	sadd.s32 @!p0 $0x88, s6;
	s7 =	simm.s32 @p2 $0x1082  }
0x22: {  	[simem:s7], [sflag:s8] =	dma.local @!p0 [hbm:s6], $0xF7A  }
0x23: {  	s9 =	sor.u32 $0xD0000000, s2;
	s6 =	simm.s32 $0x108;
	_ =	swait.ge @!p0 [sflag:s8], $0x0  }
0x24: {  	s3 =	sadd.s32 $0x88, s3;
	s6 =	simm.s32 @!p1 $0x1082;
	[sflag:s4] =	ssyncset.s32 $0xFFFFF086  }
0x25: {  	[simem:s6], [sflag:s4] =	dma.local [hbm:s3], $0xF7A  }
0x26: {  	[smem:$0x3F7B] =	sst s1;
	(tag) =	ssettag s2;
	_ =	strace s9  }
0x27: {  	s1 =	sld [smem:$0x3F8B]  }
0x28: {  	s2 =	sld [smem:$0x3F8C]  }
0x29: {  	s4 =	sld [smem:$0x3F8E]  }
0x2a: {  	p0 =	seq.s32 s5, $0x0;
	s5 =	sld [smem:$0x3F8F]  }
0x2b: {  	s6 =	sld [smem:$0x3F90]  }
0x2c: {  	s7 =	sld [smem:$0x3F91]  }
0x2d: {  	s3 =	simm.s32 $0x108;
	s8 =	sld [smem:$0x3F92]  }
0x2e: {  	s3 =	simm.s32 @!p0 $0x1082;
	s9 =	sld [smem:$0x3F93]  }
0x2f: {  	lr =	sadd.s32 s0, s3;
	s0 =	sld [smem:$0x3F8A]  }
0x30: {  	s3 =	sld [smem:$0x3F8D]  }
0x31: {  	[smem:$0x3F96] =	sst s10  }
0x32: {  	s10 =	sld [smem:$0x3F94];
	_ =	sdelay $0x3  }
0x33: {  	p0 =	seq.s32 s10, $0x1;
	s10 =	sld [smem:$0x3F96];
	_ =	sdelay $0x3  }
0x34: {  	[smem:$0x3F96] =	sst s10  }
0x35: {  	s10 =	sld [smem:$0x3F95];
	_ =	sdelay $0x3  }
0x36: {  	p1 =	seq.s32 s10, $0x1;
	s10 =	sld [smem:$0x3F96];
	_ =	sdelay $0x3  }
0x37: {  	[smem:$0x3F96] =	sst s10  }
0x38: {  	s10 =	sld [smem:$0x3F97]  }
0x39: {  	_ = 	snop;
	(pc) =	sbr.ind lr, $3  }
0x3a: {  	_ = 	snop  }
0x3b: {  	_ = 	snop  }
0x3c: {  	p2 =	seq.s32 s10, $0x1;
	s10 =	sld [smem:$0x3F96]  }
0x3d: {  	_ =	shalt  }
0x3e: {  	_ =	shalt  }
0x3f: {  	_ =	shalt  }
0x40: {  	_ =	shalt  }
0x41: {  	_ =	shalt  }
0x42: {  	_ =	shalt  }
0x43: {  	_ =	shalt  }
0x44: {  	_ =	shalt  }
0x45: {  	_ =	shalt  }
0x46: {  	_ =	shalt  }
0x47: {  	_ =	shalt  }
0x48: {  	_ =	shalt  }
0x49: {  	_ =	shalt  }
0x4a: {  	_ =	shalt  }
0x4b: {  	_ =	shalt  }
0x4c: {  	_ =	shalt  }
0x4d: {  	_ =	shalt  }
0x4e: {  	_ =	shalt  }
0x4f: {  	_ =	shalt  }
0x50: {  	_ =	shalt  }
0x51: {  	_ =	shalt  }
0x52: {  	_ =	shalt  }
0x53: {  	_ =	shalt  }
0x54: {  	_ =	shalt  }
0x55: {  	_ =	shalt  }
0x56: {  	_ =	shalt  }
0x57: {  	_ =	shalt  }
0x58: {  	_ =	shalt  }
0x59: {  	_ =	shalt  }
0x5a: {  	_ =	shalt  }
0x5b: {  	_ =	shalt  }
0x5c: {  	_ =	shalt  }
0x5d: {  	_ =	shalt  }
0x5e: {  	_ =	shalt  }
0x5f: {  	_ =	shalt  }
0x60: {  	_ =	shalt  }
0x61: {  	_ =	shalt  }
0x62: {  	_ =	shalt  }
0x63: {  	_ =	shalt  }
0x64: {  	_ =	shalt  }
0x65: {  	_ =	shalt  }
0x66: {  	_ =	shalt  }
0x67: {  	_ =	shalt  }
0x68: {  	_ =	shalt  }
0x69: {  	_ =	shalt  }
0x6a: {  	_ =	shalt  }
0x6b: {  	_ =	shalt  }
0x6c: {  	_ =	shalt  }
0x6d: {  	_ =	shalt  }
0x6e: {  	_ =	shalt  }
0x6f: {  	_ =	shalt  }
0x70: {  	_ =	shalt  }
0x71: {  	_ =	shalt  }
0x72: {  	_ =	shalt  }
0x73: {  	_ =	shalt  }
0x74: {  	_ =	shalt  }
0x75: {  	_ =	shalt  }
0x76: {  	_ =	shalt  }
0x77: {  	_ =	shalt  }
0x78: {  	_ =	shalt  }
0x79: {  	_ =	shalt  }
0x7a: {  	_ =	shalt  }
0x7b: {  	_ =	shalt  }
0x7c: {  	_ =	shalt  }
0x7d: {  	_ =	shalt  }
0x7e: {  	_ =	shalt  }
0x7f: {  	_ =	shalt  }
0x80: {  	_ =	shalt  }
0x81: {  	_ =	shalt  }
0x82: {  	_ =	shalt  }
0x83: {  	_ =	shalt  }
0x84: {  	_ =	shalt  }
0x85: {  	_ =	shalt  }
0x86: {  	_ =	shalt  }
0x87: {  	_ =	shalt  }
.Lfunc_end0:
.L_simem_size_0:
called_computation.7_lowered:
.L_overlay_start_0:
0x88: {  	s2 =	sld [smem:$0x3FD9]  }
0x89: {  	s3 =	sld [smem:$0x3FFE];
	_ =	sdelay $0x1  }
0x8a: {  	s1 =	srdreg.scid  }
0x8b: {  	s0 =	sand.u32 $0x1, s1  }
0x8c: {  	s17 =	sshll.u32 s0, $0xA;
	s2 =	sadd.s32 s3, s2  }
0x8d: {  	s2 =	sadd.s32 s2, s17  }
0x8e: {  	[smem:$0x3FA2] =	sst s2  }
0x8f: {  	_ = 	snop  }
0x90: {  	(tm) =	ssettm $0x1  }
0x91: {  	s18 =	sld [smem:$0x3FFB];
	_ =	sdelay $0x3  }
0x92: {  	_ =	strace s18  }
0x93: {  	s2 =	sld [smem:$0x3FFC];
	_ =	sdelay $0x3  }
0x94: {  	_ =	strace s2  }
0x95: {  	s2 =	sld [smem:$0x3FFD];
	_ =	sdelay $0x3  }
0x96: {  	_ =	strace s2  }
0x97: {  	_ =	strace $0x8FFFFFFF  }
0x98: {  	s19 =	sld [smem:$0x3FDB];
	_ =	sdelay $0x1  }
0x99: {  	s20 =	simm.s32 $_scs_section_size  }
0x9a: {  	s4 =	simm.s32 $_size__tile_overlayer_lowered;
	s5 =	simm.s32 $_tile_overlayer_lowered  }
0x9b: {  	s6 =	simm.s32 $0x1BFF;
	s21 =	sshll.u32 s5, $0x1;
	s3 =	sadd.s32 s20, s19  }
0x9c: {  	s22 =	simm.s32 $0x0;
	s4 =	sshll.u32 s4, $0x1;
	s5 =	sadd.s32 s21, s3  }
0x9d: {  	[timem:s22], [sflag:s6] =	dma.local [hbm:s5], s4  }
0x9e: {  	_ =	swait.ge [sflag:s6], s4  }
0x9f: {  	s4 =	ssub.s32 $0x0, s4;
	[sflag:s6] =	ssyncset.done $0x0  }
0xa0: {  	[sflag:s6] =	ssyncadd.s32 s4;
	_ =	sdelay $0x1  }
0xa1: {  	s23 =	simm.s32 $0x1B8B  }
0xa2: {  	_ =	swait.ge [sflag:s23], $0x1  }
0xa3: {  	[sflag:s23] =	ssyncset.done $0x0  }
0xa4: {  	[sflag:s23] =	ssyncadd.s32 $0xFFFFFFFF  }
0xa5: {  	s4 =	sld [smem:$0x0]  }
0xa6: {  	s5 =	sand.u32 $0xFFFFFFFE, s1  }
0xa7: {  	p0 =	sne.s32 s1, s5  }
0xa8: {  	s5 =	sshll.u32 @p0 s5, $0xE  }
0xa9: {  	s5 =	sadd.s32 @p0 $0x11B8D, s5;
	s6 =	sshll.u32 @p0 s4, $0x11  }
0xaa: {  	s5 =	sor.u32 @p0 s6, s5  }
0xab: {  	[sflag:s5] =	ssyncadd.remote.s32 @p0 $0x1;
	_ =	sdelay $0x1  }
0xac: {  	s5 =	simm.s32 @p0 $0x1B8D  }
0xad: {  	_ =	swait.eq @p0 [sflag:s5], $0x1  }
0xae: {  	[sflag:s5] =	ssyncadd.s32 @p0 $0xFFFFFFFF  }
0xaf: {  	s6 =	sshll.u32 @!p0 s1, $0xE  }
0xb0: {  	s6 =	sor.u32 @!p0 $0x4000, s6;
	s5 =	simm.s32 @!p0 $0x1B8D  }
0xb1: {  	s4 =	sshll.u32 @!p0 s4, $0x11;
	s6 =	sadd.s32 @!p0 $0x11B8D, s6;
	_ =	swait.eq @!p0 [sflag:s5], $0x1  }
0xb2: {  	s4 =	sor.u32 @!p0 s4, s6;
	[sflag:s5] =	ssyncadd.s32 @!p0 $0xFFFFFFFF  }
0xb3: {  	s25 =	simm.s32 $0x1B8E;
	s24 =	sld [smem:$0x3FFE];
	[sflag:s4] =	ssyncadd.remote.s32 @!p0 $0x1  }
0xb4: {  	s26 =	simm.s32 $execute0_lowered;
	[smem:$0x3FD2] =	sst s25  }
0xb5: {  	s5 =	sshll.u32 s26, $0x1;
	_ =	strace $0x8000005E;
	[dreg:$0x1] =	wrdreg $0xFFFFFFFF  }
0xb6: {  	s28 =	simm.s32 $_size_execute0_lowered;
	s3 =	sadd.s32 s3, s5;
	[dreg:$0x0] =	wrdreg $0x0  }
0xb7: {  	s5 =	sshll.u32 s28, $0x1;
	[dreg:$0x2] =	wrdreg s3  }
0xb8: {  	[dreg:$0x3] =	wrdreg s5  }
0xb9: {  	[dreg:$0x4] =	wrdreg $0xC0  }
0xba: {  	_ =	task [dreg:s22], $0x5FFFF  }
0xbb: {  	[dreg:$0x1] =	wrdreg $0xFFFFFFFF  }
0xbc: {  	[dreg:$0x0] =	wrdreg $0x60  }
0xbd: {  	[dreg:$0x2] =	wrdreg s24  }
0xbe: {  	[dreg:$0x3] =	wrdreg $0xB  }
0xbf: {  	_ =	task.clear_ibuf [dreg:s22], $0x4FFFF;
	_ =	strace $0x9000005E  }
0xc0: {  	s29 =	simm.s32 $0xB;
	_ =	strace $0x80000060  }
0xc1: {  	_ =	swait.ge [sflag:s29], $0x1  }
0xc2: {  	[sflag:s29] =	ssyncadd.s32 $0xFFFFFFFF  }
0xc3: {  	_ =	strace $0x90000060  }
0xc4: {  	_ =	sfence  }
0xc5: {  	s30 =	sld [smem:$0x0];
	_ =	sdelay $0x2  }
0xc6: {  	s31 =	sshll.u32 s1, $0xD;
	s1 =	sshrl.u32 s1, $0x2  }
0xc7: {  	s4 =	sand.u32 $0x4000, s31;
	s1 =	sadd.s32 s1, s30  }
0xc8: {  	s0 =	sor.u32 s4, s0;
	s1 =	sshll.u32 s1, $0x11  }
0xc9: {  	s0 =	sor.u32 s1, s0  }
0xca: {  	s0 =	sadd.s32 $0x8F2B, s0  }
0xcb: {  	[sflag:s0] =	ssyncadd.remote.s32 $0x1  }
0xcc: {  	_ =	sfence.sel $0xFFFF  }
0xcd: {  	[dreg:$0x0] =	wrdreg $0xFFFFFFFF;
	(pc) =	sbr.abs _section_cstart, $3  }
0xce: {  	[dreg:$0x1] =	wrdreg $0xFFFFFFFF  }
0xcf: {  	_ =	task.clear_ibuf [dreg:s22], $0x2FFFF;
	_ =	strace $0x9FFFFFFF  }
0xd0: {  	(tm) =	ssettm $0x7FFFFFFF  }
0xd1: {  	_ =	shalt  }
tec
execute0_lowered:
.L_overlay_start_1:
0x0: {  	(tag) =	ssettag $0x1  }
0x1: {  	s0 =	srdreg.scid  }
0x2: {  	s1 =	sshll.u32 s0, $0x4  }
0x3: {  	s0 =	stileid.u32;
	s1 =	sand.u32 $0x10, s1  }
0x4: {  	s1 =	sor.u32 s0, s1  }
0x5: {  	s9 =	rddreg [dreg:$0x0];
	s6 =	simm.s32 $0x1;
	s2 =	smin.u32 s1, $0x4  }
0x6: {  	p0 =	slt.u32 s1, $0x4;
	s2 =	sadd.s32 s1, s2;
	s1 =	simm.s32 $0x80  }
0x7: {  	s7 =	simm.s32 $0x2;
	s2 =	sshll.u32 s2, $0x6;
	s1 =	simm.s32 @!p0 $0x40  }
0x8: {  	s10 =	simm.s32 $0x3;
	s13 =	simm.s32 $0x0;
	s3 =	sadd.s32 s1, s2  }
0x9: {  	s12 =	simm.s32 $0x0;
	s4 =	sadd.s32 $0x48000, s9;
	s3 =	smin.u32 s3, $0x900  }
.Ltmp0:
0xa: {  	s5 =	sadd.s32 $0x43000, s9;
	s8 =	ssub.s32 s3, s2;
	(pc) =	sbr.rel .LBB2_1-.Ltmp0, $4  }
0xb: {  	s1 =	rddreg [dreg:$0x1];
	_ =	strace $0x8000005F;
	p0 =	sgt.s32 s8, $0x0  }
0xc: {  	s9 =	sadd.s32 $0x2A00, s9;
	[sflag:s6] =	ssyncpa.u1 $0x0;
	s8 =	simm.s32 @!p0 $0x0  }
0xd: {  	s11 =	smov.u32 s2;
	[sflag:s7] =	ssyncpa.u1 $0x0;
	s8 =	sshrl.u32 s8, $0x6  }
0xe: {  	vm0 =	vmmov $0xff;
	vm1 =	vcmask $0x3F20;
	[sflag:s10] =	ssyncpa.u1 $0x0;
	p0 =	por $0x0, $0x0;
	s10 =	sadd.s32 $0x1, s8  }
.LBB2_6:
0xf: {  	[hbm:s17] =	stream.linear.scatter [tilespmem:s14], [sflag:$0x3], $0x400, $0x38;
	[tilespmem:$0x4080] =	vst v63  }
.LBB2_7:
0x10: {  	s13 =	sadd.s32 $0x40, s11  }
0x11: {  	s15 =	smov.u32 s2;
	p2 =	slt.s32 s13, s3  }
0x12: {  	s15 =	smov.u32 @p2 s13;
	p2 =	sne.s32 s12, s10  }
.Ltmp1:
0x13: {  	p1 =	slt.u32 s12, $0x2;
	(pc) =	sbr.rel @!p2 .LBB2_8-.Ltmp1, $4  }
0x14: {  	s14 =	simm.s32 @!p1 $0x3  }
0x15: {  	s16 =	sadd.s32 $0x1, s12;
	_ =	swait.ge @!p1 [sflag:s14], $0x2000  }
0x16: {  	p0 =	por !p0, !p0;
	s13 =	smov.u32 s11;
	[sflag:s14] =	ssyncset.done @!p1 $0x0  }
0x17: {  	s12 =	smov.u32 s16;
	s11 =	smov.u32 s15;
	[sflag:s14] =	ssyncadd.s32 @!p1 $0xFFFFE000  }
.LBB2_1:
0x18: {  	p1 =	sge.u32 s12, s8  }
0x19: {  	s14 =	sxor.u32 @!p1 $0xFFFFFFFF, s12  }
0x1a: {  	s31 =	sadd.s32 $0xFFFFFFFF, s12;
	s15 =	sshrl.u32 @!p1 s11, $0x3;
	s14 =	sshll.u32 @!p1 s14, $0x6  }
0x1b: {  	s16 =	sand.u32 @!p1 $0x7, s11;
	s15 =	sadd.s32 @!p1 s5, s15;
	s14 =	sand.u32 @!p1 $0x40, s14  }
0x1c: {  	[tilespmem:s14], [sflag:$0x2] =	stream.linear.gather @!p1 [hbm4b:s15+s16], $0x40, $0x38;
	[tilespmem:$0x4080] =	vst v63  }
0x1d: {  	p1 =	sge.u32 s31, s8  }
.Ltmp2:
0x1e: {  	_ = 	snop;
	(pc) =	sbr.rel @p1 .LBB2_7-.Ltmp2, $1  }
0x1f: {  	_ =	sdelay $0x3  }
0x20: {  	s14 =	simm.s32 $0x1  }
0x21: {  	_ =	swait.ge [sflag:s7], $0x40;
	s14 =	simm.s32 @!p0 $0x0  }
0x22: {  	[sflag:s7] =	ssyncset.done $0x0;
	s16 =	sshll.u32 s14, $0x6  }
0x23: {  	[sflag:s7] =	ssyncadd.s32 $0xFFFFFFC0;
	s15 =	sadd.s32 $0x0, s16  }
0x24: {  	v0 =	vld.msk [tilespmem:s15+$0x0 ss:$0x1], $0xffff;
	_ =	sdelay $0x4  }
0x25: {  	vm2 =	vgt.s32 v0, $0x0  }
0x26: {  	v0 =	vnsel vm2, $0x0, v0  }
0x27: {  	v0 =	vmin.u32 v0, $0x21FF  }
0x28: {  	v0 =	vshll.u32 v0, $0x4;
	_ =	sdelay $0x2  }
0x29: {  	s14 =	sshll.u32 s14, $0xD  }
0x2a: {  	s14 =	sor.u32 $0x80, s14  }
0x2b: {  	[tilespmem:s14], [sflag:$0x1] =	stream.indirect_vreg.gather [hbm:s4], $0x80, v0, vm0, $0x38;
	[tilespmem:$0x4080] =	vst v63  }
0x2c: {  	s17 =	sadd.s32 $0x10, s16;
	s15 =	sadd.s32 $0x400, s14  }
0x2d: {  	[tilespmem:s15], [sflag:$0x1] =	stream.indirect_vreg.gather [hbm:s4], $0x80, v0, vm1, $0x38;
	[tilespmem:$0x4080] =	vst v63  }
0x2e: {  	s18 =	simm.s32 $0x80;
	v0 =	vld.msk [tilespmem:s17+$0x0 ss:$0x1], $0xffff;
	s17 =	smov.u32 s14  }
.LBB2_3:
0x2f: {  	p1 =	sne.s32 s18, $0xC0;
	_ =	sdelay $0x4  }
0x30: {  	vm2 =	vgt.s32 v0, $0x0  }
0x31: {  	v0 =	vnsel vm2, $0x0, v0  }
0x32: {  	v0 =	vmin.u32 v0, $0x21FF  }
0x33: {  	v0 =	vshll.u32 v0, $0x4;
	_ =	sdelay $0x3  }
.Ltmp3:
0x34: {  	s19 =	sshra.s32 s18, $0x2;
	s17 =	sadd.s32 $0x800, s17;
	(pc) =	sbr.rel @p1 .LBB2_3-.Ltmp3, $4  }
0x35: {  	[tilespmem:s17], [sflag:$0x1] =	stream.indirect_vreg.gather [hbm:s4], $0x80, v0, vm0, $0x38;
	[tilespmem:$0x4080] =	vst v63  }
0x36: {  	s19 =	sadd.s32 s19, s16;
	s20 =	sadd.s32 $0x400, s17  }
0x37: {  	[tilespmem:s20], [sflag:$0x1] =	stream.indirect_vreg.gather [hbm:s4], $0x80, v0, vm1, $0x38;
	[tilespmem:$0x4080] =	vst v63  }
0x38: {  	s18 =	sadd.s32 $0x40, s18;
	v0 =	vld.msk [tilespmem:s19+$0x0 ss:$0x1], $0xffff  }
0x39: {  	_ =	sdelay $0x3  }
0x3a: {  	vm2 =	vgt.s32 v0, $0x0  }
0x3b: {  	v0 =	vnsel vm2, $0x0, v0  }
0x3c: {  	v0 =	vmin.u32 v0, $0x21FF  }
0x3d: {  	v0 =	vshll.u32 v0, $0x4;
	_ =	sdelay $0x3  }
0x3e: {  	s16 =	sadd.s32 $0x800, s17  }
0x3f: {  	[tilespmem:s16], [sflag:$0x1] =	stream.indirect_vreg.gather [hbm:s4], $0x80, v0, vm0, $0x38;
	[tilespmem:$0x4080] =	vst v63  }
0x40: {  	s16 =	sadd.s32 $0x400, s16  }
0x41: {  	[tilespmem:s16], [sflag:$0x1] =	stream.indirect_vreg.gather [hbm:s4], $0x80, v0, vm1, $0x38;
	[tilespmem:$0x4080] =	vst v63  }
0x42: {  	s13 =	sshll.u32 s13, $0x4;
	_ =	swait.ge [sflag:s6], $0x2000  }
0x43: {  	s13 =	sadd.s32 s13, s9;
	[sflag:s6] =	ssyncset.done $0x0  }
0x44: {  	s17 =	sadd.s32 $0x0, s13;
	s16 =	simm.s32 $0x80;
	[sflag:s6] =	ssyncadd.s32 $0xFFFFE000  }
.LBB2_5:
0x45: {  	[hbm:s17] =	stream.linear.scatter [tilespmem:s14], [sflag:$0x3], $0x400, $0x38;
	[tilespmem:$0x4080] =	vst v63  }
0x46: {  	s17 =	smov.u32 s16;
	s14 =	smov.u32 s15;
	p1 =	sne.s32 s16, $0x380  }
.Ltmp4:
0x47: {  	s16 =	sadd.s32 $0x80, s16;
	(pc) =	sbr.rel @p1 .LBB2_5-.Ltmp4, $2  }
0x48: {  	_ =	sdelay $0x2  }
0x49: {  	s15 =	sadd.s32 $0x400, s15;
	s17 =	sadd.s32 s17, s13  }
.Ltmp5:
0x4a: {  	_ = 	snop;
	(pc) =	sbr.rel .LBB2_6-.Ltmp5, $1  }
0x4b: {  	_ =	sdelay $0x3  }
.LBB2_8:
0x4c: {  	_ =	sfence.sel $0x180000  }
0x4d: {  	s2 =	simm.s32 $0x2;
	[bflag:$0x0] =	sbarrier.arrive $0xFFFF  }
0x4e: {  	s30 =	simm.s32 $0x3;
	[sflag:s2] =	ssyncpa.u1 $0x1  }
0x4f: {  	s31 =	simm.s32 $0x1;
	[sflag:s30] =	ssyncpa.u1 $0x1  }
0x50: {  	[sflag:s31] =	ssyncpa.u1 $0x1  }
0x51: {  	p0 =	sne.s32 s0, $0x0;
	_ =	strace $0x9000005F  }
0x52: {  	s0 =	sadd.s32 @!p0 $0x100000, s1;
	[bflag:$0x2] =	sbarrier.arrive $0xFFFF  }
0x53: {  	[sflag:s0] =	ssyncadd.tile.s32 @!p0 $0x1;
	_ =	shalt  }
.Lfunc_end2:
_tile_overlayer_lowered:
.L_overlay_start_2:
0x54: {  	(tag) =	ssettag $0x2  }
0x55: {  	s0 =	rddreg [dreg:$0x0];
	s2 =	stileid.u32  }
0x56: {  	s1 =	rddreg [dreg:$0x1];
	p0 =	sne.s32 s2, $0x0  }
0x57: {  	s3 =	rddreg [dreg:$0x2];
	[bflag:$0x3] =	sbarrier.arrive $0xFFFF;
	s2 =	simm.s32 @!p0 $0x1C01  }
0x58: {  	[timem:s3], [sflag:s2] =	dma.local @!p0 [hbm:s0], s1  }
0x59: {  	s0 =	simm.s32 @!p0 $0x1  }
0x5a: {  	_ =	swait.ge @!p0 [sflag:s0], s1  }
0x5b: {  	s1 =	ssub.s32 @!p0 $0x0, s1;
	[sflag:s0] =	ssyncset.done @!p0 $0x0  }
0x5c: {  	[sflag:s0] =	ssyncadd.s32 @!p0 s1  }
0x5d: {  	[bflag:$0x3] =	sbarrier.arrive $0xFFFF  }
0x5e: {  	_ =	shalt  }

// kernel: gather_offload_async_start
scs
__scs_entry_jumppad:
0x0: {  	(pc) =	sbr.rel $0x88, $3  }
0x1: {  	(tag) =	ssettag $0x0;
	lr =	simm.s32 $0x1  }
0x2: {  	[smem:$0x3F7B] =	sst lr;
	_ =	strace $0xD0000000  }
0x3: {  	_ = 	snop  }
0x4: {  	_ = 	snop  }
0x5: {  	_ = 	snop  }
0x6: {  	_ = 	snop  }
0x7: {  	_ = 	snop  }
__scs_overlays_trampoline_lowered:
0x8: {  	[smem:$0x3F8A] =	sst s0  }
0x9: {  	[smem:$0x3F8B] =	sst s1  }
0xa: {  	[smem:$0x3F8C] =	sst s2  }
0xb: {  	[smem:$0x3F8D] =	sst s3  }
0xc: {  	[smem:$0x3F8E] =	sst s4  }
0xd: {  	[smem:$0x3F8F] =	sst s5  }
0xe: {  	[smem:$0x3F90] =	sst s6  }
0xf: {  	[smem:$0x3F91] =	sst s7  }
0x10: {  	[smem:$0x3F92] =	sst s8  }
0x11: {  	[smem:$0x3F93] =	sst s9;
	s0 =	simm.s32 @!p0 $0x0  }
0x12: {  	s1 =	sld [smem:$0x3F79];
	s0 =	simm.s32 @p0 $0x1  }
0x13: {  	[smem:$0x3F94] =	sst s0;
	s0 =	simm.s32 @!p1 $0x0  }
0x14: {  	s2 =	sld [smem:$0x3F78];
	s0 =	simm.s32 @p1 $0x1  }
0x15: {  	[smem:$0x3F95] =	sst s0;
	s0 =	simm.s32 @!p2 $0x0  }
0x16: {  	s3 =	sld [smem:$0x3FDB];
	s0 =	simm.s32 @p2 $0x1  }
0x17: {  	s4 =	simm.s32 $0x1BF5;
	[smem:$0x3F97] =	sst s0  }
0x18: {  	s0 =	sld [smem:$0x3F7A];
	_ =	swait.ge [sflag:s4], $0x0  }
0x19: {  	s7 =	sld [smem:$0x3F7B]  }
0x1a: {  	s8 =	sadd.s32 $0xFFFFE003, lr  }
0x1b: {  	s9 =	sadd.s32 $0xFFFFFEF7, lr;
	s5 =	simm.s32 $0xFFFFFFFF;
	p2 =	slt.u32 s8, $0xFFFFF086  }
0x1c: {  	p1 =	slt.u32 s9, $0xF7A;
	s5 =	simm.s32 @!p2 $0x0  }
0x1d: {  	s5 =	simm.s32 @p1 $0x1;
	p0 =	seq.s32 s7, s2  }
0x1e: {  	s7 =	smul.u32 @!p0 $0xF7A, s2;
	p2 =	seq.s32 @!p0 s5, $0x0  }
0x1f: {  	s9 =	smul.u32 $0xF7A, s1;
	s8 =	simm.s32 @!p0 $0x1BF5;
	p2 =	por !p2, p0  }
0x20: {  	[sflag:s8] =	ssyncset.s32 @!p0 $0xFFFFF086;
	s6 =	sadd.s32 @!p0 s3, s7;
	s7 =	simm.s32 @!p0 $0x108  }
0x21: {  	s3 =	sadd.s32 s3, s9;
	s6 =	sadd.s32 @!p0 $0x88, s6;
	s7 =	simm.s32 @p2 $0x1082  }
0x22: {  	[simem:s7], [sflag:s8] =	dma.local @!p0 [hbm:s6], $0xF7A  }
0x23: {  	s9 =	sor.u32 $0xD0000000, s2;
	s6 =	simm.s32 $0x108;
	_ =	swait.ge @!p0 [sflag:s8], $0x0  }
0x24: {  	s3 =	sadd.s32 $0x88, s3;
	s6 =	simm.s32 @!p1 $0x1082;
	[sflag:s4] =	ssyncset.s32 $0xFFFFF086  }
0x25: {  	[simem:s6], [sflag:s4] =	dma.local [hbm:s3], $0xF7A  }
0x26: {  	[smem:$0x3F7B] =	sst s1;
	(tag) =	ssettag s2;
	_ =	strace s9  }
0x27: {  	s1 =	sld [smem:$0x3F8B]  }
0x28: {  	s2 =	sld [smem:$0x3F8C]  }
0x29: {  	s4 =	sld [smem:$0x3F8E]  }
0x2a: {  	p0 =	seq.s32 s5, $0x0;
	s5 =	sld [smem:$0x3F8F]  }
0x2b: {  	s6 =	sld [smem:$0x3F90]  }
0x2c: {  	s7 =	sld [smem:$0x3F91]  }
0x2d: {  	s3 =	simm.s32 $0x108;
	s8 =	sld [smem:$0x3F92]  }
0x2e: {  	s3 =	simm.s32 @!p0 $0x1082;
	s9 =	sld [smem:$0x3F93]  }
0x2f: {  	lr =	sadd.s32 s0, s3;
	s0 =	sld [smem:$0x3F8A]  }
0x30: {  	s3 =	sld [smem:$0x3F8D]  }
0x31: {  	[smem:$0x3F96] =	sst s10  }
0x32: {  	s10 =	sld [smem:$0x3F94];
	_ =	sdelay $0x3  }
0x33: {  	p0 =	seq.s32 s10, $0x1;
	s10 =	sld [smem:$0x3F96];
	_ =	sdelay $0x3  }
0x34: {  	[smem:$0x3F96] =	sst s10  }
0x35: {  	s10 =	sld [smem:$0x3F95];
	_ =	sdelay $0x3  }
0x36: {  	p1 =	seq.s32 s10, $0x1;
	s10 =	sld [smem:$0x3F96];
	_ =	sdelay $0x3  }
0x37: {  	[smem:$0x3F96] =	sst s10  }
0x38: {  	s10 =	sld [smem:$0x3F97]  }
0x39: {  	_ = 	snop;
	(pc) =	sbr.ind lr, $3  }
0x3a: {  	_ = 	snop  }
0x3b: {  	_ = 	snop  }
0x3c: {  	p2 =	seq.s32 s10, $0x1;
	s10 =	sld [smem:$0x3F96]  }
0x3d: {  	_ =	shalt  }
0x3e: {  	_ =	shalt  }
0x3f: {  	_ =	shalt  }
0x40: {  	_ =	shalt  }
0x41: {  	_ =	shalt  }
0x42: {  	_ =	shalt  }
0x43: {  	_ =	shalt  }
0x44: {  	_ =	shalt  }
0x45: {  	_ =	shalt  }
0x46: {  	_ =	shalt  }
0x47: {  	_ =	shalt  }
0x48: {  	_ =	shalt  }
0x49: {  	_ =	shalt  }
0x4a: {  	_ =	shalt  }
0x4b: {  	_ =	shalt  }
0x4c: {  	_ =	shalt  }
0x4d: {  	_ =	shalt  }
0x4e: {  	_ =	shalt  }
0x4f: {  	_ =	shalt  }
0x50: {  	_ =	shalt  }
0x51: {  	_ =	shalt  }
0x52: {  	_ =	shalt  }
0x53: {  	_ =	shalt  }
0x54: {  	_ =	shalt  }
0x55: {  	_ =	shalt  }
0x56: {  	_ =	shalt  }
0x57: {  	_ =	shalt  }
0x58: {  	_ =	shalt  }
0x59: {  	_ =	shalt  }
0x5a: {  	_ =	shalt  }
0x5b: {  	_ =	shalt  }
0x5c: {  	_ =	shalt  }
0x5d: {  	_ =	shalt  }
0x5e: {  	_ =	shalt  }
0x5f: {  	_ =	shalt  }
0x60: {  	_ =	shalt  }
0x61: {  	_ =	shalt  }
0x62: {  	_ =	shalt  }
0x63: {  	_ =	shalt  }
0x64: {  	_ =	shalt  }
0x65: {  	_ =	shalt  }
0x66: {  	_ =	shalt  }
0x67: {  	_ =	shalt  }
0x68: {  	_ =	shalt  }
0x69: {  	_ =	shalt  }
0x6a: {  	_ =	shalt  }
0x6b: {  	_ =	shalt  }
0x6c: {  	_ =	shalt  }
0x6d: {  	_ =	shalt  }
0x6e: {  	_ =	shalt  }
0x6f: {  	_ =	shalt  }
0x70: {  	_ =	shalt  }
0x71: {  	_ =	shalt  }
0x72: {  	_ =	shalt  }
0x73: {  	_ =	shalt  }
0x74: {  	_ =	shalt  }
0x75: {  	_ =	shalt  }
0x76: {  	_ =	shalt  }
0x77: {  	_ =	shalt  }
0x78: {  	_ =	shalt  }
0x79: {  	_ =	shalt  }
0x7a: {  	_ =	shalt  }
0x7b: {  	_ =	shalt  }
0x7c: {  	_ =	shalt  }
0x7d: {  	_ =	shalt  }
0x7e: {  	_ =	shalt  }
0x7f: {  	_ =	shalt  }
0x80: {  	_ =	shalt  }
0x81: {  	_ =	shalt  }
0x82: {  	_ =	shalt  }
0x83: {  	_ =	shalt  }
0x84: {  	_ =	shalt  }
0x85: {  	_ =	shalt  }
0x86: {  	_ =	shalt  }
0x87: {  	_ =	shalt  }
.Lfunc_end0:
.L_simem_size_0:
called_computation.4_lowered:
.L_overlay_start_0:
0x88: {  	s2 =	sld [smem:$0x3FD9]  }
0x89: {  	s3 =	sld [smem:$0x3FFE];
	_ =	sdelay $0x1  }
0x8a: {  	s1 =	srdreg.scid  }
0x8b: {  	s0 =	sand.u32 $0x1, s1  }
0x8c: {  	s17 =	sshll.u32 s0, $0xA;
	s2 =	sadd.s32 s3, s2  }
0x8d: {  	s2 =	sadd.s32 s2, s17  }
0x8e: {  	[smem:$0x3FA2] =	sst s2  }
0x8f: {  	_ = 	snop  }
0x90: {  	s2 =	sld [smem:$0x3FC8];
	(tm) =	ssettm $0x1  }
0x91: {  	s18 =	sld [smem:$0x3FFB];
	_ =	sdelay $0x3  }
0x92: {  	_ =	strace s18  }
0x93: {  	s3 =	sld [smem:$0x3FFC];
	_ =	sdelay $0x3  }
0x94: {  	_ =	strace s3  }
0x95: {  	s3 =	sld [smem:$0x3FFD];
	_ =	sdelay $0x3  }
0x96: {  	_ =	strace s3  }
0x97: {  	_ =	strace $0x8FFFFFFF  }
0x98: {  	s19 =	sld [smem:$0x3FDB];
	_ =	sdelay $0x1  }
0x99: {  	s4 =	simm.s32 $_scs_section_size  }
0x9a: {  	s5 =	simm.s32 $_size__tile_overlayer_lowered;
	s6 =	simm.s32 $_tile_overlayer_lowered  }
0x9b: {  	s22 =	simm.s32 $0x1BFF;
	s21 =	sshll.u32 s6, $0x1;
	s3 =	sadd.s32 s4, s19  }
0x9c: {  	s7 =	simm.s32 $0x0;
	s20 =	sshll.u32 s5, $0x1;
	s5 =	sadd.s32 s21, s3  }
0x9d: {  	[timem:s7], [sflag:s22] =	dma.local [hbm:s5], s20  }
0x9e: {  	_ =	swait.ge [sflag:s22], s20  }
0x9f: {  	s4 =	ssub.s32 $0x0, s20;
	[sflag:s22] =	ssyncset.done $0x0  }
0xa0: {  	[sflag:s22] =	ssyncadd.s32 s4;
	_ =	sdelay $0x1  }
0xa1: {  	s23 =	simm.s32 $0x1B8B  }
0xa2: {  	_ =	swait.ge [sflag:s23], $0x1  }
0xa3: {  	[sflag:s23] =	ssyncset.done $0x0  }
0xa4: {  	s25 =	simm.s32 $0x1B8E;
	s24 =	sld [smem:$0x3FFE];
	[sflag:s23] =	ssyncadd.s32 $0xFFFFFFFF  }
0xa5: {  	s26 =	simm.s32 $execute0_lowered;
	[smem:$0x3FD2] =	sst s25  }
0xa6: {  	s5 =	sshll.u32 s26, $0x1;
	_ =	strace $0x8000004F;
	[dreg:$0x1] =	wrdreg $0xFFFFFFFF  }
0xa7: {  	s28 =	simm.s32 $_size_execute0_lowered;
	s3 =	sadd.s32 s3, s5;
	[dreg:$0x0] =	wrdreg $0x0  }
0xa8: {  	s5 =	sshll.u32 s28, $0x1;
	[dreg:$0x2] =	wrdreg s3  }
0xa9: {  	[dreg:$0x3] =	wrdreg s5  }
0xaa: {  	[dreg:$0x4] =	wrdreg $0xC0  }
0xab: {  	_ =	task [dreg:s7], $0x5FFFF  }
0xac: {  	[dreg:$0x1] =	wrdreg $0xFFFFFFFF  }
0xad: {  	[dreg:$0x0] =	wrdreg $0x60  }
0xae: {  	[dreg:$0x2] =	wrdreg s2  }
0xaf: {  	[dreg:$0x3] =	wrdreg s24  }
0xb0: {  	[dreg:$0x4] =	wrdreg $0x9  }
0xb1: {  	_ =	task.clear_ibuf [dreg:s7], $0x5FFFF;
	_ =	strace $0x9000004F  }
0xb2: {  	s29 =	simm.s32 $0x9;
	_ =	strace $0x80000051  }
0xb3: {  	_ =	swait.ge [sflag:s29], $0x1  }
0xb4: {  	[sflag:s29] =	ssyncadd.s32 $0xFFFFFFFF  }
0xb5: {  	_ =	strace $0x90000051  }
0xb6: {  	_ =	sfence  }
0xb7: {  	s30 =	sld [smem:$0x0];
	_ =	sdelay $0x2  }
0xb8: {  	s31 =	sshll.u32 s1, $0xD;
	s1 =	sshrl.u32 s1, $0x2  }
0xb9: {  	s3 =	sand.u32 $0x4000, s31;
	s1 =	sadd.s32 s1, s30  }
0xba: {  	s0 =	sor.u32 s3, s0;
	s1 =	sshll.u32 s1, $0x11  }
0xbb: {  	s0 =	sor.u32 s1, s0  }
0xbc: {  	s0 =	sadd.s32 $0x8F2B, s0  }
0xbd: {  	[sflag:s0] =	ssyncadd.remote.s32 $0x1  }
0xbe: {  	_ =	sfence.sel $0xFFFF  }
0xbf: {  	[dreg:$0x0] =	wrdreg $0xFFFFFFFF;
	(pc) =	sbr.abs _section_cstart, $3  }
0xc0: {  	[dreg:$0x1] =	wrdreg $0xFFFFFFFF  }
0xc1: {  	_ =	task.clear_ibuf [dreg:s7], $0x2FFFF;
	_ =	strace $0x9FFFFFFF  }
0xc2: {  	(tm) =	ssettm $0x7FFFFFFF  }
0xc3: {  	_ =	shalt  }
tec
execute0_lowered:
.L_overlay_start_1:
0x0: {  	(tag) =	ssettag $0x1  }
0x1: {  	s1 =	srdreg.scid;
	s2 =	rddreg [dreg:$0x0]  }
0x2: {  	s0 =	stileid.u32;
	s5 =	rddreg [dreg:$0x1];
	s6 =	simm.s32 $0x1  }
0x3: {  	s9 =	simm.s32 $0x1;
	s10 =	simm.s32 $0x3;
	s1 =	sshll.u32 s1, $0x8  }
0x4: {  	s13 =	simm.s32 $0x0;
	s3 =	sshll.u32 s0, $0x9;
	s4 =	sand.u32 $0x100, s1  }
0x5: {  	s12 =	simm.s32 $0x0;
	s1 =	rddreg [dreg:$0x2];
	s3 =	sor.u32 s3, s4  }
0x6: {  	_ =	strace $0x80000050;
	s4 =	sadd.s32 $0x45000, s5;
	s8 =	ssub.s32 $0x2200, s3  }
.Ltmp0:
0x7: {  	s5 =	sadd.s32 $0x2000, s5;
	s7 =	sand.u32 $0x1F00, s8;
	(pc) =	sbr.rel .LBB2_1-.Ltmp0, $4  }
0x8: {  	[sflag:s6] =	ssyncpa.u1 $0x0;
	s11 =	smov.u32 s3;
	p0 =	sne.s32 s7, $0x0  }
0x9: {  	s8 =	sshrl.u32 s8, $0xD;
	s7 =	simm.s32 $0x2;
	s9 =	simm.s32 @!p0 $0x0  }
0xa: {  	[sflag:s7] =	ssyncpa.u1 $0x0;
	p0 =	por $0x0, $0x0;
	s8 =	sadd.s32 s9, s8  }
0xb: {  	vm0 =	vmmov $0xffff;
	[sflag:s10] =	ssyncpa.u1 $0x0;
	s10 =	simm.s32 $0x0;
	s9 =	sadd.s32 $0x1, s8  }
.LBB2_4:
0xc: {  	v2 =	vnsel vm1, $0x0, v2  }
0xd: {  	vm1 =	vgt.s32 v0, $0x0;
	v2 =	vmin.u32 v2, $0x3FFF  }
0xe: {  	v0 =	vnsel vm1, $0x0, v0  }
0xf: {  	v0 =	vmin.u32 v0, $0x3FFF  }
0x10: {  	[tilespmem:s15], [sflag:$0x1] =	stream.indirect_vreg.gather [hbm4b:s2+s10], $0x1, v1, vm0, $0x4038;
	[tilespmem:$0x400] =	vst v63  }
0x11: {  	(ifvalue) =	ssetifvalue $0x7FFFFFFF  }
0x12: {  	[tilespmem:s16], [sflag:$0x1] =	stream.indirect_vreg.gather [hbm4b:s2+s10], $0x1, v2, vm0, $0x4038;
	[tilespmem:$0x400] =	vst v63  }
0x13: {  	s29 =	sadd.s32 $0x10, s16;
	(ifvalue) =	ssetifvalue $0x7FFFFFFF  }
0x14: {  	[tilespmem:s29], [sflag:$0x1] =	stream.indirect_vreg.gather [hbm4b:s2+s10], $0x1, v0, vm0, $0x4038;
	[tilespmem:$0x400] =	vst v63  }
0x15: {  	_ =	swait.ge [sflag:s6], $0x100  }
0x16: {  	s30 =	sshrl.u32 s13, $0x3;
	[sflag:s6] =	ssyncset.done $0x0  }
0x17: {  	s31 =	sand.u32 $0x7, s13;
	s15 =	sadd.s32 s5, s30;
	[sflag:s6] =	ssyncadd.s32 $0xFFFFFF00  }
0x18: {  	[hbm4b:s15+s31] =	stream.linear.scatter [tilespmem:s14], [sflag:$0x3], $0x100, $0x38;
	[tilespmem:$0x400] =	vst v63  }
.LBB2_5:
0x19: {  	s15 =	sadd.s32 $0x2000, s11  }
0x1a: {  	p2 =	sgt.s32 s15, $0x21FF  }
0x1b: {  	s15 =	smov.u32 @p2 s3;
	p2 =	sne.s32 s12, s9  }
.Ltmp1:
0x1c: {  	p1 =	slt.u32 s12, $0x2;
	(pc) =	sbr.rel @!p2 .LBB2_6-.Ltmp1, $4  }
0x1d: {  	s14 =	simm.s32 @!p1 $0x3  }
0x1e: {  	s16 =	sadd.s32 $0x1, s12;
	_ =	swait.ge @!p1 [sflag:s14], $0x100  }
0x1f: {  	s13 =	smov.u32 s11;
	p0 =	por !p0, !p0;
	[sflag:s14] =	ssyncset.done @!p1 $0x0  }
0x20: {  	s12 =	smov.u32 s16;
	s11 =	smov.u32 s15;
	[sflag:s14] =	ssyncadd.s32 @!p1 $0xFFFFFF00  }
.LBB2_1:
0x21: {  	p1 =	sge.u32 s12, s8  }
0x22: {  	s14 =	sxor.u32 @!p1 $0xFFFFFFFF, s12  }
0x23: {  	s31 =	sadd.s32 $0xFFFFFFFF, s12;
	s15 =	sshrl.u32 @!p1 s11, $0x3;
	s14 =	sshll.u32 @!p1 s14, $0x8  }
0x24: {  	s16 =	sand.u32 @!p1 $0x7, s11;
	s15 =	sadd.s32 @!p1 s4, s15;
	s14 =	sand.u32 @!p1 $0x100, s14  }
0x25: {  	[tilespmem:s14], [sflag:$0x2] =	stream.linear.gather @!p1 [hbm4b:s15+s16], $0x100, $0x38;
	[tilespmem:$0x400] =	vst v63  }
0x26: {  	p1 =	sge.u32 s31, s8  }
.Ltmp2:
0x27: {  	_ = 	snop;
	(pc) =	sbr.rel @p1 .LBB2_5-.Ltmp2, $1  }
0x28: {  	_ =	sdelay $0x3  }
0x29: {  	s14 =	simm.s32 $0x1  }
0x2a: {  	_ =	swait.ge [sflag:s7], $0x100;
	s14 =	simm.s32 @!p0 $0x0  }
0x2b: {  	[sflag:s7] =	ssyncset.done $0x0;
	s14 =	sshll.u32 s14, $0x8  }
0x2c: {  	[sflag:s7] =	ssyncadd.s32 $0xFFFFFF00;
	(ifvalue) =	ssetifvalue $0x7FFFFFFF;
	v0 =	vld.msk [tilespmem:s14+$0x0 ss:$0x1], $0xffff;
	_ =	sdelay $0x4  }
0x2d: {  	s15 =	sadd.s32 $0x10, s14;
	vm1 =	vgt.s32 v0, $0x0  }
0x2e: {  	v2 =	vld.msk [tilespmem:s15+$0x0 ss:$0x1], $0xffff;
	v1 =	vnsel vm1, $0x0, v0  }
0x2f: {  	v1 =	vmin.u32 v1, $0x3FFF;
	_ =	sdelay $0x1  }
0x30: {  	s16 =	sshll.u32 s12, $0x8;
	s18 =	simm.s32 $0x20  }
0x31: {  	s16 =	sand.u32 $0x100, s16;
	s17 =	sadd.s32 $0x10, s15;
	s15 =	sor.u32 $0x200, s14  }
0x32: {  	s14 =	sor.u32 $0x200, s16;
	s16 =	sadd.s32 $0x10, s15;
	v0 =	vld.msk [tilespmem:s17+$0x0 ss:$0x1], $0xffff;
	vm1 =	vgt.s32 v2, $0x0;
	(ifvalue) =	ssetifvalue $0x7FFFFFFF  }
.LBB2_3:
0x33: {  	[tilespmem:s15], [sflag:$0x1] =	stream.indirect_vreg.gather [hbm4b:s2+s10], $0x1, v1, vm0, $0x4038;
	[tilespmem:$0x400] =	vst v63  }
0x34: {  	s18 =	sadd.s32 $0x10, s18  }
0x35: {  	v2 =	vnsel vm1, $0x0, v2;
	p1 =	slt.u32 s18, $0xF0  }
.Ltmp3:
0x36: {  	s15 =	smov.u32 s16;
	v1 =	vmin.u32 v2, $0x3FFF;
	(pc) =	sbr.rel @p1 .LBB2_3-.Ltmp3, $3  }
0x37: {  	_ =	sdelay $0x1  }
0x38: {  	s17 =	sadd.s32 $0x10, s17  }
0x39: {  	vm1 =	vgt.s32 v0, $0x0;
	s16 =	sadd.s32 $0x10, s16;
	v2 =	vmov v0;
	(ifvalue) =	ssetifvalue $0x7FFFFFFF;
	v0 =	vld.msk [tilespmem:s17+$0x0 ss:$0x1], $0xffff  }
.Ltmp4:
0x3a: {  	_ = 	snop;
	(pc) =	sbr.rel .LBB2_4-.Ltmp4, $1  }
0x3b: {  	_ =	sdelay $0x3  }
.LBB2_6:
0x3c: {  	_ =	sfence.sel $0x180000  }
0x3d: {  	s2 =	simm.s32 $0x2;
	[bflag:$0x0] =	sbarrier.arrive $0xFFFF  }
0x3e: {  	s30 =	simm.s32 $0x3;
	[sflag:s2] =	ssyncpa.u1 $0x1  }
0x3f: {  	s31 =	simm.s32 $0x1;
	[sflag:s30] =	ssyncpa.u1 $0x1  }
0x40: {  	[sflag:s31] =	ssyncpa.u1 $0x1  }
0x41: {  	p0 =	sne.s32 s0, $0x0;
	_ =	strace $0x90000050  }
0x42: {  	s0 =	sadd.s32 @!p0 $0x100000, s1;
	[bflag:$0x2] =	sbarrier.arrive $0xFFFF  }
0x43: {  	[sflag:s0] =	ssyncadd.tile.s32 @!p0 $0x1;
	_ =	shalt  }
.Lfunc_end2:
_tile_overlayer_lowered:
.L_overlay_start_2:
0x44: {  	(tag) =	ssettag $0x2  }
0x45: {  	s0 =	rddreg [dreg:$0x0];
	s2 =	stileid.u32  }
0x46: {  	s1 =	rddreg [dreg:$0x1];
	p0 =	sne.s32 s2, $0x0  }
0x47: {  	s3 =	rddreg [dreg:$0x2];
	[bflag:$0x3] =	sbarrier.arrive $0xFFFF;
	s2 =	simm.s32 @!p0 $0x1C01  }
0x48: {  	[timem:s3], [sflag:s2] =	dma.local @!p0 [hbm:s0], s1  }
0x49: {  	s0 =	simm.s32 @!p0 $0x1  }
0x4a: {  	_ =	swait.ge @!p0 [sflag:s0], s1  }
0x4b: {  	s1 =	ssub.s32 @!p0 $0x0, s1;
	[sflag:s0] =	ssyncset.done @!p0 $0x0  }
0x4c: {  	[sflag:s0] =	ssyncadd.s32 @!p0 s1  }
0x4d: {  	[bflag:$0x3] =	sbarrier.arrive $0xFFFF  }
0x4e: {  	_ =	shalt  }

// kernel: kernel.14.cloned.1.call-start
scs
__scs_entry_jumppad:
0x0: {  	(pc) =	sbr.rel $0x88, $3  }
0x1: {  	(tag) =	ssettag $0x0;
	lr =	simm.s32 $0x1  }
0x2: {  	[smem:$0x3F7B] =	sst lr;
	_ =	strace $0xD0000000  }
0x3: {  	_ = 	snop  }
0x4: {  	_ = 	snop  }
0x5: {  	_ = 	snop  }
0x6: {  	_ = 	snop  }
0x7: {  	_ = 	snop  }
__scs_overlays_trampoline_lowered:
0x8: {  	[smem:$0x3F8A] =	sst s0  }
0x9: {  	[smem:$0x3F8B] =	sst s1  }
0xa: {  	[smem:$0x3F8C] =	sst s2  }
0xb: {  	[smem:$0x3F8D] =	sst s3  }
0xc: {  	[smem:$0x3F8E] =	sst s4  }
0xd: {  	[smem:$0x3F8F] =	sst s5  }
0xe: {  	[smem:$0x3F90] =	sst s6  }
0xf: {  	[smem:$0x3F91] =	sst s7  }
0x10: {  	[smem:$0x3F92] =	sst s8  }
0x11: {  	[smem:$0x3F93] =	sst s9;
	s0 =	simm.s32 @!p0 $0x0  }
0x12: {  	s1 =	sld [smem:$0x3F79];
	s0 =	simm.s32 @p0 $0x1  }
0x13: {  	[smem:$0x3F94] =	sst s0;
	s0 =	simm.s32 @!p1 $0x0  }
0x14: {  	s2 =	sld [smem:$0x3F78];
	s0 =	simm.s32 @p1 $0x1  }
0x15: {  	[smem:$0x3F95] =	sst s0;
	s0 =	simm.s32 @!p2 $0x0  }
0x16: {  	s3 =	sld [smem:$0x3FDB];
	s0 =	simm.s32 @p2 $0x1  }
0x17: {  	s4 =	simm.s32 $0x1BF5;
	[smem:$0x3F97] =	sst s0  }
0x18: {  	s0 =	sld [smem:$0x3F7A];
	_ =	swait.ge [sflag:s4], $0x0  }
0x19: {  	s7 =	sld [smem:$0x3F7B]  }
0x1a: {  	s8 =	sadd.s32 $0xFFFFE003, lr  }
0x1b: {  	s9 =	sadd.s32 $0xFFFFFEF7, lr;
	s5 =	simm.s32 $0xFFFFFFFF;
	p2 =	slt.u32 s8, $0xFFFFF086  }
0x1c: {  	p1 =	slt.u32 s9, $0xF7A;
	s5 =	simm.s32 @!p2 $0x0  }
0x1d: {  	s5 =	simm.s32 @p1 $0x1;
	p0 =	seq.s32 s7, s2  }
0x1e: {  	s7 =	smul.u32 @!p0 $0xF7A, s2;
	p2 =	seq.s32 @!p0 s5, $0x0  }
0x1f: {  	s9 =	smul.u32 $0xF7A, s1;
	s8 =	simm.s32 @!p0 $0x1BF5;
	p2 =	por !p2, p0  }
0x20: {  	[sflag:s8] =	ssyncset.s32 @!p0 $0xFFFFF086;
	s6 =	sadd.s32 @!p0 s3, s7;
	s7 =	simm.s32 @!p0 $0x108  }
0x21: {  	s3 =	sadd.s32 s3, s9;
	s6 =	sadd.s32 @!p0 $0x88, s6;
	s7 =	simm.s32 @p2 $0x1082  }
0x22: {  	[simem:s7], [sflag:s8] =	dma.local @!p0 [hbm:s6], $0xF7A  }
0x23: {  	s9 =	sor.u32 $0xD0000000, s2;
	s6 =	simm.s32 $0x108;
	_ =	swait.ge @!p0 [sflag:s8], $0x0  }
0x24: {  	s3 =	sadd.s32 $0x88, s3;
	s6 =	simm.s32 @!p1 $0x1082;
	[sflag:s4] =	ssyncset.s32 $0xFFFFF086  }
0x25: {  	[simem:s6], [sflag:s4] =	dma.local [hbm:s3], $0xF7A  }
0x26: {  	[smem:$0x3F7B] =	sst s1;
	(tag) =	ssettag s2;
	_ =	strace s9  }
0x27: {  	s1 =	sld [smem:$0x3F8B]  }
0x28: {  	s2 =	sld [smem:$0x3F8C]  }
0x29: {  	s4 =	sld [smem:$0x3F8E]  }
0x2a: {  	p0 =	seq.s32 s5, $0x0;
	s5 =	sld [smem:$0x3F8F]  }
0x2b: {  	s6 =	sld [smem:$0x3F90]  }
0x2c: {  	s7 =	sld [smem:$0x3F91]  }
0x2d: {  	s3 =	simm.s32 $0x108;
	s8 =	sld [smem:$0x3F92]  }
0x2e: {  	s3 =	simm.s32 @!p0 $0x1082;
	s9 =	sld [smem:$0x3F93]  }
0x2f: {  	lr =	sadd.s32 s0, s3;
	s0 =	sld [smem:$0x3F8A]  }
0x30: {  	s3 =	sld [smem:$0x3F8D]  }
0x31: {  	[smem:$0x3F96] =	sst s10  }
0x32: {  	s10 =	sld [smem:$0x3F94];
	_ =	sdelay $0x3  }
0x33: {  	p0 =	seq.s32 s10, $0x1;
	s10 =	sld [smem:$0x3F96];
	_ =	sdelay $0x3  }
0x34: {  	[smem:$0x3F96] =	sst s10  }
0x35: {  	s10 =	sld [smem:$0x3F95];
	_ =	sdelay $0x3  }
0x36: {  	p1 =	seq.s32 s10, $0x1;
	s10 =	sld [smem:$0x3F96];
	_ =	sdelay $0x3  }
0x37: {  	[smem:$0x3F96] =	sst s10  }
0x38: {  	s10 =	sld [smem:$0x3F97]  }
0x39: {  	_ = 	snop;
	(pc) =	sbr.ind lr, $3  }
0x3a: {  	_ = 	snop  }
0x3b: {  	_ = 	snop  }
0x3c: {  	p2 =	seq.s32 s10, $0x1;
	s10 =	sld [smem:$0x3F96]  }
0x3d: {  	_ =	shalt  }
0x3e: {  	_ =	shalt  }
0x3f: {  	_ =	shalt  }
0x40: {  	_ =	shalt  }
0x41: {  	_ =	shalt  }
0x42: {  	_ =	shalt  }
0x43: {  	_ =	shalt  }
0x44: {  	_ =	shalt  }
0x45: {  	_ =	shalt  }
0x46: {  	_ =	shalt  }
0x47: {  	_ =	shalt  }
0x48: {  	_ =	shalt  }
0x49: {  	_ =	shalt  }
0x4a: {  	_ =	shalt  }
0x4b: {  	_ =	shalt  }
0x4c: {  	_ =	shalt  }
0x4d: {  	_ =	shalt  }
0x4e: {  	_ =	shalt  }
0x4f: {  	_ =	shalt  }
0x50: {  	_ =	shalt  }
0x51: {  	_ =	shalt  }
0x52: {  	_ =	shalt  }
0x53: {  	_ =	shalt  }
0x54: {  	_ =	shalt  }
0x55: {  	_ =	shalt  }
0x56: {  	_ =	shalt  }
0x57: {  	_ =	shalt  }
0x58: {  	_ =	shalt  }
0x59: {  	_ =	shalt  }
0x5a: {  	_ =	shalt  }
0x5b: {  	_ =	shalt  }
0x5c: {  	_ =	shalt  }
0x5d: {  	_ =	shalt  }
0x5e: {  	_ =	shalt  }
0x5f: {  	_ =	shalt  }
0x60: {  	_ =	shalt  }
0x61: {  	_ =	shalt  }
0x62: {  	_ =	shalt  }
0x63: {  	_ =	shalt  }
0x64: {  	_ =	shalt  }
0x65: {  	_ =	shalt  }
0x66: {  	_ =	shalt  }
0x67: {  	_ =	shalt  }
0x68: {  	_ =	shalt  }
0x69: {  	_ =	shalt  }
0x6a: {  	_ =	shalt  }
0x6b: {  	_ =	shalt  }
0x6c: {  	_ =	shalt  }
0x6d: {  	_ =	shalt  }
0x6e: {  	_ =	shalt  }
0x6f: {  	_ =	shalt  }
0x70: {  	_ =	shalt  }
0x71: {  	_ =	shalt  }
0x72: {  	_ =	shalt  }
0x73: {  	_ =	shalt  }
0x74: {  	_ =	shalt  }
0x75: {  	_ =	shalt  }
0x76: {  	_ =	shalt  }
0x77: {  	_ =	shalt  }
0x78: {  	_ =	shalt  }
0x79: {  	_ =	shalt  }
0x7a: {  	_ =	shalt  }
0x7b: {  	_ =	shalt  }
0x7c: {  	_ =	shalt  }
0x7d: {  	_ =	shalt  }
0x7e: {  	_ =	shalt  }
0x7f: {  	_ =	shalt  }
0x80: {  	_ =	shalt  }
0x81: {  	_ =	shalt  }
0x82: {  	_ =	shalt  }
0x83: {  	_ =	shalt  }
0x84: {  	_ =	shalt  }
0x85: {  	_ =	shalt  }
0x86: {  	_ =	shalt  }
0x87: {  	_ =	shalt  }
.Lfunc_end0:
.L_simem_size_0:
called_computation.8_lowered:
.L_overlay_start_0:
0x88: {  	s2 =	sld [smem:$0x3FD9]  }
0x89: {  	s3 =	sld [smem:$0x3FFE];
	_ =	sdelay $0x1  }
0x8a: {  	s1 =	srdreg.scid  }
0x8b: {  	s0 =	sand.u32 $0x1, s1  }
0x8c: {  	s17 =	sshll.u32 s0, $0xA;
	s2 =	sadd.s32 s3, s2  }
0x8d: {  	s2 =	sadd.s32 s2, s17  }
0x8e: {  	[smem:$0x3FA2] =	sst s2  }
0x8f: {  	_ = 	snop  }
0x90: {  	(tm) =	ssettm $0x1  }
0x91: {  	s18 =	sld [smem:$0x3FFB];
	_ =	sdelay $0x3  }
0x92: {  	_ =	strace s18  }
0x93: {  	s2 =	sld [smem:$0x3FFC];
	_ =	sdelay $0x3  }
0x94: {  	_ =	strace s2  }
0x95: {  	s2 =	sld [smem:$0x3FFD];
	_ =	sdelay $0x3  }
0x96: {  	_ =	strace s2  }
0x97: {  	_ =	strace $0x8FFFFFFF  }
0x98: {  	s19 =	sld [smem:$0x3FDB];
	_ =	sdelay $0x1  }
0x99: {  	s20 =	simm.s32 $_scs_section_size  }
0x9a: {  	s4 =	simm.s32 $_size__tile_overlayer_lowered;
	s5 =	simm.s32 $_tile_overlayer_lowered  }
0x9b: {  	s6 =	simm.s32 $0x1BFF;
	s21 =	sshll.u32 s5, $0x1;
	s3 =	sadd.s32 s20, s19  }
0x9c: {  	s22 =	simm.s32 $0x0;
	s4 =	sshll.u32 s4, $0x1;
	s5 =	sadd.s32 s21, s3  }
0x9d: {  	[timem:s22], [sflag:s6] =	dma.local [hbm:s5], s4  }
0x9e: {  	_ =	swait.ge [sflag:s6], s4  }
0x9f: {  	s4 =	ssub.s32 $0x0, s4;
	[sflag:s6] =	ssyncset.done $0x0  }
0xa0: {  	[sflag:s6] =	ssyncadd.s32 s4;
	_ =	sdelay $0x1  }
0xa1: {  	s23 =	simm.s32 $0x1B8B  }
0xa2: {  	_ =	swait.ge [sflag:s23], $0x1  }
0xa3: {  	[sflag:s23] =	ssyncset.done $0x0  }
0xa4: {  	[sflag:s23] =	ssyncadd.s32 $0xFFFFFFFF  }
0xa5: {  	s4 =	sld [smem:$0x0]  }
0xa6: {  	s5 =	sand.u32 $0xFFFFFFFE, s1  }
0xa7: {  	p0 =	sne.s32 s1, s5  }
0xa8: {  	s5 =	sshll.u32 @p0 s5, $0xE  }
0xa9: {  	s5 =	sadd.s32 @p0 $0x11B8D, s5;
	s6 =	sshll.u32 @p0 s4, $0x11  }
0xaa: {  	s5 =	sor.u32 @p0 s6, s5  }
0xab: {  	[sflag:s5] =	ssyncadd.remote.s32 @p0 $0x1;
	_ =	sdelay $0x1  }
0xac: {  	s5 =	simm.s32 @p0 $0x1B8D  }
0xad: {  	_ =	swait.eq @p0 [sflag:s5], $0x1  }
0xae: {  	[sflag:s5] =	ssyncadd.s32 @p0 $0xFFFFFFFF  }
0xaf: {  	s6 =	sshll.u32 @!p0 s1, $0xE  }
0xb0: {  	s6 =	sor.u32 @!p0 $0x4000, s6;
	s5 =	simm.s32 @!p0 $0x1B8D  }
0xb1: {  	s4 =	sshll.u32 @!p0 s4, $0x11;
	s6 =	sadd.s32 @!p0 $0x11B8D, s6;
	_ =	swait.eq @!p0 [sflag:s5], $0x1  }
0xb2: {  	s4 =	sor.u32 @!p0 s4, s6;
	[sflag:s5] =	ssyncadd.s32 @!p0 $0xFFFFFFFF  }
0xb3: {  	s25 =	simm.s32 $0x1B8E;
	s24 =	sld [smem:$0x3FFE];
	[sflag:s4] =	ssyncadd.remote.s32 @!p0 $0x1  }
0xb4: {  	s26 =	simm.s32 $execute0_lowered;
	[smem:$0x3FD2] =	sst s25  }
0xb5: {  	s5 =	sshll.u32 s26, $0x1;
	_ =	strace $0x80000061;
	[dreg:$0x1] =	wrdreg $0xFFFFFFFF  }
0xb6: {  	s28 =	simm.s32 $_size_execute0_lowered;
	s3 =	sadd.s32 s3, s5;
	[dreg:$0x0] =	wrdreg $0x0  }
0xb7: {  	s5 =	sshll.u32 s28, $0x1;
	[dreg:$0x2] =	wrdreg s3  }
0xb8: {  	[dreg:$0x3] =	wrdreg s5  }
0xb9: {  	[dreg:$0x4] =	wrdreg $0xC0  }
0xba: {  	_ =	task [dreg:s22], $0x5FFFF  }
0xbb: {  	[dreg:$0x1] =	wrdreg $0xFFFFFFFF  }
0xbc: {  	[dreg:$0x0] =	wrdreg $0x60  }
0xbd: {  	[dreg:$0x2] =	wrdreg s24  }
0xbe: {  	[dreg:$0x3] =	wrdreg $0xA  }
0xbf: {  	_ =	task.clear_ibuf [dreg:s22], $0x4FFFF;
	_ =	strace $0x90000061  }
0xc0: {  	s29 =	simm.s32 $0xA;
	_ =	strace $0x80000063  }
0xc1: {  	_ =	swait.ge [sflag:s29], $0x1  }
0xc2: {  	[sflag:s29] =	ssyncadd.s32 $0xFFFFFFFF  }
0xc3: {  	_ =	strace $0x90000063  }
0xc4: {  	_ =	sfence  }
0xc5: {  	s30 =	sld [smem:$0x0];
	_ =	sdelay $0x2  }
0xc6: {  	s31 =	sshll.u32 s1, $0xD;
	s1 =	sshrl.u32 s1, $0x2  }
0xc7: {  	s4 =	sand.u32 $0x4000, s31;
	s1 =	sadd.s32 s1, s30  }
0xc8: {  	s0 =	sor.u32 s4, s0;
	s1 =	sshll.u32 s1, $0x11  }
0xc9: {  	s0 =	sor.u32 s1, s0  }
0xca: {  	s0 =	sadd.s32 $0x8F2B, s0  }
0xcb: {  	[sflag:s0] =	ssyncadd.remote.s32 $0x1  }
0xcc: {  	_ =	sfence.sel $0xFFFF  }
0xcd: {  	[dreg:$0x0] =	wrdreg $0xFFFFFFFF;
	(pc) =	sbr.abs _section_cstart, $3  }
0xce: {  	[dreg:$0x1] =	wrdreg $0xFFFFFFFF  }
0xcf: {  	_ =	task.clear_ibuf [dreg:s22], $0x2FFFF;
	_ =	strace $0x9FFFFFFF  }
0xd0: {  	(tm) =	ssettm $0x7FFFFFFF  }
0xd1: {  	_ =	shalt  }
tec
execute0_lowered:
.L_overlay_start_1:
0x0: {  	(tag) =	ssettag $0x1  }
0x1: {  	s0 =	rddreg [dreg:$0x0];
	s1 =	srdreg.scid  }
0x2: {  	s2 =	simm.s32 $0x0;
	s4 =	stileid.u32;
	s17 =	simm.s32 $0x1  }
0x3: {  	s25 =	simm.s32 $0xCA80;
	s26 =	simm.s32 $0xC900;
	s28 =	simm.s32 $0xC980  }
0x4: {  	s29 =	simm.s32 $0xCA00;
	s30 =	simm.s32 $0x0;
	s1 =	sand.u32 $0x1, s1  }
0x5: {  	[smem:$0x7FF] =	sst s2;
	s5 =	sadd.s32 $0x1000, s0;
	s3 =	sshll.u32 s1, $0x4  }
0x6: {  	s6 =	sadd.s32 $0x800, s0;
	s7 =	sadd.s32 $0xBA00, s0;
	s4 =	sor.u32 s4, s3  }
0x7: {  	s8 =	sadd.s32 $0x6A000, s0;
	s1 =	ssub.s32 $0x2, s1;
	s4 =	smul.u32 $0x110, s4  }
.Ltmp0:
0x8: {  	s9 =	sadd.s32 $0x8C000, s0;
	s31 =	sshrl.u32 s1, $0x1;
	(pc) =	sbr.rel .LBB2_1-.Ltmp0, $4  }
0x9: {  	_ =	strace $0x80000062;
	s1 =	ssub.s32 s1, s31;
	s10 =	sshrl.u32 s4, $0x3  }
0xa: {  	s3 =	sadd.s32 $0x1800, s0;
	s16 =	smax.u32 s1, $0x1;
	s0 =	sadd.s32 s10, s0  }
0xb: {  	s10 =	sadd.s32 $0x45000, s0;
	s11 =	sadd.s32 $0x43A00, s0;
	s12 =	sadd.s32 $0x43400, s0  }
0xc: {  	v0 =	vimm.f32 $0.0e+00;
	v1 =	vlaneseq.u32;
	v2 =	vimm.s32 $0x0;
	s13 =	sadd.s32 $0x2000, s0;
	s14 =	sadd.s32 $0x47A00, s0;
	s15 =	sadd.s32 $0x45600, s0  }
.LBB2_5:
0xd: {  	s30 =	sadd.s32 $0x1, s30  }
0xe: {  	p0 =	sne.s32 s30, s16  }
.Ltmp1:
0xf: {  	_ = 	snop;
	(pc) =	sbr.rel @!p0 .LBB2_6-.Ltmp1, $4  }
0x10: {  	[hbm4b:s15+s2] =	stream.linear.scatter [tilespmem:s25], [sflag:$0x1], $0x110, $0x38;
	[tilespmem:$0xCC00] =	vst v63  }
0x11: {  	_ =	swait.ge [sflag:s17], $0x110  }
0x12: {  	[sflag:s17] =	ssyncset.done $0x0  }
0x13: {  	[sflag:s17] =	ssyncadd.s32 $0xFFFFFEF0  }
.LBB2_1:
0x14: {  	[tilespmem:s2], [sflag:$0x1] =	stream.linear.gather [hbm4b:s3+s2], $0x4000, $0x38;
	[tilespmem:$0xCC00] =	vst v63  }
0x15: {  	_ =	swait.ge [sflag:s17], $0x4000  }
0x16: {  	[sflag:s17] =	ssyncset.done $0x0  }
0x17: {  	s0 =	simm.s32 $0x4080;
	[sflag:s17] =	ssyncadd.s32 $0xFFFFC000  }
0x18: {  	[tilespmem:s0], [sflag:$0x1] =	stream.linear.gather [hbm4b:s5+s2], $0x4000, $0x38;
	[tilespmem:$0xCC00] =	vst v63  }
0x19: {  	_ =	swait.ge [sflag:s17], $0x4000  }
0x1a: {  	[sflag:s17] =	ssyncset.done $0x0  }
0x1b: {  	s19 =	simm.s32 $0x8100;
	[sflag:s17] =	ssyncadd.s32 $0xFFFFC000  }
0x1c: {  	[tilespmem:s19], [sflag:$0x1] =	stream.linear.gather [hbm4b:s6+s2], $0x4000, $0x38;
	[tilespmem:$0xCC00] =	vst v63  }
0x1d: {  	_ =	swait.ge [sflag:s17], $0x4000  }
0x1e: {  	[sflag:s17] =	ssyncset.done $0x0  }
0x1f: {  	s20 =	simm.s32 $0xC180;
	[sflag:s17] =	ssyncadd.s32 $0xFFFFC000  }
0x20: {  	[tilespmem:s20], [sflag:$0x1] =	stream.linear.gather [hbm4b:s10+s2], $0x110, $0x38;
	[tilespmem:$0xCC00] =	vst v63  }
0x21: {  	_ =	swait.ge [sflag:s17], $0x110  }
0x22: {  	[sflag:s17] =	ssyncset.done $0x0  }
0x23: {  	s21 =	simm.s32 $0xC300;
	[sflag:s17] =	ssyncadd.s32 $0xFFFFFEF0  }
0x24: {  	[tilespmem:s21], [sflag:$0x1] =	stream.linear.gather [hbm4b:s11+s2], $0x110, $0x38;
	[tilespmem:$0xCC00] =	vst v63  }
0x25: {  	_ =	swait.ge [sflag:s17], $0x110  }
0x26: {  	[sflag:s17] =	ssyncset.done $0x0  }
0x27: {  	s22 =	simm.s32 $0xC480;
	[sflag:s17] =	ssyncadd.s32 $0xFFFFFEF0  }
0x28: {  	[tilespmem:s22], [sflag:$0x1] =	stream.linear.gather [hbm4b:s12+s2], $0x110, $0x38;
	[tilespmem:$0xCC00] =	vst v63  }
0x29: {  	_ =	swait.ge [sflag:s17], $0x110  }
0x2a: {  	[sflag:s17] =	ssyncset.done $0x0  }
0x2b: {  	s23 =	simm.s32 $0xC600;
	[sflag:s17] =	ssyncadd.s32 $0xFFFFFEF0  }
0x2c: {  	[tilespmem:s23], [sflag:$0x1] =	stream.linear.gather [hbm4b:s13+s2], $0x110, $0x38;
	[tilespmem:$0xCC00] =	vst v63  }
0x2d: {  	_ =	swait.ge [sflag:s17], $0x110  }
0x2e: {  	[sflag:s17] =	ssyncset.done $0x0  }
.Ltmp2:
0x2f: {  	s24 =	simm.s32 $0xC780;
	[sflag:s17] =	ssyncadd.s32 $0xFFFFFEF0;
	(pc) =	sbr.rel .LBB2_2-.Ltmp2, $4  }
0x30: {  	[tilespmem:s24], [sflag:$0x1] =	stream.linear.gather [hbm4b:s14+s2], $0x110, $0x38;
	[tilespmem:$0xCC00] =	vst v63  }
0x31: {  	_ =	swait.ge [sflag:s17], $0x110  }
0x32: {  	[sflag:s17] =	ssyncset.done $0x0  }
0x33: {  	s31 =	simm.s32 $0x0;
	[sflag:s17] =	ssyncadd.s32 $0xFFFFFEF0  }
.LBB2_3:
0x34: {  	s0 =	simm.s32 $0x0  }
.LBB2_4:
0x35: {  	v3 =	vmov s31  }
0x36: {  	s1 =	sadd.s32 s4, s31  }
0x37: {  	s18 =	sshll.u32 s31, $0x4;
	s1 =	sshll.u32 s1, $0x4  }
0x38: {  	s18 =	sand.u32 $0x70, s18;
	s1 =	sand.u32 $0xFFFFF80, s1  }
0x39: {  	v4 =	vmov s0;
	s23 =	sor.u32 s18, s1  }
0x3a: {  	s1 =	sadd.s32 s7, s23;
	[tilespmem:v3+s25+$0x0] =	vst.idx.msk $0x1, v4  }
0x3b: {  	[hbm4b:s1+s2] =	stream.linear.scatter [tilespmem:s26], [sflag:$0x1], $0x80, $0x38;
	[tilespmem:$0xCC00] =	vst v63  }
0x3c: {  	_ =	swait.ge [sflag:s17], $0x80  }
0x3d: {  	[sflag:s17] =	ssyncset.done $0x0  }
0x3e: {  	s24 =	sadd.s32 s8, s23;
	[sflag:s17] =	ssyncadd.s32 $0xFFFFFF80  }
0x3f: {  	[hbm4b:s24+s2] =	stream.linear.scatter [tilespmem:s28], [sflag:$0x1], $0x80, $0x38;
	[tilespmem:$0xCC00] =	vst v63  }
0x40: {  	s31 =	sadd.s32 $0x1, s31;
	_ =	swait.ge [sflag:s17], $0x80  }
0x41: {  	p0 =	seq.s32 s31, $0x110;
	[sflag:s17] =	ssyncset.done $0x0  }
.Ltmp3:
0x42: {  	s0 =	sadd.s32 s9, s23;
	[sflag:s17] =	ssyncadd.s32 $0xFFFFFF80;
	(pc) =	sbr.rel @p0 .LBB2_5-.Ltmp3, $4  }
0x43: {  	[hbm4b:s0+s2] =	stream.linear.scatter [tilespmem:s29], [sflag:$0x1], $0x80, $0x38;
	[tilespmem:$0xCC00] =	vst v63  }
0x44: {  	_ =	swait.ge [sflag:s17], $0x80  }
0x45: {  	[sflag:s17] =	ssyncset.done $0x0  }
0x46: {  	[sflag:s17] =	ssyncadd.s32 $0xFFFFFF80  }
.LBB2_2:
0x47: {  	v4 =	vld [tilespmem:s31+$0xC600]  }
0x48: {  	v3 =	vld [tilespmem:s31+$0xC780];
	_ =	sdelay $0x3  }
0x49: {  	(v2sf) =	vpush v4, $0x0  }
0x4a: {  	(v2sf) =	vpush v3, $0x0;
	_ =	sdelay $0xb  }
0x4b: {  	v5 =	vld [tilespmem:s31+$0xC300]  }
0x4c: {  	v6 =	vld [tilespmem:s31+$0xC480]  }
0x4d: {  	v4 =	vld [tilespmem:s31+$0xC180];
	[tilespmem:$0xC900] =	vst v0;
	s0 =	spop (v2sf)  }
0x4e: {  	[tilespmem:$0xC980] =	vst v0;
	s1 =	spop (v2sf)  }
0x4f: {  	[tilespmem:$0xCA00] =	vst v0;
	s1 =	sadd.s32 $0xF, s1  }
0x50: {  	[tilespmem:$0xC910] =	vst v0;
	s18 =	sand.u32 $0xF, s1  }
0x51: {  	[tilespmem:$0xC990] =	vst v0;
	s24 =	sshra.s32 s1, $0x1F;
	p1 =	slt.s32 s1, $0x1;
	p0 =	sne.s32 s18, $0x0  }
0x52: {  	[tilespmem:$0xCA10] =	vst v0;
	s18 =	sshrl.u32 s24, $0x1C;
	p0 =	por !p1, !p0  }
0x53: {  	[tilespmem:$0xC920] =	vst v0;
	s1 =	sadd.s32 s18, s1;
	s18 =	simm.s32 $0x1;
	p0 =	por !p0, !p0  }
0x54: {  	[tilespmem:$0xC9A0] =	vst v0;
	s1 =	sshra.s32 s1, $0x4;
	s18 =	simm.s32 @!p0 $0x0  }
0x55: {  	[tilespmem:$0xCA20] =	vst v0;
	s19 =	ssub.s32 s1, s18  }
0x56: {  	[tilespmem:$0xC930] =	vst v0;
	p0 =	slt.s32 s19, $0x1  }
.Ltmp4:
0x57: {  	[tilespmem:$0xC9B0] =	vst v0;
	(pc) =	sbr.rel @p0 .LBB2_3-.Ltmp4, $4  }
0x58: {  	[tilespmem:$0xCA30] =	vst v0  }
0x59: {  	[tilespmem:$0xC940] =	vst v0  }
0x5a: {  	[tilespmem:$0xC9C0] =	vst v0  }
0x5b: {  	[tilespmem:$0xCA40] =	vst v0  }
0x5c: {  	p1 =	seq.s32 s19, $0x1  }
.Ltmp5:
0x5d: {  	_ = 	snop;
	(pc) =	sbr.rel @p1 .LBB2_8-.Ltmp5, $4  }
0x5e: {  	s0 =	sshll.u32 s0, $0x2  }
0x5f: {  	s18 =	sshra.s32 s0, $0x2  }
0x60: {  	v4 =	vbroadcast v4, $0x0;
	v5 =	vbroadcast v5, $0x0;
	s19 =	sadd.s32 $0xFFFFFFFF, s19;
	s1 =	sadd.s32 $0x4080, s18;
	v7 =	vld [tilespmem:s18+$0x0]  }
0x61: {  	v6 =	vbroadcast v6, $0x0;
	v3 =	vbroadcast v3, $0x0;
	p0 =	por $0x0, $0x0;
	s0 =	simm.s32 $0x0;
	s21 =	sadd.s32 $0x8100, s18;
	v8 =	vld [tilespmem:s1+$0x0]  }
0x62: {  	_ = 	snop  }
0x63: {  	v9 =	vld [tilespmem:s21+$0x0];
	_ =	sdelay $0x2  }
0x64: {  	v7 =	vsub.f32 v7, v4;
	v8 =	vsub.f32 v8, v5;
	_ =	sdelay $0x1  }
0x65: {  	v9 =	vsub.f32 v9, v6;
	v10 =	vmul.f32 v7, v7;
	v11 =	vmul.f32 v8, v8;
	_ =	sdelay $0x1  }
0x66: {  	v10 =	vadd.f32 v11, v10;
	v11 =	vmul.f32 v9, v9;
	_ =	sdelay $0x1  }
0x67: {  	v10 =	vadd.f32 v11, v10  }
0x68: {  	v11 =	vor.u32 s0, v1  }
0x69: {  	vm1 =	vlt.s32 v11, v3;
	vm0 =	vle.f32 v10, $3.999999910e-02  }
0x6a: {  	vm0 =	vmand vm1, vm0  }
0x6b: {  	v10 =	vsel vm0, $0x1, v2  }
0x6c: {  	(xrf0) =	vadd.scan.msk.s32 $0xffff, v10;
	_ =	sdelay $0x5  }
0x6d: {  	s20 =	simm.s32 $0x40;
	v10, _, _ =	vpop (xrf0)  }
0x6e: {  	vm15 =	vle.s32 v10, s20  }
0x6f: {  	p1 =	seq.s32 s19, $0x1;
	v10 =	vxor.u32 $0x80000000, v10;
	vm0 =	vmand vm0, vm15  }
.Ltmp6:
0x70: {  	v10 =	vnsel vm0, $0x80000000, v10;
	(pc) =	sbr.rel @p1 .LBB2_10-.Ltmp6, $4  }
0x71: {  	(xrf0) =	vmax.scan.msk.u32 $0xffff, v10  }
0x72: {  	s20 =	sadd.s32 $0x10, s18;
	[tilespmem:s0+$0xC900] =	vst.msk vm0, v7  }
0x73: {  	s22 =	sadd.s32 $0x10, s1;
	s23 =	sadd.s32 $0xFFFFFFFF, s19;
	p0 =	por $0x1, $0x1;
	v7 =	vld [tilespmem:s20+$0x0];
	[tilespmem:s0+$0xC980] =	vst.msk vm0, v8  }
0x74: {  	s1 =	smov.u32 s21;
	s19 =	simm.s32 $0x0;
	s18 =	simm.s32 $0x0;
	v8 =	vld [tilespmem:s22+$0x0];
	[tilespmem:s0+$0xCA00] =	vst.msk vm0, v9  }
.LBB2_11:
0x75: {  	p1 =	seq.s32 s23, $0x1;
	s1 =	sadd.s32 $0x10, s1  }
0x76: {  	v9 =	vld [tilespmem:s1+$0x0]  }
0x77: {  	v10, _, _ =	vpop (xrf0)  }
0x78: {  	(v2sf) =	vpush v10, $0xF  }
0x79: {  	v7 =	vsub.f32 v7, v4;
	v8 =	vsub.f32 v8, v5;
	_ =	sdelay $0x1  }
0x7a: {  	v10 =	vmul.f32 v7, v7;
	v9 =	vsub.f32 v9, v6;
	v11 =	vmul.f32 v8, v8;
	_ =	sdelay $0x1  }
0x7b: {  	v10 =	vadd.f32 v11, v10;
	v11 =	vmul.f32 v9, v9;
	_ =	sdelay $0x1  }
0x7c: {  	s19 =	sadd.s32 $0x10, s19;
	v10 =	vadd.f32 v11, v10  }
0x7d: {  	v11 =	vor.u32 s19, v1  }
0x7e: {  	vm1 =	vlt.s32 v11, v3;
	vm0 =	vle.f32 v10, $3.999999910e-02  }
0x7f: {  	vm0 =	vmand vm1, vm0  }
0x80: {  	v10 =	vsel vm0, $0x1, v2  }
0x81: {  	(xrf0) =	vadd.scan.msk.s32 $0xffff, v10;
	_ =	sdelay $0x2  }
0x82: {  	s24 =	spop (v2sf)  }
0x83: {  	s18 =	sadd.s32 s24, s18  }
0x84: {  	s18 =	sadd.s32 $0x80000000, s18  }
0x85: {  	s24 =	ssub.s32 $0x40, s18;
	v10, _, _ =	vpop (xrf0)  }
0x86: {  	vm1 =	vle.s32 v10, s24  }
0x87: {  	v10 =	vxor.u32 $0x80000000, v10;
	vm0 =	vmand vm0, vm1  }
.Ltmp7:
0x88: {  	v10 =	vnsel vm0, $0x80000000, v10;
	[tilespmem:s18+$0xC900] =	vst.msk vm0, v7;
	(pc) =	sbr.rel @!p1 .LBB2_11-.Ltmp7, $4  }
0x89: {  	[tilespmem:s18+$0xC980] =	vst.msk vm0, v8;
	(xrf0) =	vmax.scan.msk.u32 $0xffff, v10  }
0x8a: {  	s20 =	sadd.s32 $0x10, s20;
	[tilespmem:s18+$0xCA00] =	vst.msk vm0, v9  }
0x8b: {  	s22 =	sadd.s32 $0x10, s22;
	v7 =	vld [tilespmem:s20+$0x0]  }
0x8c: {  	s23 =	sadd.s32 $0xFFFFFFFF, s23;
	v8 =	vld [tilespmem:s22+$0x0]  }
.LBB2_12:
0x8d: {  	s1 =	sadd.s32 @p0 $0x10, s1  }
0x8e: {  	s21 =	smov.u32 @p0 s1  }
0x8f: {  	v9 =	vld [tilespmem:s21+$0x0];
	v10, _, _ =	vpop @p0 (xrf0)  }
0x90: {  	(v2sf) =	vpush @p0 v10, $0xF;
	_ =	sdelay $0x1  }
0x91: {  	v4 =	vsub.f32 v7, v4;
	v5 =	vsub.f32 v8, v5;
	_ =	sdelay $0x1  }
0x92: {  	v7 =	vmul.f32 v4, v4;
	v8 =	vmul.f32 v5, v5;
	v6 =	vsub.f32 v9, v6;
	_ =	sdelay $0x1  }
0x93: {  	v7 =	vadd.f32 v8, v7;
	v62 =	vmul.f32 v6, v6  }
0x94: {  	s1 =	sadd.s32 @p0 $0x10, s19;
	s19 =	simm.s32 $0x0  }
0x95: {  	s19 =	smov.u32 @p0 s1;
	v7 =	vadd.f32 v62, v7  }
0x96: {  	v63 =	vor.u32 s19, v1  }
0x97: {  	vm1 =	vlt.s32 v63, v3;
	vm0 =	vle.f32 v7, $3.999999910e-02  }
0x98: {  	vm0 =	vmand vm1, vm0  }
0x99: {  	v3 =	vsel vm0, $0x1, v2  }
0x9a: {  	(xrf0) =	vadd.scan.msk.s32 $0xffff, v3;
	_ =	sdelay $0x1  }
0x9b: {  	s1 =	spop @p0 (v2sf)  }
0x9c: {  	s1 =	sadd.s32 @p0 s1, s18  }
0x9d: {  	s1 =	sadd.s32 @p0 $0x80000000, s1  }
0x9e: {  	s0 =	smov.u32 @p0 s1  }
0x9f: {  	s1 =	ssub.s32 $0x40, s0;
	v3, _, _ =	vpop (xrf0)  }
0xa0: {  	vm15 =	vle.s32 v3, s1  }
0xa1: {  	v3 =	vxor.u32 $0x80000000, v3;
	vm0 =	vmand vm0, vm15  }
0xa2: {  	v3 =	vnsel vm0, $0x80000000, v3  }
0xa3: {  	(xrf0) =	vmax.scan.msk.u32 $0xffff, v3;
	_ =	sdelay $0x5  }
0xa4: {  	v3, _, _ =	vpop (xrf0)  }
0xa5: {  	(v2sf) =	vpush v3, $0xF;
	_ =	sdelay $0xc  }
.Ltmp8:
0xa6: {  	_ = 	snop;
	(pc) =	sbr.rel .LBB2_4-.Ltmp8, $4  }
0xa7: {  	_ = 	snop  }
0xa8: {  	[tilespmem:s0+$0xC900] =	vst.msk vm0, v4;
	s24 =	spop (v2sf)  }
0xa9: {  	[tilespmem:s0+$0xC980] =	vst.msk vm0, v5;
	s1 =	sadd.s32 s24, s0  }
0xaa: {  	[tilespmem:s0+$0xCA00] =	vst.msk vm0, v6;
	s0 =	sadd.s32 $0x80000000, s1  }
.LBB2_8:
.Ltmp9:
0xab: {  	(pc) =	sbr.rel .LBB2_12-.Ltmp9, $2  }
0xac: {  	_ =	sdelay $0x2  }
0xad: {  	s1 =	smov.u32 s21;
	s19 =	simm.s32 $0x0;
	s18 =	simm.s32 $0x0  }
.LBB2_10:
.Ltmp10:
0xae: {  	(pc) =	sbr.rel .LBB2_12-.Ltmp10, $2  }
0xaf: {  	_ =	sdelay $0x2  }
0xb0: {  	s1 =	smov.u32 s21;
	s19 =	simm.s32 $0x0;
	s18 =	simm.s32 $0x0  }
.LBB2_6:
0xb1: {  	_ =	sfence.sel $0x180000  }
0xb2: {  	[bflag:$0x0] =	sbarrier.arrive $0xFFFF  }
0xb3: {  	_ =	strace $0x90000062  }
0xb4: {  	s0 =	stileid.u32;
	[bflag:$0x2] =	sbarrier.arrive $0xFFFF  }
0xb5: {  	p0 =	sne.s32 s0, $0x0;
	s0 =	rddreg [dreg:$0x1]  }
0xb6: {  	s0 =	sadd.s32 @!p0 $0x100000, s0  }
0xb7: {  	[sflag:s0] =	ssyncadd.tile.s32 @!p0 $0x1;
	_ =	shalt  }
.Lfunc_end2:
_tile_overlayer_lowered:
.L_overlay_start_2:
0xb8: {  	(tag) =	ssettag $0x2  }
0xb9: {  	s0 =	rddreg [dreg:$0x0];
	s2 =	stileid.u32  }
0xba: {  	s1 =	rddreg [dreg:$0x1];
	p0 =	sne.s32 s2, $0x0  }
0xbb: {  	s3 =	rddreg [dreg:$0x2];
	[bflag:$0x3] =	sbarrier.arrive $0xFFFF;
	s2 =	simm.s32 @!p0 $0x1C01  }
0xbc: {  	[timem:s3], [sflag:s2] =	dma.local @!p0 [hbm:s0], s1  }
0xbd: {  	s0 =	simm.s32 @!p0 $0x1  }
0xbe: {  	_ =	swait.ge @!p0 [sflag:s0], s1  }
0xbf: {  	s1 =	ssub.s32 @!p0 $0x0, s1;
	[sflag:s0] =	ssyncset.done @!p0 $0x0  }
0xc0: {  	[sflag:s0] =	ssyncadd.s32 @!p0 s1  }
0xc1: {  	[bflag:$0x3] =	sbarrier.arrive $0xFFFF  }
0xc2: {  	_ =	shalt  }

// kernel: kernel.17.cloned.1.call-start
scs
__scs_entry_jumppad:
0x0: {  	(pc) =	sbr.rel $0x88, $3  }
0x1: {  	(tag) =	ssettag $0x0;
	lr =	simm.s32 $0x1  }
0x2: {  	[smem:$0x3F7B] =	sst lr;
	_ =	strace $0xD0000000  }
0x3: {  	_ = 	snop  }
0x4: {  	_ = 	snop  }
0x5: {  	_ = 	snop  }
0x6: {  	_ = 	snop  }
0x7: {  	_ = 	snop  }
__scs_overlays_trampoline_lowered:
0x8: {  	[smem:$0x3F8A] =	sst s0  }
0x9: {  	[smem:$0x3F8B] =	sst s1  }
0xa: {  	[smem:$0x3F8C] =	sst s2  }
0xb: {  	[smem:$0x3F8D] =	sst s3  }
0xc: {  	[smem:$0x3F8E] =	sst s4  }
0xd: {  	[smem:$0x3F8F] =	sst s5  }
0xe: {  	[smem:$0x3F90] =	sst s6  }
0xf: {  	[smem:$0x3F91] =	sst s7  }
0x10: {  	[smem:$0x3F92] =	sst s8  }
0x11: {  	[smem:$0x3F93] =	sst s9;
	s0 =	simm.s32 @!p0 $0x0  }
0x12: {  	s1 =	sld [smem:$0x3F79];
	s0 =	simm.s32 @p0 $0x1  }
0x13: {  	[smem:$0x3F94] =	sst s0;
	s0 =	simm.s32 @!p1 $0x0  }
0x14: {  	s2 =	sld [smem:$0x3F78];
	s0 =	simm.s32 @p1 $0x1  }
0x15: {  	[smem:$0x3F95] =	sst s0;
	s0 =	simm.s32 @!p2 $0x0  }
0x16: {  	s3 =	sld [smem:$0x3FDB];
	s0 =	simm.s32 @p2 $0x1  }
0x17: {  	s4 =	simm.s32 $0x1BF5;
	[smem:$0x3F97] =	sst s0  }
0x18: {  	s0 =	sld [smem:$0x3F7A];
	_ =	swait.ge [sflag:s4], $0x0  }
0x19: {  	s7 =	sld [smem:$0x3F7B]  }
0x1a: {  	s8 =	sadd.s32 $0xFFFFE003, lr  }
0x1b: {  	s9 =	sadd.s32 $0xFFFFFEF7, lr;
	s5 =	simm.s32 $0xFFFFFFFF;
	p2 =	slt.u32 s8, $0xFFFFF086  }
0x1c: {  	p1 =	slt.u32 s9, $0xF7A;
	s5 =	simm.s32 @!p2 $0x0  }
0x1d: {  	s5 =	simm.s32 @p1 $0x1;
	p0 =	seq.s32 s7, s2  }
0x1e: {  	s7 =	smul.u32 @!p0 $0xF7A, s2;
	p2 =	seq.s32 @!p0 s5, $0x0  }
0x1f: {  	s9 =	smul.u32 $0xF7A, s1;
	s8 =	simm.s32 @!p0 $0x1BF5;
	p2 =	por !p2, p0  }
0x20: {  	[sflag:s8] =	ssyncset.s32 @!p0 $0xFFFFF086;
	s6 =	sadd.s32 @!p0 s3, s7;
	s7 =	simm.s32 @!p0 $0x108  }
0x21: {  	s3 =	sadd.s32 s3, s9;
	s6 =	sadd.s32 @!p0 $0x88, s6;
	s7 =	simm.s32 @p2 $0x1082  }
0x22: {  	[simem:s7], [sflag:s8] =	dma.local @!p0 [hbm:s6], $0xF7A  }
0x23: {  	s9 =	sor.u32 $0xD0000000, s2;
	s6 =	simm.s32 $0x108;
	_ =	swait.ge @!p0 [sflag:s8], $0x0  }
0x24: {  	s3 =	sadd.s32 $0x88, s3;
	s6 =	simm.s32 @!p1 $0x1082;
	[sflag:s4] =	ssyncset.s32 $0xFFFFF086  }
0x25: {  	[simem:s6], [sflag:s4] =	dma.local [hbm:s3], $0xF7A  }
0x26: {  	[smem:$0x3F7B] =	sst s1;
	(tag) =	ssettag s2;
	_ =	strace s9  }
0x27: {  	s1 =	sld [smem:$0x3F8B]  }
0x28: {  	s2 =	sld [smem:$0x3F8C]  }
0x29: {  	s4 =	sld [smem:$0x3F8E]  }
0x2a: {  	p0 =	seq.s32 s5, $0x0;
	s5 =	sld [smem:$0x3F8F]  }
0x2b: {  	s6 =	sld [smem:$0x3F90]  }
0x2c: {  	s7 =	sld [smem:$0x3F91]  }
0x2d: {  	s3 =	simm.s32 $0x108;
	s8 =	sld [smem:$0x3F92]  }
0x2e: {  	s3 =	simm.s32 @!p0 $0x1082;
	s9 =	sld [smem:$0x3F93]  }
0x2f: {  	lr =	sadd.s32 s0, s3;
	s0 =	sld [smem:$0x3F8A]  }
0x30: {  	s3 =	sld [smem:$0x3F8D]  }
0x31: {  	[smem:$0x3F96] =	sst s10  }
0x32: {  	s10 =	sld [smem:$0x3F94];
	_ =	sdelay $0x3  }
0x33: {  	p0 =	seq.s32 s10, $0x1;
	s10 =	sld [smem:$0x3F96];
	_ =	sdelay $0x3  }
0x34: {  	[smem:$0x3F96] =	sst s10  }
0x35: {  	s10 =	sld [smem:$0x3F95];
	_ =	sdelay $0x3  }
0x36: {  	p1 =	seq.s32 s10, $0x1;
	s10 =	sld [smem:$0x3F96];
	_ =	sdelay $0x3  }
0x37: {  	[smem:$0x3F96] =	sst s10  }
0x38: {  	s10 =	sld [smem:$0x3F97]  }
0x39: {  	_ = 	snop;
	(pc) =	sbr.ind lr, $3  }
0x3a: {  	_ = 	snop  }
0x3b: {  	_ = 	snop  }
0x3c: {  	p2 =	seq.s32 s10, $0x1;
	s10 =	sld [smem:$0x3F96]  }
0x3d: {  	_ =	shalt  }
0x3e: {  	_ =	shalt  }
0x3f: {  	_ =	shalt  }
0x40: {  	_ =	shalt  }
0x41: {  	_ =	shalt  }
0x42: {  	_ =	shalt  }
0x43: {  	_ =	shalt  }
0x44: {  	_ =	shalt  }
0x45: {  	_ =	shalt  }
0x46: {  	_ =	shalt  }
0x47: {  	_ =	shalt  }
0x48: {  	_ =	shalt  }
0x49: {  	_ =	shalt  }
0x4a: {  	_ =	shalt  }
0x4b: {  	_ =	shalt  }
0x4c: {  	_ =	shalt  }
0x4d: {  	_ =	shalt  }
0x4e: {  	_ =	shalt  }
0x4f: {  	_ =	shalt  }
0x50: {  	_ =	shalt  }
0x51: {  	_ =	shalt  }
0x52: {  	_ =	shalt  }
0x53: {  	_ =	shalt  }
0x54: {  	_ =	shalt  }
0x55: {  	_ =	shalt  }
0x56: {  	_ =	shalt  }
0x57: {  	_ =	shalt  }
0x58: {  	_ =	shalt  }
0x59: {  	_ =	shalt  }
0x5a: {  	_ =	shalt  }
0x5b: {  	_ =	shalt  }
0x5c: {  	_ =	shalt  }
0x5d: {  	_ =	shalt  }
0x5e: {  	_ =	shalt  }
0x5f: {  	_ =	shalt  }
0x60: {  	_ =	shalt  }
0x61: {  	_ =	shalt  }
0x62: {  	_ =	shalt  }
0x63: {  	_ =	shalt  }
0x64: {  	_ =	shalt  }
0x65: {  	_ =	shalt  }
0x66: {  	_ =	shalt  }
0x67: {  	_ =	shalt  }
0x68: {  	_ =	shalt  }
0x69: {  	_ =	shalt  }
0x6a: {  	_ =	shalt  }
0x6b: {  	_ =	shalt  }
0x6c: {  	_ =	shalt  }
0x6d: {  	_ =	shalt  }
0x6e: {  	_ =	shalt  }
0x6f: {  	_ =	shalt  }
0x70: {  	_ =	shalt  }
0x71: {  	_ =	shalt  }
0x72: {  	_ =	shalt  }
0x73: {  	_ =	shalt  }
0x74: {  	_ =	shalt  }
0x75: {  	_ =	shalt  }
0x76: {  	_ =	shalt  }
0x77: {  	_ =	shalt  }
0x78: {  	_ =	shalt  }
0x79: {  	_ =	shalt  }
0x7a: {  	_ =	shalt  }
0x7b: {  	_ =	shalt  }
0x7c: {  	_ =	shalt  }
0x7d: {  	_ =	shalt  }
0x7e: {  	_ =	shalt  }
0x7f: {  	_ =	shalt  }
0x80: {  	_ =	shalt  }
0x81: {  	_ =	shalt  }
0x82: {  	_ =	shalt  }
0x83: {  	_ =	shalt  }
0x84: {  	_ =	shalt  }
0x85: {  	_ =	shalt  }
0x86: {  	_ =	shalt  }
0x87: {  	_ =	shalt  }
.Lfunc_end0:
.L_simem_size_0:
called_computation.9_lowered:
.L_overlay_start_0:
0x88: {  	s2 =	sld [smem:$0x3FD9]  }
0x89: {  	s3 =	sld [smem:$0x3FFE];
	_ =	sdelay $0x1  }
0x8a: {  	s1 =	srdreg.scid  }
0x8b: {  	s0 =	sand.u32 $0x1, s1  }
0x8c: {  	s17 =	sshll.u32 s0, $0xA;
	s2 =	sadd.s32 s3, s2  }
0x8d: {  	s2 =	sadd.s32 s2, s17  }
0x8e: {  	[smem:$0x3FA2] =	sst s2  }
0x8f: {  	_ = 	snop  }
0x90: {  	(tm) =	ssettm $0x1  }
0x91: {  	s18 =	sld [smem:$0x3FFB];
	_ =	sdelay $0x3  }
0x92: {  	_ =	strace s18  }
0x93: {  	s2 =	sld [smem:$0x3FFC];
	_ =	sdelay $0x3  }
0x94: {  	_ =	strace s2  }
0x95: {  	s2 =	sld [smem:$0x3FFD];
	_ =	sdelay $0x3  }
0x96: {  	_ =	strace s2  }
0x97: {  	_ =	strace $0x8FFFFFFF  }
0x98: {  	s19 =	sld [smem:$0x3FDB];
	_ =	sdelay $0x1  }
0x99: {  	s20 =	simm.s32 $_scs_section_size  }
0x9a: {  	s4 =	simm.s32 $_size__tile_overlayer_lowered;
	s5 =	simm.s32 $_tile_overlayer_lowered  }
0x9b: {  	s6 =	simm.s32 $0x1BFF;
	s21 =	sshll.u32 s5, $0x1;
	s3 =	sadd.s32 s20, s19  }
0x9c: {  	s22 =	simm.s32 $0x0;
	s4 =	sshll.u32 s4, $0x1;
	s5 =	sadd.s32 s21, s3  }
0x9d: {  	[timem:s22], [sflag:s6] =	dma.local [hbm:s5], s4  }
0x9e: {  	_ =	swait.ge [sflag:s6], s4  }
0x9f: {  	s4 =	ssub.s32 $0x0, s4;
	[sflag:s6] =	ssyncset.done $0x0  }
0xa0: {  	[sflag:s6] =	ssyncadd.s32 s4;
	_ =	sdelay $0x1  }
0xa1: {  	s23 =	simm.s32 $0x1B8B  }
0xa2: {  	_ =	swait.ge [sflag:s23], $0x1  }
0xa3: {  	[sflag:s23] =	ssyncset.done $0x0  }
0xa4: {  	[sflag:s23] =	ssyncadd.s32 $0xFFFFFFFF  }
0xa5: {  	s4 =	sld [smem:$0x0]  }
0xa6: {  	s5 =	sand.u32 $0xFFFFFFFE, s1  }
0xa7: {  	p0 =	sne.s32 s1, s5  }
0xa8: {  	s5 =	sshll.u32 @p0 s5, $0xE  }
0xa9: {  	s5 =	sadd.s32 @p0 $0x11B8D, s5;
	s6 =	sshll.u32 @p0 s4, $0x11  }
0xaa: {  	s5 =	sor.u32 @p0 s6, s5  }
0xab: {  	[sflag:s5] =	ssyncadd.remote.s32 @p0 $0x1;
	_ =	sdelay $0x1  }
0xac: {  	s5 =	simm.s32 @p0 $0x1B8D  }
0xad: {  	_ =	swait.eq @p0 [sflag:s5], $0x1  }
0xae: {  	[sflag:s5] =	ssyncadd.s32 @p0 $0xFFFFFFFF  }
0xaf: {  	s6 =	sshll.u32 @!p0 s1, $0xE  }
0xb0: {  	s6 =	sor.u32 @!p0 $0x4000, s6;
	s5 =	simm.s32 @!p0 $0x1B8D  }
0xb1: {  	s4 =	sshll.u32 @!p0 s4, $0x11;
	s6 =	sadd.s32 @!p0 $0x11B8D, s6;
	_ =	swait.eq @!p0 [sflag:s5], $0x1  }
0xb2: {  	s4 =	sor.u32 @!p0 s4, s6;
	[sflag:s5] =	ssyncadd.s32 @!p0 $0xFFFFFFFF  }
0xb3: {  	s25 =	simm.s32 $0x1B8E;
	s24 =	sld [smem:$0x3FFE];
	[sflag:s4] =	ssyncadd.remote.s32 @!p0 $0x1  }
0xb4: {  	s26 =	simm.s32 $execute0_lowered;
	[smem:$0x3FD2] =	sst s25  }
0xb5: {  	s5 =	sshll.u32 s26, $0x1;
	_ =	strace $0x80000064;
	[dreg:$0x1] =	wrdreg $0xFFFFFFFF  }
0xb6: {  	s28 =	simm.s32 $_size_execute0_lowered;
	s3 =	sadd.s32 s3, s5;
	[dreg:$0x0] =	wrdreg $0x0  }
0xb7: {  	s5 =	sshll.u32 s28, $0x1;
	[dreg:$0x2] =	wrdreg s3  }
0xb8: {  	[dreg:$0x3] =	wrdreg s5  }
0xb9: {  	[dreg:$0x4] =	wrdreg $0xC0  }
0xba: {  	_ =	task [dreg:s22], $0x5FFFF  }
0xbb: {  	[dreg:$0x1] =	wrdreg $0xFFFFFFFF  }
0xbc: {  	[dreg:$0x0] =	wrdreg $0x60  }
0xbd: {  	[dreg:$0x2] =	wrdreg s24  }
0xbe: {  	[dreg:$0x3] =	wrdreg $0x9  }
0xbf: {  	_ =	task.clear_ibuf [dreg:s22], $0x4FFFF;
	_ =	strace $0x90000064  }
0xc0: {  	s29 =	simm.s32 $0x9;
	_ =	strace $0x80000066  }
0xc1: {  	_ =	swait.ge [sflag:s29], $0x1  }
0xc2: {  	[sflag:s29] =	ssyncadd.s32 $0xFFFFFFFF  }
0xc3: {  	_ =	strace $0x90000066  }
0xc4: {  	_ =	sfence  }
0xc5: {  	s30 =	sld [smem:$0x0];
	_ =	sdelay $0x2  }
0xc6: {  	s31 =	sshll.u32 s1, $0xD;
	s1 =	sshrl.u32 s1, $0x2  }
0xc7: {  	s4 =	sand.u32 $0x4000, s31;
	s1 =	sadd.s32 s1, s30  }
0xc8: {  	s0 =	sor.u32 s4, s0;
	s1 =	sshll.u32 s1, $0x11  }
0xc9: {  	s0 =	sor.u32 s1, s0  }
0xca: {  	s0 =	sadd.s32 $0x8F2B, s0  }
0xcb: {  	[sflag:s0] =	ssyncadd.remote.s32 $0x1  }
0xcc: {  	_ =	sfence.sel $0xFFFF  }
0xcd: {  	[dreg:$0x0] =	wrdreg $0xFFFFFFFF;
	(pc) =	sbr.abs _section_cstart, $3  }
0xce: {  	[dreg:$0x1] =	wrdreg $0xFFFFFFFF  }
0xcf: {  	_ =	task.clear_ibuf [dreg:s22], $0x2FFFF;
	_ =	strace $0x9FFFFFFF  }
0xd0: {  	(tm) =	ssettm $0x7FFFFFFF  }
0xd1: {  	_ =	shalt  }
tec
execute0_lowered:
.L_overlay_start_1:
0x0: {  	(tag) =	ssettag $0x1  }
0x1: {  	s0 =	rddreg [dreg:$0x0];
	s1 =	srdreg.scid;
	s2 =	simm.s32 $0x0  }
0x2: {  	s4 =	stileid.u32;
	s18 =	simm.s32 $0x1;
	s28 =	simm.s32 $0x6A00  }
0x3: {  	s29 =	simm.s32 $0x6A80;
	s30 =	simm.s32 $0x6B00;
	s31 =	simm.s32 $0x6B80  }
0x4: {  	s1 =	sand.u32 $0x1, s1;
	[smem:$0x7FF] =	sst s2;
	s21 =	sadd.s32 $0x45000, s0  }
0x5: {  	s22 =	sadd.s32 $0x43A00, s0;
	s23 =	sadd.s32 $0x43400, s0;
	s7 =	sadd.s32 $0x36A00, s0  }
0x6: {  	s8 =	sadd.s32 $0x48000, s0;
	s9 =	sadd.s32 $0x51000, s0;
	s3 =	sshll.u32 s1, $0x4  }
0x7: {  	s10 =	sadd.s32 $0x2DA00, s0;
	_ =	strace $0x80000065;
	s3 =	sor.u32 s4, s3  }
0x8: {  	[dreg:$0x2] =	wrdreg s21;
	s1 =	ssub.s32 $0x2, s1;
	s5 =	smul.u32 $0x48, s3  }
.Ltmp0:
0x9: {  	[dreg:$0x3] =	wrdreg s22;
	s25 =	sshrl.u32 s1, $0x1;
	(pc) =	sbr.rel .LBB2_1-.Ltmp0, $4  }
0xa: {  	[dreg:$0x4] =	wrdreg s23;
	s26 =	ssub.s32 s1, s25;
	s24 =	sshrl.u32 s5, $0x3  }
0xb: {  	s17 =	smax.u32 s26, $0x1;
	s26 =	simm.s32 $0x6C00;
	s11 =	sadd.s32 s0, s24  }
0xc: {  	s0 =	simm.s32 $0x0;
	s12 =	sadd.s32 $0x47600, s11;
	s13 =	sadd.s32 $0x43000, s11  }
0xd: {  	v0 =	vimm.f32 $0.0e+00;
	v1 =	vimm.s32 $0x0;
	v2 =	vlaneseq.u32;
	s14 =	sadd.s32 $0x2600, s11;
	s15 =	sadd.s32 $0x47400, s11;
	s16 =	sadd.s32 $0x200, s11  }
.LBB2_5:
0xe: {  	s0 =	sadd.s32 $0x1, s0  }
0xf: {  	p0 =	sne.s32 s0, s17  }
.Ltmp1:
0x10: {  	_ = 	snop;
	(pc) =	sbr.rel @!p0 .LBB2_6-.Ltmp1, $4  }
0x11: {  	[hbm4b:s16+s2] =	stream.linear.scatter [tilespmem:s26], [sflag:$0x1], $0x48, $0x38;
	[tilespmem:$0x6C80] =	vst v63  }
0x12: {  	_ =	swait.ge [sflag:s18], $0x48  }
0x13: {  	[sflag:s18] =	ssyncset.done $0x0  }
0x14: {  	[sflag:s18] =	ssyncadd.s32 $0xFFFFFFB8  }
.LBB2_1:
0x15: {  	s1 =	rddreg [dreg:$0x2]  }
0x16: {  	[tilespmem:s2], [sflag:$0x1] =	stream.linear.gather [hbm4b:s1+s2], $0x2200, $0x38;
	[tilespmem:$0x6C80] =	vst v63  }
0x17: {  	_ =	swait.ge [sflag:s18], $0x2200  }
0x18: {  	[sflag:s18] =	ssyncset.done $0x0  }
0x19: {  	s3 =	simm.s32 $0x2280;
	s6 =	rddreg [dreg:$0x3];
	[sflag:s18] =	ssyncadd.s32 $0xFFFFDE00  }
0x1a: {  	[tilespmem:s3], [sflag:$0x1] =	stream.linear.gather [hbm4b:s6+s2], $0x2200, $0x38;
	[tilespmem:$0x6C80] =	vst v63  }
0x1b: {  	_ =	swait.ge [sflag:s18], $0x2200  }
0x1c: {  	[sflag:s18] =	ssyncset.done $0x0  }
0x1d: {  	s20 =	simm.s32 $0x4500;
	s19 =	rddreg [dreg:$0x4];
	[sflag:s18] =	ssyncadd.s32 $0xFFFFDE00  }
0x1e: {  	[tilespmem:s20], [sflag:$0x1] =	stream.linear.gather [hbm4b:s19+s2], $0x2200, $0x38;
	[tilespmem:$0x6C80] =	vst v63  }
0x1f: {  	_ =	swait.ge [sflag:s18], $0x2200  }
0x20: {  	[sflag:s18] =	ssyncset.done $0x0  }
0x21: {  	s21 =	simm.s32 $0x6780;
	[sflag:s18] =	ssyncadd.s32 $0xFFFFDE00  }
0x22: {  	[tilespmem:s21], [sflag:$0x1] =	stream.linear.gather [hbm4b:s11+s2], $0x48, $0x38;
	[tilespmem:$0x6C80] =	vst v63  }
0x23: {  	_ =	swait.ge [sflag:s18], $0x48  }
0x24: {  	[sflag:s18] =	ssyncset.done $0x0  }
0x25: {  	s22 =	simm.s32 $0x6800;
	[sflag:s18] =	ssyncadd.s32 $0xFFFFFFB8  }
0x26: {  	[tilespmem:s22], [sflag:$0x1] =	stream.linear.gather [hbm4b:s12+s2], $0x48, $0x38;
	[tilespmem:$0x6C80] =	vst v63  }
0x27: {  	_ =	swait.ge [sflag:s18], $0x48  }
0x28: {  	[sflag:s18] =	ssyncset.done $0x0  }
0x29: {  	s23 =	simm.s32 $0x6880;
	[sflag:s18] =	ssyncadd.s32 $0xFFFFFFB8  }
0x2a: {  	[tilespmem:s23], [sflag:$0x1] =	stream.linear.gather [hbm4b:s13+s2], $0x48, $0x38;
	[tilespmem:$0x6C80] =	vst v63  }
0x2b: {  	_ =	swait.ge [sflag:s18], $0x48  }
0x2c: {  	[sflag:s18] =	ssyncset.done $0x0  }
0x2d: {  	s24 =	simm.s32 $0x6900;
	[sflag:s18] =	ssyncadd.s32 $0xFFFFFFB8  }
0x2e: {  	[tilespmem:s24], [sflag:$0x1] =	stream.linear.gather [hbm4b:s14+s2], $0x48, $0x38;
	[tilespmem:$0x6C80] =	vst v63  }
0x2f: {  	_ =	swait.ge [sflag:s18], $0x48  }
0x30: {  	[sflag:s18] =	ssyncset.done $0x0  }
.Ltmp2:
0x31: {  	s25 =	simm.s32 $0x6980;
	[sflag:s18] =	ssyncadd.s32 $0xFFFFFFB8;
	(pc) =	sbr.rel .LBB2_2-.Ltmp2, $4  }
0x32: {  	[tilespmem:s25], [sflag:$0x1] =	stream.linear.gather [hbm4b:s15+s2], $0x48, $0x38;
	[tilespmem:$0x6C80] =	vst v63  }
0x33: {  	_ =	swait.ge [sflag:s18], $0x48  }
0x34: {  	[sflag:s18] =	ssyncset.done $0x0  }
0x35: {  	s1 =	simm.s32 $0x0;
	[sflag:s18] =	ssyncadd.s32 $0xFFFFFFB8  }
.LBB2_3:
0x36: {  	s3 =	simm.s32 $0x0  }
.LBB2_4:
0x37: {  	v3 =	vmov s1  }
0x38: {  	s4 =	sadd.s32 s5, s1  }
0x39: {  	s19 =	sshll.u32 s1, $0x4;
	s4 =	sshll.u32 s4, $0x4  }
0x3a: {  	s19 =	sand.u32 $0x70, s19;
	s4 =	sand.u32 $0xFFFFF80, s4  }
0x3b: {  	v4 =	vmov s3;
	s23 =	sor.u32 s19, s4  }
0x3c: {  	s4 =	sadd.s32 s7, s23;
	[tilespmem:v3+s26+$0x0] =	vst.idx.msk $0x1, v4  }
0x3d: {  	[hbm4b:s4+s2] =	stream.linear.scatter [tilespmem:s28], [sflag:$0x1], $0x80, $0x38;
	[tilespmem:$0x6C80] =	vst v63  }
0x3e: {  	_ =	swait.ge [sflag:s18], $0x80  }
0x3f: {  	[sflag:s18] =	ssyncset.done $0x0  }
0x40: {  	s24 =	sadd.s32 s8, s23;
	[sflag:s18] =	ssyncadd.s32 $0xFFFFFF80  }
0x41: {  	[hbm4b:s24+s2] =	stream.linear.scatter [tilespmem:s29], [sflag:$0x1], $0x80, $0x38;
	[tilespmem:$0x6C80] =	vst v63  }
0x42: {  	_ =	swait.ge [sflag:s18], $0x80  }
0x43: {  	[sflag:s18] =	ssyncset.done $0x0  }
0x44: {  	s25 =	sadd.s32 s9, s23;
	[sflag:s18] =	ssyncadd.s32 $0xFFFFFF80  }
0x45: {  	[hbm4b:s25+s2] =	stream.linear.scatter [tilespmem:s30], [sflag:$0x1], $0x80, $0x38;
	[tilespmem:$0x6C80] =	vst v63  }
0x46: {  	s1 =	sadd.s32 $0x1, s1;
	_ =	swait.ge [sflag:s18], $0x80  }
0x47: {  	p0 =	seq.s32 s1, $0x48;
	[sflag:s18] =	ssyncset.done $0x0  }
.Ltmp3:
0x48: {  	s3 =	sadd.s32 s10, s23;
	[sflag:s18] =	ssyncadd.s32 $0xFFFFFF80;
	(pc) =	sbr.rel @p0 .LBB2_5-.Ltmp3, $4  }
0x49: {  	[hbm4b:s3+s2] =	stream.linear.scatter [tilespmem:s31], [sflag:$0x1], $0x80, $0x38;
	[tilespmem:$0x6C80] =	vst v63  }
0x4a: {  	_ =	swait.ge [sflag:s18], $0x80  }
0x4b: {  	[sflag:s18] =	ssyncset.done $0x0  }
0x4c: {  	[sflag:s18] =	ssyncadd.s32 $0xFFFFFF80  }
.LBB2_2:
0x4d: {  	v4 =	vld [tilespmem:s1+$0x6900]  }
0x4e: {  	v3 =	vld [tilespmem:s1+$0x6980];
	_ =	sdelay $0x3  }
0x4f: {  	(v2sf) =	vpush v4, $0x0  }
0x50: {  	(v2sf) =	vpush v3, $0x0;
	_ =	sdelay $0x6  }
0x51: {  	v5 =	vld [tilespmem:s1+$0x6800]  }
0x52: {  	v6 =	vld [tilespmem:s1+$0x6880]  }
0x53: {  	v4 =	vld [tilespmem:s1+$0x6780];
	[tilespmem:$0x6A00] =	vst v0  }
0x54: {  	[tilespmem:$0x6A80] =	vst v0  }
0x55: {  	[tilespmem:$0x6B00] =	vst v0  }
0x56: {  	[tilespmem:$0x6B80] =	vst v1  }
0x57: {  	[tilespmem:$0x6A10] =	vst v0  }
0x58: {  	[tilespmem:$0x6A90] =	vst v0;
	s19 =	spop (v2sf)  }
0x59: {  	[tilespmem:$0x6B10] =	vst v0;
	s3 =	spop (v2sf)  }
0x5a: {  	[tilespmem:$0x6B90] =	vst v1;
	s3 =	sadd.s32 $0xF, s3  }
0x5b: {  	[tilespmem:$0x6A20] =	vst v0;
	s4 =	sand.u32 $0xF, s3  }
0x5c: {  	[tilespmem:$0x6AA0] =	vst v0;
	s25 =	sshra.s32 s3, $0x1F;
	p1 =	slt.s32 s3, $0x1;
	p0 =	sne.s32 s4, $0x0  }
0x5d: {  	[tilespmem:$0x6B20] =	vst v0;
	s4 =	sshrl.u32 s25, $0x1C;
	p0 =	por !p1, !p0  }
0x5e: {  	[tilespmem:$0x6BA0] =	vst v1;
	s3 =	sadd.s32 s4, s3;
	s4 =	simm.s32 $0x1;
	p0 =	por !p0, !p0  }
0x5f: {  	[tilespmem:$0x6A30] =	vst v0;
	s3 =	sshra.s32 s3, $0x4;
	s4 =	simm.s32 @!p0 $0x0  }
0x60: {  	[tilespmem:$0x6AB0] =	vst v0;
	s21 =	ssub.s32 s3, s4  }
0x61: {  	[tilespmem:$0x6B30] =	vst v0;
	p0 =	slt.s32 s21, $0x1  }
.Ltmp4:
0x62: {  	[tilespmem:$0x6BB0] =	vst v1;
	(pc) =	sbr.rel @p0 .LBB2_3-.Ltmp4, $4  }
0x63: {  	[tilespmem:$0x6A40] =	vst v0  }
0x64: {  	[tilespmem:$0x6AC0] =	vst v0  }
0x65: {  	[tilespmem:$0x6B40] =	vst v0  }
0x66: {  	[tilespmem:$0x6BC0] =	vst v1  }
0x67: {  	p1 =	seq.s32 s21, $0x1  }
.Ltmp5:
0x68: {  	_ = 	snop;
	(pc) =	sbr.rel @p1 .LBB2_8-.Ltmp5, $4  }
0x69: {  	s3 =	sshll.u32 s19, $0x2  }
0x6a: {  	s4 =	sshra.s32 s3, $0x2  }
0x6b: {  	v4 =	vbroadcast v4, $0x0;
	v5 =	vbroadcast v5, $0x0;
	s20 =	simm.s32 $0x0;
	s3 =	sadd.s32 $0x2280, s4;
	v7 =	vld [tilespmem:s4+$0x0]  }
0x6c: {  	v6 =	vbroadcast v6, $0x0;
	v3 =	vbroadcast v3, $0x0;
	s21 =	sadd.s32 $0xFFFFFFFF, s21;
	p0 =	por $0x0, $0x0;
	s25 =	sadd.s32 $0x4500, s4;
	v8 =	vld [tilespmem:s3+$0x0]  }
0x6d: {  	_ = 	snop  }
0x6e: {  	v9 =	vld [tilespmem:s25+$0x0];
	_ =	sdelay $0x2  }
0x6f: {  	v7 =	vsub.f32 v7, v4;
	v8 =	vsub.f32 v8, v5;
	_ =	sdelay $0x1  }
0x70: {  	v9 =	vsub.f32 v9, v6;
	v10 =	vmul.f32 v7, v7;
	v11 =	vmul.f32 v8, v8;
	_ =	sdelay $0x1  }
0x71: {  	v10 =	vadd.f32 v11, v10;
	v11 =	vmul.f32 v9, v9;
	_ =	sdelay $0x1  }
0x72: {  	v10 =	vadd.f32 v11, v10  }
0x73: {  	v11 =	vor.u32 s20, v2  }
0x74: {  	vm1 =	vlt.s32 v11, v3;
	vm0 =	vle.f32 v10, $1.599999960e-01  }
0x75: {  	vm0 =	vmand vm1, vm0  }
0x76: {  	v10 =	vsel vm0, $0x1, v1  }
0x77: {  	(xrf0) =	vadd.scan.msk.s32 $0xffff, v10;
	_ =	sdelay $0x5  }
0x78: {  	s22 =	simm.s32 $0x40;
	v10, _, _ =	vpop (xrf0)  }
0x79: {  	vm15 =	vle.s32 v10, s22  }
0x7a: {  	vm0 =	vmand vm0, vm15  }
0x7b: {  	p1 =	seq.s32 s21, $0x1;
	[tilespmem:s20+$0x6A00] =	vst.msk vm0, v7;
	v7 =	vxor.u32 $0x80000000, v10  }
.Ltmp6:
0x7c: {  	v10 =	vnsel vm0, $0x80000000, v7;
	(pc) =	sbr.rel @p1 .LBB2_10-.Ltmp6, $4  }
0x7d: {  	(xrf0) =	vmax.scan.msk.u32 $0xffff, v10  }
0x7e: {  	s23 =	sadd.s32 $0x0, s19;
	s24 =	sadd.s32 $0x10, s4;
	[tilespmem:s20+$0x6A80] =	vst.msk vm0, v8  }
0x7f: {  	s3 =	sadd.s32 $0x10, s3;
	s4 =	sadd.s32 $0xFFFFFFFF, s21;
	p0 =	por $0x1, $0x1;
	v8 =	vadd.s32 s23, v2;
	v7 =	vld [tilespmem:s24+$0x0];
	[tilespmem:s20+$0x6B00] =	vst.msk vm0, v9  }
0x80: {  	s21 =	smov.u32 s25;
	s22 =	simm.s32 $0x0;
	s23 =	simm.s32 $0x0;
	[tilespmem:s20+$0x6B80] =	vst.msk vm0, v8;
	v8 =	vld [tilespmem:s3+$0x0]  }
.LBB2_11:
0x81: {  	p1 =	seq.s32 s4, $0x1;
	s21 =	sadd.s32 $0x10, s21  }
0x82: {  	v9 =	vld [tilespmem:s21+$0x0]  }
0x83: {  	v10, _, _ =	vpop (xrf0)  }
0x84: {  	(v2sf) =	vpush v10, $0xF  }
0x85: {  	v7 =	vsub.f32 v7, v4;
	v8 =	vsub.f32 v8, v5;
	_ =	sdelay $0x1  }
0x86: {  	v10 =	vmul.f32 v7, v7;
	v9 =	vsub.f32 v9, v6;
	v11 =	vmul.f32 v8, v8;
	_ =	sdelay $0x1  }
0x87: {  	v10 =	vadd.f32 v11, v10;
	v11 =	vmul.f32 v9, v9;
	_ =	sdelay $0x1  }
0x88: {  	s23 =	sadd.s32 $0x10, s23;
	v10 =	vadd.f32 v11, v10  }
0x89: {  	s6 =	sadd.s32 s23, s19;
	v11 =	vor.u32 s23, v2  }
0x8a: {  	vm1 =	vlt.s32 v11, v3;
	vm0 =	vle.f32 v10, $1.599999960e-01;
	v10 =	vadd.s32 s6, v2  }
0x8b: {  	vm0 =	vmand vm1, vm0  }
0x8c: {  	v11 =	vsel vm0, $0x1, v1  }
0x8d: {  	(xrf0) =	vadd.scan.msk.s32 $0xffff, v11;
	_ =	sdelay $0x2  }
0x8e: {  	s6 =	spop (v2sf)  }
0x8f: {  	s6 =	sadd.s32 s6, s22  }
0x90: {  	s22 =	sadd.s32 $0x80000000, s6  }
0x91: {  	s6 =	ssub.s32 $0x40, s22;
	v11, _, _ =	vpop (xrf0)  }
0x92: {  	vm1 =	vle.s32 v11, s6  }
0x93: {  	v11 =	vxor.u32 $0x80000000, v11;
	vm0 =	vmand vm0, vm1  }
.Ltmp7:
0x94: {  	v11 =	vnsel vm0, $0x80000000, v11;
	[tilespmem:s22+$0x6A00] =	vst.msk vm0, v7;
	(pc) =	sbr.rel @!p1 .LBB2_11-.Ltmp7, $4  }
0x95: {  	[tilespmem:s22+$0x6A80] =	vst.msk vm0, v8;
	(xrf0) =	vmax.scan.msk.u32 $0xffff, v11  }
0x96: {  	s24 =	sadd.s32 $0x10, s24;
	[tilespmem:s22+$0x6B00] =	vst.msk vm0, v9  }
0x97: {  	s3 =	sadd.s32 $0x10, s3;
	v7 =	vld [tilespmem:s24+$0x0];
	[tilespmem:s22+$0x6B80] =	vst.msk vm0, v10  }
0x98: {  	s4 =	sadd.s32 $0xFFFFFFFF, s4;
	v8 =	vld [tilespmem:s3+$0x0]  }
.LBB2_12:
0x99: {  	s3 =	sadd.s32 @p0 $0x10, s21  }
0x9a: {  	s25 =	smov.u32 @p0 s3  }
0x9b: {  	v9 =	vld [tilespmem:s25+$0x0];
	v10, _, _ =	vpop @p0 (xrf0)  }
0x9c: {  	(v2sf) =	vpush @p0 v10, $0xF;
	_ =	sdelay $0x1  }
0x9d: {  	v4 =	vsub.f32 v7, v4;
	v5 =	vsub.f32 v8, v5;
	_ =	sdelay $0x1  }
0x9e: {  	v7 =	vmul.f32 v4, v4;
	v8 =	vmul.f32 v5, v5;
	v6 =	vsub.f32 v9, v6;
	_ =	sdelay $0x1  }
0x9f: {  	v7 =	vadd.f32 v8, v7;
	v62 =	vmul.f32 v6, v6  }
0xa0: {  	s4 =	simm.s32 $0x0;
	s3 =	sadd.s32 @p0 $0x10, s23  }
0xa1: {  	s4 =	smov.u32 @p0 s3;
	v7 =	vadd.f32 v62, v7  }
0xa2: {  	v63 =	vor.u32 s4, v2  }
0xa3: {  	vm1 =	vlt.s32 v63, v3;
	vm0 =	vle.f32 v7, $1.599999960e-01  }
0xa4: {  	vm0 =	vmand vm1, vm0  }
0xa5: {  	v3 =	vsel vm0, $0x1, v1  }
0xa6: {  	(xrf0) =	vadd.scan.msk.s32 $0xffff, v3;
	_ =	sdelay $0x1  }
0xa7: {  	s3 =	spop @p0 (v2sf)  }
0xa8: {  	s3 =	sadd.s32 @p0 s3, s22  }
0xa9: {  	s3 =	sadd.s32 @p0 $0x80000000, s3  }
0xaa: {  	s20 =	smov.u32 @p0 s3  }
0xab: {  	s3 =	ssub.s32 $0x40, s20;
	v3, _, _ =	vpop (xrf0)  }
0xac: {  	vm15 =	vle.s32 v3, s3  }
0xad: {  	v3 =	vxor.u32 $0x80000000, v3;
	vm0 =	vmand vm0, vm15  }
0xae: {  	v3 =	vnsel vm0, $0x80000000, v3  }
0xaf: {  	(xrf0) =	vmax.scan.msk.u32 $0xffff, v3;
	_ =	sdelay $0x5  }
0xb0: {  	v3, _, _ =	vpop (xrf0)  }
0xb1: {  	(v2sf) =	vpush v3, $0xF;
	_ =	sdelay $0xc  }
.Ltmp8:
0xb2: {  	_ = 	snop;
	(pc) =	sbr.rel .LBB2_4-.Ltmp8, $4  }
0xb3: {  	[tilespmem:s20+$0x6A00] =	vst.msk vm0, v4  }
0xb4: {  	s23 =	sadd.s32 s4, s19;
	[tilespmem:s20+$0x6A80] =	vst.msk vm0, v5;
	s24 =	spop (v2sf)  }
0xb5: {  	[tilespmem:s20+$0x6B00] =	vst.msk vm0, v6;
	v3 =	vadd.s32 s23, v2;
	s25 =	sadd.s32 s24, s20  }
0xb6: {  	[tilespmem:s20+$0x6B80] =	vst.msk vm0, v3;
	s3 =	sadd.s32 $0x80000000, s25  }
.LBB2_8:
.Ltmp9:
0xb7: {  	(pc) =	sbr.rel .LBB2_12-.Ltmp9, $2  }
0xb8: {  	_ =	sdelay $0x2  }
0xb9: {  	s21 =	smov.u32 s25;
	s23 =	simm.s32 $0x0;
	s22 =	simm.s32 $0x0  }
.LBB2_10:
.Ltmp10:
0xba: {  	(pc) =	sbr.rel .LBB2_12-.Ltmp10, $2  }
0xbb: {  	_ =	sdelay $0x2  }
0xbc: {  	s21 =	smov.u32 s25;
	s23 =	simm.s32 $0x0;
	s22 =	simm.s32 $0x0  }
.LBB2_6:
0xbd: {  	_ =	sfence.sel $0x180000  }
0xbe: {  	[bflag:$0x0] =	sbarrier.arrive $0xFFFF  }
0xbf: {  	_ =	strace $0x90000065  }
0xc0: {  	s0 =	stileid.u32;
	[bflag:$0x2] =	sbarrier.arrive $0xFFFF  }
0xc1: {  	p0 =	sne.s32 s0, $0x0;
	s0 =	rddreg [dreg:$0x1]  }
0xc2: {  	s0 =	sadd.s32 @!p0 $0x100000, s0  }
0xc3: {  	[sflag:s0] =	ssyncadd.tile.s32 @!p0 $0x1;
	_ =	shalt  }
.Lfunc_end2:
_tile_overlayer_lowered:
.L_overlay_start_2:
0xc4: {  	(tag) =	ssettag $0x2  }
0xc5: {  	s0 =	rddreg [dreg:$0x0];
	s2 =	stileid.u32  }
0xc6: {  	s1 =	rddreg [dreg:$0x1];
	p0 =	sne.s32 s2, $0x0  }
0xc7: {  	s3 =	rddreg [dreg:$0x2];
	[bflag:$0x3] =	sbarrier.arrive $0xFFFF;
	s2 =	simm.s32 @!p0 $0x1C01  }
0xc8: {  	[timem:s3], [sflag:s2] =	dma.local @!p0 [hbm:s0], s1  }
0xc9: {  	s0 =	simm.s32 @!p0 $0x1  }
0xca: {  	_ =	swait.ge @!p0 [sflag:s0], s1  }
0xcb: {  	s1 =	ssub.s32 @!p0 $0x0, s1;
	[sflag:s0] =	ssyncset.done @!p0 $0x0  }
0xcc: {  	[sflag:s0] =	ssyncadd.s32 @!p0 s1  }
0xcd: {  	[bflag:$0x3] =	sbarrier.arrive $0xFFFF  }
0xce: {  	_ =	shalt  }

// kernel: kernel.20.cloned.1.call-start
scs
__scs_entry_jumppad:
0x0: {  	(pc) =	sbr.rel $0x88, $3  }
0x1: {  	(tag) =	ssettag $0x0;
	lr =	simm.s32 $0x1  }
0x2: {  	[smem:$0x3F7B] =	sst lr;
	_ =	strace $0xD0000000  }
0x3: {  	_ = 	snop  }
0x4: {  	_ = 	snop  }
0x5: {  	_ = 	snop  }
0x6: {  	_ = 	snop  }
0x7: {  	_ = 	snop  }
__scs_overlays_trampoline_lowered:
0x8: {  	[smem:$0x3F8A] =	sst s0  }
0x9: {  	[smem:$0x3F8B] =	sst s1  }
0xa: {  	[smem:$0x3F8C] =	sst s2  }
0xb: {  	[smem:$0x3F8D] =	sst s3  }
0xc: {  	[smem:$0x3F8E] =	sst s4  }
0xd: {  	[smem:$0x3F8F] =	sst s5  }
0xe: {  	[smem:$0x3F90] =	sst s6  }
0xf: {  	[smem:$0x3F91] =	sst s7  }
0x10: {  	[smem:$0x3F92] =	sst s8  }
0x11: {  	[smem:$0x3F93] =	sst s9;
	s0 =	simm.s32 @!p0 $0x0  }
0x12: {  	s1 =	sld [smem:$0x3F79];
	s0 =	simm.s32 @p0 $0x1  }
0x13: {  	[smem:$0x3F94] =	sst s0;
	s0 =	simm.s32 @!p1 $0x0  }
0x14: {  	s2 =	sld [smem:$0x3F78];
	s0 =	simm.s32 @p1 $0x1  }
0x15: {  	[smem:$0x3F95] =	sst s0;
	s0 =	simm.s32 @!p2 $0x0  }
0x16: {  	s3 =	sld [smem:$0x3FDB];
	s0 =	simm.s32 @p2 $0x1  }
0x17: {  	s4 =	simm.s32 $0x1BF5;
	[smem:$0x3F97] =	sst s0  }
0x18: {  	s0 =	sld [smem:$0x3F7A];
	_ =	swait.ge [sflag:s4], $0x0  }
0x19: {  	s7 =	sld [smem:$0x3F7B]  }
0x1a: {  	s8 =	sadd.s32 $0xFFFFE003, lr  }
0x1b: {  	s9 =	sadd.s32 $0xFFFFFEF7, lr;
	s5 =	simm.s32 $0xFFFFFFFF;
	p2 =	slt.u32 s8, $0xFFFFF086  }
0x1c: {  	p1 =	slt.u32 s9, $0xF7A;
	s5 =	simm.s32 @!p2 $0x0  }
0x1d: {  	s5 =	simm.s32 @p1 $0x1;
	p0 =	seq.s32 s7, s2  }
0x1e: {  	s7 =	smul.u32 @!p0 $0xF7A, s2;
	p2 =	seq.s32 @!p0 s5, $0x0  }
0x1f: {  	s9 =	smul.u32 $0xF7A, s1;
	s8 =	simm.s32 @!p0 $0x1BF5;
	p2 =	por !p2, p0  }
0x20: {  	[sflag:s8] =	ssyncset.s32 @!p0 $0xFFFFF086;
	s6 =	sadd.s32 @!p0 s3, s7;
	s7 =	simm.s32 @!p0 $0x108  }
0x21: {  	s3 =	sadd.s32 s3, s9;
	s6 =	sadd.s32 @!p0 $0x88, s6;
	s7 =	simm.s32 @p2 $0x1082  }
0x22: {  	[simem:s7], [sflag:s8] =	dma.local @!p0 [hbm:s6], $0xF7A  }
0x23: {  	s9 =	sor.u32 $0xD0000000, s2;
	s6 =	simm.s32 $0x108;
	_ =	swait.ge @!p0 [sflag:s8], $0x0  }
0x24: {  	s3 =	sadd.s32 $0x88, s3;
	s6 =	simm.s32 @!p1 $0x1082;
	[sflag:s4] =	ssyncset.s32 $0xFFFFF086  }
0x25: {  	[simem:s6], [sflag:s4] =	dma.local [hbm:s3], $0xF7A  }
0x26: {  	[smem:$0x3F7B] =	sst s1;
	(tag) =	ssettag s2;
	_ =	strace s9  }
0x27: {  	s1 =	sld [smem:$0x3F8B]  }
0x28: {  	s2 =	sld [smem:$0x3F8C]  }
0x29: {  	s4 =	sld [smem:$0x3F8E]  }
0x2a: {  	p0 =	seq.s32 s5, $0x0;
	s5 =	sld [smem:$0x3F8F]  }
0x2b: {  	s6 =	sld [smem:$0x3F90]  }
0x2c: {  	s7 =	sld [smem:$0x3F91]  }
0x2d: {  	s3 =	simm.s32 $0x108;
	s8 =	sld [smem:$0x3F92]  }
0x2e: {  	s3 =	simm.s32 @!p0 $0x1082;
	s9 =	sld [smem:$0x3F93]  }
0x2f: {  	lr =	sadd.s32 s0, s3;
	s0 =	sld [smem:$0x3F8A]  }
0x30: {  	s3 =	sld [smem:$0x3F8D]  }
0x31: {  	[smem:$0x3F96] =	sst s10  }
0x32: {  	s10 =	sld [smem:$0x3F94];
	_ =	sdelay $0x3  }
0x33: {  	p0 =	seq.s32 s10, $0x1;
	s10 =	sld [smem:$0x3F96];
	_ =	sdelay $0x3  }
0x34: {  	[smem:$0x3F96] =	sst s10  }
0x35: {  	s10 =	sld [smem:$0x3F95];
	_ =	sdelay $0x3  }
0x36: {  	p1 =	seq.s32 s10, $0x1;
	s10 =	sld [smem:$0x3F96];
	_ =	sdelay $0x3  }
0x37: {  	[smem:$0x3F96] =	sst s10  }
0x38: {  	s10 =	sld [smem:$0x3F97]  }
0x39: {  	_ = 	snop;
	(pc) =	sbr.ind lr, $3  }
0x3a: {  	_ = 	snop  }
0x3b: {  	_ = 	snop  }
0x3c: {  	p2 =	seq.s32 s10, $0x1;
	s10 =	sld [smem:$0x3F96]  }
0x3d: {  	_ =	shalt  }
0x3e: {  	_ =	shalt  }
0x3f: {  	_ =	shalt  }
0x40: {  	_ =	shalt  }
0x41: {  	_ =	shalt  }
0x42: {  	_ =	shalt  }
0x43: {  	_ =	shalt  }
0x44: {  	_ =	shalt  }
0x45: {  	_ =	shalt  }
0x46: {  	_ =	shalt  }
0x47: {  	_ =	shalt  }
0x48: {  	_ =	shalt  }
0x49: {  	_ =	shalt  }
0x4a: {  	_ =	shalt  }
0x4b: {  	_ =	shalt  }
0x4c: {  	_ =	shalt  }
0x4d: {  	_ =	shalt  }
0x4e: {  	_ =	shalt  }
0x4f: {  	_ =	shalt  }
0x50: {  	_ =	shalt  }
0x51: {  	_ =	shalt  }
0x52: {  	_ =	shalt  }
0x53: {  	_ =	shalt  }
0x54: {  	_ =	shalt  }
0x55: {  	_ =	shalt  }
0x56: {  	_ =	shalt  }
0x57: {  	_ =	shalt  }
0x58: {  	_ =	shalt  }
0x59: {  	_ =	shalt  }
0x5a: {  	_ =	shalt  }
0x5b: {  	_ =	shalt  }
0x5c: {  	_ =	shalt  }
0x5d: {  	_ =	shalt  }
0x5e: {  	_ =	shalt  }
0x5f: {  	_ =	shalt  }
0x60: {  	_ =	shalt  }
0x61: {  	_ =	shalt  }
0x62: {  	_ =	shalt  }
0x63: {  	_ =	shalt  }
0x64: {  	_ =	shalt  }
0x65: {  	_ =	shalt  }
0x66: {  	_ =	shalt  }
0x67: {  	_ =	shalt  }
0x68: {  	_ =	shalt  }
0x69: {  	_ =	shalt  }
0x6a: {  	_ =	shalt  }
0x6b: {  	_ =	shalt  }
0x6c: {  	_ =	shalt  }
0x6d: {  	_ =	shalt  }
0x6e: {  	_ =	shalt  }
0x6f: {  	_ =	shalt  }
0x70: {  	_ =	shalt  }
0x71: {  	_ =	shalt  }
0x72: {  	_ =	shalt  }
0x73: {  	_ =	shalt  }
0x74: {  	_ =	shalt  }
0x75: {  	_ =	shalt  }
0x76: {  	_ =	shalt  }
0x77: {  	_ =	shalt  }
0x78: {  	_ =	shalt  }
0x79: {  	_ =	shalt  }
0x7a: {  	_ =	shalt  }
0x7b: {  	_ =	shalt  }
0x7c: {  	_ =	shalt  }
0x7d: {  	_ =	shalt  }
0x7e: {  	_ =	shalt  }
0x7f: {  	_ =	shalt  }
0x80: {  	_ =	shalt  }
0x81: {  	_ =	shalt  }
0x82: {  	_ =	shalt  }
0x83: {  	_ =	shalt  }
0x84: {  	_ =	shalt  }
0x85: {  	_ =	shalt  }
0x86: {  	_ =	shalt  }
0x87: {  	_ =	shalt  }
.Lfunc_end0:
.L_simem_size_0:
called_computation.10_lowered:
.L_overlay_start_0:
0x88: {  	s2 =	sld [smem:$0x3FD9]  }
0x89: {  	s3 =	sld [smem:$0x3FFE];
	_ =	sdelay $0x1  }
0x8a: {  	s1 =	srdreg.scid  }
0x8b: {  	s0 =	sand.u32 $0x1, s1  }
0x8c: {  	s16 =	sshll.u32 s0, $0xA;
	s2 =	sadd.s32 s3, s2  }
0x8d: {  	s2 =	sadd.s32 s2, s16  }
0x8e: {  	[smem:$0x3FA2] =	sst s2  }
0x8f: {  	_ = 	snop  }
0x90: {  	(tm) =	ssettm $0x1  }
0x91: {  	s17 =	sld [smem:$0x3FFB];
	_ =	sdelay $0x3  }
0x92: {  	_ =	strace s17  }
0x93: {  	s2 =	sld [smem:$0x3FFC];
	_ =	sdelay $0x3  }
0x94: {  	_ =	strace s2  }
0x95: {  	s2 =	sld [smem:$0x3FFD];
	_ =	sdelay $0x3  }
0x96: {  	_ =	strace s2  }
0x97: {  	_ =	strace $0x8FFFFFFF  }
0x98: {  	s18 =	sld [smem:$0x3FDB];
	_ =	sdelay $0x1  }
0x99: {  	s19 =	simm.s32 $_scs_section_size  }
0x9a: {  	s4 =	simm.s32 $_size__tile_overlayer_lowered;
	s5 =	simm.s32 $_tile_overlayer_lowered  }
0x9b: {  	s22 =	simm.s32 $0x1BFF;
	s21 =	sshll.u32 s5, $0x1;
	s2 =	sadd.s32 s19, s18  }
0x9c: {  	s6 =	simm.s32 $0x0;
	s20 =	sshll.u32 s4, $0x1;
	s4 =	sadd.s32 s21, s2  }
0x9d: {  	[timem:s6], [sflag:s22] =	dma.local [hbm:s4], s20  }
0x9e: {  	_ =	swait.ge [sflag:s22], s20  }
0x9f: {  	s3 =	ssub.s32 $0x0, s20;
	[sflag:s22] =	ssyncset.done $0x0  }
0xa0: {  	[sflag:s22] =	ssyncadd.s32 s3;
	_ =	sdelay $0x1  }
0xa1: {  	s23 =	simm.s32 $0x1B8B  }
0xa2: {  	_ =	swait.ge [sflag:s23], $0x1  }
0xa3: {  	[sflag:s23] =	ssyncset.done $0x0  }
0xa4: {  	s25 =	simm.s32 $0x1B8E;
	s24 =	sld [smem:$0x3FFE];
	[sflag:s23] =	ssyncadd.s32 $0xFFFFFFFF  }
0xa5: {  	s26 =	simm.s32 $execute0_lowered;
	[smem:$0x3FD2] =	sst s25  }
0xa6: {  	s4 =	sshll.u32 s26, $0x1;
	_ =	strace $0x80000067;
	[dreg:$0x1] =	wrdreg $0xFFFFFFFF  }
0xa7: {  	s28 =	simm.s32 $_size_execute0_lowered;
	s2 =	sadd.s32 s2, s4;
	[dreg:$0x0] =	wrdreg $0x0  }
0xa8: {  	s4 =	sshll.u32 s28, $0x1;
	[dreg:$0x2] =	wrdreg s2  }
0xa9: {  	[dreg:$0x3] =	wrdreg s4  }
0xaa: {  	[dreg:$0x4] =	wrdreg $0xC0  }
0xab: {  	_ =	task [dreg:s6], $0x5FFFF  }
0xac: {  	[dreg:$0x1] =	wrdreg $0xFFFFFFFF  }
0xad: {  	[dreg:$0x0] =	wrdreg $0x60  }
0xae: {  	[dreg:$0x2] =	wrdreg s24  }
0xaf: {  	[dreg:$0x3] =	wrdreg $0x9  }
0xb0: {  	_ =	task.clear_ibuf [dreg:s6], $0x4FFFF;
	_ =	strace $0x90000067  }
0xb1: {  	s29 =	simm.s32 $0x9;
	_ =	strace $0x80000069  }
0xb2: {  	_ =	swait.ge [sflag:s29], $0x1  }
0xb3: {  	[sflag:s29] =	ssyncadd.s32 $0xFFFFFFFF  }
0xb4: {  	_ =	strace $0x90000069  }
0xb5: {  	_ =	sfence  }
0xb6: {  	s30 =	sld [smem:$0x0];
	_ =	sdelay $0x2  }
0xb7: {  	s31 =	sshll.u32 s1, $0xD;
	s1 =	sshrl.u32 s1, $0x2  }
0xb8: {  	s3 =	sand.u32 $0x4000, s31;
	s1 =	sadd.s32 s1, s30  }
0xb9: {  	s0 =	sor.u32 s3, s0;
	s1 =	sshll.u32 s1, $0x11  }
0xba: {  	s0 =	sor.u32 s1, s0  }
0xbb: {  	s0 =	sadd.s32 $0x8F2B, s0  }
0xbc: {  	[sflag:s0] =	ssyncadd.remote.s32 $0x1  }
0xbd: {  	_ =	sfence.sel $0xFFFF  }
0xbe: {  	[dreg:$0x0] =	wrdreg $0xFFFFFFFF;
	(pc) =	sbr.abs _section_cstart, $3  }
0xbf: {  	[dreg:$0x1] =	wrdreg $0xFFFFFFFF  }
0xc0: {  	_ =	task.clear_ibuf [dreg:s6], $0x2FFFF;
	_ =	strace $0x9FFFFFFF  }
0xc1: {  	(tm) =	ssettm $0x7FFFFFFF  }
tec
execute0_lowered:
.L_overlay_start_1:
0x0: {  	(tag) =	ssettag $0x1  }
0x1: {  	s4 =	rddreg [dreg:$0x0];
	s1 =	srdreg.scid  }
0x2: {  	s0 =	rddreg [dreg:$0x1];
	s5 =	sand.u32 $0x1, s1  }
0x3: {  	s2 =	simm.s32 $0x0;
	s1 =	stileid.u32;
	s6 =	smul.u32 $0x12000, s5  }
0x4: {  	s10 =	simm.s32 $0x0;
	[smem:$0x7FF] =	sst s2;
	s7 =	smul.u32 $0x1200, s1  }
0x5: {  	s3 =	sadd.s32 $0xBA00, s4;
	s8 =	smul.u32 $0x120000, s5;
	s5 =	ssub.s32 $0x2, s5  }
0x6: {  	_ =	strace $0x80000068;
	s9 =	smul.u32 $0x12000, s1;
	s30 =	sshrl.u32 s5, $0x1  }
0x7: {  	s6 =	sadd.s32 s7, s6;
	s8 =	sadd.s32 s8, s4;
	s5 =	ssub.s32 s5, s30  }
0x8: {  	s7 =	simm.s32 $0x2;
	s6 =	sshrl.u32 s6, $0x3;
	s31 =	sadd.s32 s9, s8  }
0x9: {  	s8 =	simm.s32 $0x80;
	s9 =	simm.s32 $0x1;
	s6 =	sadd.s32 s6, s4  }
0xa: {  	s4 =	smax.u32 s5, $0x1;
	s5 =	sadd.s32 $0x5A000, s31;
	s6 =	sadd.s32 $0x43400, s6  }
.LBB2_1:
0xb: {  	s11 =	sadd.s32 $0x0, s6  }
0xc: {  	[tilespmem:s2], [sflag:$0x2] =	stream.linear.gather [hbm4b:s11+s2], $0x80, $0x38;
	[tilespmem:$0x4080] =	vst v63  }
0xd: {  	_ =	swait.ge [sflag:s7], $0x80  }
0xe: {  	[sflag:s7] =	ssyncset.done $0x0  }
0xf: {  	[sflag:s7] =	ssyncadd.s32 $0xFFFFFF80  }
0x10: {  	[tilespmem:s8], [sflag:$0x1] =	stream.indirect.gather [hbm4b:s3+s8], $0x80, s2, s8, $0xb8;
	[tilespmem:$0x4080] =	vst v63  }
0x11: {  	_ =	swait.ge [sflag:s9], $0x4000  }
0x12: {  	[sflag:s9] =	ssyncset.done $0x0  }
0x13: {  	[sflag:s9] =	ssyncadd.s32 $0xFFFFC000  }
0x14: {  	[hbm4b:s5+s2] =	stream.linear.scatter [tilespmem:s8], [sflag:$0x2], $0x4000, $0x38;
	[tilespmem:$0x4080] =	vst v63  }
0x15: {  	s12 =	simm.s32 $0x10;
	_ =	swait.ge [sflag:s7], $0x4000  }
0x16: {  	s13 =	simm.s32 $0x20;
	s11 =	sadd.s32 $0x800, s5;
	[sflag:s7] =	ssyncset.done $0x0  }
.LBB2_2:
0x17: {  	s14 =	sadd.s32 s12, s6  }
0x18: {  	[sflag:s7] =	ssyncadd.s32 $0xFFFFC000;
	s12 =	smov.u32 s13;
	s15 =	sadd.s32 $0x10, s13  }
0x19: {  	[tilespmem:s2], [sflag:$0x2] =	stream.linear.gather [hbm4b:s14+s2], $0x80, $0x38;
	[tilespmem:$0x4080] =	vst v63  }
0x1a: {  	p0 =	sne.s32 s13, $0x230;
	_ =	swait.ge [sflag:s7], $0x80  }
0x1b: {  	[sflag:s7] =	ssyncset.done $0x0  }
0x1c: {  	[sflag:s7] =	ssyncadd.s32 $0xFFFFFF80  }
0x1d: {  	[tilespmem:s8], [sflag:$0x1] =	stream.indirect.gather [hbm4b:s3+s8], $0x80, s2, s8, $0xb8;
	[tilespmem:$0x4080] =	vst v63  }
0x1e: {  	_ =	swait.ge [sflag:s9], $0x4000  }
.Ltmp0:
0x1f: {  	[sflag:s9] =	ssyncset.done $0x0;
	(pc) =	sbr.rel @p0 .LBB2_2-.Ltmp0, $4  }
0x20: {  	[sflag:s9] =	ssyncadd.s32 $0xFFFFC000  }
0x21: {  	[hbm4b:s11+s2] =	stream.linear.scatter [tilespmem:s8], [sflag:$0x2], $0x4000, $0x38;
	[tilespmem:$0x4080] =	vst v63  }
0x22: {  	_ =	swait.ge [sflag:s7], $0x4000  }
0x23: {  	s13 =	smov.u32 s15;
	s11 =	sadd.s32 $0x800, s11;
	[sflag:s7] =	ssyncset.done $0x0  }
0x24: {  	s12 =	sadd.s32 s12, s6;
	[sflag:s7] =	ssyncadd.s32 $0xFFFFC000  }
0x25: {  	[tilespmem:s2], [sflag:$0x2] =	stream.linear.gather [hbm4b:s12+s2], $0x80, $0x38;
	[tilespmem:$0x4080] =	vst v63  }
0x26: {  	_ =	swait.ge [sflag:s7], $0x80  }
0x27: {  	[sflag:s7] =	ssyncset.done $0x0  }
0x28: {  	[sflag:s7] =	ssyncadd.s32 $0xFFFFFF80  }
0x29: {  	[tilespmem:s8], [sflag:$0x1] =	stream.indirect.gather [hbm4b:s3+s8], $0x80, s2, s8, $0xb8;
	[tilespmem:$0x4080] =	vst v63  }
0x2a: {  	s10 =	sadd.s32 $0x1, s10;
	_ =	swait.ge [sflag:s9], $0x4000  }
0x2b: {  	p0 =	sne.s32 s10, s4;
	[sflag:s9] =	ssyncset.done $0x0  }
.Ltmp1:
0x2c: {  	[sflag:s9] =	ssyncadd.s32 $0xFFFFC000;
	(pc) =	sbr.rel @p0 .LBB2_1-.Ltmp1, $4  }
0x2d: {  	[hbm4b:s11+s2] =	stream.linear.scatter [tilespmem:s8], [sflag:$0x2], $0x4000, $0x38;
	[tilespmem:$0x4080] =	vst v63  }
0x2e: {  	_ =	swait.ge [sflag:s7], $0x4000  }
0x2f: {  	[sflag:s7] =	ssyncset.done $0x0  }
0x30: {  	[sflag:s7] =	ssyncadd.s32 $0xFFFFC000  }
0x31: {  	_ =	sfence.sel $0x180000  }
0x32: {  	[bflag:$0x0] =	sbarrier.arrive $0xFFFF  }
0x33: {  	p0 =	sne.s32 s1, $0x0;
	_ =	strace $0x90000068  }
0x34: {  	s0 =	sadd.s32 @!p0 $0x100000, s0;
	[bflag:$0x2] =	sbarrier.arrive $0xFFFF  }
0x35: {  	[sflag:s0] =	ssyncadd.tile.s32 @!p0 $0x1;
	_ =	shalt  }
.Lfunc_end2:
_tile_overlayer_lowered:
.L_overlay_start_2:
0x36: {  	(tag) =	ssettag $0x2  }
0x37: {  	s0 =	rddreg [dreg:$0x0];
	s2 =	stileid.u32  }
0x38: {  	s1 =	rddreg [dreg:$0x1];
	p0 =	sne.s32 s2, $0x0  }
0x39: {  	s3 =	rddreg [dreg:$0x2];
	[bflag:$0x3] =	sbarrier.arrive $0xFFFF;
	s2 =	simm.s32 @!p0 $0x1C02  }
0x3a: {  	[timem:s3], [sflag:s2] =	dma.local @!p0 [hbm:s0], s1  }
0x3b: {  	s0 =	simm.s32 @!p0 $0x2  }
0x3c: {  	_ =	swait.ge @!p0 [sflag:s0], s1  }
0x3d: {  	s1 =	ssub.s32 @!p0 $0x0, s1;
	[sflag:s0] =	ssyncset.done @!p0 $0x0  }
0x3e: {  	[sflag:s0] =	ssyncadd.s32 @!p0 s1  }
0x3f: {  	[bflag:$0x3] =	sbarrier.arrive $0xFFFF  }
0x40: {  	_ =	shalt  }

// kernel: scatter_offload_async_start.1
scs
__scs_entry_jumppad:
0x0: {  	(pc) =	sbr.rel $0x88, $3  }
0x1: {  	(tag) =	ssettag $0x0;
	lr =	simm.s32 $0x1  }
0x2: {  	[smem:$0x3F7B] =	sst lr;
	_ =	strace $0xD0000000  }
0x3: {  	_ = 	snop  }
0x4: {  	_ = 	snop  }
0x5: {  	_ = 	snop  }
0x6: {  	_ = 	snop  }
0x7: {  	_ = 	snop  }
__scs_overlays_trampoline_lowered:
0x8: {  	[smem:$0x3F8A] =	sst s0  }
0x9: {  	[smem:$0x3F8B] =	sst s1  }
0xa: {  	[smem:$0x3F8C] =	sst s2  }
0xb: {  	[smem:$0x3F8D] =	sst s3  }
0xc: {  	[smem:$0x3F8E] =	sst s4  }
0xd: {  	[smem:$0x3F8F] =	sst s5  }
0xe: {  	[smem:$0x3F90] =	sst s6  }
0xf: {  	[smem:$0x3F91] =	sst s7  }
0x10: {  	[smem:$0x3F92] =	sst s8  }
0x11: {  	[smem:$0x3F93] =	sst s9;
	s0 =	simm.s32 @!p0 $0x0  }
0x12: {  	s1 =	sld [smem:$0x3F79];
	s0 =	simm.s32 @p0 $0x1  }
0x13: {  	[smem:$0x3F94] =	sst s0;
	s0 =	simm.s32 @!p1 $0x0  }
0x14: {  	s2 =	sld [smem:$0x3F78];
	s0 =	simm.s32 @p1 $0x1  }
0x15: {  	[smem:$0x3F95] =	sst s0;
	s0 =	simm.s32 @!p2 $0x0  }
0x16: {  	s3 =	sld [smem:$0x3FDB];
	s0 =	simm.s32 @p2 $0x1  }
0x17: {  	s4 =	simm.s32 $0x1BF5;
	[smem:$0x3F97] =	sst s0  }
0x18: {  	s0 =	sld [smem:$0x3F7A];
	_ =	swait.ge [sflag:s4], $0x0  }
0x19: {  	s7 =	sld [smem:$0x3F7B]  }
0x1a: {  	s8 =	sadd.s32 $0xFFFFE003, lr  }
0x1b: {  	s9 =	sadd.s32 $0xFFFFFEF7, lr;
	s5 =	simm.s32 $0xFFFFFFFF;
	p2 =	slt.u32 s8, $0xFFFFF086  }
0x1c: {  	p1 =	slt.u32 s9, $0xF7A;
	s5 =	simm.s32 @!p2 $0x0  }
0x1d: {  	s5 =	simm.s32 @p1 $0x1;
	p0 =	seq.s32 s7, s2  }
0x1e: {  	s7 =	smul.u32 @!p0 $0xF7A, s2;
	p2 =	seq.s32 @!p0 s5, $0x0  }
0x1f: {  	s9 =	smul.u32 $0xF7A, s1;
	s8 =	simm.s32 @!p0 $0x1BF5;
	p2 =	por !p2, p0  }
0x20: {  	[sflag:s8] =	ssyncset.s32 @!p0 $0xFFFFF086;
	s6 =	sadd.s32 @!p0 s3, s7;
	s7 =	simm.s32 @!p0 $0x108  }
0x21: {  	s3 =	sadd.s32 s3, s9;
	s6 =	sadd.s32 @!p0 $0x88, s6;
	s7 =	simm.s32 @p2 $0x1082  }
0x22: {  	[simem:s7], [sflag:s8] =	dma.local @!p0 [hbm:s6], $0xF7A  }
0x23: {  	s9 =	sor.u32 $0xD0000000, s2;
	s6 =	simm.s32 $0x108;
	_ =	swait.ge @!p0 [sflag:s8], $0x0  }
0x24: {  	s3 =	sadd.s32 $0x88, s3;
	s6 =	simm.s32 @!p1 $0x1082;
	[sflag:s4] =	ssyncset.s32 $0xFFFFF086  }
0x25: {  	[simem:s6], [sflag:s4] =	dma.local [hbm:s3], $0xF7A  }
0x26: {  	[smem:$0x3F7B] =	sst s1;
	(tag) =	ssettag s2;
	_ =	strace s9  }
0x27: {  	s1 =	sld [smem:$0x3F8B]  }
0x28: {  	s2 =	sld [smem:$0x3F8C]  }
0x29: {  	s4 =	sld [smem:$0x3F8E]  }
0x2a: {  	p0 =	seq.s32 s5, $0x0;
	s5 =	sld [smem:$0x3F8F]  }
0x2b: {  	s6 =	sld [smem:$0x3F90]  }
0x2c: {  	s7 =	sld [smem:$0x3F91]  }
0x2d: {  	s3 =	simm.s32 $0x108;
	s8 =	sld [smem:$0x3F92]  }
0x2e: {  	s3 =	simm.s32 @!p0 $0x1082;
	s9 =	sld [smem:$0x3F93]  }
0x2f: {  	lr =	sadd.s32 s0, s3;
	s0 =	sld [smem:$0x3F8A]  }
0x30: {  	s3 =	sld [smem:$0x3F8D]  }
0x31: {  	[smem:$0x3F96] =	sst s10  }
0x32: {  	s10 =	sld [smem:$0x3F94];
	_ =	sdelay $0x3  }
0x33: {  	p0 =	seq.s32 s10, $0x1;
	s10 =	sld [smem:$0x3F96];
	_ =	sdelay $0x3  }
0x34: {  	[smem:$0x3F96] =	sst s10  }
0x35: {  	s10 =	sld [smem:$0x3F95];
	_ =	sdelay $0x3  }
0x36: {  	p1 =	seq.s32 s10, $0x1;
	s10 =	sld [smem:$0x3F96];
	_ =	sdelay $0x3  }
0x37: {  	[smem:$0x3F96] =	sst s10  }
0x38: {  	s10 =	sld [smem:$0x3F97]  }
0x39: {  	_ = 	snop;
	(pc) =	sbr.ind lr, $3  }
0x3a: {  	_ = 	snop  }
0x3b: {  	_ = 	snop  }
0x3c: {  	p2 =	seq.s32 s10, $0x1;
	s10 =	sld [smem:$0x3F96]  }
0x3d: {  	_ =	shalt  }
0x3e: {  	_ =	shalt  }
0x3f: {  	_ =	shalt  }
0x40: {  	_ =	shalt  }
0x41: {  	_ =	shalt  }
0x42: {  	_ =	shalt  }
0x43: {  	_ =	shalt  }
0x44: {  	_ =	shalt  }
0x45: {  	_ =	shalt  }
0x46: {  	_ =	shalt  }
0x47: {  	_ =	shalt  }
0x48: {  	_ =	shalt  }
0x49: {  	_ =	shalt  }
0x4a: {  	_ =	shalt  }
0x4b: {  	_ =	shalt  }
0x4c: {  	_ =	shalt  }
0x4d: {  	_ =	shalt  }
0x4e: {  	_ =	shalt  }
0x4f: {  	_ =	shalt  }
0x50: {  	_ =	shalt  }
0x51: {  	_ =	shalt  }
0x52: {  	_ =	shalt  }
0x53: {  	_ =	shalt  }
0x54: {  	_ =	shalt  }
0x55: {  	_ =	shalt  }
0x56: {  	_ =	shalt  }
0x57: {  	_ =	shalt  }
0x58: {  	_ =	shalt  }
0x59: {  	_ =	shalt  }
0x5a: {  	_ =	shalt  }
0x5b: {  	_ =	shalt  }
0x5c: {  	_ =	shalt  }
0x5d: {  	_ =	shalt  }
0x5e: {  	_ =	shalt  }
0x5f: {  	_ =	shalt  }
0x60: {  	_ =	shalt  }
0x61: {  	_ =	shalt  }
0x62: {  	_ =	shalt  }
0x63: {  	_ =	shalt  }
0x64: {  	_ =	shalt  }
0x65: {  	_ =	shalt  }
0x66: {  	_ =	shalt  }
0x67: {  	_ =	shalt  }
0x68: {  	_ =	shalt  }
0x69: {  	_ =	shalt  }
0x6a: {  	_ =	shalt  }
0x6b: {  	_ =	shalt  }
0x6c: {  	_ =	shalt  }
0x6d: {  	_ =	shalt  }
0x6e: {  	_ =	shalt  }
0x6f: {  	_ =	shalt  }
0x70: {  	_ =	shalt  }
0x71: {  	_ =	shalt  }
0x72: {  	_ =	shalt  }
0x73: {  	_ =	shalt  }
0x74: {  	_ =	shalt  }
0x75: {  	_ =	shalt  }
0x76: {  	_ =	shalt  }
0x77: {  	_ =	shalt  }
0x78: {  	_ =	shalt  }
0x79: {  	_ =	shalt  }
0x7a: {  	_ =	shalt  }
0x7b: {  	_ =	shalt  }
0x7c: {  	_ =	shalt  }
0x7d: {  	_ =	shalt  }
0x7e: {  	_ =	shalt  }
0x7f: {  	_ =	shalt  }
0x80: {  	_ =	shalt  }
0x81: {  	_ =	shalt  }
0x82: {  	_ =	shalt  }
0x83: {  	_ =	shalt  }
0x84: {  	_ =	shalt  }
0x85: {  	_ =	shalt  }
0x86: {  	_ =	shalt  }
0x87: {  	_ =	shalt  }
.Lfunc_end0:
.L_simem_size_0:
called_computation.1_lowered:
.L_overlay_start_0:
0x88: {  	s0 =	sld [smem:$0x3FD9]  }
0x89: {  	s1 =	sld [smem:$0x3FFE];
	_ =	sdelay $0x3  }
0x8a: {  	s0 =	sadd.s32 s1, s0  }
0x8b: {  	[smem:$0x3FA2] =	sst s0  }
0x8c: {  	_ = 	snop  }
0x8d: {  	(tm) =	ssettm $0x1  }
0x8e: {  	s15 =	sld [smem:$0x3FFB];
	_ =	sdelay $0x3  }
0x8f: {  	_ =	strace s15  }
0x90: {  	s0 =	sld [smem:$0x3FFC];
	_ =	sdelay $0x3  }
0x91: {  	_ =	strace s0  }
0x92: {  	s0 =	sld [smem:$0x3FFD];
	_ =	sdelay $0x3  }
0x93: {  	_ =	strace s0  }
0x94: {  	_ =	strace $0x8FFFFFFF  }
0x95: {  	s16 =	sld [smem:$0x3FDB];
	_ =	sdelay $0x1  }
0x96: {  	s17 =	simm.s32 $_scs_section_size  }
0x97: {  	s2 =	simm.s32 $_size__tile_overlayer_lowered;
	s3 =	simm.s32 $_tile_overlayer_lowered  }
0x98: {  	s20 =	simm.s32 $0x1BFF;
	s19 =	sshll.u32 s3, $0x1;
	s0 =	sadd.s32 s17, s16  }
0x99: {  	s4 =	simm.s32 $0x0;
	s18 =	sshll.u32 s2, $0x1;
	s2 =	sadd.s32 s19, s0  }
0x9a: {  	[timem:s4], [sflag:s20] =	dma.local [hbm:s2], s18  }
0x9b: {  	_ =	swait.ge [sflag:s20], s18  }
0x9c: {  	s1 =	ssub.s32 $0x0, s18;
	[sflag:s20] =	ssyncset.done $0x0  }
0x9d: {  	[sflag:s20] =	ssyncadd.s32 s1;
	_ =	sdelay $0x1  }
0x9e: {  	s21 =	simm.s32 $0x1B8B  }
0x9f: {  	_ =	swait.ge [sflag:s21], $0x1  }
0xa0: {  	[sflag:s21] =	ssyncset.done $0x0  }
0xa1: {  	s23 =	simm.s32 $0x1B8E;
	s22 =	sld [smem:$0x3FFE];
	[sflag:s21] =	ssyncadd.s32 $0xFFFFFFFF  }
0xa2: {  	s24 =	simm.s32 $execute0_lowered;
	[smem:$0x3FD2] =	sst s23  }
0xa3: {  	s2 =	sshll.u32 s24, $0x1;
	_ =	strace $0x8000004C;
	[dreg:$0x1] =	wrdreg $0xFFFFFFFF  }
0xa4: {  	s25 =	simm.s32 $_size_execute0_lowered;
	s0 =	sadd.s32 s0, s2;
	[dreg:$0x0] =	wrdreg $0x0  }
0xa5: {  	s2 =	sshll.u32 s25, $0x1;
	[dreg:$0x2] =	wrdreg s0  }
0xa6: {  	[dreg:$0x3] =	wrdreg s2  }
0xa7: {  	[dreg:$0x4] =	wrdreg $0xC0  }
0xa8: {  	_ =	task [dreg:s4], $0x5FFFF  }
0xa9: {  	[dreg:$0x1] =	wrdreg $0xFFFFFFFF  }
0xaa: {  	[dreg:$0x0] =	wrdreg $0x60  }
0xab: {  	[dreg:$0x2] =	wrdreg s22  }
0xac: {  	[dreg:$0x3] =	wrdreg $0x9  }
0xad: {  	_ =	task.clear_ibuf [dreg:s4], $0x4FFFF;
	_ =	strace $0x9000004C  }
0xae: {  	s26 =	simm.s32 $0x9;
	_ =	strace $0x8000004E  }
0xaf: {  	_ =	swait.ge [sflag:s26], $0x1  }
0xb0: {  	[sflag:s26] =	ssyncadd.s32 $0xFFFFFFFF  }
0xb1: {  	_ =	strace $0x9000004E  }
0xb2: {  	_ =	sfence  }
0xb3: {  	s28 =	sld [smem:$0x0];
	_ =	sdelay $0x1  }
0xb4: {  	s29 =	srdreg.scid  }
0xb5: {  	s30 =	sshll.u32 s29, $0xD;
	s31 =	sshrl.u32 s29, $0x2  }
0xb6: {  	s1 =	sand.u32 $0x1, s29;
	s2 =	sand.u32 $0x4000, s30;
	s0 =	sadd.s32 s31, s28  }
0xb7: {  	s1 =	sor.u32 s2, s1;
	s0 =	sshll.u32 s0, $0x11  }
0xb8: {  	s0 =	sor.u32 s0, s1  }
0xb9: {  	s0 =	sadd.s32 $0x8F2B, s0  }
0xba: {  	[sflag:s0] =	ssyncadd.remote.s32 $0x1  }
0xbb: {  	_ =	sfence.sel $0xFFFF  }
0xbc: {  	[dreg:$0x0] =	wrdreg $0xFFFFFFFF;
	(pc) =	sbr.abs _section_cstart, $3  }
0xbd: {  	[dreg:$0x1] =	wrdreg $0xFFFFFFFF  }
0xbe: {  	_ =	task.clear_ibuf [dreg:s4], $0x2FFFF;
	_ =	strace $0x9FFFFFFF  }
0xbf: {  	(tm) =	ssettm $0x7FFFFFFF  }
tec
execute0_lowered:
.L_overlay_start_1:
0x0: {  	(tag) =	ssettag $0x1  }
0x1: {  	s2 =	rddreg [dreg:$0x0]  }
0x2: {  	s0 =	rddreg [dreg:$0x1];
	_ =	strace $0x8000004D;
	s3 =	stileid.u32  }
0x3: {  	s4 =	simm.s32 $0x3E;
	s1 =	sadd.s32 $0x45000, s2;
	p0 =	sne.s32 s3, $0x0  }
0x4: {  	[sflag:s4] =	ssyncpa.u1 $0x0;
	s5 =	simm.s32 @!p0 $0x1C3E;
	s6 =	simm.s32 @!p0 $0x0  }
0x5: {  	[spmem:s6], [sflag:s5] =	dma.local @!p0 [hbm:s1], $0x480  }
0x6: {  	s5 =	simm.s32 @!p0 $0x3E  }
0x7: {  	_ =	swait.ge @!p0 [sflag:s5], $0x480  }
0x8: {  	[sflag:s5] =	ssyncset.done @!p0 $0x0  }
0x9: {  	s26 =	simm.s32 $0x1;
	[sflag:s5] =	ssyncadd.s32 @!p0 $0xFFFFFB80  }
0xa: {  	s29 =	simm.s32 $0x2;
	s7 =	simm.s32 $0x640;
	[bflag:$0x0] =	sbarrier.arrive $0xFFFF  }
0xb: {  	s28 =	sadd.s32 $0x44200, s2;
	s30 =	sadd.s32 $0x2000, s2;
	[sflag:s4] =	ssyncpa.u1 $0x1  }
0xc: {  	s3 =	sshll.u32 s3, $0x7;
	s2 =	simm.s32 $0x0;
	[sflag:s26] =	ssyncpa.u1 $0x0  }
0xd: {  	s4 =	sadd.s32 s28, s3;
	(ifvalue) =	ssetifvalue $0x2400;
	[sflag:s29] =	ssyncpa.u1 $0x0  }
0xe: {  	[tilespmem:s7], [sflag:$0x2] =	stream.linear.gather [hbm4b:s4+s2], $0x400, $0x38;
	[tilespmem:$0x1240] =	vst v63  }
0xf: {  	s31 =	sadd.s32 s30, s3;
	s3 =	simm.s32 $0xE40  }
0x10: {  	[tilespmem:s3], [sflag:$0x2] =	stream.linear.gather [hbm4b:s31+s2], $0x400, $0x38;
	[tilespmem:$0x1240] =	vst v63  }
0x11: {  	_ =	swait.ge [sflag:s29], $0x800  }
0x12: {  	[sflag:s29] =	ssyncset.done $0x0  }
0x13: {  	[sflag:s29] =	ssyncadd.s32 $0xFFFFF800  }
0x14: {  	v0 =	vld.msk [tilespmem:s7+$0x0 ss:$0x1], $0xffff;
	_ =	sdelay $0x4  }
0x15: {  	v0 =	vmin.u32 v0, $0x2400;
	_ =	sdelay $0x3  }
0x16: {  	vm0 =	vmmov $0xffff;
	s5 =	simm.s32 $0x650;
	s4 =	simm.s32 $0x0  }
0x17: {  	[spmem:s2] =	stream.indirect_vreg.scatter.add.s32 [tilespmem:s3], [sflag:$0x1], $0x1, v0, vm0, $0x4038;
	[tilespmem:$0x1240] =	vst v63  }
.LBB2_1:
0x18: {  	v0 =	vld.msk [tilespmem:s5+$0x0 ss:$0x1], $0xffff;
	s4 =	sadd.s32 $0x10, s4  }
0x19: {  	p1 =	slt.u32 s4, $0x3F0;
	_ =	sdelay $0x4  }
0x1a: {  	v0 =	vmin.u32 v0, $0x2400  }
.Ltmp0:
0x1b: {  	(pc) =	sbr.rel @p1 .LBB2_1-.Ltmp0, $3  }
0x1c: {  	_ =	sdelay $0x1  }
0x1d: {  	s5 =	sadd.s32 $0x10, s5;
	s3 =	sadd.s32 $0x10, s3  }
0x1e: {  	[spmem:s2] =	stream.indirect_vreg.scatter.add.s32 [tilespmem:s3], [sflag:$0x1], $0x1, v0, vm0, $0x4038;
	[tilespmem:$0x1240] =	vst v63  }
0x1f: {  	s2 =	simm.s32 $0x1  }
0x20: {  	_ =	swait.ge [sflag:s2], $0x400  }
0x21: {  	[sflag:s2] =	ssyncset.done $0x0  }
0x22: {  	[sflag:s2] =	ssyncadd.s32 $0xFFFFFC00  }
0x23: {  	_ =	sfence.sel $0x180000  }
0x24: {  	s3 =	simm.s32 $0x2;
	[bflag:$0x0] =	sbarrier.arrive $0xFFFF  }
0x25: {  	[sflag:s3] =	ssyncpa.u1 $0x1  }
0x26: {  	[sflag:s2] =	ssyncpa.u1 $0x1  }
0x27: {  	_ =	sfence.stream.spmem  }
0x28: {  	s31 =	simm.s32 $0x3D;
	[bflag:$0x0] =	sbarrier.arrive $0xFFFF  }
0x29: {  	s2 =	simm.s32 @p0 $0x3D;
	[sflag:s31] =	ssyncpa.u1 $0x0  }
0x2a: {  	[sflag:s2] =	ssyncpa.u1 @p0 $0x1  }
0x2b: {  	[bflag:$0x0] =	sbarrier.arrive @p0 $0xFFFF  }
0x2c: {  	_ =	strace @p0 $0x9000004D  }
0x2d: {  	s3 =	simm.s32 @!p0 $0x1C3D;
	s2 =	simm.s32 @!p0 $0x0;
	[bflag:$0x2] =	sbarrier.arrive @p0 $0xFFFF  }
0x2e: {  	[hbm:s1], [sflag:s3] =	dma.local @!p0 [spmem:s2], $0x480  }
0x2f: {  	s1 =	simm.s32 @!p0 $0x3D  }
0x30: {  	_ =	swait.ge @!p0 [sflag:s1], $0x480  }
0x31: {  	[sflag:s1] =	ssyncset.done @!p0 $0x0  }
0x32: {  	[sflag:s1] =	ssyncadd.s32 @!p0 $0xFFFFFB80  }
0x33: {  	[sflag:s1] =	ssyncpa.u1 @!p0 $0x1  }
0x34: {  	[bflag:$0x0] =	sbarrier.arrive @!p0 $0xFFFF  }
0x35: {  	_ =	strace @!p0 $0x9000004D  }
0x36: {  	s0 =	sadd.s32 @!p0 $0x100000, s0;
	[bflag:$0x2] =	sbarrier.arrive @!p0 $0xFFFF  }
0x37: {  	[sflag:s0] =	ssyncadd.tile.s32 @!p0 $0x1;
	_ =	shalt  }
.Lfunc_end2:
_tile_overlayer_lowered:
.L_overlay_start_2:
0x38: {  	(tag) =	ssettag $0x2  }
0x39: {  	s0 =	rddreg [dreg:$0x0];
	s2 =	stileid.u32  }
0x3a: {  	s1 =	rddreg [dreg:$0x1];
	p0 =	sne.s32 s2, $0x0  }
0x3b: {  	s3 =	rddreg [dreg:$0x2];
	[bflag:$0x3] =	sbarrier.arrive $0xFFFF;
	s2 =	simm.s32 @!p0 $0x1C01  }
0x3c: {  	[timem:s3], [sflag:s2] =	dma.local @!p0 [hbm:s0], s1  }
0x3d: {  	s0 =	simm.s32 @!p0 $0x1  }
0x3e: {  	_ =	swait.ge @!p0 [sflag:s0], s1  }
0x3f: {  	s1 =	ssub.s32 @!p0 $0x0, s1;
	[sflag:s0] =	ssyncset.done @!p0 $0x0  }
0x40: {  	[sflag:s0] =	ssyncadd.s32 @!p0 s1  }
0x41: {  	[bflag:$0x3] =	sbarrier.arrive $0xFFFF  }
0x42: {  	_ =	shalt  }

// kernel: scatter_offload_async_start.2
scs
__scs_entry_jumppad:
0x0: {  	(pc) =	sbr.rel $0x88, $3  }
0x1: {  	(tag) =	ssettag $0x0;
	lr =	simm.s32 $0x1  }
0x2: {  	[smem:$0x3F7B] =	sst lr;
	_ =	strace $0xD0000000  }
0x3: {  	_ = 	snop  }
0x4: {  	_ = 	snop  }
0x5: {  	_ = 	snop  }
0x6: {  	_ = 	snop  }
0x7: {  	_ = 	snop  }
__scs_overlays_trampoline_lowered:
0x8: {  	[smem:$0x3F8A] =	sst s0  }
0x9: {  	[smem:$0x3F8B] =	sst s1  }
0xa: {  	[smem:$0x3F8C] =	sst s2  }
0xb: {  	[smem:$0x3F8D] =	sst s3  }
0xc: {  	[smem:$0x3F8E] =	sst s4  }
0xd: {  	[smem:$0x3F8F] =	sst s5  }
0xe: {  	[smem:$0x3F90] =	sst s6  }
0xf: {  	[smem:$0x3F91] =	sst s7  }
0x10: {  	[smem:$0x3F92] =	sst s8  }
0x11: {  	[smem:$0x3F93] =	sst s9;
	s0 =	simm.s32 @!p0 $0x0  }
0x12: {  	s1 =	sld [smem:$0x3F79];
	s0 =	simm.s32 @p0 $0x1  }
0x13: {  	[smem:$0x3F94] =	sst s0;
	s0 =	simm.s32 @!p1 $0x0  }
0x14: {  	s2 =	sld [smem:$0x3F78];
	s0 =	simm.s32 @p1 $0x1  }
0x15: {  	[smem:$0x3F95] =	sst s0;
	s0 =	simm.s32 @!p2 $0x0  }
0x16: {  	s3 =	sld [smem:$0x3FDB];
	s0 =	simm.s32 @p2 $0x1  }
0x17: {  	s4 =	simm.s32 $0x1BF5;
	[smem:$0x3F97] =	sst s0  }
0x18: {  	s0 =	sld [smem:$0x3F7A];
	_ =	swait.ge [sflag:s4], $0x0  }
0x19: {  	s7 =	sld [smem:$0x3F7B]  }
0x1a: {  	s8 =	sadd.s32 $0xFFFFE003, lr  }
0x1b: {  	s9 =	sadd.s32 $0xFFFFFEF7, lr;
	s5 =	simm.s32 $0xFFFFFFFF;
	p2 =	slt.u32 s8, $0xFFFFF086  }
0x1c: {  	p1 =	slt.u32 s9, $0xF7A;
	s5 =	simm.s32 @!p2 $0x0  }
0x1d: {  	s5 =	simm.s32 @p1 $0x1;
	p0 =	seq.s32 s7, s2  }
0x1e: {  	s7 =	smul.u32 @!p0 $0xF7A, s2;
	p2 =	seq.s32 @!p0 s5, $0x0  }
0x1f: {  	s9 =	smul.u32 $0xF7A, s1;
	s8 =	simm.s32 @!p0 $0x1BF5;
	p2 =	por !p2, p0  }
0x20: {  	[sflag:s8] =	ssyncset.s32 @!p0 $0xFFFFF086;
	s6 =	sadd.s32 @!p0 s3, s7;
	s7 =	simm.s32 @!p0 $0x108  }
0x21: {  	s3 =	sadd.s32 s3, s9;
	s6 =	sadd.s32 @!p0 $0x88, s6;
	s7 =	simm.s32 @p2 $0x1082  }
0x22: {  	[simem:s7], [sflag:s8] =	dma.local @!p0 [hbm:s6], $0xF7A  }
0x23: {  	s9 =	sor.u32 $0xD0000000, s2;
	s6 =	simm.s32 $0x108;
	_ =	swait.ge @!p0 [sflag:s8], $0x0  }
0x24: {  	s3 =	sadd.s32 $0x88, s3;
	s6 =	simm.s32 @!p1 $0x1082;
	[sflag:s4] =	ssyncset.s32 $0xFFFFF086  }
0x25: {  	[simem:s6], [sflag:s4] =	dma.local [hbm:s3], $0xF7A  }
0x26: {  	[smem:$0x3F7B] =	sst s1;
	(tag) =	ssettag s2;
	_ =	strace s9  }
0x27: {  	s1 =	sld [smem:$0x3F8B]  }
0x28: {  	s2 =	sld [smem:$0x3F8C]  }
0x29: {  	s4 =	sld [smem:$0x3F8E]  }
0x2a: {  	p0 =	seq.s32 s5, $0x0;
	s5 =	sld [smem:$0x3F8F]  }
0x2b: {  	s6 =	sld [smem:$0x3F90]  }
0x2c: {  	s7 =	sld [smem:$0x3F91]  }
0x2d: {  	s3 =	simm.s32 $0x108;
	s8 =	sld [smem:$0x3F92]  }
0x2e: {  	s3 =	simm.s32 @!p0 $0x1082;
	s9 =	sld [smem:$0x3F93]  }
0x2f: {  	lr =	sadd.s32 s0, s3;
	s0 =	sld [smem:$0x3F8A]  }
0x30: {  	s3 =	sld [smem:$0x3F8D]  }
0x31: {  	[smem:$0x3F96] =	sst s10  }
0x32: {  	s10 =	sld [smem:$0x3F94];
	_ =	sdelay $0x3  }
0x33: {  	p0 =	seq.s32 s10, $0x1;
	s10 =	sld [smem:$0x3F96];
	_ =	sdelay $0x3  }
0x34: {  	[smem:$0x3F96] =	sst s10  }
0x35: {  	s10 =	sld [smem:$0x3F95];
	_ =	sdelay $0x3  }
0x36: {  	p1 =	seq.s32 s10, $0x1;
	s10 =	sld [smem:$0x3F96];
	_ =	sdelay $0x3  }
0x37: {  	[smem:$0x3F96] =	sst s10  }
0x38: {  	s10 =	sld [smem:$0x3F97]  }
0x39: {  	_ = 	snop;
	(pc) =	sbr.ind lr, $3  }
0x3a: {  	_ = 	snop  }
0x3b: {  	_ = 	snop  }
0x3c: {  	p2 =	seq.s32 s10, $0x1;
	s10 =	sld [smem:$0x3F96]  }
0x3d: {  	_ =	shalt  }
0x3e: {  	_ =	shalt  }
0x3f: {  	_ =	shalt  }
0x40: {  	_ =	shalt  }
0x41: {  	_ =	shalt  }
0x42: {  	_ =	shalt  }
0x43: {  	_ =	shalt  }
0x44: {  	_ =	shalt  }
0x45: {  	_ =	shalt  }
0x46: {  	_ =	shalt  }
0x47: {  	_ =	shalt  }
0x48: {  	_ =	shalt  }
0x49: {  	_ =	shalt  }
0x4a: {  	_ =	shalt  }
0x4b: {  	_ =	shalt  }
0x4c: {  	_ =	shalt  }
0x4d: {  	_ =	shalt  }
0x4e: {  	_ =	shalt  }
0x4f: {  	_ =	shalt  }
0x50: {  	_ =	shalt  }
0x51: {  	_ =	shalt  }
0x52: {  	_ =	shalt  }
0x53: {  	_ =	shalt  }
0x54: {  	_ =	shalt  }
0x55: {  	_ =	shalt  }
0x56: {  	_ =	shalt  }
0x57: {  	_ =	shalt  }
0x58: {  	_ =	shalt  }
0x59: {  	_ =	shalt  }
0x5a: {  	_ =	shalt  }
0x5b: {  	_ =	shalt  }
0x5c: {  	_ =	shalt  }
0x5d: {  	_ =	shalt  }
0x5e: {  	_ =	shalt  }
0x5f: {  	_ =	shalt  }
0x60: {  	_ =	shalt  }
0x61: {  	_ =	shalt  }
0x62: {  	_ =	shalt  }
0x63: {  	_ =	shalt  }
0x64: {  	_ =	shalt  }
0x65: {  	_ =	shalt  }
0x66: {  	_ =	shalt  }
0x67: {  	_ =	shalt  }
0x68: {  	_ =	shalt  }
0x69: {  	_ =	shalt  }
0x6a: {  	_ =	shalt  }
0x6b: {  	_ =	shalt  }
0x6c: {  	_ =	shalt  }
0x6d: {  	_ =	shalt  }
0x6e: {  	_ =	shalt  }
0x6f: {  	_ =	shalt  }
0x70: {  	_ =	shalt  }
0x71: {  	_ =	shalt  }
0x72: {  	_ =	shalt  }
0x73: {  	_ =	shalt  }
0x74: {  	_ =	shalt  }
0x75: {  	_ =	shalt  }
0x76: {  	_ =	shalt  }
0x77: {  	_ =	shalt  }
0x78: {  	_ =	shalt  }
0x79: {  	_ =	shalt  }
0x7a: {  	_ =	shalt  }
0x7b: {  	_ =	shalt  }
0x7c: {  	_ =	shalt  }
0x7d: {  	_ =	shalt  }
0x7e: {  	_ =	shalt  }
0x7f: {  	_ =	shalt  }
0x80: {  	_ =	shalt  }
0x81: {  	_ =	shalt  }
0x82: {  	_ =	shalt  }
0x83: {  	_ =	shalt  }
0x84: {  	_ =	shalt  }
0x85: {  	_ =	shalt  }
0x86: {  	_ =	shalt  }
0x87: {  	_ =	shalt  }
.Lfunc_end0:
.L_simem_size_0:
called_computation.2_lowered:
.L_overlay_start_0:
0x88: {  	s0 =	sld [smem:$0x3FD9]  }
0x89: {  	s1 =	sld [smem:$0x3FFE];
	_ =	sdelay $0x3  }
0x8a: {  	s0 =	sadd.s32 s1, s0  }
0x8b: {  	[smem:$0x3FA2] =	sst s0  }
0x8c: {  	_ = 	snop  }
0x8d: {  	s0 =	sld [smem:$0x3FD0];
	(tm) =	ssettm $0x1  }
0x8e: {  	s16 =	sld [smem:$0x3FFB];
	_ =	sdelay $0x3  }
0x8f: {  	_ =	strace s16  }
0x90: {  	s1 =	sld [smem:$0x3FFC];
	_ =	sdelay $0x3  }
0x91: {  	_ =	strace s1  }
0x92: {  	s1 =	sld [smem:$0x3FFD];
	_ =	sdelay $0x3  }
0x93: {  	_ =	strace s1  }
0x94: {  	_ =	strace $0x8FFFFFFF  }
0x95: {  	s17 =	sld [smem:$0x3FDB];
	_ =	sdelay $0x1  }
0x96: {  	s2 =	simm.s32 $_scs_section_size  }
0x97: {  	s3 =	simm.s32 $_size__tile_overlayer_lowered;
	s4 =	simm.s32 $_tile_overlayer_lowered  }
0x98: {  	s20 =	simm.s32 $0x1BFF;
	s19 =	sshll.u32 s4, $0x1;
	s1 =	sadd.s32 s2, s17  }
0x99: {  	s5 =	simm.s32 $0x0;
	s18 =	sshll.u32 s3, $0x1;
	s3 =	sadd.s32 s19, s1  }
0x9a: {  	[timem:s5], [sflag:s20] =	dma.local [hbm:s3], s18  }
0x9b: {  	_ =	swait.ge [sflag:s20], s18  }
0x9c: {  	s2 =	ssub.s32 $0x0, s18;
	[sflag:s20] =	ssyncset.done $0x0  }
0x9d: {  	[sflag:s20] =	ssyncadd.s32 s2;
	_ =	sdelay $0x1  }
0x9e: {  	s21 =	simm.s32 $0x1B8B  }
0x9f: {  	_ =	swait.ge [sflag:s21], $0x1  }
0xa0: {  	[sflag:s21] =	ssyncset.done $0x0  }
0xa1: {  	s23 =	simm.s32 $0x1B8E;
	s22 =	sld [smem:$0x3FFE];
	[sflag:s21] =	ssyncadd.s32 $0xFFFFFFFF  }
0xa2: {  	s24 =	simm.s32 $execute0_lowered;
	[smem:$0x3FD2] =	sst s23  }
0xa3: {  	s3 =	sshll.u32 s24, $0x1;
	_ =	strace $0x80000052;
	[dreg:$0x1] =	wrdreg $0xFFFFFFFF  }
0xa4: {  	s25 =	simm.s32 $_size_execute0_lowered;
	s1 =	sadd.s32 s1, s3;
	[dreg:$0x0] =	wrdreg $0x0  }
0xa5: {  	s3 =	sshll.u32 s25, $0x1;
	[dreg:$0x2] =	wrdreg s1  }
0xa6: {  	[dreg:$0x3] =	wrdreg s3  }
0xa7: {  	[dreg:$0x4] =	wrdreg $0xC0  }
0xa8: {  	_ =	task [dreg:s5], $0x5FFFF  }
0xa9: {  	[dreg:$0x1] =	wrdreg $0xFFFFFFFF  }
0xaa: {  	[dreg:$0x0] =	wrdreg $0x60  }
0xab: {  	[dreg:$0x2] =	wrdreg s0  }
0xac: {  	[dreg:$0x3] =	wrdreg s22  }
0xad: {  	[dreg:$0x4] =	wrdreg $0x9  }
0xae: {  	_ =	task.clear_ibuf [dreg:s5], $0x5FFFF;
	_ =	strace $0x90000052  }
0xaf: {  	s26 =	simm.s32 $0x9;
	_ =	strace $0x80000054  }
0xb0: {  	_ =	swait.ge [sflag:s26], $0x1  }
0xb1: {  	[sflag:s26] =	ssyncadd.s32 $0xFFFFFFFF  }
0xb2: {  	_ =	strace $0x90000054  }
0xb3: {  	_ =	sfence  }
0xb4: {  	s28 =	sld [smem:$0x0];
	_ =	sdelay $0x1  }
0xb5: {  	s29 =	srdreg.scid  }
0xb6: {  	s30 =	sshll.u32 s29, $0xD;
	s31 =	sshrl.u32 s29, $0x2  }
0xb7: {  	s2 =	sand.u32 $0x4000, s30;
	s1 =	sand.u32 $0x1, s29;
	s0 =	sadd.s32 s31, s28  }
0xb8: {  	s1 =	sor.u32 s2, s1;
	s0 =	sshll.u32 s0, $0x11  }
0xb9: {  	s0 =	sor.u32 s0, s1  }
0xba: {  	s0 =	sadd.s32 $0x8F2B, s0  }
0xbb: {  	[sflag:s0] =	ssyncadd.remote.s32 $0x1  }
0xbc: {  	_ =	sfence.sel $0xFFFF  }
0xbd: {  	[dreg:$0x0] =	wrdreg $0xFFFFFFFF;
	(pc) =	sbr.abs _section_cstart, $3  }
0xbe: {  	[dreg:$0x1] =	wrdreg $0xFFFFFFFF  }
0xbf: {  	_ =	task.clear_ibuf [dreg:s5], $0x2FFFF;
	_ =	strace $0x9FFFFFFF  }
0xc0: {  	(tm) =	ssettm $0x7FFFFFFF  }
0xc1: {  	_ =	shalt  }
tec
execute0_lowered:
.L_overlay_start_1:
0x0: {  	(tag) =	ssettag $0x1  }
0x1: {  	s1 =	rddreg [dreg:$0x0]  }
0x2: {  	s2 =	rddreg [dreg:$0x1]  }
0x3: {  	s0 =	rddreg [dreg:$0x2];
	s3 =	stileid.u32  }
0x4: {  	_ =	strace $0x80000053;
	s4 =	simm.s32 $0x3E;
	p0 =	sne.s32 s3, $0x0  }
0x5: {  	[sflag:s4] =	ssyncpa.u1 $0x0;
	s5 =	simm.s32 @!p0 $0x1C3E;
	s6 =	simm.s32 @!p0 $0x0  }
0x6: {  	[spmem:s6], [sflag:s5] =	dma.local @!p0 [hbm:s1], $0x10  }
0x7: {  	s5 =	simm.s32 @!p0 $0x3E  }
0x8: {  	_ =	swait.ge @!p0 [sflag:s5], $0x10  }
0x9: {  	[sflag:s5] =	ssyncset.done @!p0 $0x0  }
0xa: {  	s26 =	simm.s32 $0x1;
	[sflag:s5] =	ssyncadd.s32 @!p0 $0xFFFFFFF0  }
0xb: {  	s28 =	simm.s32 $0x2;
	s7 =	simm.s32 $0x228;
	[bflag:$0x0] =	sbarrier.arrive $0xFFFF  }
0xc: {  	s3 =	smul.u32 $0x44, s3;
	s29 =	sadd.s32 $0x44200, s2;
	[sflag:s4] =	ssyncpa.u1 $0x1  }
0xd: {  	s30 =	sadd.s32 $0x44A00, s2;
	s2 =	simm.s32 $0x0;
	[sflag:s26] =	ssyncpa.u1 $0x0  }
0xe: {  	s5 =	sadd.s32 s29, s3;
	(ifvalue) =	ssetifvalue $0x80;
	[sflag:s28] =	ssyncpa.u1 $0x0  }
0xf: {  	[tilespmem:s7], [sflag:$0x2] =	stream.linear.gather [hbm4b:s5+s2], $0x220, $0x38;
	[tilespmem:$0x888] =	vst v63  }
0x10: {  	s31 =	sadd.s32 s30, s3;
	s3 =	simm.s32 $0x668  }
0x11: {  	[tilespmem:s3], [sflag:$0x2] =	stream.linear.gather [hbm4b:s31+s2], $0x220, $0x38;
	[tilespmem:$0x888] =	vst v63  }
0x12: {  	_ =	swait.ge [sflag:s28], $0x440  }
0x13: {  	[sflag:s28] =	ssyncset.done $0x0  }
0x14: {  	[sflag:s28] =	ssyncadd.s32 $0xFFFFFBC0  }
0x15: {  	v0 =	vld.msk [tilespmem:s7+$0x0 ss:$0x1], $0xffff;
	_ =	sdelay $0x4  }
0x16: {  	v0 =	vmin.u32 v0, $0x80;
	_ =	sdelay $0x3  }
0x17: {  	vm0 =	vmmov $0xffff;
	s4 =	simm.s32 $0x0;
	s5 =	simm.s32 $0x238  }
0x18: {  	[spmem:s2] =	stream.indirect_vreg.scatter.add.s32 [tilespmem:s3], [sflag:$0x1], $0x1, v0, vm0, $0x4038;
	[tilespmem:$0x888] =	vst v63  }
.LBB2_1:
0x19: {  	v0 =	vld.msk [tilespmem:s5+$0x0 ss:$0x1], $0xffff;
	s4 =	sadd.s32 $0x10, s4  }
0x1a: {  	p1 =	slt.u32 s4, $0x210;
	_ =	sdelay $0x4  }
0x1b: {  	v0 =	vmin.u32 v0, $0x80  }
.Ltmp0:
0x1c: {  	(pc) =	sbr.rel @p1 .LBB2_1-.Ltmp0, $3  }
0x1d: {  	_ =	sdelay $0x1  }
0x1e: {  	s5 =	sadd.s32 $0x10, s5;
	s3 =	sadd.s32 $0x10, s3  }
0x1f: {  	[spmem:s2] =	stream.indirect_vreg.scatter.add.s32 [tilespmem:s3], [sflag:$0x1], $0x1, v0, vm0, $0x4038;
	[tilespmem:$0x888] =	vst v63  }
0x20: {  	s2 =	simm.s32 $0x1  }
0x21: {  	_ =	swait.ge [sflag:s2], $0x220  }
0x22: {  	[sflag:s2] =	ssyncset.done $0x0  }
0x23: {  	[sflag:s2] =	ssyncadd.s32 $0xFFFFFDE0  }
0x24: {  	_ =	sfence.sel $0x180000  }
0x25: {  	s3 =	simm.s32 $0x2;
	[bflag:$0x0] =	sbarrier.arrive $0xFFFF  }
0x26: {  	[sflag:s3] =	ssyncpa.u1 $0x1  }
0x27: {  	[sflag:s2] =	ssyncpa.u1 $0x1  }
0x28: {  	_ =	sfence.stream.spmem  }
0x29: {  	s31 =	simm.s32 $0x3D;
	[bflag:$0x0] =	sbarrier.arrive $0xFFFF  }
0x2a: {  	s2 =	simm.s32 @p0 $0x3D;
	[sflag:s31] =	ssyncpa.u1 $0x0  }
0x2b: {  	[sflag:s2] =	ssyncpa.u1 @p0 $0x1  }
0x2c: {  	[bflag:$0x0] =	sbarrier.arrive @p0 $0xFFFF  }
0x2d: {  	_ =	strace @p0 $0x90000053  }
0x2e: {  	s3 =	simm.s32 @!p0 $0x1C3D;
	s2 =	simm.s32 @!p0 $0x0;
	[bflag:$0x2] =	sbarrier.arrive @p0 $0xFFFF  }
0x2f: {  	[hbm:s1], [sflag:s3] =	dma.local @!p0 [spmem:s2], $0x10  }
0x30: {  	s1 =	simm.s32 @!p0 $0x3D  }
0x31: {  	_ =	swait.ge @!p0 [sflag:s1], $0x10  }
0x32: {  	[sflag:s1] =	ssyncset.done @!p0 $0x0  }
0x33: {  	[sflag:s1] =	ssyncadd.s32 @!p0 $0xFFFFFFF0  }
0x34: {  	[sflag:s1] =	ssyncpa.u1 @!p0 $0x1  }
0x35: {  	[bflag:$0x0] =	sbarrier.arrive @!p0 $0xFFFF  }
0x36: {  	_ =	strace @!p0 $0x90000053  }
0x37: {  	s0 =	sadd.s32 @!p0 $0x100000, s0;
	[bflag:$0x2] =	sbarrier.arrive @!p0 $0xFFFF  }
0x38: {  	[sflag:s0] =	ssyncadd.tile.s32 @!p0 $0x1;
	_ =	shalt  }
.Lfunc_end2:
_tile_overlayer_lowered:
.L_overlay_start_2:
0x39: {  	(tag) =	ssettag $0x2  }
0x3a: {  	s0 =	rddreg [dreg:$0x0];
	s2 =	stileid.u32  }
0x3b: {  	s1 =	rddreg [dreg:$0x1];
	p0 =	sne.s32 s2, $0x0  }
0x3c: {  	s3 =	rddreg [dreg:$0x2];
	[bflag:$0x3] =	sbarrier.arrive $0xFFFF;
	s2 =	simm.s32 @!p0 $0x1C01  }
0x3d: {  	[timem:s3], [sflag:s2] =	dma.local @!p0 [hbm:s0], s1  }
0x3e: {  	s0 =	simm.s32 @!p0 $0x1  }
0x3f: {  	_ =	swait.ge @!p0 [sflag:s0], s1  }
0x40: {  	s1 =	ssub.s32 @!p0 $0x0, s1;
	[sflag:s0] =	ssyncset.done @!p0 $0x0  }
0x41: {  	[sflag:s0] =	ssyncadd.s32 @!p0 s1  }
0x42: {  	[bflag:$0x3] =	sbarrier.arrive $0xFFFF  }
0x43: {  	_ =	shalt  }

// kernel: scatter_offload_async_start.3
scs
__scs_entry_jumppad:
0x0: {  	(pc) =	sbr.rel $0x88, $3  }
0x1: {  	(tag) =	ssettag $0x0;
	lr =	simm.s32 $0x1  }
0x2: {  	[smem:$0x3F7B] =	sst lr;
	_ =	strace $0xD0000000  }
0x3: {  	_ = 	snop  }
0x4: {  	_ = 	snop  }
0x5: {  	_ = 	snop  }
0x6: {  	_ = 	snop  }
0x7: {  	_ = 	snop  }
__scs_overlays_trampoline_lowered:
0x8: {  	[smem:$0x3F8A] =	sst s0  }
0x9: {  	[smem:$0x3F8B] =	sst s1  }
0xa: {  	[smem:$0x3F8C] =	sst s2  }
0xb: {  	[smem:$0x3F8D] =	sst s3  }
0xc: {  	[smem:$0x3F8E] =	sst s4  }
0xd: {  	[smem:$0x3F8F] =	sst s5  }
0xe: {  	[smem:$0x3F90] =	sst s6  }
0xf: {  	[smem:$0x3F91] =	sst s7  }
0x10: {  	[smem:$0x3F92] =	sst s8  }
0x11: {  	[smem:$0x3F93] =	sst s9;
	s0 =	simm.s32 @!p0 $0x0  }
0x12: {  	s1 =	sld [smem:$0x3F79];
	s0 =	simm.s32 @p0 $0x1  }
0x13: {  	[smem:$0x3F94] =	sst s0;
	s0 =	simm.s32 @!p1 $0x0  }
0x14: {  	s2 =	sld [smem:$0x3F78];
	s0 =	simm.s32 @p1 $0x1  }
0x15: {  	[smem:$0x3F95] =	sst s0;
	s0 =	simm.s32 @!p2 $0x0  }
0x16: {  	s3 =	sld [smem:$0x3FDB];
	s0 =	simm.s32 @p2 $0x1  }
0x17: {  	s4 =	simm.s32 $0x1BF5;
	[smem:$0x3F97] =	sst s0  }
0x18: {  	s0 =	sld [smem:$0x3F7A];
	_ =	swait.ge [sflag:s4], $0x0  }
0x19: {  	s7 =	sld [smem:$0x3F7B]  }
0x1a: {  	s8 =	sadd.s32 $0xFFFFE003, lr  }
0x1b: {  	s9 =	sadd.s32 $0xFFFFFEF7, lr;
	s5 =	simm.s32 $0xFFFFFFFF;
	p2 =	slt.u32 s8, $0xFFFFF086  }
0x1c: {  	p1 =	slt.u32 s9, $0xF7A;
	s5 =	simm.s32 @!p2 $0x0  }
0x1d: {  	s5 =	simm.s32 @p1 $0x1;
	p0 =	seq.s32 s7, s2  }
0x1e: {  	s7 =	smul.u32 @!p0 $0xF7A, s2;
	p2 =	seq.s32 @!p0 s5, $0x0  }
0x1f: {  	s9 =	smul.u32 $0xF7A, s1;
	s8 =	simm.s32 @!p0 $0x1BF5;
	p2 =	por !p2, p0  }
0x20: {  	[sflag:s8] =	ssyncset.s32 @!p0 $0xFFFFF086;
	s6 =	sadd.s32 @!p0 s3, s7;
	s7 =	simm.s32 @!p0 $0x108  }
0x21: {  	s3 =	sadd.s32 s3, s9;
	s6 =	sadd.s32 @!p0 $0x88, s6;
	s7 =	simm.s32 @p2 $0x1082  }
0x22: {  	[simem:s7], [sflag:s8] =	dma.local @!p0 [hbm:s6], $0xF7A  }
0x23: {  	s9 =	sor.u32 $0xD0000000, s2;
	s6 =	simm.s32 $0x108;
	_ =	swait.ge @!p0 [sflag:s8], $0x0  }
0x24: {  	s3 =	sadd.s32 $0x88, s3;
	s6 =	simm.s32 @!p1 $0x1082;
	[sflag:s4] =	ssyncset.s32 $0xFFFFF086  }
0x25: {  	[simem:s6], [sflag:s4] =	dma.local [hbm:s3], $0xF7A  }
0x26: {  	[smem:$0x3F7B] =	sst s1;
	(tag) =	ssettag s2;
	_ =	strace s9  }
0x27: {  	s1 =	sld [smem:$0x3F8B]  }
0x28: {  	s2 =	sld [smem:$0x3F8C]  }
0x29: {  	s4 =	sld [smem:$0x3F8E]  }
0x2a: {  	p0 =	seq.s32 s5, $0x0;
	s5 =	sld [smem:$0x3F8F]  }
0x2b: {  	s6 =	sld [smem:$0x3F90]  }
0x2c: {  	s7 =	sld [smem:$0x3F91]  }
0x2d: {  	s3 =	simm.s32 $0x108;
	s8 =	sld [smem:$0x3F92]  }
0x2e: {  	s3 =	simm.s32 @!p0 $0x1082;
	s9 =	sld [smem:$0x3F93]  }
0x2f: {  	lr =	sadd.s32 s0, s3;
	s0 =	sld [smem:$0x3F8A]  }
0x30: {  	s3 =	sld [smem:$0x3F8D]  }
0x31: {  	[smem:$0x3F96] =	sst s10  }
0x32: {  	s10 =	sld [smem:$0x3F94];
	_ =	sdelay $0x3  }
0x33: {  	p0 =	seq.s32 s10, $0x1;
	s10 =	sld [smem:$0x3F96];
	_ =	sdelay $0x3  }
0x34: {  	[smem:$0x3F96] =	sst s10  }
0x35: {  	s10 =	sld [smem:$0x3F95];
	_ =	sdelay $0x3  }
0x36: {  	p1 =	seq.s32 s10, $0x1;
	s10 =	sld [smem:$0x3F96];
	_ =	sdelay $0x3  }
0x37: {  	[smem:$0x3F96] =	sst s10  }
0x38: {  	s10 =	sld [smem:$0x3F97]  }
0x39: {  	_ = 	snop;
	(pc) =	sbr.ind lr, $3  }
0x3a: {  	_ = 	snop  }
0x3b: {  	_ = 	snop  }
0x3c: {  	p2 =	seq.s32 s10, $0x1;
	s10 =	sld [smem:$0x3F96]  }
0x3d: {  	_ =	shalt  }
0x3e: {  	_ =	shalt  }
0x3f: {  	_ =	shalt  }
0x40: {  	_ =	shalt  }
0x41: {  	_ =	shalt  }
0x42: {  	_ =	shalt  }
0x43: {  	_ =	shalt  }
0x44: {  	_ =	shalt  }
0x45: {  	_ =	shalt  }
0x46: {  	_ =	shalt  }
0x47: {  	_ =	shalt  }
0x48: {  	_ =	shalt  }
0x49: {  	_ =	shalt  }
0x4a: {  	_ =	shalt  }
0x4b: {  	_ =	shalt  }
0x4c: {  	_ =	shalt  }
0x4d: {  	_ =	shalt  }
0x4e: {  	_ =	shalt  }
0x4f: {  	_ =	shalt  }
0x50: {  	_ =	shalt  }
0x51: {  	_ =	shalt  }
0x52: {  	_ =	shalt  }
0x53: {  	_ =	shalt  }
0x54: {  	_ =	shalt  }
0x55: {  	_ =	shalt  }
0x56: {  	_ =	shalt  }
0x57: {  	_ =	shalt  }
0x58: {  	_ =	shalt  }
0x59: {  	_ =	shalt  }
0x5a: {  	_ =	shalt  }
0x5b: {  	_ =	shalt  }
0x5c: {  	_ =	shalt  }
0x5d: {  	_ =	shalt  }
0x5e: {  	_ =	shalt  }
0x5f: {  	_ =	shalt  }
0x60: {  	_ =	shalt  }
0x61: {  	_ =	shalt  }
0x62: {  	_ =	shalt  }
0x63: {  	_ =	shalt  }
0x64: {  	_ =	shalt  }
0x65: {  	_ =	shalt  }
0x66: {  	_ =	shalt  }
0x67: {  	_ =	shalt  }
0x68: {  	_ =	shalt  }
0x69: {  	_ =	shalt  }
0x6a: {  	_ =	shalt  }
0x6b: {  	_ =	shalt  }
0x6c: {  	_ =	shalt  }
0x6d: {  	_ =	shalt  }
0x6e: {  	_ =	shalt  }
0x6f: {  	_ =	shalt  }
0x70: {  	_ =	shalt  }
0x71: {  	_ =	shalt  }
0x72: {  	_ =	shalt  }
0x73: {  	_ =	shalt  }
0x74: {  	_ =	shalt  }
0x75: {  	_ =	shalt  }
0x76: {  	_ =	shalt  }
0x77: {  	_ =	shalt  }
0x78: {  	_ =	shalt  }
0x79: {  	_ =	shalt  }
0x7a: {  	_ =	shalt  }
0x7b: {  	_ =	shalt  }
0x7c: {  	_ =	shalt  }
0x7d: {  	_ =	shalt  }
0x7e: {  	_ =	shalt  }
0x7f: {  	_ =	shalt  }
0x80: {  	_ =	shalt  }
0x81: {  	_ =	shalt  }
0x82: {  	_ =	shalt  }
0x83: {  	_ =	shalt  }
0x84: {  	_ =	shalt  }
0x85: {  	_ =	shalt  }
0x86: {  	_ =	shalt  }
0x87: {  	_ =	shalt  }
.Lfunc_end0:
.L_simem_size_0:
called_computation.3_lowered:
.L_overlay_start_0:
0x88: {  	s0 =	sld [smem:$0x3FD9]  }
0x89: {  	s1 =	sld [smem:$0x3FFE];
	_ =	sdelay $0x3  }
0x8a: {  	s0 =	sadd.s32 s1, s0  }
0x8b: {  	[smem:$0x3FA2] =	sst s0  }
0x8c: {  	_ = 	snop  }
0x8d: {  	(tm) =	ssettm $0x1  }
0x8e: {  	s15 =	sld [smem:$0x3FFB];
	_ =	sdelay $0x3  }
0x8f: {  	_ =	strace s15  }
0x90: {  	s0 =	sld [smem:$0x3FFC];
	_ =	sdelay $0x3  }
0x91: {  	_ =	strace s0  }
0x92: {  	s0 =	sld [smem:$0x3FFD];
	_ =	sdelay $0x3  }
0x93: {  	_ =	strace s0  }
0x94: {  	_ =	strace $0x8FFFFFFF  }
0x95: {  	s16 =	sld [smem:$0x3FDB];
	_ =	sdelay $0x1  }
0x96: {  	s17 =	simm.s32 $_scs_section_size  }
0x97: {  	s2 =	simm.s32 $_size__tile_overlayer_lowered;
	s3 =	simm.s32 $_tile_overlayer_lowered  }
0x98: {  	s20 =	simm.s32 $0x1BFF;
	s19 =	sshll.u32 s3, $0x1;
	s0 =	sadd.s32 s17, s16  }
0x99: {  	s4 =	simm.s32 $0x0;
	s18 =	sshll.u32 s2, $0x1;
	s2 =	sadd.s32 s19, s0  }
0x9a: {  	[timem:s4], [sflag:s20] =	dma.local [hbm:s2], s18  }
0x9b: {  	_ =	swait.ge [sflag:s20], s18  }
0x9c: {  	s1 =	ssub.s32 $0x0, s18;
	[sflag:s20] =	ssyncset.done $0x0  }
0x9d: {  	[sflag:s20] =	ssyncadd.s32 s1;
	_ =	sdelay $0x1  }
0x9e: {  	s21 =	simm.s32 $0x1B8B  }
0x9f: {  	_ =	swait.ge [sflag:s21], $0x1  }
0xa0: {  	[sflag:s21] =	ssyncset.done $0x0  }
0xa1: {  	s23 =	simm.s32 $0x1B8E;
	s22 =	sld [smem:$0x3FFE];
	[sflag:s21] =	ssyncadd.s32 $0xFFFFFFFF  }
0xa2: {  	s24 =	simm.s32 $execute0_lowered;
	[smem:$0x3FD2] =	sst s23  }
0xa3: {  	s2 =	sshll.u32 s24, $0x1;
	_ =	strace $0x80000055;
	[dreg:$0x1] =	wrdreg $0xFFFFFFFF  }
0xa4: {  	s25 =	simm.s32 $_size_execute0_lowered;
	s0 =	sadd.s32 s0, s2;
	[dreg:$0x0] =	wrdreg $0x0  }
0xa5: {  	s2 =	sshll.u32 s25, $0x1;
	[dreg:$0x2] =	wrdreg s0  }
0xa6: {  	[dreg:$0x3] =	wrdreg s2  }
0xa7: {  	[dreg:$0x4] =	wrdreg $0xC0  }
0xa8: {  	_ =	task [dreg:s4], $0x5FFFF  }
0xa9: {  	[dreg:$0x1] =	wrdreg $0xFFFFFFFF  }
0xaa: {  	[dreg:$0x0] =	wrdreg $0x60  }
0xab: {  	[dreg:$0x2] =	wrdreg s22  }
0xac: {  	[dreg:$0x3] =	wrdreg $0x9  }
0xad: {  	_ =	task.clear_ibuf [dreg:s4], $0x4FFFF;
	_ =	strace $0x90000055  }
0xae: {  	s26 =	simm.s32 $0x9;
	_ =	strace $0x80000057  }
0xaf: {  	_ =	swait.ge [sflag:s26], $0x1  }
0xb0: {  	[sflag:s26] =	ssyncadd.s32 $0xFFFFFFFF  }
0xb1: {  	_ =	strace $0x90000057  }
0xb2: {  	_ =	sfence  }
0xb3: {  	s28 =	sld [smem:$0x0];
	_ =	sdelay $0x1  }
0xb4: {  	s29 =	srdreg.scid  }
0xb5: {  	s30 =	sshll.u32 s29, $0xD;
	s31 =	sshrl.u32 s29, $0x2  }
0xb6: {  	s1 =	sand.u32 $0x1, s29;
	s2 =	sand.u32 $0x4000, s30;
	s0 =	sadd.s32 s31, s28  }
0xb7: {  	s1 =	sor.u32 s2, s1;
	s0 =	sshll.u32 s0, $0x11  }
0xb8: {  	s0 =	sor.u32 s0, s1  }
0xb9: {  	s0 =	sadd.s32 $0x8F2B, s0  }
0xba: {  	[sflag:s0] =	ssyncadd.remote.s32 $0x1  }
0xbb: {  	_ =	sfence.sel $0xFFFF  }
0xbc: {  	[dreg:$0x0] =	wrdreg $0xFFFFFFFF;
	(pc) =	sbr.abs _section_cstart, $3  }
0xbd: {  	[dreg:$0x1] =	wrdreg $0xFFFFFFFF  }
0xbe: {  	_ =	task.clear_ibuf [dreg:s4], $0x2FFFF;
	_ =	strace $0x9FFFFFFF  }
0xbf: {  	(tm) =	ssettm $0x7FFFFFFF  }
tec
execute0_lowered:
.L_overlay_start_1:
0x0: {  	(tag) =	ssettag $0x1  }
0x1: {  	s2 =	rddreg [dreg:$0x0]  }
0x2: {  	s0 =	rddreg [dreg:$0x1];
	_ =	strace $0x80000056;
	s3 =	stileid.u32  }
0x3: {  	s4 =	simm.s32 $0x3E;
	s1 =	sadd.s32 $0x43C00, s2;
	p0 =	sne.s32 s3, $0x0  }
0x4: {  	[sflag:s4] =	ssyncpa.u1 $0x0;
	s5 =	simm.s32 @!p0 $0x1C3E;
	s6 =	simm.s32 @!p0 $0x0  }
0x5: {  	[spmem:s6], [sflag:s5] =	dma.local @!p0 [hbm:s1], $0x180  }
0x6: {  	s5 =	simm.s32 @!p0 $0x3E  }
0x7: {  	_ =	swait.ge @!p0 [sflag:s5], $0x180  }
0x8: {  	[sflag:s5] =	ssyncset.done @!p0 $0x0  }
0x9: {  	s26 =	simm.s32 $0x1;
	[sflag:s5] =	ssyncadd.s32 @!p0 $0xFFFFFE80  }
0xa: {  	s28 =	simm.s32 $0x2;
	s7 =	simm.s32 $0x2E0;
	[bflag:$0x0] =	sbarrier.arrive $0xFFFF  }
0xb: {  	s3 =	smul.u32 $0x44, s3;
	s29 =	sadd.s32 $0x43000, s2;
	[sflag:s4] =	ssyncpa.u1 $0x1  }
0xc: {  	s30 =	sadd.s32 $0x43600, s2;
	s2 =	simm.s32 $0x0;
	[sflag:s26] =	ssyncpa.u1 $0x0  }
0xd: {  	s5 =	sadd.s32 s29, s3;
	(ifvalue) =	ssetifvalue $0xC00;
	[sflag:s28] =	ssyncpa.u1 $0x0  }
0xe: {  	[tilespmem:s7], [sflag:$0x2] =	stream.linear.gather [hbm4b:s5+s2], $0x220, $0x38;
	[tilespmem:$0x940] =	vst v63  }
0xf: {  	s31 =	sadd.s32 s30, s3;
	s3 =	simm.s32 $0x720  }
0x10: {  	[tilespmem:s3], [sflag:$0x2] =	stream.linear.gather [hbm4b:s31+s2], $0x220, $0x38;
	[tilespmem:$0x940] =	vst v63  }
0x11: {  	_ =	swait.ge [sflag:s28], $0x440  }
0x12: {  	[sflag:s28] =	ssyncset.done $0x0  }
0x13: {  	[sflag:s28] =	ssyncadd.s32 $0xFFFFFBC0  }
0x14: {  	v0 =	vld.msk [tilespmem:s7+$0x0 ss:$0x1], $0xffff;
	_ =	sdelay $0x4  }
0x15: {  	v0 =	vmin.u32 v0, $0xC00;
	_ =	sdelay $0x3  }
0x16: {  	vm0 =	vmmov $0xffff;
	s4 =	simm.s32 $0x0;
	s5 =	simm.s32 $0x2F0  }
0x17: {  	[spmem:s2] =	stream.indirect_vreg.scatter.add.s32 [tilespmem:s3], [sflag:$0x1], $0x1, v0, vm0, $0x4038;
	[tilespmem:$0x940] =	vst v63  }
.LBB2_1:
0x18: {  	v0 =	vld.msk [tilespmem:s5+$0x0 ss:$0x1], $0xffff;
	s4 =	sadd.s32 $0x10, s4  }
0x19: {  	p1 =	slt.u32 s4, $0x210;
	_ =	sdelay $0x4  }
0x1a: {  	v0 =	vmin.u32 v0, $0xC00  }
.Ltmp0:
0x1b: {  	(pc) =	sbr.rel @p1 .LBB2_1-.Ltmp0, $3  }
0x1c: {  	_ =	sdelay $0x1  }
0x1d: {  	s5 =	sadd.s32 $0x10, s5;
	s3 =	sadd.s32 $0x10, s3  }
0x1e: {  	[spmem:s2] =	stream.indirect_vreg.scatter.add.s32 [tilespmem:s3], [sflag:$0x1], $0x1, v0, vm0, $0x4038;
	[tilespmem:$0x940] =	vst v63  }
0x1f: {  	s2 =	simm.s32 $0x1  }
0x20: {  	_ =	swait.ge [sflag:s2], $0x220  }
0x21: {  	[sflag:s2] =	ssyncset.done $0x0  }
0x22: {  	[sflag:s2] =	ssyncadd.s32 $0xFFFFFDE0  }
0x23: {  	_ =	sfence.sel $0x180000  }
0x24: {  	s3 =	simm.s32 $0x2;
	[bflag:$0x0] =	sbarrier.arrive $0xFFFF  }
0x25: {  	[sflag:s3] =	ssyncpa.u1 $0x1  }
0x26: {  	[sflag:s2] =	ssyncpa.u1 $0x1  }
0x27: {  	_ =	sfence.stream.spmem  }
0x28: {  	s31 =	simm.s32 $0x3D;
	[bflag:$0x0] =	sbarrier.arrive $0xFFFF  }
0x29: {  	s2 =	simm.s32 @p0 $0x3D;
	[sflag:s31] =	ssyncpa.u1 $0x0  }
0x2a: {  	[sflag:s2] =	ssyncpa.u1 @p0 $0x1  }
0x2b: {  	[bflag:$0x0] =	sbarrier.arrive @p0 $0xFFFF  }
0x2c: {  	_ =	strace @p0 $0x90000056  }
0x2d: {  	s3 =	simm.s32 @!p0 $0x1C3D;
	s2 =	simm.s32 @!p0 $0x0;
	[bflag:$0x2] =	sbarrier.arrive @p0 $0xFFFF  }
0x2e: {  	[hbm:s1], [sflag:s3] =	dma.local @!p0 [spmem:s2], $0x180  }
0x2f: {  	s1 =	simm.s32 @!p0 $0x3D  }
0x30: {  	_ =	swait.ge @!p0 [sflag:s1], $0x180  }
0x31: {  	[sflag:s1] =	ssyncset.done @!p0 $0x0  }
0x32: {  	[sflag:s1] =	ssyncadd.s32 @!p0 $0xFFFFFE80  }
0x33: {  	[sflag:s1] =	ssyncpa.u1 @!p0 $0x1  }
0x34: {  	[bflag:$0x0] =	sbarrier.arrive @!p0 $0xFFFF  }
0x35: {  	_ =	strace @!p0 $0x90000056  }
0x36: {  	s0 =	sadd.s32 @!p0 $0x100000, s0;
	[bflag:$0x2] =	sbarrier.arrive @!p0 $0xFFFF  }
0x37: {  	[sflag:s0] =	ssyncadd.tile.s32 @!p0 $0x1;
	_ =	shalt  }
.Lfunc_end2:
_tile_overlayer_lowered:
.L_overlay_start_2:
0x38: {  	(tag) =	ssettag $0x2  }
0x39: {  	s0 =	rddreg [dreg:$0x0];
	s2 =	stileid.u32  }
0x3a: {  	s1 =	rddreg [dreg:$0x1];
	p0 =	sne.s32 s2, $0x0  }
0x3b: {  	s3 =	rddreg [dreg:$0x2];
	[bflag:$0x3] =	sbarrier.arrive $0xFFFF;
	s2 =	simm.s32 @!p0 $0x1C01  }
0x3c: {  	[timem:s3], [sflag:s2] =	dma.local @!p0 [hbm:s0], s1  }
0x3d: {  	s0 =	simm.s32 @!p0 $0x1  }
0x3e: {  	_ =	swait.ge @!p0 [sflag:s0], s1  }
0x3f: {  	s1 =	ssub.s32 @!p0 $0x0, s1;
	[sflag:s0] =	ssyncset.done @!p0 $0x0  }
0x40: {  	[sflag:s0] =	ssyncadd.s32 @!p0 s1  }
0x41: {  	[bflag:$0x3] =	sbarrier.arrive $0xFFFF  }
0x42: {  	_ =	shalt  }

// kernel: scatter_offload_async_start
scs
__scs_entry_jumppad:
0x0: {  	(pc) =	sbr.rel $0x88, $3  }
0x1: {  	(tag) =	ssettag $0x0;
	lr =	simm.s32 $0x1  }
0x2: {  	[smem:$0x3F7B] =	sst lr;
	_ =	strace $0xD0000000  }
0x3: {  	_ = 	snop  }
0x4: {  	_ = 	snop  }
0x5: {  	_ = 	snop  }
0x6: {  	_ = 	snop  }
0x7: {  	_ = 	snop  }
__scs_overlays_trampoline_lowered:
0x8: {  	[smem:$0x3F8A] =	sst s0  }
0x9: {  	[smem:$0x3F8B] =	sst s1  }
0xa: {  	[smem:$0x3F8C] =	sst s2  }
0xb: {  	[smem:$0x3F8D] =	sst s3  }
0xc: {  	[smem:$0x3F8E] =	sst s4  }
0xd: {  	[smem:$0x3F8F] =	sst s5  }
0xe: {  	[smem:$0x3F90] =	sst s6  }
0xf: {  	[smem:$0x3F91] =	sst s7  }
0x10: {  	[smem:$0x3F92] =	sst s8  }
0x11: {  	[smem:$0x3F93] =	sst s9;
	s0 =	simm.s32 @!p0 $0x0  }
0x12: {  	s1 =	sld [smem:$0x3F79];
	s0 =	simm.s32 @p0 $0x1  }
0x13: {  	[smem:$0x3F94] =	sst s0;
	s0 =	simm.s32 @!p1 $0x0  }
0x14: {  	s2 =	sld [smem:$0x3F78];
	s0 =	simm.s32 @p1 $0x1  }
0x15: {  	[smem:$0x3F95] =	sst s0;
	s0 =	simm.s32 @!p2 $0x0  }
0x16: {  	s3 =	sld [smem:$0x3FDB];
	s0 =	simm.s32 @p2 $0x1  }
0x17: {  	s4 =	simm.s32 $0x1BF5;
	[smem:$0x3F97] =	sst s0  }
0x18: {  	s0 =	sld [smem:$0x3F7A];
	_ =	swait.ge [sflag:s4], $0x0  }
0x19: {  	s7 =	sld [smem:$0x3F7B]  }
0x1a: {  	s8 =	sadd.s32 $0xFFFFE003, lr  }
0x1b: {  	s9 =	sadd.s32 $0xFFFFFEF7, lr;
	s5 =	simm.s32 $0xFFFFFFFF;
	p2 =	slt.u32 s8, $0xFFFFF086  }
0x1c: {  	p1 =	slt.u32 s9, $0xF7A;
	s5 =	simm.s32 @!p2 $0x0  }
0x1d: {  	s5 =	simm.s32 @p1 $0x1;
	p0 =	seq.s32 s7, s2  }
0x1e: {  	s7 =	smul.u32 @!p0 $0xF7A, s2;
	p2 =	seq.s32 @!p0 s5, $0x0  }
0x1f: {  	s9 =	smul.u32 $0xF7A, s1;
	s8 =	simm.s32 @!p0 $0x1BF5;
	p2 =	por !p2, p0  }
0x20: {  	[sflag:s8] =	ssyncset.s32 @!p0 $0xFFFFF086;
	s6 =	sadd.s32 @!p0 s3, s7;
	s7 =	simm.s32 @!p0 $0x108  }
0x21: {  	s3 =	sadd.s32 s3, s9;
	s6 =	sadd.s32 @!p0 $0x88, s6;
	s7 =	simm.s32 @p2 $0x1082  }
0x22: {  	[simem:s7], [sflag:s8] =	dma.local @!p0 [hbm:s6], $0xF7A  }
0x23: {  	s9 =	sor.u32 $0xD0000000, s2;
	s6 =	simm.s32 $0x108;
	_ =	swait.ge @!p0 [sflag:s8], $0x0  }
0x24: {  	s3 =	sadd.s32 $0x88, s3;
	s6 =	simm.s32 @!p1 $0x1082;
	[sflag:s4] =	ssyncset.s32 $0xFFFFF086  }
0x25: {  	[simem:s6], [sflag:s4] =	dma.local [hbm:s3], $0xF7A  }
0x26: {  	[smem:$0x3F7B] =	sst s1;
	(tag) =	ssettag s2;
	_ =	strace s9  }
0x27: {  	s1 =	sld [smem:$0x3F8B]  }
0x28: {  	s2 =	sld [smem:$0x3F8C]  }
0x29: {  	s4 =	sld [smem:$0x3F8E]  }
0x2a: {  	p0 =	seq.s32 s5, $0x0;
	s5 =	sld [smem:$0x3F8F]  }
0x2b: {  	s6 =	sld [smem:$0x3F90]  }
0x2c: {  	s7 =	sld [smem:$0x3F91]  }
0x2d: {  	s3 =	simm.s32 $0x108;
	s8 =	sld [smem:$0x3F92]  }
0x2e: {  	s3 =	simm.s32 @!p0 $0x1082;
	s9 =	sld [smem:$0x3F93]  }
0x2f: {  	lr =	sadd.s32 s0, s3;
	s0 =	sld [smem:$0x3F8A]  }
0x30: {  	s3 =	sld [smem:$0x3F8D]  }
0x31: {  	[smem:$0x3F96] =	sst s10  }
0x32: {  	s10 =	sld [smem:$0x3F94];
	_ =	sdelay $0x3  }
0x33: {  	p0 =	seq.s32 s10, $0x1;
	s10 =	sld [smem:$0x3F96];
	_ =	sdelay $0x3  }
0x34: {  	[smem:$0x3F96] =	sst s10  }
0x35: {  	s10 =	sld [smem:$0x3F95];
	_ =	sdelay $0x3  }
0x36: {  	p1 =	seq.s32 s10, $0x1;
	s10 =	sld [smem:$0x3F96];
	_ =	sdelay $0x3  }
0x37: {  	[smem:$0x3F96] =	sst s10  }
0x38: {  	s10 =	sld [smem:$0x3F97]  }
0x39: {  	_ = 	snop;
	(pc) =	sbr.ind lr, $3  }
0x3a: {  	_ = 	snop  }
0x3b: {  	_ = 	snop  }
0x3c: {  	p2 =	seq.s32 s10, $0x1;
	s10 =	sld [smem:$0x3F96]  }
0x3d: {  	_ =	shalt  }
0x3e: {  	_ =	shalt  }
0x3f: {  	_ =	shalt  }
0x40: {  	_ =	shalt  }
0x41: {  	_ =	shalt  }
0x42: {  	_ =	shalt  }
0x43: {  	_ =	shalt  }
0x44: {  	_ =	shalt  }
0x45: {  	_ =	shalt  }
0x46: {  	_ =	shalt  }
0x47: {  	_ =	shalt  }
0x48: {  	_ =	shalt  }
0x49: {  	_ =	shalt  }
0x4a: {  	_ =	shalt  }
0x4b: {  	_ =	shalt  }
0x4c: {  	_ =	shalt  }
0x4d: {  	_ =	shalt  }
0x4e: {  	_ =	shalt  }
0x4f: {  	_ =	shalt  }
0x50: {  	_ =	shalt  }
0x51: {  	_ =	shalt  }
0x52: {  	_ =	shalt  }
0x53: {  	_ =	shalt  }
0x54: {  	_ =	shalt  }
0x55: {  	_ =	shalt  }
0x56: {  	_ =	shalt  }
0x57: {  	_ =	shalt  }
0x58: {  	_ =	shalt  }
0x59: {  	_ =	shalt  }
0x5a: {  	_ =	shalt  }
0x5b: {  	_ =	shalt  }
0x5c: {  	_ =	shalt  }
0x5d: {  	_ =	shalt  }
0x5e: {  	_ =	shalt  }
0x5f: {  	_ =	shalt  }
0x60: {  	_ =	shalt  }
0x61: {  	_ =	shalt  }
0x62: {  	_ =	shalt  }
0x63: {  	_ =	shalt  }
0x64: {  	_ =	shalt  }
0x65: {  	_ =	shalt  }
0x66: {  	_ =	shalt  }
0x67: {  	_ =	shalt  }
0x68: {  	_ =	shalt  }
0x69: {  	_ =	shalt  }
0x6a: {  	_ =	shalt  }
0x6b: {  	_ =	shalt  }
0x6c: {  	_ =	shalt  }
0x6d: {  	_ =	shalt  }
0x6e: {  	_ =	shalt  }
0x6f: {  	_ =	shalt  }
0x70: {  	_ =	shalt  }
0x71: {  	_ =	shalt  }
0x72: {  	_ =	shalt  }
0x73: {  	_ =	shalt  }
0x74: {  	_ =	shalt  }
0x75: {  	_ =	shalt  }
0x76: {  	_ =	shalt  }
0x77: {  	_ =	shalt  }
0x78: {  	_ =	shalt  }
0x79: {  	_ =	shalt  }
0x7a: {  	_ =	shalt  }
0x7b: {  	_ =	shalt  }
0x7c: {  	_ =	shalt  }
0x7d: {  	_ =	shalt  }
0x7e: {  	_ =	shalt  }
0x7f: {  	_ =	shalt  }
0x80: {  	_ =	shalt  }
0x81: {  	_ =	shalt  }
0x82: {  	_ =	shalt  }
0x83: {  	_ =	shalt  }
0x84: {  	_ =	shalt  }
0x85: {  	_ =	shalt  }
0x86: {  	_ =	shalt  }
0x87: {  	_ =	shalt  }
.Lfunc_end0:
.L_simem_size_0:
called_computation_lowered:
.L_overlay_start_0:
0x88: {  	s0 =	sld [smem:$0x3FD9]  }
0x89: {  	s1 =	sld [smem:$0x3FFE];
	_ =	sdelay $0x3  }
0x8a: {  	s0 =	sadd.s32 s1, s0  }
0x8b: {  	[smem:$0x3FA2] =	sst s0  }
0x8c: {  	_ = 	snop  }
0x8d: {  	s14 =	sld [smem:$0x3FD0];
	(tm) =	ssettm $0x1  }
0x8e: {  	s15 =	sld [smem:$0x3FFB];
	_ =	sdelay $0x3  }
0x8f: {  	_ =	strace s15  }
0x90: {  	s0 =	sld [smem:$0x3FFC];
	_ =	sdelay $0x3  }
0x91: {  	_ =	strace s0  }
0x92: {  	s0 =	sld [smem:$0x3FFD];
	_ =	sdelay $0x3  }
0x93: {  	_ =	strace s0  }
0x94: {  	_ =	strace $0x8FFFFFFF  }
0x95: {  	s16 =	sld [smem:$0x3FDB];
	_ =	sdelay $0x1  }
0x96: {  	s2 =	simm.s32 $_scs_section_size  }
0x97: {  	s3 =	simm.s32 $_size__tile_overlayer_lowered;
	s4 =	simm.s32 $_tile_overlayer_lowered  }
0x98: {  	s5 =	simm.s32 $0x1BFF;
	s17 =	sshll.u32 s4, $0x1;
	s2 =	sadd.s32 s2, s16  }
0x99: {  	s18 =	simm.s32 $0x0;
	s3 =	sshll.u32 s3, $0x1;
	s4 =	sadd.s32 s17, s2  }
0x9a: {  	[timem:s18], [sflag:s5] =	dma.local [hbm:s4], s3  }
0x9b: {  	_ =	swait.ge [sflag:s5], s3  }
0x9c: {  	s3 =	ssub.s32 $0x0, s3;
	[sflag:s5] =	ssyncset.done $0x0  }
0x9d: {  	[sflag:s5] =	ssyncadd.s32 s3;
	_ =	sdelay $0x1  }
0x9e: {  	s19 =	simm.s32 $0x1B8B  }
0x9f: {  	_ =	swait.ge [sflag:s19], $0x1  }
0xa0: {  	[sflag:s19] =	ssyncset.done $0x0  }
0xa1: {  	s21 =	simm.s32 $0x1B8E;
	s20 =	sld [smem:$0x3FFE];
	[sflag:s19] =	ssyncadd.s32 $0xFFFFFFFF  }
0xa2: {  	s22 =	simm.s32 $execute0_lowered;
	[smem:$0x3FD2] =	sst s21  }
0xa3: {  	s4 =	sshll.u32 s22, $0x1;
	_ =	strace $0x80000046;
	[dreg:$0x1] =	wrdreg $0xFFFFFFFF  }
0xa4: {  	s23 =	simm.s32 $_size_execute0_lowered;
	s4 =	sadd.s32 s2, s4;
	[dreg:$0x0] =	wrdreg $0x0  }
0xa5: {  	s5 =	sshll.u32 s23, $0x1;
	[dreg:$0x2] =	wrdreg s4  }
0xa6: {  	[dreg:$0x3] =	wrdreg s5  }
0xa7: {  	[dreg:$0x4] =	wrdreg $0xC0  }
0xa8: {  	s24 =	simm.s32 $execute1_lowered;
	_ =	task [dreg:s18], $0x5FFFF  }
0xa9: {  	s4 =	sshll.u32 s24, $0x1;
	[dreg:$0x1] =	wrdreg $0xFFFFFFFF  }
0xaa: {  	s2 =	sadd.s32 s2, s4;
	[dreg:$0x0] =	wrdreg $0x60  }
0xab: {  	[dreg:$0x2] =	wrdreg s2  }
0xac: {  	[dreg:$0x3] =	wrdreg s14  }
0xad: {  	[dreg:$0x4] =	wrdreg s20  }
0xae: {  	[dreg:$0x5] =	wrdreg $0x9  }
0xaf: {  	_ =	task.clear_ibuf [dreg:s18], $0x6FFFF;
	_ =	strace $0x90000046  }
0xb0: {  	s25 =	simm.s32 $0x9;
	_ =	strace $0x80000048  }
0xb1: {  	_ =	swait.ge [sflag:s25], $0x1  }
0xb2: {  	[sflag:s25] =	ssyncadd.s32 $0xFFFFFFFF  }
0xb3: {  	_ =	strace $0x90000048  }
0xb4: {  	_ =	strace $0x80000049;
	[dreg:$0x1] =	wrdreg $0xFFFFFFFF  }
0xb5: {  	[dreg:$0x0] =	wrdreg $0x2030  }
0xb6: {  	[dreg:$0x2] =	wrdreg s20  }
0xb7: {  	[dreg:$0x3] =	wrdreg $0xA  }
0xb8: {  	_ =	task.clear_ibuf [dreg:s18], $0x4FFFF;
	_ =	strace $0x90000049  }
0xb9: {  	s26 =	simm.s32 $0xA;
	_ =	strace $0x8000004B  }
0xba: {  	_ =	swait.ge [sflag:s26], $0x1  }
0xbb: {  	[sflag:s26] =	ssyncadd.s32 $0xFFFFFFFF  }
0xbc: {  	_ =	strace $0x9000004B  }
0xbd: {  	_ =	sfence  }
0xbe: {  	s28 =	sld [smem:$0x0];
	_ =	sdelay $0x1  }
0xbf: {  	s29 =	srdreg.scid  }
0xc0: {  	s30 =	sshll.u32 s29, $0xD;
	s31 =	sshrl.u32 s29, $0x2  }
0xc1: {  	s3 =	sand.u32 $0x4000, s30;
	s2 =	sand.u32 $0x1, s29;
	s1 =	sadd.s32 s31, s28  }
0xc2: {  	s2 =	sor.u32 s3, s2;
	s1 =	sshll.u32 s1, $0x11  }
0xc3: {  	s1 =	sor.u32 s1, s2  }
0xc4: {  	s1 =	sadd.s32 $0x8F2B, s1  }
0xc5: {  	[sflag:s1] =	ssyncadd.remote.s32 $0x1  }
0xc6: {  	_ =	sfence.sel $0xFFFF  }
0xc7: {  	[dreg:$0x0] =	wrdreg $0xFFFFFFFF;
	(pc) =	sbr.abs _section_cstart, $3  }
0xc8: {  	[dreg:$0x1] =	wrdreg $0xFFFFFFFF  }
0xc9: {  	_ =	task.clear_ibuf [dreg:s18], $0x2FFFF;
	_ =	strace $0x9FFFFFFF  }
0xca: {  	(tm) =	ssettm $0x7FFFFFFF  }
0xcb: {  	_ =	shalt  }
tec
execute0_lowered:
.L_overlay_start_1:
0x0: {  	(tag) =	ssettag $0x1  }
0x1: {  	s3 =	rddreg [dreg:$0x0]  }
0x2: {  	s6 =	rddreg [dreg:$0x1]  }
0x3: {  	s5 =	rddreg [dreg:$0x2]  }
0x4: {  	s0 =	rddreg [dreg:$0x3];
	s2 =	stileid.u32;
	s1 =	simm.s32 $_size_execute1_lowered  }
0x5: {  	[bflag:$0x3] =	sbarrier.arrive $0xFFFF;
	p0 =	sne.s32 s2, $0x0;
	s1 =	sshll.u32 s1, $0x1  }
0x6: {  	s31 =	sshll.u32 s2, $0x3;
	s4 =	simm.s32 @!p0 $0x1C3F;
	s7 =	simm.s32 @!p0 $0x4060  }
0x7: {  	[timem:s7], [sflag:s4] =	dma.local @!p0 [hbm:s3], s1  }
0x8: {  	s7 =	ssub.s32 $0x10, s31  }
0x9: {  	p1 =	sgt.s32 s7, $0x0  }
0xa: {  	s7 =	simm.s32 @!p1 $0x0  }
0xb: {  	s7 =	sand.u32 $0x78, s7  }
0xc: {  	s10 =	simm.s32 $0x3;
	p1 =	sne.s32 s7, $0x0  }
0xd: {  	s10 =	simm.s32 @!p1 $0x2  }
0xe: {  	p3 =	sne.s32 s10, $0x1  }
.Ltmp0:
0xf: {  	s9 =	simm.s32 $0x0;
	s8 =	simm.s32 $0x1;
	(pc) =	sbr.rel @!p3 .LBB2_1-.Ltmp0, $4  }
0x10: {  	s13 =	simm.s32 $0xFFFFFFFF;
	s5 =	sadd.s32 $0x2800, s5;
	s6 =	sadd.s32 s2, s6  }
0x11: {  	s3 =	simm.s32 $0x1;
	_ =	strace $0x80000047;
	s7 =	simm.s32 $0x1  }
0x12: {  	s4 =	simm.s32 $0x2;
	[sflag:s3] =	ssyncpa.u1 $0x0;
	s7 =	simm.s32 @!p1 $0x0  }
0x13: {  	[sflag:s4] =	ssyncpa.u1 $0x0;
	p1 =	por $0x0, $0x0;
	p2 =	sle.u32 s7, $0x0  }
0x14: {  	p1 =	sle.u32 s7, $0xFFFFFFFF  }
0x15: {  	s11 =	simm.s32 @!p2 $0x8;
	s12 =	simm.s32 @!p2 $0x0;
	s13 =	simm.s32 @!p1 $0x1  }
0x16: {  	[tilespmem:s11], [sflag:$0x1] =	stream.linear.gather @!p2 [hbm4b:s6+s12], $0x8, $0x38;
	[tilespmem:$0x20] =	vst v63  }
0x17: {  	_ =	swait.ge @!p1 [sflag:s13], $0x8  }
0x18: {  	[sflag:s13] =	ssyncset.done @!p1 $0x0  }
0x19: {  	s9 =	sand.u32 @!p1 $0x8, s9;
	[sflag:s13] =	ssyncadd.s32 @!p1 $0xFFFFFFF8  }
0x1a: {  	v0 =	vld.msk @!p1 [tilespmem:s9+$0x0], $0xff;
	_ =	sdelay $0x2  }
0x1b: {  	p4 =	sne.s32 s10, $0x2  }
.Ltmp1:
0x1c: {  	p3 =	por $0x1, $0x1;
	s9 =	sor.u32 @!p1 $0x10, s9;
	(pc) =	sbr.rel @!p4 .LBB2_4-.Ltmp1, $4  }
0x1d: {  	s11 =	simm.s32 $0x2;
	s12 =	sadd.s32 @!p1 s5, s2;
	s13 =	simm.s32 @!p1 $0x0;
	[tilespmem:s9+$0x0] =	vst.msk @!p1 $0xff, v0  }
0x1e: {  	[hbm4b:s12+s13] =	stream.linear.scatter @!p1 [tilespmem:s9], [sflag:$0x2], $0x8, $0x38;
	[tilespmem:$0x20] =	vst v63  }
0x1f: {  	p2 =	sle.u32 s7, $0x1;
	s12 =	simm.s32 @!p3 $0x2;
	s9 =	simm.s32 $0x8  }
0x20: {  	s13 =	simm.s32 $0x0;
	p1 =	por $0x1, $0x1;
	_ =	swait.ge @!p3 [sflag:s12], $0x8  }
.LBB2_3:
0x21: {  	s14 =	simm.s32 @!p2 $0x8;
	p4 =	sge.u32 s13, s7;
	[sflag:s12] =	ssyncset.done @!p3 $0x0  }
0x22: {  	s13 =	simm.s32 @!p2 $0x0;
	s15 =	simm.s32 @!p4 $0x1;
	[sflag:s12] =	ssyncadd.s32 @!p3 $0xFFFFFFF8  }
0x23: {  	[tilespmem:s14], [sflag:$0x1] =	stream.linear.gather @!p2 [hbm4b:s6+s13], $0x8, $0x38;
	[tilespmem:$0x20] =	vst v63  }
0x24: {  	s13 =	smov.u32 s11;
	s11 =	sadd.s32 $0x1, s11;
	_ =	swait.ge @!p4 [sflag:s15], $0x8  }
0x25: {  	s12 =	sand.u32 @!p4 $0x8, s9;
	p5 =	sne.s32 s11, s10;
	[sflag:s15] =	ssyncset.done @!p4 $0x0  }
0x26: {  	[sflag:s15] =	ssyncadd.s32 @!p4 $0xFFFFFFF8  }
0x27: {  	v0 =	vld.msk @!p4 [tilespmem:s12+$0x0], $0xff;
	_ =	sdelay $0x2  }
.Ltmp2:
0x28: {  	s14 =	sor.u32 @!p4 $0x10, s12;
	(pc) =	sbr.rel @p5 .LBB2_3-.Ltmp2, $4  }
0x29: {  	s16 =	simm.s32 @!p4 $0x0;
	p3 =	slt.u32 s8, $0x2;
	s15 =	sadd.s32 @!p4 s5, s2  }
0x2a: {  	s9 =	sadd.s32 $0x8, s9;
	s8 =	smov.u32 s13;
	s12 =	simm.s32 @!p3 $0x2;
	[tilespmem:s14+$0x0] =	vst.msk @!p4 $0xff, v0  }
0x2b: {  	[hbm4b:s15+s16] =	stream.linear.scatter @!p4 [tilespmem:s14], [sflag:$0x2], $0x8, $0x38;
	[tilespmem:$0x20] =	vst v63  }
0x2c: {  	p2 =	sge.u32 s8, s7;
	s13 =	sadd.s32 $0xFFFFFFFF, s8;
	_ =	swait.ge @!p3 [sflag:s12], $0x8  }
.LBB2_4:
0x2d: {  	p3 =	por p3, !p1  }
0x2e: {  	s10 =	simm.s32 @!p2 $0x8;
	p1 =	sge.u32 s13, s7;
	[sflag:s12] =	ssyncset.done @!p3 $0x0  }
0x2f: {  	s7 =	simm.s32 @!p2 $0x0;
	s11 =	simm.s32 @!p1 $0x1;
	[sflag:s12] =	ssyncadd.s32 @!p3 $0xFFFFFFF8  }
0x30: {  	[tilespmem:s10], [sflag:$0x1] =	stream.linear.gather @!p2 [hbm4b:s6+s7], $0x8, $0x38;
	[tilespmem:$0x20] =	vst v63  }
0x31: {  	_ =	swait.ge @!p1 [sflag:s11], $0x8  }
0x32: {  	[sflag:s11] =	ssyncset.done @!p1 $0x0  }
0x33: {  	s6 =	sand.u32 @!p1 $0x8, s9;
	[sflag:s11] =	ssyncadd.s32 @!p1 $0xFFFFFFF8  }
0x34: {  	v0 =	vld.msk @!p1 [tilespmem:s6+$0x0], $0xff;
	_ =	sdelay $0x3  }
0x35: {  	p2 =	slt.u32 s8, $0x2;
	s6 =	sor.u32 @!p1 $0x10, s6  }
0x36: {  	s2 =	sadd.s32 @!p1 s5, s2;
	s5 =	simm.s32 @!p1 $0x0;
	s7 =	simm.s32 @!p2 $0x2;
	[tilespmem:s6+$0x0] =	vst.msk @!p1 $0xff, v0  }
0x37: {  	[hbm4b:s2+s5] =	stream.linear.scatter @!p1 [tilespmem:s6], [sflag:$0x2], $0x8, $0x38;
	[tilespmem:$0x20] =	vst v63  }
0x38: {  	_ =	swait.ge @!p2 [sflag:s7], $0x8  }
0x39: {  	[sflag:s7] =	ssyncset.done @!p2 $0x0  }
0x3a: {  	[sflag:s7] =	ssyncadd.s32 @!p2 $0xFFFFFFF8  }
0x3b: {  	_ =	sfence.sel $0x180000  }
0x3c: {  	[bflag:$0x0] =	sbarrier.arrive $0xFFFF  }
0x3d: {  	[sflag:s3] =	ssyncpa.u1 $0x1  }
0x3e: {  	[sflag:s4] =	ssyncpa.u1 $0x1  }
0x3f: {  	_ =	strace $0x90000047  }
0x40: {  	s0 =	sadd.s32 @!p0 $0x100000, s0;
	[bflag:$0x2] =	sbarrier.arrive $0xFFFF  }
0x41: {  	[sflag:s0] =	ssyncadd.tile.s32 @!p0 $0x1;
	s0 =	simm.s32 @!p0 $0x3F  }
0x42: {  	_ =	swait.ge @!p0 [sflag:s0], s1  }
0x43: {  	s1 =	ssub.s32 @!p0 $0x0, s1;
	[sflag:s0] =	ssyncset.done @!p0 $0x0  }
0x44: {  	[sflag:s0] =	ssyncadd.s32 @!p0 s1  }
0x45: {  	[bflag:$0x3] =	sbarrier.arrive $0xFFFF  }
0x46: {  	_ =	shalt  }
.LBB2_1:
.Ltmp3:
0x47: {  	(pc) =	sbr.rel .LBB2_4-.Ltmp3, $2  }
0x48: {  	_ =	sdelay $0x2  }
0x49: {  	s8 =	simm.s32 $0x0  }
.Lfunc_end2:
execute1_lowered:
.L_overlay_start_2:
0x4a: {  	(tag) =	ssettag $0x2  }
0x4b: {  	s2 =	rddreg [dreg:$0x0]  }
0x4c: {  	s0 =	rddreg [dreg:$0x1];
	_ =	strace $0x8000004A;
	s3 =	stileid.u32  }
0x4d: {  	s4 =	simm.s32 $0x3E;
	s1 =	sadd.s32 $0x2800, s2;
	p0 =	sne.s32 s3, $0x0  }
0x4e: {  	[sflag:s4] =	ssyncpa.u1 $0x0;
	s5 =	simm.s32 @!p0 $0x1C3E;
	s6 =	simm.s32 @!p0 $0x0  }
0x4f: {  	[spmem:s6], [sflag:s5] =	dma.local @!p0 [hbm:s1], $0x10  }
0x50: {  	s5 =	simm.s32 @!p0 $0x3E  }
0x51: {  	_ =	swait.ge @!p0 [sflag:s5], $0x10  }
0x52: {  	[sflag:s5] =	ssyncset.done @!p0 $0x0  }
0x53: {  	[sflag:s5] =	ssyncadd.s32 @!p0 $0xFFFFFFF0  }
0x54: {  	s28 =	simm.s32 $0x1;
	s29 =	simm.s32 $0x2;
	[bflag:$0x0] =	sbarrier.arrive $0xFFFF  }
0x55: {  	s7 =	simm.s32 $0x408;
	s3 =	sshll.u32 s3, $0x7;
	[sflag:s4] =	ssyncpa.u1 $0x1  }
0x56: {  	s30 =	sadd.s32 $0x2000, s2;
	s31 =	sadd.s32 s2, s3;
	[sflag:s28] =	ssyncpa.u1 $0x0  }
0x57: {  	s2 =	simm.s32 $0x0;
	(ifvalue) =	ssetifvalue $0x80;
	[sflag:s29] =	ssyncpa.u1 $0x0  }
0x58: {  	[tilespmem:s7], [sflag:$0x2] =	stream.linear.gather [hbm4b:s31+s2], $0x400, $0x38;
	[tilespmem:$0x1008] =	vst v63  }
0x59: {  	s5 =	sadd.s32 s30, s3;
	s3 =	simm.s32 $0xC08  }
0x5a: {  	[tilespmem:s3], [sflag:$0x2] =	stream.linear.gather [hbm4b:s5+s2], $0x400, $0x38;
	[tilespmem:$0x1008] =	vst v63  }
0x5b: {  	_ =	swait.ge [sflag:s29], $0x800  }
0x5c: {  	[sflag:s29] =	ssyncset.done $0x0  }
0x5d: {  	[sflag:s29] =	ssyncadd.s32 $0xFFFFF800  }
0x5e: {  	v0 =	vld.msk [tilespmem:s7+$0x0 ss:$0x1], $0xffff;
	_ =	sdelay $0x4  }
0x5f: {  	v0 =	vmin.u32 v0, $0x80;
	_ =	sdelay $0x3  }
0x60: {  	vm0 =	vmmov $0xffff;
	s4 =	simm.s32 $0x0;
	s5 =	simm.s32 $0x418  }
0x61: {  	[spmem:s2] =	stream.indirect_vreg.scatter.add.s32 [tilespmem:s3], [sflag:$0x1], $0x1, v0, vm0, $0x4038;
	[tilespmem:$0x1008] =	vst v63  }
.LBB3_1:
0x62: {  	v0 =	vld.msk [tilespmem:s5+$0x0 ss:$0x1], $0xffff;
	s4 =	sadd.s32 $0x10, s4  }
0x63: {  	p1 =	slt.u32 s4, $0x3F0;
	_ =	sdelay $0x4  }
0x64: {  	v0 =	vmin.u32 v0, $0x80  }
.Ltmp4:
0x65: {  	(pc) =	sbr.rel @p1 .LBB3_1-.Ltmp4, $3  }
0x66: {  	_ =	sdelay $0x1  }
0x67: {  	s5 =	sadd.s32 $0x10, s5;
	s3 =	sadd.s32 $0x10, s3  }
0x68: {  	[spmem:s2] =	stream.indirect_vreg.scatter.add.s32 [tilespmem:s3], [sflag:$0x1], $0x1, v0, vm0, $0x4038;
	[tilespmem:$0x1008] =	vst v63  }
0x69: {  	s2 =	simm.s32 $0x1  }
0x6a: {  	_ =	swait.ge [sflag:s2], $0x400  }
0x6b: {  	[sflag:s2] =	ssyncset.done $0x0  }
0x6c: {  	[sflag:s2] =	ssyncadd.s32 $0xFFFFFC00  }
0x6d: {  	_ =	sfence.sel $0x180000  }
0x6e: {  	s3 =	simm.s32 $0x2;
	[bflag:$0x0] =	sbarrier.arrive $0xFFFF  }
0x6f: {  	[sflag:s3] =	ssyncpa.u1 $0x1  }
0x70: {  	[sflag:s2] =	ssyncpa.u1 $0x1  }
0x71: {  	_ =	sfence.stream.spmem  }
0x72: {  	s31 =	simm.s32 $0x3D;
	[bflag:$0x0] =	sbarrier.arrive $0xFFFF  }
0x73: {  	s2 =	simm.s32 @p0 $0x3D;
	[sflag:s31] =	ssyncpa.u1 $0x0  }
0x74: {  	[sflag:s2] =	ssyncpa.u1 @p0 $0x1  }
0x75: {  	[bflag:$0x0] =	sbarrier.arrive @p0 $0xFFFF  }
0x76: {  	_ =	strace @p0 $0x9000004A  }
0x77: {  	s3 =	simm.s32 @!p0 $0x1C3D;
	s2 =	simm.s32 @!p0 $0x0;
	[bflag:$0x2] =	sbarrier.arrive @p0 $0xFFFF  }
0x78: {  	[hbm:s1], [sflag:s3] =	dma.local @!p0 [spmem:s2], $0x10  }
0x79: {  	s1 =	simm.s32 @!p0 $0x3D  }
0x7a: {  	_ =	swait.ge @!p0 [sflag:s1], $0x10  }
0x7b: {  	[sflag:s1] =	ssyncset.done @!p0 $0x0  }
0x7c: {  	[sflag:s1] =	ssyncadd.s32 @!p0 $0xFFFFFFF0  }
0x7d: {  	[sflag:s1] =	ssyncpa.u1 @!p0 $0x1  }
0x7e: {  	[bflag:$0x0] =	sbarrier.arrive @!p0 $0xFFFF  }
0x7f: {  	_ =	strace @!p0 $0x9000004A  }
0x80: {  	s0 =	sadd.s32 @!p0 $0x100000, s0;
	[bflag:$0x2] =	sbarrier.arrive @!p0 $0xFFFF  }
0x81: {  	[sflag:s0] =	ssyncadd.tile.s32 @!p0 $0x1;
	_ =	shalt  }
.Lfunc_end3:
_tile_overlayer_lowered:
.L_overlay_start_3:
0x82: {  	(tag) =	ssettag $0x3  }
0x83: {  	s0 =	rddreg [dreg:$0x0];
	s2 =	stileid.u32  }
0x84: {  	s1 =	rddreg [dreg:$0x1];
	p0 =	sne.s32 s2, $0x0  }
0x85: {  	s3 =	rddreg [dreg:$0x2];
	[bflag:$0x3] =	sbarrier.arrive $0xFFFF;
	s2 =	simm.s32 @!p0 $0x1C01  }
0x86: {  	[timem:s3], [sflag:s2] =	dma.local @!p0 [hbm:s0], s1  }
0x87: {  	s0 =	simm.s32 @!p0 $0x1  }
0x88: {  	_ =	swait.ge @!p0 [sflag:s0], s1  }
0x89: {  	s1 =	ssub.s32 @!p0 $0x0, s1;
	[sflag:s0] =	ssyncset.done @!p0 $0x0  }
0x8a: {  	[sflag:s0] =	ssyncadd.s32 @!p0 s1  }
0x8b: {  	[bflag:$0x3] =	sbarrier.arrive $0xFFFF  }
0x8c: {  	_ =	shalt  }

</sc_bundles>
